<compile_context>
chip_gen: v7x
topology: tpu7x:2x2x1
jax: 0.10.2.dev20260603
libtpu: 0.0.44.dev20260713+nightly
codegen_flags: <defaults>
</compile_context>

<pallas_src>
import functools

import jax
import jax.numpy as jnp
from jax import lax
from jax.experimental import pallas as pl
from jax.experimental.pallas import tpu as pltpu
from jax.experimental.pallas import tpu_sc as plsc

N = 10000
E = 320000
G = 1000
ME = 16000
NP = 10240
EP = 327680
MEP = 16384
GP = 1024
NC = 2
NS = 16
CH = 128

_mesh = plsc.VectorSubcoreMesh(core_axis_name="c", subcore_axis_name="s",
                               num_cores=NC, num_subcores=NS)


def _zero_rows(buf, nrows, ncols):
    z = jnp.zeros((16,), jnp.float32)

    def body(i, _):
        for j in range(ncols // 16):
            buf[i, pl.ds(j * 16, 16)] = z
        return 0

    lax.fori_loop(0, nrows, body, 0)


def _fill1d(buf, n, val, dtype):
    v = jnp.full((16,), val, dtype)

    def body(i, _):
        buf[pl.ds(i * 16, 16)] = v
        return 0

    lax.fori_loop(0, n // 16, body, 0)



MCH = 64
MROWS = MEP // 64 // (NC * NS)
BHP = 16384
BROWS = BHP // 64 // (NC * NS)
ECH_T = EP // (NC * NS) // CH


@functools.partial(
    pl.kernel,
    out_type=(
        jax.ShapeDtypeStruct((NC * NP,), jnp.float32),
        jax.ShapeDtypeStruct((NC * GP,), jnp.float32),
        jax.ShapeDtypeStruct((NC * GP,), jnp.float32),
        jax.ShapeDtypeStruct((NC * GP * GP,), jnp.float32),
    ),
    mesh=_mesh,
    scratch_types=[
        pltpu.VMEM((ECH_T, CH), jnp.int32),
        pltpu.VMEM((MROWS, MCH), jnp.int32),
        pltpu.VMEM((MROWS, MCH), jnp.int32),
        pltpu.VMEM((MROWS, MCH), jnp.int32),
        pltpu.VMEM((BROWS, MCH), jnp.int32),
        pltpu.VMEM((CH,), jnp.float32),
        [pltpu.VMEM((8192,), jnp.float32) for _ in range(2)],
        [pltpu.SemaphoreType.DMA for _ in range(4)],
        [pltpu.SemaphoreType.DMA for _ in range(2)],
        pltpu.VMEM_SHARED((NP,), jnp.float32),
        pltpu.VMEM_SHARED((GP,), jnp.float32),
        pltpu.VMEM_SHARED((GP,), jnp.float32),
        pltpu.VMEM_SHARED((GP * GP,), jnp.float32),
    ],
)
def _hist_kernel(dste2, srcm2, dstm2, batch2, deg_out, degm_out, cnt_out,
                 am_out, dst2d, msrc, mdst, mflat, b2d, ones_v, wb, sems,
                 wsems, acc_deg, acc_degm, acc_cnt, acc_am):
    c = lax.axis_index("c")
    s = lax.axis_index("s")
    wid = c * NS + s

    _fill1d(ones_v, CH, 1.0, jnp.float32)
    _fill1d(wb[0], 8192, 0.0, jnp.float32)

    pltpu.sync_copy(dste2.at[pl.ds(wid * ECH_T, ECH_T)], dst2d)
    pltpu.sync_copy(srcm2.at[pl.ds(wid * MROWS, MROWS)], msrc)
    pltpu.sync_copy(dstm2.at[pl.ds(wid * MROWS, MROWS)], mdst)
    pltpu.sync_copy(batch2.at[pl.ds(wid * BROWS, BROWS)], b2d)
    for i in range(MROWS):
        for j in range(MCH // 16):
            sl = pl.ds(j * 16, 16)
            mflat[i, sl] = mdst[i, sl] * GP + msrc[i, sl]

    zn = GP * GP // NS // 8192
    for j in range(zn):
        pltpu.make_async_copy(
            wb[0], acc_am.at[pl.ds(s * (GP * GP // NS) + j * 8192, 8192)],
            sems[0]).start()
    pltpu.make_async_copy(
        wb[0].at[pl.ds(0, NP // NS)],
        acc_deg.at[pl.ds(s * (NP // NS), NP // NS)], sems[1]).start()
    pltpu.make_async_copy(
        wb[0].at[pl.ds(0, GP // NS)],
        acc_degm.at[pl.ds(s * (GP // NS), GP // NS)], sems[2]).start()
    pltpu.make_async_copy(
        wb[0].at[pl.ds(0, GP // NS)],
        acc_cnt.at[pl.ds(s * (GP // NS), GP // NS)], sems[3]).start()
    for j in range(zn):
        pltpu.make_async_copy(
            wb[0], acc_am.at[pl.ds(s * (GP * GP // NS) + j * 8192, 8192)],
            sems[0]).wait()
    pltpu.make_async_copy(
        wb[0].at[pl.ds(0, NP // NS)],
        acc_deg.at[pl.ds(s * (NP // NS), NP // NS)], sems[1]).wait()
    pltpu.make_async_copy(
        wb[0].at[pl.ds(0, GP // NS)],
        acc_degm.at[pl.ds(s * (GP // NS), GP // NS)], sems[2]).wait()
    pltpu.make_async_copy(
        wb[0].at[pl.ds(0, GP // NS)],
        acc_cnt.at[pl.ds(s * (GP // NS), GP // NS)], sems[3]).wait()
    plsc.subcore_barrier()

    def dsca(b, k):
        return pltpu.make_async_copy(ones_v, acc_deg.at[dst2d.at[k]], sems[b])

    def micro(g, _):
        for b in range(4):
            @pl.when(g > 0)
            def _():
                dsca(b, 0).wait()

            dsca(b, g * 4 + b).start(add=True)
        return 0

    lax.fori_loop(0, ECH_T // 4, micro, 0)
    for b in range(4):
        dsca(b, 0).wait()

    o64 = ones_v.at[pl.ds(0, MCH)]
    descs = ([pltpu.make_async_copy(o64, acc_degm.at[mdst.at[i]], sems[i % 2])
              for i in range(MROWS)]
             + [pltpu.make_async_copy(o64, acc_am.at[mflat.at[i]], sems[2 + i % 2])
                for i in range(MROWS)]
             + [pltpu.make_async_copy(o64, acc_cnt.at[b2d.at[i]], sems[i % 2])
                for i in range(BROWS)])
    for d in descs:
        d.start(add=True)
    for d in descs:
        d.wait()
    plsc.subcore_barrier()

    pltpu.sync_copy(acc_deg.at[pl.ds(s * (NP // NS), NP // NS)],
                    wb[1].at[pl.ds(0, NP // NS)])
    pltpu.sync_copy(wb[1].at[pl.ds(0, NP // NS)],
                    deg_out.at[pl.ds(c * NP + s * (NP // NS), NP // NS)])
    pltpu.sync_copy(acc_degm.at[pl.ds(s * (GP // NS), GP // NS)],
                    wb[1].at[pl.ds(0, GP // NS)])
    pltpu.sync_copy(wb[1].at[pl.ds(0, GP // NS)],
                    degm_out.at[pl.ds(c * GP + s * (GP // NS), GP // NS)])
    pltpu.sync_copy(acc_cnt.at[pl.ds(s * (GP // NS), GP // NS)],
                    wb[1].at[pl.ds(0, GP // NS)])
    pltpu.sync_copy(wb[1].at[pl.ds(0, GP // NS)],
                    cnt_out.at[pl.ds(c * GP + s * (GP // NS), GP // NS)])

    def wdesc(b, j):
        off = s * (GP * GP // NS) + j * 8192
        return pltpu.make_async_copy(
            wb[b], am_out.at[pl.ds(c * GP * GP + off, 8192)], wsems[b])

    for j in range(GP * GP // NS // 8192):
        b = j % 2
        if j > 1:
            wdesc(b, j - 2).wait()
        pltpu.sync_copy(acc_am.at[pl.ds(s * (GP * GP // NS) + j * 8192, 8192)],
                        wb[b])
        wdesc(b, j).start()
    for j in (GP * GP // NS // 8192 - 2, GP * GP // NS // 8192 - 1):
        wdesc(j % 2, j).wait()



NBUF = 2
WIN = 40


def _make_rowscatter(feature_split):
    chunks = EP // NS // CH if feature_split else EP // (NC * NS) // CH
    gpw = WIN // NBUF

    @functools.partial(
        pl.kernel,
        out_type=jax.ShapeDtypeStruct((NC * NP, 128), jnp.float32),
        mesh=_mesh,
        scratch_types=[
            pltpu.VMEM((WIN, CH), jnp.int32),
            pltpu.VMEM((WIN, CH), jnp.int32),
            [pltpu.VMEM((CH, 128), jnp.float32) for _ in range(NBUF)],
            [pltpu.SemaphoreType.DMA for _ in range(NBUF)],
            [pltpu.SemaphoreType.DMA for _ in range(NBUF)],
            pltpu.VMEM_SHARED((NP, 128), jnp.float32),
        ],
    )
    def rowscatter(table, srce2, dste2, out, gidx, didx, rows, gsems, ssems,
                   acc):
        c = lax.axis_index("c")
        s = lax.axis_index("s")
        rows_per_tile = NP // NS

        if feature_split:
            crow0 = s * (EP // NS // CH)
            goff = c * NP
        else:
            crow0 = (c * NS + s) * (EP // (NC * NS) // CH)
            goff = None

        _zero_rows(rows[0], CH, 128)

        def zdesc(j):
            return pltpu.make_async_copy(
                rows[0], acc.at[pl.ds(s * rows_per_tile + j * CH, CH)],
                gsems[0])

        for j in range(rows_per_tile // CH):
            zdesc(j).start()
        for j in range(rows_per_tile // CH):
            zdesc(j).wait()
        plsc.subcore_barrier()

        def gath(b, w):
            return pltpu.make_async_copy(table.at[gidx.at[w]], rows[b], gsems[b])

        def scat(b, w):
            return pltpu.make_async_copy(rows[b], acc.at[didx.at[w]], ssems[b])

        def group(g, _):
            at_win = (g % gpw) == 0

            @pl.when((g > 0) & at_win)
            def _():
                for b in range(NBUF):
                    scat(b, 0).wait()

            @pl.when(at_win)
            def _():
                wbase = pl.multiple_of(crow0 + g * NBUF, 8)
                pltpu.sync_copy(srce2.at[pl.ds(wbase, WIN)], gidx)
                pltpu.sync_copy(dste2.at[pl.ds(wbase, WIN)], didx)
                if goff is not None:
                    def addoff(i, _):
                        for j in range(CH // 16):
                            sl = pl.ds(j * 16, 16)
                            gidx[i, sl] = gidx[i, sl] + goff
                        return 0

                    lax.fori_loop(0, WIN, addoff, 0)

            for b in range(NBUF):
                @pl.when((g > 0) & jnp.logical_not(at_win))
                def _():
                    scat(b, 0).wait()

                gath(b, (g % gpw) * NBUF + b).start()
            for b in range(NBUF):
                w = (g % gpw) * NBUF + b
                gath(b, w).wait()
                scat(b, w).start(add=True)
            return 0

        lax.fori_loop(0, chunks // NBUF, group, 0)
        for b in range(NBUF):
            scat(b, 0).wait()
        plsc.subcore_barrier()

        def wdesc(b, j):
            off = s * rows_per_tile + j * CH
            return pltpu.make_async_copy(
                rows[b], out.at[pl.ds(c * NP + off, CH)], gsems[b])

        nw = rows_per_tile // CH
        for j in range(nw):
            b = j % NBUF
            if j >= NBUF:
                wdesc(b, j - NBUF).wait()
            pltpu.sync_copy(acc.at[pl.ds(s * rows_per_tile + j * CH, CH)],
                            rows[b])
            wdesc(b, j).start()
        for j in range(nw - NBUF, nw):
            wdesc(j % NBUF, j).wait()

    return rowscatter


_rowscatter_feat = _make_rowscatter(True)
_rowscatter_edge = _make_rowscatter(False)



@functools.partial(
    pl.kernel,
    out_type=jax.ShapeDtypeStruct((NC * GP, 128), jnp.float32),
    mesh=_mesh,
    scratch_types=[
        pltpu.VMEM((64,), jnp.int32),
        pltpu.VMEM((64, 128), jnp.float32),
        pltpu.VMEM_SHARED((GP, 128), jnp.float32),
    ],
)
def _pool_kernel(h2, batch, out, b_v, rows_v, acc):
    c = lax.axis_index("c")
    s = lax.axis_index("s")

    _zero_rows(rows_v, 64, 128)
    pltpu.sync_copy(rows_v, acc.at[pl.ds(s * (GP // NS), GP // NS)])
    plsc.subcore_barrier()

    rows_per_tile = NP // (NC * NS)

    def step(k, _):
        base = (c * NS + s) * rows_per_tile + k * 64
        pltpu.sync_copy(h2.at[pl.ds(base, 64)], rows_v)
        pltpu.sync_copy(batch.at[pl.ds(base, 64)], b_v)
        pltpu.sync_copy(rows_v, acc.at[b_v], add=True)
        return 0

    lax.fori_loop(0, rows_per_tile // 64, step, 0)
    plsc.subcore_barrier()

    pltpu.sync_copy(acc.at[pl.ds(s * (GP // NS), GP // NS)], rows_v)
    pltpu.sync_copy(rows_v, out.at[pl.ds(c * GP + s * (GP // NS), GP // NS)])



BR = 1024
NBLK = NP // BR


def _k1_body(x_ref, w_ref, d0_ref, d1_ref, o_ref):
    dinv = lax.rsqrt(d0_ref[...] + d1_ref[...] + 1.0)
    t = jnp.dot(x_ref[...], w_ref[0], preferred_element_type=jnp.float32)
    o_ref[0] = t * dinv


def _tc_t1(x_p, w1r, deg0, deg1):
    return pl.pallas_call(
        _k1_body,
        grid=(2, NBLK),
        in_specs=[
            pl.BlockSpec((BR, 128), lambda c, i: (i, 0)),
            pl.BlockSpec((1, 128, 128), lambda c, i: (c, 0, 0)),
            pl.BlockSpec((BR, 1), lambda c, i: (i, 0)),
            pl.BlockSpec((BR, 1), lambda c, i: (i, 0)),
        ],
        out_specs=pl.BlockSpec((1, BR, 128), lambda c, i: (c, i, 0)),
        out_shape=jax.ShapeDtypeStruct((2, NP, 128), jnp.float32),
    )(x_p, w1r, deg0, deg1)


def _k3_body(t1_ref, a1_ref, d0_ref, d1_ref, w2_ref, b1_ref, o_ref):
    dinv = lax.rsqrt(d0_ref[...] + d1_ref[...] + 1.0)
    h1a = jnp.maximum((a1_ref[0] + t1_ref[0]) * dinv + b1_ref[0], 0.0)
    h1b = jnp.maximum((a1_ref[1] + t1_ref[1]) * dinv + b1_ref[1], 0.0)
    t2 = (jnp.dot(h1a, w2_ref[0], preferred_element_type=jnp.float32)
          + jnp.dot(h1b, w2_ref[1], preferred_element_type=jnp.float32))
    o_ref[...] = t2 * dinv


def _tc_t2(t1, agg1, deg0, deg1, w2r, b1r):
    return pl.pallas_call(
        _k3_body,
        grid=(NBLK,),
        in_specs=[
            pl.BlockSpec((2, BR, 128), lambda i: (0, i, 0)),
            pl.BlockSpec((2, BR, 128), lambda i: (0, i, 0)),
            pl.BlockSpec((BR, 1), lambda i: (i, 0)),
            pl.BlockSpec((BR, 1), lambda i: (i, 0)),
            pl.BlockSpec((2, 128, 128), lambda i: (0, 0, 0)),
            pl.BlockSpec((2, 128), lambda i: (0, 0)),
        ],
        out_specs=pl.BlockSpec((BR, 128), lambda i: (i, 0)),
        out_shape=jax.ShapeDtypeStruct((NP, 128), jnp.float32),
    )(t1, agg1, deg0, deg1, w2r, b1r)


def _k5_body(t2_ref, a2_ref, d0_ref, d1_ref, b2_ref, o_ref):
    dinv = lax.rsqrt(d0_ref[...] + d1_ref[...] + 1.0)
    o_ref[...] = jnp.maximum(
        (a2_ref[0] + a2_ref[1] + t2_ref[...]) * dinv + b2_ref[...], 0.0)


def _tc_h2(t2, agg2, deg0, deg1, b2r):
    return pl.pallas_call(
        _k5_body,
        grid=(NBLK,),
        in_specs=[
            pl.BlockSpec((BR, 128), lambda i: (i, 0)),
            pl.BlockSpec((2, BR, 128), lambda i: (0, i, 0)),
            pl.BlockSpec((BR, 1), lambda i: (i, 0)),
            pl.BlockSpec((BR, 1), lambda i: (i, 0)),
            pl.BlockSpec((1, 128), lambda i: (0, 0)),
        ],
        out_specs=pl.BlockSpec((BR, 128), lambda i: (i, 0)),
        out_shape=jax.ShapeDtypeStruct((NP, 128), jnp.float32),
    )(t2, agg2, deg0, deg1, b2r)


def _k7_body(p_ref, c0_ref, c1_ref, dm0_ref, dm1_ref, dmc0_ref, dmc1_ref,
             am_ref, wfc1_ref, bfc1_ref, wfc2_ref, bfc2_ref,
             wg1_ref, bg1_ref, wg2_ref, bg2_ref, wg3_ref, bg3_ref,
             ga1_ref, be1_ref, ga2_ref, be2_ref,
             loc_ref, ic_ref, g2_ref, hc_ref):
    cnt = c0_ref[...] + c1_ref[...]
    cntm = jnp.maximum(cnt, 1.0)
    mean = (p_ref[0] + p_ref[1]) / cntm
    loc = (jnp.dot(mean, wfc1_ref[...], preferred_element_type=jnp.float32)
           + bfc1_ref[...] * (cnt / cntm))
    loc_ref[...] = loc
    ic_ref[...] = (jnp.dot(loc, wfc2_ref[...], preferred_element_type=jnp.float32)
                   + bfc2_ref[...])

    dinv_r = lax.rsqrt(dm0_ref[...] + dm1_ref[...] + 1.0)
    dinv_c = lax.rsqrt(dmc0_ref[...] + dmc1_ref[...] + 1.0)
    rid = lax.broadcasted_iota(jnp.int32, (GP, GP), 0)
    cid = lax.broadcasted_iota(jnp.int32, (GP, GP), 1)
    eye = jnp.where(rid == cid, 1.0, 0.0)
    am = (am_ref[0] + am_ref[1] + eye) * (dinv_r * dinv_c)

    bnc = lax.rsqrt(jnp.float32(1.0 + 1e-5))
    u1 = jnp.dot(loc, wg1_ref[...], preferred_element_type=jnp.float32)
    g1 = jnp.dot(am, u1, preferred_element_type=jnp.float32) + bg1_ref[...]
    g1 = jnp.maximum(g1 * (ga1_ref[...] * bnc) + be1_ref[...], 0.0)
    u2 = jnp.dot(g1, wg2_ref[...], preferred_element_type=jnp.float32)
    g2 = jnp.dot(am, u2, preferred_element_type=jnp.float32) + bg2_ref[...]
    g2 = jnp.maximum(g2 * (ga2_ref[...] * bnc) + be2_ref[...], 0.0)
    g2_ref[...] = g2
    u3 = jnp.dot(g2, wg3_ref[...], preferred_element_type=jnp.float32)
    hc_ref[...] = jnp.dot(am, u3, preferred_element_type=jnp.float32) + bg3_ref[...]


def _tc_heads(pool, cnt0, cnt1, dm0, dm1, dmc0, dmc1, amp, wfc1, bfc1, wfc2,
              bfc2, wg1, bg1, wg2, bg2, wg3, bg3, ga1, be1, ga2, be2):
    return pl.pallas_call(
        _k7_body,
        out_shape=(
            jax.ShapeDtypeStruct((GP, 128), jnp.float32),
            jax.ShapeDtypeStruct((GP, 16), jnp.float32),
            jax.ShapeDtypeStruct((GP, 128), jnp.float32),
            jax.ShapeDtypeStruct((GP, 16), jnp.float32),
        ),
    )(pool, cnt0, cnt1, dm0, dm1, dmc0, dmc1, amp, wfc1, bfc1, wfc2, bfc2,
      wg1, bg1, wg2, bg2, wg3, bg3, ga1, be1, ga2, be2)



def kernel(x, edge_index, batch, macro_edges, W1, b1, W2, b2, Wfc1, bfc1,
           Wfc2, bfc2, Wg1, bg1, Wg2, bg2, Wg3, bg3, gamma1, beta1,
           gamma2, beta2):
    srce = jnp.pad(edge_index[0], (0, EP - E))
    dste = jnp.pad(edge_index[1], (0, EP - E), constant_values=N)
    srcm2 = jnp.pad(macro_edges[0], (0, MEP - ME)).reshape(MEP // 64, 64)
    dstm2 = jnp.pad(macro_edges[1], (0, MEP - ME),
                    constant_values=G).reshape(MEP // 64, 64)
    batch_p = jnp.pad(batch, (0, NP - N), constant_values=G)
    batch2h = jnp.pad(batch, (0, BHP - N),
                      constant_values=G).reshape(BHP // 64, 64)
    x_p = jnp.pad(x, ((0, NP - N), (0, 0)))

    dste2h = dste.reshape(EP // CH, CH)
    degp, degmp, cntp, amp = _hist_kernel(dste2h, srcm2, dstm2, batch2h)
    deg0 = degp[:NP].reshape(NP, 1)
    deg1 = degp[NP:].reshape(NP, 1)
    dm0 = degmp[:GP].reshape(GP, 1)
    dm1 = degmp[GP:].reshape(GP, 1)
    dmc0 = degmp[:GP].reshape(1, GP)
    dmc1 = degmp[GP:].reshape(1, GP)
    cnt0 = cntp[:GP].reshape(GP, 1)
    cnt1 = cntp[GP:].reshape(GP, 1)

    w1r = W1.reshape(128, 2, 128).transpose(1, 0, 2)
    t1 = _tc_t1(x_p, w1r, deg0, deg1)

    srce2 = srce.reshape(EP // CH, CH)
    dste2 = dste.reshape(EP // CH, CH)
    agg1 = _rowscatter_feat(t1.reshape(2 * NP, 128), srce2, dste2)
    t2 = _tc_t2(t1, agg1.reshape(2, NP, 128), deg0, deg1,
                W2.reshape(2, 128, 128), b1.reshape(2, 128))

    agg2 = _rowscatter_edge(t2, srce2, dste2)
    h2 = _tc_h2(t2, agg2.reshape(2, NP, 128), deg0, deg1, b2.reshape(1, 128))

    pool = _pool_kernel(h2, batch_p)

    loc, ic, g2, hc = _tc_heads(
        pool.reshape(2, GP, 128), cnt0, cnt1, dm0, dm1, dmc0, dmc1,
        amp.reshape(2, GP, GP), Wfc1, bfc1.reshape(1, 128), Wfc2,
        bfc2.reshape(1, 16), Wg1, bg1.reshape(1, 128), Wg2,
        bg2.reshape(1, 128), Wg3, bg3.reshape(1, 16),
        gamma1.reshape(1, 128), beta1.reshape(1, 128),
        gamma2.reshape(1, 128), beta2.reshape(1, 128))

    return (hc[:G], ic[:G], loc[:G], g2[:G], jnp.float32(0.0))

# --- scband reference (transcript-rebuilt; emitter-appended) ---
"""Pipeline reference for scband-seal-20203526160739 (READ-ONLY COPY).

The authoritative reference and input builder live on the scoring server;
editing this copy changes nothing except your own understanding.
"""

import jax, jax.numpy as jnp
import numpy as np

N = 10000; E = 320000; G = 1000; ME = 16000
F_IN = 128; D1 = 256; D2 = 128; DFC = 128; HID = 128; L = 16

def gcn(x, ei, W, b, n):
    loop = jnp.arange(n, dtype=ei.dtype)
    src = jnp.concatenate([ei[0], loop])
    dst = jnp.concatenate([ei[1], loop])
    deg = jnp.zeros((n,), jnp.float32).at[dst].add(1.0)
    dinv = jax.lax.rsqrt(jnp.maximum(deg, 1.0))
    norm = dinv[src] * dinv[dst]
    h = x @ W
    out = jnp.zeros((n, W.shape[1]), jnp.float32).at[dst].add(h[src] * norm[:, None])
    return out + b

def bn_eval(x, gamma, beta):
    # eval-mode BatchNorm1d with running_mean=0, running_var=1
    return x * (gamma * jax.lax.rsqrt(jnp.float32(1.0 + 1e-5))) + beta

def setup_inputs(seed: int = 0):
    key = jax.random.key(seed)
    ks = jax.random.split(key, 16)
    s = 0.05
    inp = {}
    inp['x'] = jax.random.normal(ks[0], (N, F_IN), jnp.float32)
    inp['edge_index'] = jax.random.randint(ks[1], (2, E), 0, N, jnp.int32)
    inp['batch'] = jnp.sort(jax.random.randint(ks[2], (N,), 0, G, jnp.int32))
    inp['macro_edges'] = jax.random.randint(ks[3], (2, ME), 0, G, jnp.int32)
    inp['W1'] = jax.random.normal(ks[4], (F_IN, D1), jnp.float32) * s
    inp['b1'] = jnp.zeros((D1,), jnp.float32)
    inp['W2'] = jax.random.normal(ks[5], (D1, D2), jnp.float32) * s
    inp['b2'] = jnp.zeros((D2,), jnp.float32)
    inp['Wfc1'] = jax.random.normal(ks[6], (D2, DFC), jnp.float32) * s
    inp['bfc1'] = jnp.zeros((DFC,), jnp.float32)
    inp['Wfc2'] = jax.random.normal(ks[7], (DFC, L), jnp.float32) * s
    inp['bfc2'] = jnp.zeros((L,), jnp.float32)
    inp['Wg1'] = jax.random.normal(ks[8], (DFC, HID), jnp.float32) * s
    inp['bg1'] = jnp.zeros((HID,), jnp.float32)
    inp['Wg2'] = jax.random.normal(ks[9], (HID, HID), jnp.float32) * s
    inp['bg2'] = jnp.zeros((HID,), jnp.float32)
    inp['Wg3'] = jax.random.normal(ks[10], (HID, L), jnp.float32) * s
    inp['bg3'] = jnp.zeros((L,), jnp.float32)
    inp['gamma1'] = jnp.ones((HID,), jnp.float32)
    inp['beta1'] = jnp.zeros((HID,), jnp.float32)
    inp['gamma2'] = jnp.ones((HID,), jnp.float32)
    inp['beta2'] = jnp.zeros((HID,), jnp.float32)
    return inp

def reference(x, edge_index, batch, macro_edges, W1, b1, W2, b2, Wfc1, bfc1, Wfc2, bfc2, Wg1, bg1, Wg2, bg2, Wg3, bg3, gamma1, beta1, gamma2, beta2):
    # SAGE graph-level model over the batched micro-graphs (eval mode: dropout is identity)
    h1 = jax.nn.relu(gcn(x, edge_index, W1, b1, N))
    h2 = jax.nn.relu(gcn(h1, edge_index, W2, b2, N))
    a1 = h2 @ Wfc1 + bfc1
    sums = jax.ops.segment_sum(a1, batch, num_segments=G)
    cnt = jax.ops.segment_sum(jnp.ones((N,), jnp.float32), batch, num_segments=G)
    loc_embeddings = sums / jnp.maximum(cnt, 1.0)[:, None]
    ic_predictions = loc_embeddings @ Wfc2 + bfc2
    # SuperMacroGCN hierarchical model on the macro graph
    g = gcn(loc_embeddings, macro_edges, Wg1, bg1, G)
    g = jax.nn.relu(bn_eval(g, gamma1, beta1))
    g = gcn(g, macro_edges, Wg2, bg2, G)
    g = jax.nn.relu(bn_eval(g, gamma2, beta2))
    global_embeddings = g
    hc_predictions = gcn(global_embeddings, macro_edges, Wg3, bg3, G)
    penalties = jnp.float32(0.0)
    return (hc_predictions, ic_predictions, loc_embeddings, global_embeddings, penalties)

if __name__ == "__main__":
    import jax
    _d = setup_inputs()
    print(jax.jit(kernel)(*tuple(_d.values())))

</pallas_src>

<mosaic_0001>
#map = affine_map<(d0, d1) -> (0, 0)>
#map1 = affine_map<(d0, d1) -> (0)>
module attributes {stable_mosaic.version = 14 : i64} {
  func.func @_pool_kernel(%arg0: i32, %arg1: i32, %arg2: memref<10240x128xf32, #tpu.memory_space<hbm>>, %arg3: memref<10240xi32, #tpu.memory_space<hbm>>, %arg4: memref<2048x128xf32, #tpu.memory_space<hbm>>, %arg5: memref<64xi32, #tpu.memory_space<vmem>>, %arg6: memref<64x128xf32, #tpu.memory_space<vmem>>, %arg7: memref<1024x128xf32, #tpu.memory_space<vmem_shared>>) attributes {dimension_semantics = [#tpu.dimension_semantics<core_parallel>, #tpu.dimension_semantics<subcore_parallel>], iteration_bounds = array<i64: 2, 16>, scalar_prefetch = 0 : i64, scratch_operands = 3 : i64, tpu.core_type = #tpu.core_type<sc_vector_subcore>, window_params = [{transform_indices = #map}, {transform_indices = #map1}, {transform_indices = #map}]} {
    %broadcast_in_dim3A = arith.constant 0.000000e+00 : f32
    %broadcast_in_dim3A_0 = vector.broadcast %broadcast_in_dim3A : f32 to vector<16xf32>
    %scan3A = arith.constant 0 : i32
    %scan3A_1 = arith.constant 0 : i32
    %scan3A_2 = arith.constant 64 : i32
    %scan3A_3 = arith.addi %scan3A_1, %scan3A_2 : i32
    %scan3A_4 = arith.constant 1 : i32
    %scan3A_5 = scf.for %scan3A_22 = %scan3A_1 to %scan3A_3 step %scan3A_4 iter_args(%scan3A_23 = %scan3A) -> (i32)  : i32 {
      %swap3A = arith.index_cast %scan3A_22 : i32 to index
      %swap3A_24 = arith.constant 0 : index
      %swap3A_25 = tpu.vector_load %arg6[%swap3A, %swap3A_24] {strides = array<i32>} : memref<64x128xf32, #tpu.memory_space<vmem>>, vector<1x16xf32>,
      %swap3A_26 = vector.shape_cast %swap3A_25 : vector<1x16xf32> to vector<16xf32>
      %swap3A_27 = vector.shape_cast %broadcast_in_dim3A_0 : vector<16xf32> to vector<1x16xf32>
      tpu.vector_store %arg6[%swap3A, %swap3A_24], %swap3A_27 {strides = array<i32>} : memref<64x128xf32, #tpu.memory_space<vmem>>, vector<1x16xf32>,
      %swap3A_28 = arith.index_cast %scan3A_22 : i32 to index
      %swap3A_29 = arith.constant 16 : index
      %swap3A_30 = tpu.vector_load %arg6[%swap3A_28, %swap3A_29] {strides = array<i32>} : memref<64x128xf32, #tpu.memory_space<vmem>>, vector<1x16xf32>,
      %swap3A_31 = vector.shape_cast %swap3A_30 : vector<1x16xf32> to vector<16xf32>
      %swap3A_32 = vector.shape_cast %broadcast_in_dim3A_0 : vector<16xf32> to vector<1x16xf32>
      tpu.vector_store %arg6[%swap3A_28, %swap3A_29], %swap3A_32 {strides = array<i32>} : memref<64x128xf32, #tpu.memory_space<vmem>>, vector<1x16xf32>,
      %swap3A_33 = arith.index_cast %scan3A_22 : i32 to index
      %swap3A_34 = arith.constant 32 : index
      %swap3A_35 = tpu.vector_load %arg6[%swap3A_33, %swap3A_34] {strides = array<i32>} : memref<64x128xf32, #tpu.memory_space<vmem>>, vector<1x16xf32>,
      %swap3A_36 = vector.shape_cast %swap3A_35 : vector<1x16xf32> to vector<16xf32>
      %swap3A_37 = vector.shape_cast %broadcast_in_dim3A_0 : vector<16xf32> to vector<1x16xf32>
      tpu.vector_store %arg6[%swap3A_33, %swap3A_34], %swap3A_37 {strides = array<i32>} : memref<64x128xf32, #tpu.memory_space<vmem>>, vector<1x16xf32>,
      %swap3A_38 = arith.index_cast %scan3A_22 : i32 to index
      %swap3A_39 = arith.constant 48 : index
      %swap3A_40 = tpu.vector_load %arg6[%swap3A_38, %swap3A_39] {strides = array<i32>} : memref<64x128xf32, #tpu.memory_space<vmem>>, vector<1x16xf32>,
      %swap3A_41 = vector.shape_cast %swap3A_40 : vector<1x16xf32> to vector<16xf32>
      %swap3A_42 = vector.shape_cast %broadcast_in_dim3A_0 : vector<16xf32> to vector<1x16xf32>
      tpu.vector_store %arg6[%swap3A_38, %swap3A_39], %swap3A_42 {strides = array<i32>} : memref<64x128xf32, #tpu.memory_space<vmem>>, vector<1x16xf32>,
      %swap3A_43 = arith.index_cast %scan3A_22 : i32 to index
      %swap3A_44 = arith.constant 64 : index
      %swap3A_45 = tpu.vector_load %arg6[%swap3A_43, %swap3A_44] {strides = array<i32>} : memref<64x128xf32, #tpu.memory_space<vmem>>, vector<1x16xf32>,
      %swap3A_46 = vector.shape_cast %swap3A_45 : vector<1x16xf32> to vector<16xf32>
      %swap3A_47 = vector.shape_cast %broadcast_in_dim3A_0 : vector<16xf32> to vector<1x16xf32>
      tpu.vector_store %arg6[%swap3A_43, %swap3A_44], %swap3A_47 {strides = array<i32>} : memref<64x128xf32, #tpu.memory_space<vmem>>, vector<1x16xf32>,
      %swap3A_48 = arith.index_cast %scan3A_22 : i32 to index
      %swap3A_49 = arith.constant 80 : index
      %swap3A_50 = tpu.vector_load %arg6[%swap3A_48, %swap3A_49] {strides = array<i32>} : memref<64x128xf32, #tpu.memory_space<vmem>>, vector<1x16xf32>,
      %swap3A_51 = vector.shape_cast %swap3A_50 : vector<1x16xf32> to vector<16xf32>
      %swap3A_52 = vector.shape_cast %broadcast_in_dim3A_0 : vector<16xf32> to vector<1x16xf32>
      tpu.vector_store %arg6[%swap3A_48, %swap3A_49], %swap3A_52 {strides = array<i32>} : memref<64x128xf32, #tpu.memory_space<vmem>>, vector<1x16xf32>,
      %swap3A_53 = arith.index_cast %scan3A_22 : i32 to index
      %swap3A_54 = arith.constant 96 : index
      %swap3A_55 = tpu.vector_load %arg6[%swap3A_53, %swap3A_54] {strides = array<i32>} : memref<64x128xf32, #tpu.memory_space<vmem>>, vector<1x16xf32>,
      %swap3A_56 = vector.shape_cast %swap3A_55 : vector<1x16xf32> to vector<16xf32>
      %swap3A_57 = vector.shape_cast %broadcast_in_dim3A_0 : vector<16xf32> to vector<1x16xf32>
      tpu.vector_store %arg6[%swap3A_53, %swap3A_54], %swap3A_57 {strides = array<i32>} : memref<64x128xf32, #tpu.memory_space<vmem>>, vector<1x16xf32>,
      %swap3A_58 = arith.index_cast %scan3A_22 : i32 to index
      %swap3A_59 = arith.constant 112 : index
      %swap3A_60 = tpu.vector_load %arg6[%swap3A_58, %swap3A_59] {strides = array<i32>} : memref<64x128xf32, #tpu.memory_space<vmem>>, vector<1x16xf32>,
      %swap3A_61 = vector.shape_cast %swap3A_60 : vector<1x16xf32> to vector<16xf32>
      %swap3A_62 = vector.shape_cast %broadcast_in_dim3A_0 : vector<16xf32> to vector<1x16xf32>
      tpu.vector_store %arg6[%swap3A_58, %swap3A_59], %swap3A_62 {strides = array<i32>} : memref<64x128xf32, #tpu.memory_space<vmem>>, vector<1x16xf32>,
      %scan3A_63 = arith.constant 0 : i32
      scf.yield %scan3A_63 : i32
    }
    %scan3A_6 = arith.constant 64 : i32
    %mul3A = arith.constant 64 : i32
    %mul3A_7 = arith.muli %arg1, %mul3A : i32
    "tpu.region"() ({
      %run_scoped3A = tpu.sem_alloc : memref<!tpu.dma_semaphore, #tpu.memory_space<semaphore_mem>>
      %dma_start3A = arith.constant 0 : i32
      %dma_start3A_22 = tpu.memref_slice %arg7[%mul3A_7, %dma_start3A] : memref<1024x128xf32, #tpu.memory_space<vmem_shared>> -> memref<64x128xf32, #tpu.memory_space<vmem_shared>>
      %dma_start3A_23 = arith.constant 0 : i32
      %dma_start3A_24 = tpu.memref_slice %arg7[%mul3A_7, %dma_start3A_23] : memref<1024x128xf32, #tpu.memory_space<vmem_shared>> -> memref<64x128xf32, #tpu.memory_space<vmem_shared>>
      tpu.enqueue_dma source(%arg6 : memref<64x128xf32, #tpu.memory_space<vmem>>) target(%dma_start3A_24 : memref<64x128xf32, #tpu.memory_space<vmem_shared>>) target_semaphore(%run_scoped3A : memref<!tpu.dma_semaphore, #tpu.memory_space<semaphore_mem>>)
      %dma_wait3A = arith.constant 0 : i32
      %dma_wait3A_25 = tpu.memref_slice %arg7[%mul3A_7, %dma_wait3A] : memref<1024x128xf32, #tpu.memory_space<vmem_shared>> -> memref<64x128xf32, #tpu.memory_space<vmem_shared>>
      %dma_wait3A_26 = arith.constant 0 : i32
      %dma_wait3A_27 = tpu.memref_slice %arg7[%mul3A_7, %dma_wait3A_26] : memref<1024x128xf32, #tpu.memory_space<vmem_shared>> -> memref<64x128xf32, #tpu.memory_space<vmem_shared>>
      tpu.wait_dma2 semaphore(%run_scoped3A : memref<!tpu.dma_semaphore, #tpu.memory_space<semaphore_mem>>) src(%arg6 : memref<64x128xf32, #tpu.memory_space<vmem>>) dst(%dma_wait3A_27 : memref<64x128xf32, #tpu.memory_space<vmem_shared>>)
      tpu.yield
    }) : () -> ()
    %barrier3A = arith.constant 0 : index
    tpu.barrier barrier_id(%barrier3A)
    %scan3A_8 = arith.constant 0 : i32
    %scan3A_9 = arith.constant 0 : i32
    %scan3A_10 = arith.constant 5 : i32
    %scan3A_11 = arith.addi %scan3A_9, %scan3A_10 : i32
    %scan3A_12 = arith.constant 1 : i32
    %scan3A_13 = scf.for %scan3A_22 = %scan3A_9 to %scan3A_11 step %scan3A_12 iter_args(%scan3A_23 = %scan3A_8) -> (i32)  : i32 {
      %mul3A_24 = arith.constant 16 : i32
      %mul3A_25 = arith.muli %arg0, %mul3A_24 : i32
      %add3A_26 = arith.addi %mul3A_25, %arg1 : i32
      %mul3A_27 = arith.constant 320 : i32
      %mul3A_28 = arith.muli %add3A_26, %mul3A_27 : i32
      %mul3A_29 = arith.constant 64 : i32
      %mul3A_30 = arith.muli %scan3A_22, %mul3A_29 : i32
      %add3A_31 = arith.addi %mul3A_28, %mul3A_30 : i32
      "tpu.region"() ({
        %run_scoped3A = tpu.sem_alloc : memref<!tpu.dma_semaphore, #tpu.memory_space<semaphore_mem>>
        %dma_start3A = arith.constant 0 : i32
        %dma_start3A_33 = tpu.memref_slice %arg2[%add3A_31, %dma_start3A] : memref<10240x128xf32, #tpu.memory_space<hbm>> -> memref<64x128xf32, #tpu.memory_space<hbm>>
        %dma_start3A_34 = arith.constant 0 : i32
        %dma_start3A_35 = tpu.memref_slice %arg2[%add3A_31, %dma_start3A_34] : memref<10240x128xf32, #tpu.memory_space<hbm>> -> memref<64x128xf32, #tpu.memory_space<hbm>>
        tpu.enqueue_dma source(%dma_start3A_35 : memref<64x128xf32, #tpu.memory_space<hbm>>) target(%arg6 : memref<64x128xf32, #tpu.memory_space<vmem>>) target_semaphore(%run_scoped3A : memref<!tpu.dma_semaphore, #tpu.memory_space<semaphore_mem>>)
        %dma_wait3A = arith.constant 0 : i32
        %dma_wait3A_36 = tpu.memref_slice %arg2[%add3A_31, %dma_wait3A] : memref<10240x128xf32, #tpu.memory_space<hbm>> -> memref<64x128xf32, #tpu.memory_space<hbm>>
        %dma_wait3A_37 = arith.constant 0 : i32
        %dma_wait3A_38 = tpu.memref_slice %arg2[%add3A_31, %dma_wait3A_37] : memref<10240x128xf32, #tpu.memory_space<hbm>> -> memref<64x128xf32, #tpu.memory_space<hbm>>
        tpu.wait_dma2 semaphore(%run_scoped3A : memref<!tpu.dma_semaphore, #tpu.memory_space<semaphore_mem>>) src(%dma_wait3A_38 : memref<64x128xf32, #tpu.memory_space<hbm>>) dst(%arg6 : memref<64x128xf32, #tpu.memory_space<vmem>>)
        tpu.yield
      }) : () -> ()
      "tpu.region"() ({
        %run_scoped3A = tpu.sem_alloc : memref<!tpu.dma_semaphore, #tpu.memory_space<semaphore_mem>>
        %dma_start3A = tpu.memref_slice %arg3[%add3A_31] : memref<10240xi32, #tpu.memory_space<hbm>> -> memref<64xi32, #tpu.memory_space<hbm>>
        %dma_start3A_33 = tpu.memref_slice %arg3[%add3A_31] : memref<10240xi32, #tpu.memory_space<hbm>> -> memref<64xi32, #tpu.memory_space<hbm>>
        tpu.enqueue_dma source(%dma_start3A_33 : memref<64xi32, #tpu.memory_space<hbm>>) target(%arg5 : memref<64xi32, #tpu.memory_space<vmem>>) target_semaphore(%run_scoped3A : memref<!tpu.dma_semaphore, #tpu.memory_space<semaphore_mem>>)
        %dma_wait3A = tpu.memref_slice %arg3[%add3A_31] : memref<10240xi32, #tpu.memory_space<hbm>> -> memref<64xi32, #tpu.memory_space<hbm>>
        %dma_wait3A_34 = tpu.memref_slice %arg3[%add3A_31] : memref<10240xi32, #tpu.memory_space<hbm>> -> memref<64xi32, #tpu.memory_space<hbm>>
        tpu.wait_dma2 semaphore(%run_scoped3A : memref<!tpu.dma_semaphore, #tpu.memory_space<semaphore_mem>>) src(%dma_wait3A_34 : memref<64xi32, #tpu.memory_space<hbm>>) dst(%arg5 : memref<64xi32, #tpu.memory_space<vmem>>)
        tpu.yield
      }) : () -> ()
      "tpu.region"() ({
        %run_scoped3A = tpu.sem_alloc : memref<!tpu.dma_semaphore, #tpu.memory_space<semaphore_mem>>
        %dma_start3A = arith.constant 0 : i32
        %dma_start3A_33 = arith.constant 0 : i32
        %dma_start3A_34 = tpu.memref_slice %arg7[%dma_start3A, %dma_start3A_33] : memref<1024x128xf32, #tpu.memory_space<vmem_shared>> -> memref<1024x128xf32, #tpu.memory_space<vmem_shared>>
        tpu.enqueue_indirect_dma source(%arg6 : memref<64x128xf32, #tpu.memory_space<vmem>>) target(%dma_start3A_34 : memref<1024x128xf32, #tpu.memory_space<vmem_shared>>) offsets(%arg5 : memref<64xi32, #tpu.memory_space<vmem>>) semaphore(%run_scoped3A : memref<!tpu.dma_semaphore, #tpu.memory_space<semaphore_mem>>) {add = true}
        %dma_wait3A = arith.constant 0 : i32
        %dma_wait3A_35 = arith.constant 0 : i32
        %dma_wait3A_36 = tpu.memref_slice %arg7[%dma_wait3A, %dma_wait3A_35] : memref<1024x128xf32, #tpu.memory_space<vmem_shared>> -> memref<1024x128xf32, #tpu.memory_space<vmem_shared>>
        tpu.wait_indirect_dma semaphore(%run_scoped3A : memref<!tpu.dma_semaphore, #tpu.memory_space<semaphore_mem>>) src(%arg6 : memref<64x128xf32, #tpu.memory_space<vmem>>) dst(%dma_wait3A_36 : memref<1024x128xf32, #tpu.memory_space<vmem_shared>>)
        tpu.yield
      }) : () -> ()
      %scan3A_32 = arith.constant 0 : i32
      scf.yield %scan3A_32 : i32
    }
    %scan3A_14 = arith.constant 5 : i32
    %barrier3A_15 = arith.constant 0 : index
    tpu.barrier barrier_id(%barrier3A_15)
    %mul3A_16 = arith.constant 64 : i32
    %mul3A_17 = arith.muli %arg1, %mul3A_16 : i32
    "tpu.region"() ({
      %run_scoped3A = tpu.sem_alloc : memref<!tpu.dma_semaphore, #tpu.memory_space<semaphore_mem>>
      %dma_start3A = arith.constant 0 : i32
      %dma_start3A_22 = tpu.memref_slice %arg7[%mul3A_17, %dma_start3A] : memref<1024x128xf32, #tpu.memory_space<vmem_shared>> -> memref<64x128xf32, #tpu.memory_space<vmem_shared>>
      %dma_start3A_23 = arith.constant 0 : i32
      %dma_start3A_24 = tpu.memref_slice %arg7[%mul3A_17, %dma_start3A_23] : memref<1024x128xf32, #tpu.memory_space<vmem_shared>> -> memref<64x128xf32, #tpu.memory_space<vmem_shared>>
      tpu.enqueue_dma source(%dma_start3A_24 : memref<64x128xf32, #tpu.memory_space<vmem_shared>>) target(%arg6 : memref<64x128xf32, #tpu.memory_space<vmem>>) target_semaphore(%run_scoped3A : memref<!tpu.dma_semaphore, #tpu.memory_space<semaphore_mem>>)
      %dma_wait3A = arith.constant 0 : i32
      %dma_wait3A_25 = tpu.memref_slice %arg7[%mul3A_17, %dma_wait3A] : memref<1024x128xf32, #tpu.memory_space<vmem_shared>> -> memref<64x128xf32, #tpu.memory_space<vmem_shared>>
      %dma_wait3A_26 = arith.constant 0 : i32
      %dma_wait3A_27 = tpu.memref_slice %arg7[%mul3A_17, %dma_wait3A_26] : memref<1024x128xf32, #tpu.memory_space<vmem_shared>> -> memref<64x128xf32, #tpu.memory_space<vmem_shared>>
      tpu.wait_dma2 semaphore(%run_scoped3A : memref<!tpu.dma_semaphore, #tpu.memory_space<semaphore_mem>>) src(%dma_wait3A_27 : memref<64x128xf32, #tpu.memory_space<vmem_shared>>) dst(%arg6 : memref<64x128xf32, #tpu.memory_space<vmem>>)
      tpu.yield
    }) : () -> ()
    %mul3A_18 = arith.constant 1024 : i32
    %mul3A_19 = arith.muli %arg0, %mul3A_18 : i32
    %mul3A_20 = arith.constant 64 : i32
    %mul3A_21 = arith.muli %arg1, %mul3A_20 : i32
    %add3A = arith.addi %mul3A_19, %mul3A_21 : i32
    "tpu.region"() ({
      %run_scoped3A = tpu.sem_alloc : memref<!tpu.dma_semaphore, #tpu.memory_space<semaphore_mem>>
      %dma_start3A = arith.constant 0 : i32
      %dma_start3A_22 = tpu.memref_slice %arg4[%add3A, %dma_start3A] : memref<2048x128xf32, #tpu.memory_space<hbm>> -> memref<64x128xf32, #tpu.memory_space<hbm>>
      %dma_start3A_23 = arith.constant 0 : i32
      %dma_start3A_24 = tpu.memref_slice %arg4[%add3A, %dma_start3A_23] : memref<2048x128xf32, #tpu.memory_space<hbm>> -> memref<64x128xf32, #tpu.memory_space<hbm>>
      tpu.enqueue_dma source(%arg6 : memref<64x128xf32, #tpu.memory_space<vmem>>) target(%dma_start3A_24 : memref<64x128xf32, #tpu.memory_space<hbm>>) target_semaphore(%run_scoped3A : memref<!tpu.dma_semaphore, #tpu.memory_space<semaphore_mem>>)
      %dma_wait3A = arith.constant 0 : i32
      %dma_wait3A_25 = tpu.memref_slice %arg4[%add3A, %dma_wait3A] : memref<2048x128xf32, #tpu.memory_space<hbm>> -> memref<64x128xf32, #tpu.memory_space<hbm>>
      %dma_wait3A_26 = arith.constant 0 : i32
      %dma_wait3A_27 = tpu.memref_slice %arg4[%add3A, %dma_wait3A_26] : memref<2048x128xf32, #tpu.memory_space<hbm>> -> memref<64x128xf32, #tpu.memory_space<hbm>>
      tpu.wait_dma2 semaphore(%run_scoped3A : memref<!tpu.dma_semaphore, #tpu.memory_space<semaphore_mem>>) src(%arg6 : memref<64x128xf32, #tpu.memory_space<vmem>>) dst(%dma_wait3A_27 : memref<64x128xf32, #tpu.memory_space<hbm>>)
      tpu.yield
    }) : () -> ()
    return
  }
}

#map = affine_map<(d0, d1) -> (0, 0)>
module attributes {stable_mosaic.version = 14 : i64} {
  func.func @rowscatter(%arg0: i32, %arg1: i32, %arg2: memref<10240x128xf32, #tpu.memory_space<hbm>>, %arg3: memref<2560x128xi32, #tpu.memory_space<hbm>>, %arg4: memref<2560x128xi32, #tpu.memory_space<hbm>>, %arg5: memref<20480x128xf32, #tpu.memory_space<hbm>>, %arg6: memref<40x128xi32, #tpu.memory_space<vmem>>, %arg7: memref<40x128xi32, #tpu.memory_space<vmem>>, %arg8: memref<128x128xf32, #tpu.memory_space<vmem>>, %arg9: memref<128x128xf32, #tpu.memory_space<vmem>>, %arg10: memref<!tpu.dma_semaphore, #tpu.memory_space<semaphore_mem>>, %arg11: memref<!tpu.dma_semaphore, #tpu.memory_space<semaphore_mem>>, %arg12: memref<!tpu.dma_semaphore, #tpu.memory_space<semaphore_mem>>, %arg13: memref<!tpu.dma_semaphore, #tpu.memory_space<semaphore_mem>>, %arg14: memref<10240x128xf32, #tpu.memory_space<vmem_shared>>) attributes {dimension_semantics = [#tpu.dimension_semantics<core_parallel>, #tpu.dimension_semantics<subcore_parallel>], iteration_bounds = array<i64: 2, 16>, scalar_prefetch = 0 : i64, scratch_operands = 9 : i64, tpu.core_type = #tpu.core_type<sc_vector_subcore>, window_params = [{transform_indices = #map}, {transform_indices = #map}, {transform_indices = #map}, {transform_indices = #map}]} {
    %mul3A = arith.constant 16 : i32
    %mul3A_0 = arith.muli %arg0, %mul3A : i32
    %add3A = arith.addi %mul3A_0, %arg1 : i32
    %mul3A_1 = arith.constant 80 : i32
    %mul3A_2 = arith.muli %add3A, %mul3A_1 : i32
    %broadcast_in_dim3A = arith.constant 0.000000e+00 : f32
    %broadcast_in_dim3A_3 = vector.broadcast %broadcast_in_dim3A : f32 to vector<16xf32>
    %scan3A = arith.constant 0 : i32
    %scan3A_4 = arith.constant 0 : i32
    %scan3A_5 = arith.constant 128 : i32
    %scan3A_6 = arith.addi %scan3A_4, %scan3A_5 : i32
    %scan3A_7 = arith.constant 1 : i32
    %scan3A_8 = scf.for %scan3A_240 = %scan3A_4 to %scan3A_6 step %scan3A_7 iter_args(%scan3A_241 = %scan3A) -> (i32)  : i32 {
      %swap3A = arith.index_cast %scan3A_240 : i32 to index
      %swap3A_242 = arith.constant 0 : index
      %swap3A_243 = tpu.vector_load %arg8[%swap3A, %swap3A_242] {strides = array<i32>} : memref<128x128xf32, #tpu.memory_space<vmem>>, vector<1x16xf32>,
      %swap3A_244 = vector.shape_cast %swap3A_243 : vector<1x16xf32> to vector<16xf32>
      %swap3A_245 = vector.shape_cast %broadcast_in_dim3A_3 : vector<16xf32> to vector<1x16xf32>
      tpu.vector_store %arg8[%swap3A, %swap3A_242], %swap3A_245 {strides = array<i32>} : memref<128x128xf32, #tpu.memory_space<vmem>>, vector<1x16xf32>,
      %swap3A_246 = arith.index_cast %scan3A_240 : i32 to index
      %swap3A_247 = arith.constant 16 : index
      %swap3A_248 = tpu.vector_load %arg8[%swap3A_246, %swap3A_247] {strides = array<i32>} : memref<128x128xf32, #tpu.memory_space<vmem>>, vector<1x16xf32>,
      %swap3A_249 = vector.shape_cast %swap3A_248 : vector<1x16xf32> to vector<16xf32>
      %swap3A_250 = vector.shape_cast %broadcast_in_dim3A_3 : vector<16xf32> to vector<1x16xf32>
      tpu.vector_store %arg8[%swap3A_246, %swap3A_247], %swap3A_250 {strides = array<i32>} : memref<128x128xf32, #tpu.memory_space<vmem>>, vector<1x16xf32>,
      %swap3A_251 = arith.index_cast %scan3A_240 : i32 to index
      %swap3A_252 = arith.constant 32 : index
      %swap3A_253 = tpu.vector_load %arg8[%swap3A_251, %swap3A_252] {strides = array<i32>} : memref<128x128xf32, #tpu.memory_space<vmem>>, vector<1x16xf32>,
      %swap3A_254 = vector.shape_cast %swap3A_253 : vector<1x16xf32> to vector<16xf32>
      %swap3A_255 = vector.shape_cast %broadcast_in_dim3A_3 : vector<16xf32> to vector<1x16xf32>
      tpu.vector_store %arg8[%swap3A_251, %swap3A_252], %swap3A_255 {strides = array<i32>} : memref<128x128xf32, #tpu.memory_space<vmem>>, vector<1x16xf32>,
      %swap3A_256 = arith.index_cast %scan3A_240 : i32 to index
      %swap3A_257 = arith.constant 48 : index
      %swap3A_258 = tpu.vector_load %arg8[%swap3A_256, %swap3A_257] {strides = array<i32>} : memref<128x128xf32, #tpu.memory_space<vmem>>, vector<1x16xf32>,
      %swap3A_259 = vector.shape_cast %swap3A_258 : vector<1x16xf32> to vector<16xf32>
      %swap3A_260 = vector.shape_cast %broadcast_in_dim3A_3 : vector<16xf32> to vector<1x16xf32>
      tpu.vector_store %arg8[%swap3A_256, %swap3A_257], %swap3A_260 {strides = array<i32>} : memref<128x128xf32, #tpu.memory_space<vmem>>, vector<1x16xf32>,
      %swap3A_261 = arith.index_cast %scan3A_240 : i32 to index
      %swap3A_262 = arith.constant 64 : index
      %swap3A_263 = tpu.vector_load %arg8[%swap3A_261, %swap3A_262] {strides = array<i32>} : memref<128x128xf32, #tpu.memory_space<vmem>>, vector<1x16xf32>,
      %swap3A_264 = vector.shape_cast %swap3A_263 : vector<1x16xf32> to vector<16xf32>
      %swap3A_265 = vector.shape_cast %broadcast_in_dim3A_3 : vector<16xf32> to vector<1x16xf32>
      tpu.vector_store %arg8[%swap3A_261, %swap3A_262], %swap3A_265 {strides = array<i32>} : memref<128x128xf32, #tpu.memory_space<vmem>>, vector<1x16xf32>,
      %swap3A_266 = arith.index_cast %scan3A_240 : i32 to index
      %swap3A_267 = arith.constant 80 : index
      %swap3A_268 = tpu.vector_load %arg8[%swap3A_266, %swap3A_267] {strides = array<i32>} : memref<128x128xf32, #tpu.memory_space<vmem>>, vector<1x16xf32>,
      %swap3A_269 = vector.shape_cast %swap3A_268 : vector<1x16xf32> to vector<16xf32>
      %swap3A_270 = vector.shape_cast %broadcast_in_dim3A_3 : vector<16xf32> to vector<1x16xf32>
      tpu.vector_store %arg8[%swap3A_266, %swap3A_267], %swap3A_270 {strides = array<i32>} : memref<128x128xf32, #tpu.memory_space<vmem>>, vector<1x16xf32>,
      %swap3A_271 = arith.index_cast %scan3A_240 : i32 to index
      %swap3A_272 = arith.constant 96 : index
      %swap3A_273 = tpu.vector_load %arg8[%swap3A_271, %swap3A_272] {strides = array<i32>} : memref<128x128xf32, #tpu.memory_space<vmem>>, vector<1x16xf32>,
      %swap3A_274 = vector.shape_cast %swap3A_273 : vector<1x16xf32> to vector<16xf32>
      %swap3A_275 = vector.shape_cast %broadcast_in_dim3A_3 : vector<16xf32> to vector<1x16xf32>
      tpu.vector_store %arg8[%swap3A_271, %swap3A_272], %swap3A_275 {strides = array<i32>} : memref<128x128xf32, #tpu.memory_space<vmem>>, vector<1x16xf32>,
      %swap3A_276 = arith.index_cast %scan3A_240 : i32 to index
      %swap3A_277 = arith.constant 112 : index
      %swap3A_278 = tpu.vector_load %arg8[%swap3A_276, %swap3A_277] {strides = array<i32>} : memref<128x128xf32, #tpu.memory_space<vmem>>, vector<1x16xf32>,
      %swap3A_279 = vector.shape_cast %swap3A_278 : vector<1x16xf32> to vector<16xf32>
      %swap3A_280 = vector.shape_cast %broadcast_in_dim3A_3 : vector<16xf32> to vector<1x16xf32>
      tpu.vector_store %arg8[%swap3A_276, %swap3A_277], %swap3A_280 {strides = array<i32>} : memref<128x128xf32, #tpu.memory_space<vmem>>, vector<1x16xf32>,
      %scan3A_281 = arith.constant 0 : i32
      scf.yield %scan3A_281 : i32
    }
    %scan3A_9 = arith.constant 128 : i32
    %mul3A_10 = arith.constant 640 : i32
    %mul3A_11 = arith.muli %arg1, %mul3A_10 : i32
    %add3A_12 = arith.constant 0 : i32
    %add3A_13 = arith.addi %mul3A_11, %add3A_12 : i32
    %dma_start3A = arith.constant 0 : i32
    %dma_start3A_14 = tpu.memref_slice %arg14[%add3A_13, %dma_start3A] : memref<10240x128xf32, #tpu.memory_space<vmem_shared>> -> memref<128x128xf32, #tpu.memory_space<vmem_shared>>
    %dma_start3A_15 = arith.constant 0 : i32
    %dma_start3A_16 = tpu.memref_slice %arg14[%add3A_13, %dma_start3A_15] : memref<10240x128xf32, #tpu.memory_space<vmem_shared>> -> memref<128x128xf32, #tpu.memory_space<vmem_shared>>
    tpu.enqueue_dma source(%arg8 : memref<128x128xf32, #tpu.memory_space<vmem>>) target(%dma_start3A_16 : memref<128x128xf32, #tpu.memory_space<vmem_shared>>) target_semaphore(%arg10 : memref<!tpu.dma_semaphore, #tpu.memory_space<semaphore_mem>>)
    %mul3A_17 = arith.constant 640 : i32
    %mul3A_18 = arith.muli %arg1, %mul3A_17 : i32
    %add3A_19 = arith.constant 128 : i32
    %add3A_20 = arith.addi %mul3A_18, %add3A_19 : i32
    %dma_start3A_21 = arith.constant 0 : i32
    %dma_start3A_22 = tpu.memref_slice %arg14[%add3A_20, %dma_start3A_21] : memref<10240x128xf32, #tpu.memory_space<vmem_shared>> -> memref<128x128xf32, #tpu.memory_space<vmem_shared>>
    %dma_start3A_23 = arith.constant 0 : i32
    %dma_start3A_24 = tpu.memref_slice %arg14[%add3A_20, %dma_start3A_23] : memref<10240x128xf32, #tpu.memory_space<vmem_shared>> -> memref<128x128xf32, #tpu.memory_space<vmem_shared>>
    tpu.enqueue_dma source(%arg8 : memref<128x128xf32, #tpu.memory_space<vmem>>) target(%dma_start3A_24 : memref<128x128xf32, #tpu.memory_space<vmem_shared>>) target_semaphore(%arg10 : memref<!tpu.dma_semaphore, #tpu.memory_space<semaphore_mem>>)
    %mul3A_25 = arith.constant 640 : i32
    %mul3A_26 = arith.muli %arg1, %mul3A_25 : i32
    %add3A_27 = arith.constant 256 : i32
    %add3A_28 = arith.addi %mul3A_26, %add3A_27 : i32
    %dma_start3A_29 = arith.constant 0 : i32
    %dma_start3A_30 = tpu.memref_slice %arg14[%add3A_28, %dma_start3A_29] : memref<10240x128xf32, #tpu.memory_space<vmem_shared>> -> memref<128x128xf32, #tpu.memory_space<vmem_shared>>
    %dma_start3A_31 = arith.constant 0 : i32
    %dma_start3A_32 = tpu.memref_slice %arg14[%add3A_28, %dma_start3A_31] : memref<10240x128xf32, #tpu.memory_space<vmem_shared>> -> memref<128x128xf32, #tpu.memory_space<vmem_shared>>
    tpu.enqueue_dma source(%arg8 : memref<128x128xf32, #tpu.memory_space<vmem>>) target(%dma_start3A_32 : memref<128x128xf32, #tpu.memory_space<vmem_shared>>) target_semaphore(%arg10 : memref<!tpu.dma_semaphore, #tpu.memory_space<semaphore_mem>>)
    %mul3A_33 = arith.constant 640 : i32
    %mul3A_34 = arith.muli %arg1, %mul3A_33 : i32
    %add3A_35 = arith.constant 384 : i32
    %add3A_36 = arith.addi %mul3A_34, %add3A_35 : i32
    %dma_start3A_37 = arith.constant 0 : i32
    %dma_start3A_38 = tpu.memref_slice %arg14[%add3A_36, %dma_start3A_37] : memref<10240x128xf32, #tpu.memory_space<vmem_shared>> -> memref<128x128xf32, #tpu.memory_space<vmem_shared>>
    %dma_start3A_39 = arith.constant 0 : i32
    %dma_start3A_40 = tpu.memref_slice %arg14[%add3A_36, %dma_start3A_39] : memref<10240x128xf32, #tpu.memory_space<vmem_shared>> -> memref<128x128xf32, #tpu.memory_space<vmem_shared>>
    tpu.enqueue_dma source(%arg8 : memref<128x128xf32, #tpu.memory_space<vmem>>) target(%dma_start3A_40 : memref<128x128xf32, #tpu.memory_space<vmem_shared>>) target_semaphore(%arg10 : memref<!tpu.dma_semaphore, #tpu.memory_space<semaphore_mem>>)
    %mul3A_41 = arith.constant 640 : i32
    %mul3A_42 = arith.muli %arg1, %mul3A_41 : i32
    %add3A_43 = arith.constant 512 : i32
    %add3A_44 = arith.addi %mul3A_42, %add3A_43 : i32
    %dma_start3A_45 = arith.constant 0 : i32
    %dma_start3A_46 = tpu.memref_slice %arg14[%add3A_44, %dma_start3A_45] : memref<10240x128xf32, #tpu.memory_space<vmem_shared>> -> memref<128x128xf32, #tpu.memory_space<vmem_shared>>
    %dma_start3A_47 = arith.constant 0 : i32
    %dma_start3A_48 = tpu.memref_slice %arg14[%add3A_44, %dma_start3A_47] : memref<10240x128xf32, #tpu.memory_space<vmem_shared>> -> memref<128x128xf32, #tpu.memory_space<vmem_shared>>
    tpu.enqueue_dma source(%arg8 : memref<128x128xf32, #tpu.memory_space<vmem>>) target(%dma_start3A_48 : memref<128x128xf32, #tpu.memory_space<vmem_shared>>) target_semaphore(%arg10 : memref<!tpu.dma_semaphore, #tpu.memory_space<semaphore_mem>>)
    %mul3A_49 = arith.constant 640 : i32
    %mul3A_50 = arith.muli %arg1, %mul3A_49 : i32
    %add3A_51 = arith.constant 0 : i32
    %add3A_52 = arith.addi %mul3A_50, %add3A_51 : i32
    %dma_wait3A = arith.constant 0 : i32
    %dma_wait3A_53 = tpu.memref_slice %arg14[%add3A_52, %dma_wait3A] : memref<10240x128xf32, #tpu.memory_space<vmem_shared>> -> memref<128x128xf32, #tpu.memory_space<vmem_shared>>
    %dma_wait3A_54 = arith.constant 0 : i32
    %dma_wait3A_55 = tpu.memref_slice %arg14[%add3A_52, %dma_wait3A_54] : memref<10240x128xf32, #tpu.memory_space<vmem_shared>> -> memref<128x128xf32, #tpu.memory_space<vmem_shared>>
    tpu.wait_dma2 semaphore(%arg10 : memref<!tpu.dma_semaphore, #tpu.memory_space<semaphore_mem>>) src(%arg8 : memref<128x128xf32, #tpu.memory_space<vmem>>) dst(%dma_wait3A_55 : memref<128x128xf32, #tpu.memory_space<vmem_shared>>)
    %mul3A_56 = arith.constant 640 : i32
    %mul3A_57 = arith.muli %arg1, %mul3A_56 : i32
    %add3A_58 = arith.constant 128 : i32
    %add3A_59 = arith.addi %mul3A_57, %add3A_58 : i32
    %dma_wait3A_60 = arith.constant 0 : i32
    %dma_wait3A_61 = tpu.memref_slice %arg14[%add3A_59, %dma_wait3A_60] : memref<10240x128xf32, #tpu.memory_space<vmem_shared>> -> memref<128x128xf32, #tpu.memory_space<vmem_shared>>
    %dma_wait3A_62 = arith.constant 0 : i32
    %dma_wait3A_63 = tpu.memref_slice %arg14[%add3A_59, %dma_wait3A_62] : memref<10240x128xf32, #tpu.memory_space<vmem_shared>> -> memref<128x128xf32, #tpu.memory_space<vmem_shared>>
    tpu.wait_dma2 semaphore(%arg10 : memref<!tpu.dma_semaphore, #tpu.memory_space<semaphore_mem>>) src(%arg8 : memref<128x128xf32, #tpu.memory_space<vmem>>) dst(%dma_wait3A_63 : memref<128x128xf32, #tpu.memory_space<vmem_shared>>)
    %mul3A_64 = arith.constant 640 : i32
    %mul3A_65 = arith.muli %arg1, %mul3A_64 : i32
    %add3A_66 = arith.constant 256 : i32
    %add3A_67 = arith.addi %mul3A_65, %add3A_66 : i32
    %dma_wait3A_68 = arith.constant 0 : i32
    %dma_wait3A_69 = tpu.memref_slice %arg14[%add3A_67, %dma_wait3A_68] : memref<10240x128xf32, #tpu.memory_space<vmem_shared>> -> memref<128x128xf32, #tpu.memory_space<vmem_shared>>
    %dma_wait3A_70 = arith.constant 0 : i32
    %dma_wait3A_71 = tpu.memref_slice %arg14[%add3A_67, %dma_wait3A_70] : memref<10240x128xf32, #tpu.memory_space<vmem_shared>> -> memref<128x128xf32, #tpu.memory_space<vmem_shared>>
    tpu.wait_dma2 semaphore(%arg10 : memref<!tpu.dma_semaphore, #tpu.memory_space<semaphore_mem>>) src(%arg8 : memref<128x128xf32, #tpu.memory_space<vmem>>) dst(%dma_wait3A_71 : memref<128x128xf32, #tpu.memory_space<vmem_shared>>)
    %mul3A_72 = arith.constant 640 : i32
    %mul3A_73 = arith.muli %arg1, %mul3A_72 : i32
    %add3A_74 = arith.constant 384 : i32
    %add3A_75 = arith.addi %mul3A_73, %add3A_74 : i32
    %dma_wait3A_76 = arith.constant 0 : i32
    %dma_wait3A_77 = tpu.memref_slice %arg14[%add3A_75, %dma_wait3A_76] : memref<10240x128xf32, #tpu.memory_space<vmem_shared>> -> memref<128x128xf32, #tpu.memory_space<vmem_shared>>
    %dma_wait3A_78 = arith.constant 0 : i32
    %dma_wait3A_79 = tpu.memref_slice %arg14[%add3A_75, %dma_wait3A_78] : memref<10240x128xf32, #tpu.memory_space<vmem_shared>> -> memref<128x128xf32, #tpu.memory_space<vmem_shared>>
    tpu.wait_dma2 semaphore(%arg10 : memref<!tpu.dma_semaphore, #tpu.memory_space<semaphore_mem>>) src(%arg8 : memref<128x128xf32, #tpu.memory_space<vmem>>) dst(%dma_wait3A_79 : memref<128x128xf32, #tpu.memory_space<vmem_shared>>)
    %mul3A_80 = arith.constant 640 : i32
    %mul3A_81 = arith.muli %arg1, %mul3A_80 : i32
    %add3A_82 = arith.constant 512 : i32
    %add3A_83 = arith.addi %mul3A_81, %add3A_82 : i32
    %dma_wait3A_84 = arith.constant 0 : i32
    %dma_wait3A_85 = tpu.memref_slice %arg14[%add3A_83, %dma_wait3A_84] : memref<10240x128xf32, #tpu.memory_space<vmem_shared>> -> memref<128x128xf32, #tpu.memory_space<vmem_shared>>
    %dma_wait3A_86 = arith.constant 0 : i32
    %dma_wait3A_87 = tpu.memref_slice %arg14[%add3A_83, %dma_wait3A_86] : memref<10240x128xf32, #tpu.memory_space<vmem_shared>> -> memref<128x128xf32, #tpu.memory_space<vmem_shared>>
    tpu.wait_dma2 semaphore(%arg10 : memref<!tpu.dma_semaphore, #tpu.memory_space<semaphore_mem>>) src(%arg8 : memref<128x128xf32, #tpu.memory_space<vmem>>) dst(%dma_wait3A_87 : memref<128x128xf32, #tpu.memory_space<vmem_shared>>)
    %barrier3A = arith.constant 0 : index
    tpu.barrier barrier_id(%barrier3A)
    %scan3A_88 = arith.constant 0 : i32
    %scan3A_89 = arith.constant 0 : i32
    %scan3A_90 = arith.constant 40 : i32
    %scan3A_91 = arith.addi %scan3A_89, %scan3A_90 : i32
    %scan3A_92 = arith.constant 1 : i32
    %scan3A_93 = scf.for %scan3A_240 = %scan3A_89 to %scan3A_91 step %scan3A_92 iter_args(%scan3A_241 = %scan3A_88) -> (i32)  : i32 {
      %jit3A = arith.constant 20 : i32
      %eq3A = arith.constant 0 : i32
      %eq3A_242 = arith.cmpi eq, %jit3A, %eq3A : i32
      %jit3A_243 = arith.constant 1 : i32
      %select_n3A = arith.select %eq3A_242, %jit3A_243, %jit3A : i32
      %rem3A = arith.remsi %scan3A_240, %select_n3A : i32
      %ne3A = arith.constant 0 : i32
      %ne3A_244 = arith.cmpi ne, %rem3A, %ne3A : i32
      %lt3A = arith.constant 0 : i32
      %lt3A_245 = arith.cmpi slt, %rem3A, %lt3A : i32
      %lt3A_246 = arith.constant 0 : i32
      %lt3A_247 = arith.cmpi slt, %select_n3A, %lt3A_246 : i32
      %ne3A_248 = arith.xori %lt3A_245, %lt3A_247 : i1
      %and3A = arith.andi %ne3A_248, %ne3A_244 : i1
      %add3A_249 = arith.addi %rem3A, %select_n3A : i32
      %select_n3A_250 = arith.select %and3A, %add3A_249, %rem3A : i32
      %eq3A_251 = arith.constant 0 : i32
      %eq3A_252 = arith.cmpi eq, %select_n3A_250, %eq3A_251 : i32
      %gt3A = arith.constant 0 : i32
      %gt3A_253 = arith.cmpi sgt, %scan3A_240, %gt3A : i32
      %and3A_254 = arith.andi %gt3A_253, %eq3A_252 : i1
      %convert_element_type3A = arith.extui %and3A_254 : i1 to i32
      %cond3A = arith.constant 0 : i32
      %cond3A_255 = arith.cmpi ne, %convert_element_type3A, %cond3A : i32
      scf.if %cond3A_255 {
        %dma_wait3A_391 = arith.constant 0 : i32
        %dma_wait3A_392 = arith.constant 0 : i32
        %dma_wait3A_393 = tpu.memref_slice %arg7[%dma_wait3A_391, %dma_wait3A_392] : memref<40x128xi32, #tpu.memory_space<vmem>> -> memref<1x128xi32, #tpu.memory_space<vmem>>
        %dma_wait3A_394 = tpu.memref_squeeze %dma_wait3A_393 : memref<1x128xi32, #tpu.memory_space<vmem>> -> memref<128xi32, #tpu.memory_space<vmem>>
        %dma_wait3A_395 = arith.constant 0 : i32
        %dma_wait3A_396 = arith.constant 0 : i32
        %dma_wait3A_397 = tpu.memref_slice %arg14[%dma_wait3A_395, %dma_wait3A_396] : memref<10240x128xf32, #tpu.memory_space<vmem_shared>> -> memref<10240x128xf32, #tpu.memory_space<vmem_shared>>
        tpu.wait_indirect_dma semaphore(%arg12 : memref<!tpu.dma_semaphore, #tpu.memory_space<semaphore_mem>>) src(%arg8 : memref<128x128xf32, #tpu.memory_space<vmem>>) dst(%dma_wait3A_397 : memref<10240x128xf32, #tpu.memory_space<vmem_shared>>)
        %dma_wait3A_398 = arith.constant 0 : i32
        %dma_wait3A_399 = arith.constant 0 : i32
        %dma_wait3A_400 = tpu.memref_slice %arg7[%dma_wait3A_398, %dma_wait3A_399] : memref<40x128xi32, #tpu.memory_space<vmem>> -> memref<1x128xi32, #tpu.memory_space<vmem>>
        %dma_wait3A_401 = tpu.memref_squeeze %dma_wait3A_400 : memref<1x128xi32, #tpu.memory_space<vmem>> -> memref<128xi32, #tpu.memory_space<vmem>>
        %dma_wait3A_402 = arith.constant 0 : i32
        %dma_wait3A_403 = arith.constant 0 : i32
        %dma_wait3A_404 = tpu.memref_slice %arg14[%dma_wait3A_402, %dma_wait3A_403] : memref<10240x128xf32, #tpu.memory_space<vmem_shared>> -> memref<10240x128xf32, #tpu.memory_space<vmem_shared>>
        tpu.wait_indirect_dma semaphore(%arg13 : memref<!tpu.dma_semaphore, #tpu.memory_space<semaphore_mem>>) src(%arg9 : memref<128x128xf32, #tpu.memory_space<vmem>>) dst(%dma_wait3A_404 : memref<10240x128xf32, #tpu.memory_space<vmem_shared>>)
      } else {
      }
      %convert_element_type3A_256 = arith.extui %eq3A_252 : i1 to i32
      %cond3A_257 = arith.constant 0 : i32
      %cond3A_258 = arith.cmpi ne, %convert_element_type3A_256, %cond3A_257 : i32
      scf.if %cond3A_258 {
        %mul3A_391 = arith.constant 2 : i32
        %mul3A_392 = arith.muli %scan3A_240, %mul3A_391 : i32
        %add3A_393 = arith.addi %mul3A_2, %mul3A_392 : i32
        %multiple_of3A = tpu.assume_multiple %add3A_393, 8 : i32
        "tpu.region"() ({
          %run_scoped3A = tpu.sem_alloc : memref<!tpu.dma_semaphore, #tpu.memory_space<semaphore_mem>>
          %dma_start3A_394 = arith.constant 0 : i32
          %dma_start3A_395 = tpu.memref_slice %arg3[%multiple_of3A, %dma_start3A_394] : memref<2560x128xi32, #tpu.memory_space<hbm>> -> memref<40x128xi32, #tpu.memory_space<hbm>>
          %dma_start3A_396 = arith.constant 0 : i32
          %dma_start3A_397 = tpu.memref_slice %arg3[%multiple_of3A, %dma_start3A_396] : memref<2560x128xi32, #tpu.memory_space<hbm>> -> memref<40x128xi32, #tpu.memory_space<hbm>>
          tpu.enqueue_dma source(%dma_start3A_397 : memref<40x128xi32, #tpu.memory_space<hbm>>) target(%arg6 : memref<40x128xi32, #tpu.memory_space<vmem>>) target_semaphore(%run_scoped3A : memref<!tpu.dma_semaphore, #tpu.memory_space<semaphore_mem>>)
          %dma_wait3A_398 = arith.constant 0 : i32
          %dma_wait3A_399 = tpu.memref_slice %arg3[%multiple_of3A, %dma_wait3A_398] : memref<2560x128xi32, #tpu.memory_space<hbm>> -> memref<40x128xi32, #tpu.memory_space<hbm>>
          %dma_wait3A_400 = arith.constant 0 : i32
          %dma_wait3A_401 = tpu.memref_slice %arg3[%multiple_of3A, %dma_wait3A_400] : memref<2560x128xi32, #tpu.memory_space<hbm>> -> memref<40x128xi32, #tpu.memory_space<hbm>>
          tpu.wait_dma2 semaphore(%run_scoped3A : memref<!tpu.dma_semaphore, #tpu.memory_space<semaphore_mem>>) src(%dma_wait3A_401 : memref<40x128xi32, #tpu.memory_space<hbm>>) dst(%arg6 : memref<40x128xi32, #tpu.memory_space<vmem>>)
          tpu.yield
        }) : () -> ()
        "tpu.region"() ({
          %run_scoped3A = tpu.sem_alloc : memref<!tpu.dma_semaphore, #tpu.memory_space<semaphore_mem>>
          %dma_start3A_394 = arith.constant 0 : i32
          %dma_start3A_395 = tpu.memref_slice %arg4[%multiple_of3A, %dma_start3A_394] : memref<2560x128xi32, #tpu.memory_space<hbm>> -> memref<40x128xi32, #tpu.memory_space<hbm>>
          %dma_start3A_396 = arith.constant 0 : i32
          %dma_start3A_397 = tpu.memref_slice %arg4[%multiple_of3A, %dma_start3A_396] : memref<2560x128xi32, #tpu.memory_space<hbm>> -> memref<40x128xi32, #tpu.memory_space<hbm>>
          tpu.enqueue_dma source(%dma_start3A_397 : memref<40x128xi32, #tpu.memory_space<hbm>>) target(%arg7 : memref<40x128xi32, #tpu.memory_space<vmem>>) target_semaphore(%run_scoped3A : memref<!tpu.dma_semaphore, #tpu.memory_space<semaphore_mem>>)
          %dma_wait3A_398 = arith.constant 0 : i32
          %dma_wait3A_399 = tpu.memref_slice %arg4[%multiple_of3A, %dma_wait3A_398] : memref<2560x128xi32, #tpu.memory_space<hbm>> -> memref<40x128xi32, #tpu.memory_space<hbm>>
          %dma_wait3A_400 = arith.constant 0 : i32
          %dma_wait3A_401 = tpu.memref_slice %arg4[%multiple_of3A, %dma_wait3A_400] : memref<2560x128xi32, #tpu.memory_space<hbm>> -> memref<40x128xi32, #tpu.memory_space<hbm>>
          tpu.wait_dma2 semaphore(%run_scoped3A : memref<!tpu.dma_semaphore, #tpu.memory_space<semaphore_mem>>) src(%dma_wait3A_401 : memref<40x128xi32, #tpu.memory_space<hbm>>) dst(%arg7 : memref<40x128xi32, #tpu.memory_space<vmem>>)
          tpu.yield
        }) : () -> ()
      } else {
      }
      %gt3A_259 = arith.constant 0 : i32
      %gt3A_260 = arith.cmpi sgt, %scan3A_240, %gt3A_259 : i32
      %not3A = arith.constant true
      %not3A_261 = arith.xori %eq3A_252, %not3A : i1
      %and3A_262 = arith.andi %gt3A_260, %not3A_261 : i1
      %convert_element_type3A_263 = arith.extui %and3A_262 : i1 to i32
      %cond3A_264 = arith.constant 0 : i32
      %cond3A_265 = arith.cmpi ne, %convert_element_type3A_263, %cond3A_264 : i32
      scf.if %cond3A_265 {
        %dma_wait3A_391 = arith.constant 0 : i32
        %dma_wait3A_392 = arith.constant 0 : i32
        %dma_wait3A_393 = tpu.memref_slice %arg7[%dma_wait3A_391, %dma_wait3A_392] : memref<40x128xi32, #tpu.memory_space<vmem>> -> memref<1x128xi32, #tpu.memory_space<vmem>>
        %dma_wait3A_394 = tpu.memref_squeeze %dma_wait3A_393 : memref<1x128xi32, #tpu.memory_space<vmem>> -> memref<128xi32, #tpu.memory_space<vmem>>
        %dma_wait3A_395 = arith.constant 0 : i32
        %dma_wait3A_396 = arith.constant 0 : i32
        %dma_wait3A_397 = tpu.memref_slice %arg14[%dma_wait3A_395, %dma_wait3A_396] : memref<10240x128xf32, #tpu.memory_space<vmem_shared>> -> memref<10240x128xf32, #tpu.memory_space<vmem_shared>>
        tpu.wait_indirect_dma semaphore(%arg12 : memref<!tpu.dma_semaphore, #tpu.memory_space<semaphore_mem>>) src(%arg8 : memref<128x128xf32, #tpu.memory_space<vmem>>) dst(%dma_wait3A_397 : memref<10240x128xf32, #tpu.memory_space<vmem_shared>>)
      } else {
      }
      %jit3A_266 = arith.constant 20 : i32
      %eq3A_267 = arith.constant 0 : i32
      %eq3A_268 = arith.cmpi eq, %jit3A_266, %eq3A_267 : i32
      %jit3A_269 = arith.constant 1 : i32
      %select_n3A_270 = arith.select %eq3A_268, %jit3A_269, %jit3A_266 : i32
      %rem3A_271 = arith.remsi %scan3A_240, %select_n3A_270 : i32
      %ne3A_272 = arith.constant 0 : i32
      %ne3A_273 = arith.cmpi ne, %rem3A_271, %ne3A_272 : i32
      %lt3A_274 = arith.constant 0 : i32
      %lt3A_275 = arith.cmpi slt, %rem3A_271, %lt3A_274 : i32
      %lt3A_276 = arith.constant 0 : i32
      %lt3A_277 = arith.cmpi slt, %select_n3A_270, %lt3A_276 : i32
      %ne3A_278 = arith.xori %lt3A_275, %lt3A_277 : i1
      %and3A_279 = arith.andi %ne3A_278, %ne3A_273 : i1
      %add3A_280 = arith.addi %rem3A_271, %select_n3A_270 : i32
      %select_n3A_281 = arith.select %and3A_279, %add3A_280, %rem3A_271 : i32
      %mul3A_282 = arith.constant 2 : i32
      %mul3A_283 = arith.muli %select_n3A_281, %mul3A_282 : i32
      %add3A_284 = arith.constant 0 : i32
      %add3A_285 = arith.addi %mul3A_283, %add3A_284 : i32
      %dma_start3A_286 = arith.constant 0 : i32
      %dma_start3A_287 = tpu.memref_slice %arg6[%add3A_285, %dma_start3A_286] : memref<40x128xi32, #tpu.memory_space<vmem>> -> memref<1x128xi32, #tpu.memory_space<vmem>>
      %dma_start3A_288 = tpu.memref_squeeze %dma_start3A_287 : memref<1x128xi32, #tpu.memory_space<vmem>> -> memref<128xi32, #tpu.memory_space<vmem>>
      %dma_start3A_289 = arith.constant 0 : i32
      %dma_start3A_290 = arith.constant 0 : i32
      %dma_start3A_291 = tpu.memref_slice %arg2[%dma_start3A_289, %dma_start3A_290] : memref<10240x128xf32, #tpu.memory_space<hbm>> -> memref<10240x128xf32, #tpu.memory_space<hbm>>
      tpu.enqueue_indirect_dma source(%dma_start3A_291 : memref<10240x128xf32, #tpu.memory_space<hbm>>) target(%arg8 : memref<128x128xf32, #tpu.memory_space<vmem>>) offsets(%dma_start3A_288 : memref<128xi32, #tpu.memory_space<vmem>>) semaphore(%arg10 : memref<!tpu.dma_semaphore, #tpu.memory_space<semaphore_mem>>)
      %gt3A_292 = arith.constant 0 : i32
      %gt3A_293 = arith.cmpi sgt, %scan3A_240, %gt3A_292 : i32
      %not3A_294 = arith.constant true
      %not3A_295 = arith.xori %eq3A_252, %not3A_294 : i1
      %and3A_296 = arith.andi %gt3A_293, %not3A_295 : i1
      %convert_element_type3A_297 = arith.extui %and3A_296 : i1 to i32
      %cond3A_298 = arith.constant 0 : i32
      %cond3A_299 = arith.cmpi ne, %convert_element_type3A_297, %cond3A_298 : i32
      scf.if %cond3A_299 {
        %dma_wait3A_391 = arith.constant 0 : i32
        %dma_wait3A_392 = arith.constant 0 : i32
        %dma_wait3A_393 = tpu.memref_slice %arg7[%dma_wait3A_391, %dma_wait3A_392] : memref<40x128xi32, #tpu.memory_space<vmem>> -> memref<1x128xi32, #tpu.memory_space<vmem>>
        %dma_wait3A_394 = tpu.memref_squeeze %dma_wait3A_393 : memref<1x128xi32, #tpu.memory_space<vmem>> -> memref<128xi32, #tpu.memory_space<vmem>>
        %dma_wait3A_395 = arith.constant 0 : i32
        %dma_wait3A_396 = arith.constant 0 : i32
        %dma_wait3A_397 = tpu.memref_slice %arg14[%dma_wait3A_395, %dma_wait3A_396] : memref<10240x128xf32, #tpu.memory_space<vmem_shared>> -> memref<10240x128xf32, #tpu.memory_space<vmem_shared>>
        tpu.wait_indirect_dma semaphore(%arg13 : memref<!tpu.dma_semaphore, #tpu.memory_space<semaphore_mem>>) src(%arg9 : memref<128x128xf32, #tpu.memory_space<vmem>>) dst(%dma_wait3A_397 : memref<10240x128xf32, #tpu.memory_space<vmem_shared>>)
      } else {
      }
      %jit3A_300 = arith.constant 20 : i32
      %eq3A_301 = arith.constant 0 : i32
      %eq3A_302 = arith.cmpi eq, %jit3A_300, %eq3A_301 : i32
      %jit3A_303 = arith.constant 1 : i32
      %select_n3A_304 = arith.select %eq3A_302, %jit3A_303, %jit3A_300 : i32
      %rem3A_305 = arith.remsi %scan3A_240, %select_n3A_304 : i32
      %ne3A_306 = arith.constant 0 : i32
      %ne3A_307 = arith.cmpi ne, %rem3A_305, %ne3A_306 : i32
      %lt3A_308 = arith.constant 0 : i32
      %lt3A_309 = arith.cmpi slt, %rem3A_305, %lt3A_308 : i32
      %lt3A_310 = arith.constant 0 : i32
      %lt3A_311 = arith.cmpi slt, %select_n3A_304, %lt3A_310 : i32
      %ne3A_312 = arith.xori %lt3A_309, %lt3A_311 : i1
      %and3A_313 = arith.andi %ne3A_312, %ne3A_307 : i1
      %add3A_314 = arith.addi %rem3A_305, %select_n3A_304 : i32
      %select_n3A_315 = arith.select %and3A_313, %add3A_314, %rem3A_305 : i32
      %mul3A_316 = arith.constant 2 : i32
      %mul3A_317 = arith.muli %select_n3A_315, %mul3A_316 : i32
      %add3A_318 = arith.constant 1 : i32
      %add3A_319 = arith.addi %mul3A_317, %add3A_318 : i32
      %dma_start3A_320 = arith.constant 0 : i32
      %dma_start3A_321 = tpu.memref_slice %arg6[%add3A_319, %dma_start3A_320] : memref<40x128xi32, #tpu.memory_space<vmem>> -> memref<1x128xi32, #tpu.memory_space<vmem>>
      %dma_start3A_322 = tpu.memref_squeeze %dma_start3A_321 : memref<1x128xi32, #tpu.memory_space<vmem>> -> memref<128xi32, #tpu.memory_space<vmem>>
      %dma_start3A_323 = arith.constant 0 : i32
      %dma_start3A_324 = arith.constant 0 : i32
      %dma_start3A_325 = tpu.memref_slice %arg2[%dma_start3A_323, %dma_start3A_324] : memref<10240x128xf32, #tpu.memory_space<hbm>> -> memref<10240x128xf32, #tpu.memory_space<hbm>>
      tpu.enqueue_indirect_dma source(%dma_start3A_325 : memref<10240x128xf32, #tpu.memory_space<hbm>>) target(%arg9 : memref<128x128xf32, #tpu.memory_space<vmem>>) offsets(%dma_start3A_322 : memref<128xi32, #tpu.memory_space<vmem>>) semaphore(%arg11 : memref<!tpu.dma_semaphore, #tpu.memory_space<semaphore_mem>>)
      %jit3A_326 = arith.constant 20 : i32
      %eq3A_327 = arith.constant 0 : i32
      %eq3A_328 = arith.cmpi eq, %jit3A_326, %eq3A_327 : i32
      %jit3A_329 = arith.constant 1 : i32
      %select_n3A_330 = arith.select %eq3A_328, %jit3A_329, %jit3A_326 : i32
      %rem3A_331 = arith.remsi %scan3A_240, %select_n3A_330 : i32
      %ne3A_332 = arith.constant 0 : i32
      %ne3A_333 = arith.cmpi ne, %rem3A_331, %ne3A_332 : i32
      %lt3A_334 = arith.constant 0 : i32
      %lt3A_335 = arith.cmpi slt, %rem3A_331, %lt3A_334 : i32
      %lt3A_336 = arith.constant 0 : i32
      %lt3A_337 = arith.cmpi slt, %select_n3A_330, %lt3A_336 : i32
      %ne3A_338 = arith.xori %lt3A_335, %lt3A_337 : i1
      %and3A_339 = arith.andi %ne3A_338, %ne3A_333 : i1
      %add3A_340 = arith.addi %rem3A_331, %select_n3A_330 : i32
      %select_n3A_341 = arith.select %and3A_339, %add3A_340, %rem3A_331 : i32
      %mul3A_342 = arith.constant 2 : i32
      %mul3A_343 = arith.muli %select_n3A_341, %mul3A_342 : i32
      %add3A_344 = arith.constant 0 : i32
      %add3A_345 = arith.addi %mul3A_343, %add3A_344 : i32
      %dma_wait3A_346 = arith.constant 0 : i32
      %dma_wait3A_347 = tpu.memref_slice %arg6[%add3A_345, %dma_wait3A_346] : memref<40x128xi32, #tpu.memory_space<vmem>> -> memref<1x128xi32, #tpu.memory_space<vmem>>
      %dma_wait3A_348 = tpu.memref_squeeze %dma_wait3A_347 : memref<1x128xi32, #tpu.memory_space<vmem>> -> memref<128xi32, #tpu.memory_space<vmem>>
      %dma_wait3A_349 = arith.constant 0 : i32
      %dma_wait3A_350 = arith.constant 0 : i32
      %dma_wait3A_351 = tpu.memref_slice %arg2[%dma_wait3A_349, %dma_wait3A_350] : memref<10240x128xf32, #tpu.memory_space<hbm>> -> memref<10240x128xf32, #tpu.memory_space<hbm>>
      tpu.wait_indirect_dma semaphore(%arg10 : memref<!tpu.dma_semaphore, #tpu.memory_space<semaphore_mem>>) src(%dma_wait3A_351 : memref<10240x128xf32, #tpu.memory_space<hbm>>) dst(%arg8 : memref<128x128xf32, #tpu.memory_space<vmem>>)
      %dma_start3A_352 = arith.constant 0 : i32
      %dma_start3A_353 = tpu.memref_slice %arg7[%add3A_345, %dma_start3A_352] : memref<40x128xi32, #tpu.memory_space<vmem>> -> memref<1x128xi32, #tpu.memory_space<vmem>>
      %dma_start3A_354 = tpu.memref_squeeze %dma_start3A_353 : memref<1x128xi32, #tpu.memory_space<vmem>> -> memref<128xi32, #tpu.memory_space<vmem>>
      %dma_start3A_355 = arith.constant 0 : i32
      %dma_start3A_356 = arith.constant 0 : i32
      %dma_start3A_357 = tpu.memref_slice %arg14[%dma_start3A_355, %dma_start3A_356] : memref<10240x128xf32, #tpu.memory_space<vmem_shared>> -> memref<10240x128xf32, #tpu.memory_space<vmem_shared>>
      tpu.enqueue_indirect_dma source(%arg8 : memref<128x128xf32, #tpu.memory_space<vmem>>) target(%dma_start3A_357 : memref<10240x128xf32, #tpu.memory_space<vmem_shared>>) offsets(%dma_start3A_354 : memref<128xi32, #tpu.memory_space<vmem>>) semaphore(%arg12 : memref<!tpu.dma_semaphore, #tpu.memory_space<semaphore_mem>>) {add = true}
      %jit3A_358 = arith.constant 20 : i32
      %eq3A_359 = arith.constant 0 : i32
      %eq3A_360 = arith.cmpi eq, %jit3A_358, %eq3A_359 : i32
      %jit3A_361 = arith.constant 1 : i32
      %select_n3A_362 = arith.select %eq3A_360, %jit3A_361, %jit3A_358 : i32
      %rem3A_363 = arith.remsi %scan3A_240, %select_n3A_362 : i32
      %ne3A_364 = arith.constant 0 : i32
      %ne3A_365 = arith.cmpi ne, %rem3A_363, %ne3A_364 : i32
      %lt3A_366 = arith.constant 0 : i32
      %lt3A_367 = arith.cmpi slt, %rem3A_363, %lt3A_366 : i32
      %lt3A_368 = arith.constant 0 : i32
      %lt3A_369 = arith.cmpi slt, %select_n3A_362, %lt3A_368 : i32
      %ne3A_370 = arith.xori %lt3A_367, %lt3A_369 : i1
      %and3A_371 = arith.andi %ne3A_370, %ne3A_365 : i1
      %add3A_372 = arith.addi %rem3A_363, %select_n3A_362 : i32
      %select_n3A_373 = arith.select %and3A_371, %add3A_372, %rem3A_363 : i32
      %mul3A_374 = arith.constant 2 : i32
      %mul3A_375 = arith.muli %select_n3A_373, %mul3A_374 : i32
      %add3A_376 = arith.constant 1 : i32
      %add3A_377 = arith.addi %mul3A_375, %add3A_376 : i32
      %dma_wait3A_378 = arith.constant 0 : i32
      %dma_wait3A_379 = tpu.memref_slice %arg6[%add3A_377, %dma_wait3A_378] : memref<40x128xi32, #tpu.memory_space<vmem>> -> memref<1x128xi32, #tpu.memory_space<vmem>>
      %dma_wait3A_380 = tpu.memref_squeeze %dma_wait3A_379 : memref<1x128xi32, #tpu.memory_space<vmem>> -> memref<128xi32, #tpu.memory_space<vmem>>
      %dma_wait3A_381 = arith.constant 0 : i32
      %dma_wait3A_382 = arith.constant 0 : i32
      %dma_wait3A_383 = tpu.memref_slice %arg2[%dma_wait3A_381, %dma_wait3A_382] : memref<10240x128xf32, #tpu.memory_space<hbm>> -> memref<10240x128xf32, #tpu.memory_space<hbm>>
      tpu.wait_indirect_dma semaphore(%arg11 : memref<!tpu.dma_semaphore, #tpu.memory_space<semaphore_mem>>) src(%dma_wait3A_383 : memref<10240x128xf32, #tpu.memory_space<hbm>>) dst(%arg9 : memref<128x128xf32, #tpu.memory_space<vmem>>)
      %dma_start3A_384 = arith.constant 0 : i32
      %dma_start3A_385 = tpu.memref_slice %arg7[%add3A_377, %dma_start3A_384] : memref<40x128xi32, #tpu.memory_space<vmem>> -> memref<1x128xi32, #tpu.memory_space<vmem>>
      %dma_start3A_386 = tpu.memref_squeeze %dma_start3A_385 : memref<1x128xi32, #tpu.memory_space<vmem>> -> memref<128xi32, #tpu.memory_space<vmem>>
      %dma_start3A_387 = arith.constant 0 : i32
      %dma_start3A_388 = arith.constant 0 : i32
      %dma_start3A_389 = tpu.memref_slice %arg14[%dma_start3A_387, %dma_start3A_388] : memref<10240x128xf32, #tpu.memory_space<vmem_shared>> -> memref<10240x128xf32, #tpu.memory_space<vmem_shared>>
      tpu.enqueue_indirect_dma source(%arg9 : memref<128x128xf32, #tpu.memory_space<vmem>>) target(%dma_start3A_389 : memref<10240x128xf32, #tpu.memory_space<vmem_shared>>) offsets(%dma_start3A_386 : memref<128xi32, #tpu.memory_space<vmem>>) semaphore(%arg13 : memref<!tpu.dma_semaphore, #tpu.memory_space<semaphore_mem>>) {add = true}
      %scan3A_390 = arith.constant 0 : i32
      scf.yield %scan3A_390 : i32
    }
    %scan3A_94 = arith.constant 40 : i32
    %dma_wait3A_95 = arith.constant 0 : i32
    %dma_wait3A_96 = arith.constant 0 : i32
    %dma_wait3A_97 = tpu.memref_slice %arg7[%dma_wait3A_95, %dma_wait3A_96] : memref<40x128xi32, #tpu.memory_space<vmem>> -> memref<1x128xi32, #tpu.memory_space<vmem>>
    %dma_wait3A_98 = tpu.memref_squeeze %dma_wait3A_97 : memref<1x128xi32, #tpu.memory_space<vmem>> -> memref<128xi32, #tpu.memory_space<vmem>>
    %dma_wait3A_99 = arith.constant 0 : i32
    %dma_wait3A_100 = arith.constant 0 : i32
    %dma_wait3A_101 = tpu.memref_slice %arg14[%dma_wait3A_99, %dma_wait3A_100] : memref<10240x128xf32, #tpu.memory_space<vmem_shared>> -> memref<10240x128xf32, #tpu.memory_space<vmem_shared>>
    tpu.wait_indirect_dma semaphore(%arg12 : memref<!tpu.dma_semaphore, #tpu.memory_space<semaphore_mem>>) src(%arg8 : memref<128x128xf32, #tpu.memory_space<vmem>>) dst(%dma_wait3A_101 : memref<10240x128xf32, #tpu.memory_space<vmem_shared>>)
    %dma_wait3A_102 = arith.constant 0 : i32
    %dma_wait3A_103 = arith.constant 0 : i32
    %dma_wait3A_104 = tpu.memref_slice %arg7[%dma_wait3A_102, %dma_wait3A_103] : memref<40x128xi32, #tpu.memory_space<vmem>> -> memref<1x128xi32, #tpu.memory_space<vmem>>
    %dma_wait3A_105 = tpu.memref_squeeze %dma_wait3A_104 : memref<1x128xi32, #tpu.memory_space<vmem>> -> memref<128xi32, #tpu.memory_space<vmem>>
    %dma_wait3A_106 = arith.constant 0 : i32
    %dma_wait3A_107 = arith.constant 0 : i32
    %dma_wait3A_108 = tpu.memref_slice %arg14[%dma_wait3A_106, %dma_wait3A_107] : memref<10240x128xf32, #tpu.memory_space<vmem_shared>> -> memref<10240x128xf32, #tpu.memory_space<vmem_shared>>
    tpu.wait_indirect_dma semaphore(%arg13 : memref<!tpu.dma_semaphore, #tpu.memory_space<semaphore_mem>>) src(%arg9 : memref<128x128xf32, #tpu.memory_space<vmem>>) dst(%dma_wait3A_108 : memref<10240x128xf32, #tpu.memory_space<vmem_shared>>)
    %barrier3A_109 = arith.constant 0 : index
    tpu.barrier barrier_id(%barrier3A_109)
    %mul3A_110 = arith.constant 640 : i32
    %mul3A_111 = arith.muli %arg1, %mul3A_110 : i32
    %add3A_112 = arith.constant 0 : i32
    %add3A_113 = arith.addi %mul3A_111, %add3A_112 : i32
    "tpu.region"() ({
      %run_scoped3A = tpu.sem_alloc : memref<!tpu.dma_semaphore, #tpu.memory_space<semaphore_mem>>
      %dma_start3A_240 = arith.constant 0 : i32
      %dma_start3A_241 = tpu.memref_slice %arg14[%add3A_113, %dma_start3A_240] : memref<10240x128xf32, #tpu.memory_space<vmem_shared>> -> memref<128x128xf32, #tpu.memory_space<vmem_shared>>
      %dma_start3A_242 = arith.constant 0 : i32
      %dma_start3A_243 = tpu.memref_slice %arg14[%add3A_113, %dma_start3A_242] : memref<10240x128xf32, #tpu.memory_space<vmem_shared>> -> memref<128x128xf32, #tpu.memory_space<vmem_shared>>
      tpu.enqueue_dma source(%dma_start3A_243 : memref<128x128xf32, #tpu.memory_space<vmem_shared>>) target(%arg8 : memref<128x128xf32, #tpu.memory_space<vmem>>) target_semaphore(%run_scoped3A : memref<!tpu.dma_semaphore, #tpu.memory_space<semaphore_mem>>)
      %dma_wait3A_244 = arith.constant 0 : i32
      %dma_wait3A_245 = tpu.memref_slice %arg14[%add3A_113, %dma_wait3A_244] : memref<10240x128xf32, #tpu.memory_space<vmem_shared>> -> memref<128x128xf32, #tpu.memory_space<vmem_shared>>
      %dma_wait3A_246 = arith.constant 0 : i32
      %dma_wait3A_247 = tpu.memref_slice %arg14[%add3A_113, %dma_wait3A_246] : memref<10240x128xf32, #tpu.memory_space<vmem_shared>> -> memref<128x128xf32, #tpu.memory_space<vmem_shared>>
      tpu.wait_dma2 semaphore(%run_scoped3A : memref<!tpu.dma_semaphore, #tpu.memory_space<semaphore_mem>>) src(%dma_wait3A_247 : memref<128x128xf32, #tpu.memory_space<vmem_shared>>) dst(%arg8 : memref<128x128xf32, #tpu.memory_space<vmem>>)
      tpu.yield
    }) : () -> ()
    %mul3A_114 = arith.constant 640 : i32
    %mul3A_115 = arith.muli %arg1, %mul3A_114 : i32
    %add3A_116 = arith.constant 0 : i32
    %add3A_117 = arith.addi %mul3A_115, %add3A_116 : i32
    %mul3A_118 = arith.constant 10240 : i32
    %mul3A_119 = arith.muli %arg0, %mul3A_118 : i32
    %add3A_120 = arith.addi %mul3A_119, %add3A_117 : i32
    %dma_start3A_121 = arith.constant 0 : i32
    %dma_start3A_122 = tpu.memref_slice %arg5[%add3A_120, %dma_start3A_121] : memref<20480x128xf32, #tpu.memory_space<hbm>> -> memref<128x128xf32, #tpu.memory_space<hbm>>
    %dma_start3A_123 = arith.constant 0 : i32
    %dma_start3A_124 = tpu.memref_slice %arg5[%add3A_120, %dma_start3A_123] : memref<20480x128xf32, #tpu.memory_space<hbm>> -> memref<128x128xf32, #tpu.memory_space<hbm>>
    tpu.enqueue_dma source(%arg8 : memref<128x128xf32, #tpu.memory_space<vmem>>) target(%dma_start3A_124 : memref<128x128xf32, #tpu.memory_space<hbm>>) target_semaphore(%arg10 : memref<!tpu.dma_semaphore, #tpu.memory_space<semaphore_mem>>)
    %mul3A_125 = arith.constant 640 : i32
    %mul3A_126 = arith.muli %arg1, %mul3A_125 : i32
    %add3A_127 = arith.constant 128 : i32
    %add3A_128 = arith.addi %mul3A_126, %add3A_127 : i32
    "tpu.region"() ({
      %run_scoped3A = tpu.sem_alloc : memref<!tpu.dma_semaphore, #tpu.memory_space<semaphore_mem>>
      %dma_start3A_240 = arith.constant 0 : i32
      %dma_start3A_241 = tpu.memref_slice %arg14[%add3A_128, %dma_start3A_240] : memref<10240x128xf32, #tpu.memory_space<vmem_shared>> -> memref<128x128xf32, #tpu.memory_space<vmem_shared>>
      %dma_start3A_242 = arith.constant 0 : i32
      %dma_start3A_243 = tpu.memref_slice %arg14[%add3A_128, %dma_start3A_242] : memref<10240x128xf32, #tpu.memory_space<vmem_shared>> -> memref<128x128xf32, #tpu.memory_space<vmem_shared>>
      tpu.enqueue_dma source(%dma_start3A_243 : memref<128x128xf32, #tpu.memory_space<vmem_shared>>) target(%arg9 : memref<128x128xf32, #tpu.memory_space<vmem>>) target_semaphore(%run_scoped3A : memref<!tpu.dma_semaphore, #tpu.memory_space<semaphore_mem>>)
      %dma_wait3A_244 = arith.constant 0 : i32
      %dma_wait3A_245 = tpu.memref_slice %arg14[%add3A_128, %dma_wait3A_244] : memref<10240x128xf32, #tpu.memory_space<vmem_shared>> -> memref<128x128xf32, #tpu.memory_space<vmem_shared>>
      %dma_wait3A_246 = arith.constant 0 : i32
      %dma_wait3A_247 = tpu.memref_slice %arg14[%add3A_128, %dma_wait3A_246] : memref<10240x128xf32, #tpu.memory_space<vmem_shared>> -> memref<128x128xf32, #tpu.memory_space<vmem_shared>>
      tpu.wait_dma2 semaphore(%run_scoped3A : memref<!tpu.dma_semaphore, #tpu.memory_space<semaphore_mem>>) src(%dma_wait3A_247 : memref<128x128xf32, #tpu.memory_space<vmem_shared>>) dst(%arg9 : memref<128x128xf32, #tpu.memory_space<vmem>>)
      tpu.yield
    }) : () -> ()
    %mul3A_129 = arith.constant 640 : i32
    %mul3A_130 = arith.muli %arg1, %mul3A_129 : i32
    %add3A_131 = arith.constant 128 : i32
    %add3A_132 = arith.addi %mul3A_130, %add3A_131 : i32
    %mul3A_133 = arith.constant 10240 : i32
    %mul3A_134 = arith.muli %arg0, %mul3A_133 : i32
    %add3A_135 = arith.addi %mul3A_134, %add3A_132 : i32
    %dma_start3A_136 = arith.constant 0 : i32
    %dma_start3A_137 = tpu.memref_slice %arg5[%add3A_135, %dma_start3A_136] : memref<20480x128xf32, #tpu.memory_space<hbm>> -> memref<128x128xf32, #tpu.memory_space<hbm>>
    %dma_start3A_138 = arith.constant 0 : i32
    %dma_start3A_139 = tpu.memref_slice %arg5[%add3A_135, %dma_start3A_138] : memref<20480x128xf32, #tpu.memory_space<hbm>> -> memref<128x128xf32, #tpu.memory_space<hbm>>
    tpu.enqueue_dma source(%arg9 : memref<128x128xf32, #tpu.memory_space<vmem>>) target(%dma_start3A_139 : memref<128x128xf32, #tpu.memory_space<hbm>>) target_semaphore(%arg11 : memref<!tpu.dma_semaphore, #tpu.memory_space<semaphore_mem>>)
    %mul3A_140 = arith.constant 640 : i32
    %mul3A_141 = arith.muli %arg1, %mul3A_140 : i32
    %add3A_142 = arith.constant 0 : i32
    %add3A_143 = arith.addi %mul3A_141, %add3A_142 : i32
    %mul3A_144 = arith.constant 10240 : i32
    %mul3A_145 = arith.muli %arg0, %mul3A_144 : i32
    %add3A_146 = arith.addi %mul3A_145, %add3A_143 : i32
    %dma_wait3A_147 = arith.constant 0 : i32
    %dma_wait3A_148 = tpu.memref_slice %arg5[%add3A_146, %dma_wait3A_147] : memref<20480x128xf32, #tpu.memory_space<hbm>> -> memref<128x128xf32, #tpu.memory_space<hbm>>
    %dma_wait3A_149 = arith.constant 0 : i32
    %dma_wait3A_150 = tpu.memref_slice %arg5[%add3A_146, %dma_wait3A_149] : memref<20480x128xf32, #tpu.memory_space<hbm>> -> memref<128x128xf32, #tpu.memory_space<hbm>>
    tpu.wait_dma2 semaphore(%arg10 : memref<!tpu.dma_semaphore, #tpu.memory_space<semaphore_mem>>) src(%arg8 : memref<128x128xf32, #tpu.memory_space<vmem>>) dst(%dma_wait3A_150 : memref<128x128xf32, #tpu.memory_space<hbm>>)
    %mul3A_151 = arith.constant 640 : i32
    %mul3A_152 = arith.muli %arg1, %mul3A_151 : i32
    %add3A_153 = arith.constant 256 : i32
    %add3A_154 = arith.addi %mul3A_152, %add3A_153 : i32
    "tpu.region"() ({
      %run_scoped3A = tpu.sem_alloc : memref<!tpu.dma_semaphore, #tpu.memory_space<semaphore_mem>>
      %dma_start3A_240 = arith.constant 0 : i32
      %dma_start3A_241 = tpu.memref_slice %arg14[%add3A_154, %dma_start3A_240] : memref<10240x128xf32, #tpu.memory_space<vmem_shared>> -> memref<128x128xf32, #tpu.memory_space<vmem_shared>>
      %dma_start3A_242 = arith.constant 0 : i32
      %dma_start3A_243 = tpu.memref_slice %arg14[%add3A_154, %dma_start3A_242] : memref<10240x128xf32, #tpu.memory_space<vmem_shared>> -> memref<128x128xf32, #tpu.memory_space<vmem_shared>>
      tpu.enqueue_dma source(%dma_start3A_243 : memref<128x128xf32, #tpu.memory_space<vmem_shared>>) target(%arg8 : memref<128x128xf32, #tpu.memory_space<vmem>>) target_semaphore(%run_scoped3A : memref<!tpu.dma_semaphore, #tpu.memory_space<semaphore_mem>>)
      %dma_wait3A_244 = arith.constant 0 : i32
      %dma_wait3A_245 = tpu.memref_slice %arg14[%add3A_154, %dma_wait3A_244] : memref<10240x128xf32, #tpu.memory_space<vmem_shared>> -> memref<128x128xf32, #tpu.memory_space<vmem_shared>>
      %dma_wait3A_246 = arith.constant 0 : i32
      %dma_wait3A_247 = tpu.memref_slice %arg14[%add3A_154, %dma_wait3A_246] : memref<10240x128xf32, #tpu.memory_space<vmem_shared>> -> memref<128x128xf32, #tpu.memory_space<vmem_shared>>
      tpu.wait_dma2 semaphore(%run_scoped3A : memref<!tpu.dma_semaphore, #tpu.memory_space<semaphore_mem>>) src(%dma_wait3A_247 : memref<128x128xf32, #tpu.memory_space<vmem_shared>>) dst(%arg8 : memref<128x128xf32, #tpu.memory_space<vmem>>)
      tpu.yield
    }) : () -> ()
    %mul3A_155 = arith.constant 640 : i32
    %mul3A_156 = arith.muli %arg1, %mul3A_155 : i32
    %add3A_157 = arith.constant 256 : i32
    %add3A_158 = arith.addi %mul3A_156, %add3A_157 : i32
    %mul3A_159 = arith.constant 10240 : i32
    %mul3A_160 = arith.muli %arg0, %mul3A_159 : i32
    %add3A_161 = arith.addi %mul3A_160, %add3A_158 : i32
    %dma_start3A_162 = arith.constant 0 : i32
    %dma_start3A_163 = tpu.memref_slice %arg5[%add3A_161, %dma_start3A_162] : memref<20480x128xf32, #tpu.memory_space<hbm>> -> memref<128x128xf32, #tpu.memory_space<hbm>>
    %dma_start3A_164 = arith.constant 0 : i32
    %dma_start3A_165 = tpu.memref_slice %arg5[%add3A_161, %dma_start3A_164] : memref<20480x128xf32, #tpu.memory_space<hbm>> -> memref<128x128xf32, #tpu.memory_space<hbm>>
    tpu.enqueue_dma source(%arg8 : memref<128x128xf32, #tpu.memory_space<vmem>>) target(%dma_start3A_165 : memref<128x128xf32, #tpu.memory_space<hbm>>) target_semaphore(%arg10 : memref<!tpu.dma_semaphore, #tpu.memory_space<semaphore_mem>>)
    %mul3A_166 = arith.constant 640 : i32
    %mul3A_167 = arith.muli %arg1, %mul3A_166 : i32
    %add3A_168 = arith.constant 128 : i32
    %add3A_169 = arith.addi %mul3A_167, %add3A_168 : i32
    %mul3A_170 = arith.constant 10240 : i32
    %mul3A_171 = arith.muli %arg0, %mul3A_170 : i32
    %add3A_172 = arith.addi %mul3A_171, %add3A_169 : i32
    %dma_wait3A_173 = arith.constant 0 : i32
    %dma_wait3A_174 = tpu.memref_slice %arg5[%add3A_172, %dma_wait3A_173] : memref<20480x128xf32, #tpu.memory_space<hbm>> -> memref<128x128xf32, #tpu.memory_space<hbm>>
    %dma_wait3A_175 = arith.constant 0 : i32
    %dma_wait3A_176 = tpu.memref_slice %arg5[%add3A_172, %dma_wait3A_175] : memref<20480x128xf32, #tpu.memory_space<hbm>> -> memref<128x128xf32, #tpu.memory_space<hbm>>
    tpu.wait_dma2 semaphore(%arg11 : memref<!tpu.dma_semaphore, #tpu.memory_space<semaphore_mem>>) src(%arg9 : memref<128x128xf32, #tpu.memory_space<vmem>>) dst(%dma_wait3A_176 : memref<128x128xf32, #tpu.memory_space<hbm>>)
    %mul3A_177 = arith.constant 640 : i32
    %mul3A_178 = arith.muli %arg1, %mul3A_177 : i32
    %add3A_179 = arith.constant 384 : i32
    %add3A_180 = arith.addi %mul3A_178, %add3A_179 : i32
    "tpu.region"() ({
      %run_scoped3A = tpu.sem_alloc : memref<!tpu.dma_semaphore, #tpu.memory_space<semaphore_mem>>
      %dma_start3A_240 = arith.constant 0 : i32
      %dma_start3A_241 = tpu.memref_slice %arg14[%add3A_180, %dma_start3A_240] : memref<10240x128xf32, #tpu.memory_space<vmem_shared>> -> memref<128x128xf32, #tpu.memory_space<vmem_shared>>
      %dma_start3A_242 = arith.constant 0 : i32
      %dma_start3A_243 = tpu.memref_slice %arg14[%add3A_180, %dma_start3A_242] : memref<10240x128xf32, #tpu.memory_space<vmem_shared>> -> memref<128x128xf32, #tpu.memory_space<vmem_shared>>
      tpu.enqueue_dma source(%dma_start3A_243 : memref<128x128xf32, #tpu.memory_space<vmem_shared>>) target(%arg9 : memref<128x128xf32, #tpu.memory_space<vmem>>) target_semaphore(%run_scoped3A : memref<!tpu.dma_semaphore, #tpu.memory_space<semaphore_mem>>)
      %dma_wait3A_244 = arith.constant 0 : i32
      %dma_wait3A_245 = tpu.memref_slice %arg14[%add3A_180, %dma_wait3A_244] : memref<10240x128xf32, #tpu.memory_space<vmem_shared>> -> memref<128x128xf32, #tpu.memory_space<vmem_shared>>
      %dma_wait3A_246 = arith.constant 0 : i32
      %dma_wait3A_247 = tpu.memref_slice %arg14[%add3A_180, %dma_wait3A_246] : memref<10240x128xf32, #tpu.memory_space<vmem_shared>> -> memref<128x128xf32, #tpu.memory_space<vmem_shared>>
      tpu.wait_dma2 semaphore(%run_scoped3A : memref<!tpu.dma_semaphore, #tpu.memory_space<semaphore_mem>>) src(%dma_wait3A_247 : memref<128x128xf32, #tpu.memory_space<vmem_shared>>) dst(%arg9 : memref<128x128xf32, #tpu.memory_space<vmem>>)
      tpu.yield
    }) : () -> ()
    %mul3A_181 = arith.constant 640 : i32
    %mul3A_182 = arith.muli %arg1, %mul3A_181 : i32
    %add3A_183 = arith.constant 384 : i32
    %add3A_184 = arith.addi %mul3A_182, %add3A_183 : i32
    %mul3A_185 = arith.constant 10240 : i32
    %mul3A_186 = arith.muli %arg0, %mul3A_185 : i32
    %add3A_187 = arith.addi %mul3A_186, %add3A_184 : i32
    %dma_start3A_188 = arith.constant 0 : i32
    %dma_start3A_189 = tpu.memref_slice %arg5[%add3A_187, %dma_start3A_188] : memref<20480x128xf32, #tpu.memory_space<hbm>> -> memref<128x128xf32, #tpu.memory_space<hbm>>
    %dma_start3A_190 = arith.constant 0 : i32
    %dma_start3A_191 = tpu.memref_slice %arg5[%add3A_187, %dma_start3A_190] : memref<20480x128xf32, #tpu.memory_space<hbm>> -> memref<128x128xf32, #tpu.memory_space<hbm>>
    tpu.enqueue_dma source(%arg9 : memref<128x128xf32, #tpu.memory_space<vmem>>) target(%dma_start3A_191 : memref<128x128xf32, #tpu.memory_space<hbm>>) target_semaphore(%arg11 : memref<!tpu.dma_semaphore, #tpu.memory_space<semaphore_mem>>)
    %mul3A_192 = arith.constant 640 : i32
    %mul3A_193 = arith.muli %arg1, %mul3A_192 : i32
    %add3A_194 = arith.constant 256 : i32
    %add3A_195 = arith.addi %mul3A_193, %add3A_194 : i32
    %mul3A_196 = arith.constant 10240 : i32
    %mul3A_197 = arith.muli %arg0, %mul3A_196 : i32
    %add3A_198 = arith.addi %mul3A_197, %add3A_195 : i32
    %dma_wait3A_199 = arith.constant 0 : i32
    %dma_wait3A_200 = tpu.memref_slice %arg5[%add3A_198, %dma_wait3A_199] : memref<20480x128xf32, #tpu.memory_space<hbm>> -> memref<128x128xf32, #tpu.memory_space<hbm>>
    %dma_wait3A_201 = arith.constant 0 : i32
    %dma_wait3A_202 = tpu.memref_slice %arg5[%add3A_198, %dma_wait3A_201] : memref<20480x128xf32, #tpu.memory_space<hbm>> -> memref<128x128xf32, #tpu.memory_space<hbm>>
    tpu.wait_dma2 semaphore(%arg10 : memref<!tpu.dma_semaphore, #tpu.memory_space<semaphore_mem>>) src(%arg8 : memref<128x128xf32, #tpu.memory_space<vmem>>) dst(%dma_wait3A_202 : memref<128x128xf32, #tpu.memory_space<hbm>>)
    %mul3A_203 = arith.constant 640 : i32
    %mul3A_204 = arith.muli %arg1, %mul3A_203 : i32
    %add3A_205 = arith.constant 512 : i32
    %add3A_206 = arith.addi %mul3A_204, %add3A_205 : i32
    "tpu.region"() ({
      %run_scoped3A = tpu.sem_alloc : memref<!tpu.dma_semaphore, #tpu.memory_space<semaphore_mem>>
      %dma_start3A_240 = arith.constant 0 : i32
      %dma_start3A_241 = tpu.memref_slice %arg14[%add3A_206, %dma_start3A_240] : memref<10240x128xf32, #tpu.memory_space<vmem_shared>> -> memref<128x128xf32, #tpu.memory_space<vmem_shared>>
      %dma_start3A_242 = arith.constant 0 : i32
      %dma_start3A_243 = tpu.memref_slice %arg14[%add3A_206, %dma_start3A_242] : memref<10240x128xf32, #tpu.memory_space<vmem_shared>> -> memref<128x128xf32, #tpu.memory_space<vmem_shared>>
      tpu.enqueue_dma source(%dma_start3A_243 : memref<128x128xf32, #tpu.memory_space<vmem_shared>>) target(%arg8 : memref<128x128xf32, #tpu.memory_space<vmem>>) target_semaphore(%run_scoped3A : memref<!tpu.dma_semaphore, #tpu.memory_space<semaphore_mem>>)
      %dma_wait3A_244 = arith.constant 0 : i32
      %dma_wait3A_245 = tpu.memref_slice %arg14[%add3A_206, %dma_wait3A_244] : memref<10240x128xf32, #tpu.memory_space<vmem_shared>> -> memref<128x128xf32, #tpu.memory_space<vmem_shared>>
      %dma_wait3A_246 = arith.constant 0 : i32
      %dma_wait3A_247 = tpu.memref_slice %arg14[%add3A_206, %dma_wait3A_246] : memref<10240x128xf32, #tpu.memory_space<vmem_shared>> -> memref<128x128xf32, #tpu.memory_space<vmem_shared>>
      tpu.wait_dma2 semaphore(%run_scoped3A : memref<!tpu.dma_semaphore, #tpu.memory_space<semaphore_mem>>) src(%dma_wait3A_247 : memref<128x128xf32, #tpu.memory_space<vmem_shared>>) dst(%arg8 : memref<128x128xf32, #tpu.memory_space<vmem>>)
      tpu.yield
    }) : () -> ()
    %mul3A_207 = arith.constant 640 : i32
    %mul3A_208 = arith.muli %arg1, %mul3A_207 : i32
    %add3A_209 = arith.constant 512 : i32
    %add3A_210 = arith.addi %mul3A_208, %add3A_209 : i32
    %mul3A_211 = arith.constant 10240 : i32
    %mul3A_212 = arith.muli %arg0, %mul3A_211 : i32
    %add3A_213 = arith.addi %mul3A_212, %add3A_210 : i32
    %dma_start3A_214 = arith.constant 0 : i32
    %dma_start3A_215 = tpu.memref_slice %arg5[%add3A_213, %dma_start3A_214] : memref<20480x128xf32, #tpu.memory_space<hbm>> -> memref<128x128xf32, #tpu.memory_space<hbm>>
    %dma_start3A_216 = arith.constant 0 : i32
    %dma_start3A_217 = tpu.memref_slice %arg5[%add3A_213, %dma_start3A_216] : memref<20480x128xf32, #tpu.memory_space<hbm>> -> memref<128x128xf32, #tpu.memory_space<hbm>>
    tpu.enqueue_dma source(%arg8 : memref<128x128xf32, #tpu.memory_space<vmem>>) target(%dma_start3A_217 : memref<128x128xf32, #tpu.memory_space<hbm>>) target_semaphore(%arg10 : memref<!tpu.dma_semaphore, #tpu.memory_space<semaphore_mem>>)
    %mul3A_218 = arith.constant 640 : i32
    %mul3A_219 = arith.muli %arg1, %mul3A_218 : i32
    %add3A_220 = arith.constant 384 : i32
    %add3A_221 = arith.addi %mul3A_219, %add3A_220 : i32
    %mul3A_222 = arith.constant 10240 : i32
    %mul3A_223 = arith.muli %arg0, %mul3A_222 : i32
    %add3A_224 = arith.addi %mul3A_223, %add3A_221 : i32
    %dma_wait3A_225 = arith.constant 0 : i32
    %dma_wait3A_226 = tpu.memref_slice %arg5[%add3A_224, %dma_wait3A_225] : memref<20480x128xf32, #tpu.memory_space<hbm>> -> memref<128x128xf32, #tpu.memory_space<hbm>>
    %dma_wait3A_227 = arith.constant 0 : i32
    %dma_wait3A_228 = tpu.memref_slice %arg5[%add3A_224, %dma_wait3A_227] : memref<20480x128xf32, #tpu.memory_space<hbm>> -> memref<128x128xf32, #tpu.memory_space<hbm>>
    tpu.wait_dma2 semaphore(%arg11 : memref<!tpu.dma_semaphore, #tpu.memory_space<semaphore_mem>>) src(%arg9 : memref<128x128xf32, #tpu.memory_space<vmem>>) dst(%dma_wait3A_228 : memref<128x128xf32, #tpu.memory_space<hbm>>)
    %mul3A_229 = arith.constant 640 : i32
    %mul3A_230 = arith.muli %arg1, %mul3A_229 : i32
    %add3A_231 = arith.constant 512 : i32
    %add3A_232 = arith.addi %mul3A_230, %add3A_231 : i32
    %mul3A_233 = arith.constant 10240 : i32
    %mul3A_234 = arith.muli %arg0, %mul3A_233 : i32
    %add3A_235 = arith.addi %mul3A_234, %add3A_232 : i32
    %dma_wait3A_236 = arith.constant 0 : i32
    %dma_wait3A_237 = tpu.memref_slice %arg5[%add3A_235, %dma_wait3A_236] : memref<20480x128xf32, #tpu.memory_space<hbm>> -> memref<128x128xf32, #tpu.memory_space<hbm>>
    %dma_wait3A_238 = arith.constant 0 : i32
    %dma_wait3A_239 = tpu.memref_slice %arg5[%add3A_235, %dma_wait3A_238] : memref<20480x128xf32, #tpu.memory_space<hbm>> -> memref<128x128xf32, #tpu.memory_space<hbm>>
    tpu.wait_dma2 semaphore(%arg10 : memref<!tpu.dma_semaphore, #tpu.memory_space<semaphore_mem>>) src(%arg8 : memref<128x128xf32, #tpu.memory_space<vmem>>) dst(%dma_wait3A_239 : memref<128x128xf32, #tpu.memory_space<hbm>>)
    return
  }
}

#map = affine_map<(d0, d1) -> (0, 0)>
#map1 = affine_map<(d0, d1) -> (0)>
module attributes {stable_mosaic.version = 14 : i64} {
  func.func @_hist_kernel(%arg0: i32, %arg1: i32, %arg2: memref<2560x128xi32, #tpu.memory_space<hbm>>, %arg3: memref<256x64xi32, #tpu.memory_space<hbm>>, %arg4: memref<256x64xi32, #tpu.memory_space<hbm>>, %arg5: memref<256x64xi32, #tpu.memory_space<hbm>>, %arg6: memref<20480xf32, #tpu.memory_space<hbm>>, %arg7: memref<2048xf32, #tpu.memory_space<hbm>>, %arg8: memref<2048xf32, #tpu.memory_space<hbm>>, %arg9: memref<2097152xf32, #tpu.memory_space<hbm>>, %arg10: memref<80x128xi32, #tpu.memory_space<vmem>>, %arg11: memref<8x64xi32, #tpu.memory_space<vmem>>, %arg12: memref<8x64xi32, #tpu.memory_space<vmem>>, %arg13: memref<8x64xi32, #tpu.memory_space<vmem>>, %arg14: memref<8x64xi32, #tpu.memory_space<vmem>>, %arg15: memref<128xf32, #tpu.memory_space<vmem>>, %arg16: memref<8192xf32, #tpu.memory_space<vmem>>, %arg17: memref<8192xf32, #tpu.memory_space<vmem>>, %arg18: memref<!tpu.dma_semaphore, #tpu.memory_space<semaphore_mem>>, %arg19: memref<!tpu.dma_semaphore, #tpu.memory_space<semaphore_mem>>, %arg20: memref<!tpu.dma_semaphore, #tpu.memory_space<semaphore_mem>>, %arg21: memref<!tpu.dma_semaphore, #tpu.memory_space<semaphore_mem>>, %arg22: memref<!tpu.dma_semaphore, #tpu.memory_space<semaphore_mem>>, %arg23: memref<!tpu.dma_semaphore, #tpu.memory_space<semaphore_mem>>, %arg24: memref<10240xf32, #tpu.memory_space<vmem_shared>>, %arg25: memref<1024xf32, #tpu.memory_space<vmem_shared>>, %arg26: memref<1024xf32, #tpu.memory_space<vmem_shared>>, %arg27: memref<1048576xf32, #tpu.memory_space<vmem_shared>>) attributes {dimension_semantics = [#tpu.dimension_semantics<core_parallel>, #tpu.dimension_semantics<subcore_parallel>], iteration_bounds = array<i64: 2, 16>, scalar_prefetch = 0 : i64, scratch_operands = 18 : i64, tpu.core_type = #tpu.core_type<sc_vector_subcore>, window_params = [{transform_indices = #map}, {transform_indices = #map}, {transform_indices = #map}, {transform_indices = #map}, {transform_indices = #map1}, {transform_indices = #map1}, {transform_indices = #map1}, {transform_indices = #map1}]} {
    %mul3A = arith.constant 16 : i32
    %mul3A_0 = arith.muli %arg0, %mul3A : i32
    %add3A = arith.addi %mul3A_0, %arg1 : i32
    %broadcast_in_dim3A = arith.constant 1.000000e+00 : f32
    %broadcast_in_dim3A_1 = vector.broadcast %broadcast_in_dim3A : f32 to vector<16xf32>
    %scan3A = arith.constant 0 : i32
    %scan3A_2 = arith.constant 0 : i32
    %scan3A_3 = arith.constant 8 : i32
    %scan3A_4 = arith.addi %scan3A_2, %scan3A_3 : i32
    %scan3A_5 = arith.constant 1 : i32
    %scan3A_6 = scf.for %scan3A_1450 = %scan3A_2 to %scan3A_4 step %scan3A_5 iter_args(%scan3A_1451 = %scan3A) -> (i32)  : i32 {
      %mul3A_1452 = arith.constant 16 : i32
      %mul3A_1453 = arith.muli %scan3A_1450, %mul3A_1452 : i32
      %swap3A_1454 = arith.index_cast %mul3A_1453 : i32 to index
      %swap3A_1455 = tpu.vector_load %arg15[%swap3A_1454] {strides = array<i32>} : memref<128xf32, #tpu.memory_space<vmem>>, vector<16xf32>,
      %swap3A_1456 = vector.shape_cast %swap3A_1455 : vector<16xf32> to vector<16xf32>
      %swap3A_1457 = vector.shape_cast %broadcast_in_dim3A_1 : vector<16xf32> to vector<16xf32>
      tpu.vector_store %arg15[%swap3A_1454], %swap3A_1457 {strides = array<i32>} : memref<128xf32, #tpu.memory_space<vmem>>, vector<16xf32>,
      %scan3A_1458 = arith.constant 0 : i32
      scf.yield %scan3A_1458 : i32
    }
    %scan3A_7 = arith.constant 8 : i32
    %broadcast_in_dim3A_8 = arith.constant 0.000000e+00 : f32
    %broadcast_in_dim3A_9 = vector.broadcast %broadcast_in_dim3A_8 : f32 to vector<16xf32>
    %scan3A_10 = arith.constant 0 : i32
    %scan3A_11 = arith.constant 0 : i32
    %scan3A_12 = arith.constant 512 : i32
    %scan3A_13 = arith.addi %scan3A_11, %scan3A_12 : i32
    %scan3A_14 = arith.constant 1 : i32
    %scan3A_15 = scf.for %scan3A_1450 = %scan3A_11 to %scan3A_13 step %scan3A_14 iter_args(%scan3A_1451 = %scan3A_10) -> (i32)  : i32 {
      %mul3A_1452 = arith.constant 16 : i32
      %mul3A_1453 = arith.muli %scan3A_1450, %mul3A_1452 : i32
      %swap3A_1454 = arith.index_cast %mul3A_1453 : i32 to index
      %swap3A_1455 = tpu.vector_load %arg16[%swap3A_1454] {strides = array<i32>} : memref<8192xf32, #tpu.memory_space<vmem>>, vector<16xf32>,
      %swap3A_1456 = vector.shape_cast %swap3A_1455 : vector<16xf32> to vector<16xf32>
      %swap3A_1457 = vector.shape_cast %broadcast_in_dim3A_9 : vector<16xf32> to vector<16xf32>
      tpu.vector_store %arg16[%swap3A_1454], %swap3A_1457 {strides = array<i32>} : memref<8192xf32, #tpu.memory_space<vmem>>, vector<16xf32>,
      %scan3A_1458 = arith.constant 0 : i32
      scf.yield %scan3A_1458 : i32
    }
    %scan3A_16 = arith.constant 512 : i32
    %mul3A_17 = arith.constant 80 : i32
    %mul3A_18 = arith.muli %add3A, %mul3A_17 : i32
    "tpu.region"() ({
      %run_scoped3A = tpu.sem_alloc : memref<!tpu.dma_semaphore, #tpu.memory_space<semaphore_mem>>
      %dma_start3A_1450 = arith.constant 0 : i32
      %dma_start3A_1451 = tpu.memref_slice %arg2[%mul3A_18, %dma_start3A_1450] : memref<2560x128xi32, #tpu.memory_space<hbm>> -> memref<80x128xi32, #tpu.memory_space<hbm>>
      %dma_start3A_1452 = arith.constant 0 : i32
      %dma_start3A_1453 = tpu.memref_slice %arg2[%mul3A_18, %dma_start3A_1452] : memref<2560x128xi32, #tpu.memory_space<hbm>> -> memref<80x128xi32, #tpu.memory_space<hbm>>
      tpu.enqueue_dma source(%dma_start3A_1453 : memref<80x128xi32, #tpu.memory_space<hbm>>) target(%arg10 : memref<80x128xi32, #tpu.memory_space<vmem>>) target_semaphore(%run_scoped3A : memref<!tpu.dma_semaphore, #tpu.memory_space<semaphore_mem>>)
      %dma_wait3A_1454 = arith.constant 0 : i32
      %dma_wait3A_1455 = tpu.memref_slice %arg2[%mul3A_18, %dma_wait3A_1454] : memref<2560x128xi32, #tpu.memory_space<hbm>> -> memref<80x128xi32, #tpu.memory_space<hbm>>
      %dma_wait3A_1456 = arith.constant 0 : i32
      %dma_wait3A_1457 = tpu.memref_slice %arg2[%mul3A_18, %dma_wait3A_1456] : memref<2560x128xi32, #tpu.memory_space<hbm>> -> memref<80x128xi32, #tpu.memory_space<hbm>>
      tpu.wait_dma2 semaphore(%run_scoped3A : memref<!tpu.dma_semaphore, #tpu.memory_space<semaphore_mem>>) src(%dma_wait3A_1457 : memref<80x128xi32, #tpu.memory_space<hbm>>) dst(%arg10 : memref<80x128xi32, #tpu.memory_space<vmem>>)
      tpu.yield
    }) : () -> ()
    %mul3A_19 = arith.constant 8 : i32
    %mul3A_20 = arith.muli %add3A, %mul3A_19 : i32
    "tpu.region"() ({
      %run_scoped3A = tpu.sem_alloc : memref<!tpu.dma_semaphore, #tpu.memory_space<semaphore_mem>>
      %dma_start3A_1450 = arith.constant 0 : i32
      %dma_start3A_1451 = tpu.memref_slice %arg3[%mul3A_20, %dma_start3A_1450] : memref<256x64xi32, #tpu.memory_space<hbm>> -> memref<8x64xi32, #tpu.memory_space<hbm>>
      %dma_start3A_1452 = arith.constant 0 : i32
      %dma_start3A_1453 = tpu.memref_slice %arg3[%mul3A_20, %dma_start3A_1452] : memref<256x64xi32, #tpu.memory_space<hbm>> -> memref<8x64xi32, #tpu.memory_space<hbm>>
      tpu.enqueue_dma source(%dma_start3A_1453 : memref<8x64xi32, #tpu.memory_space<hbm>>) target(%arg11 : memref<8x64xi32, #tpu.memory_space<vmem>>) target_semaphore(%run_scoped3A : memref<!tpu.dma_semaphore, #tpu.memory_space<semaphore_mem>>)
      %dma_wait3A_1454 = arith.constant 0 : i32
      %dma_wait3A_1455 = tpu.memref_slice %arg3[%mul3A_20, %dma_wait3A_1454] : memref<256x64xi32, #tpu.memory_space<hbm>> -> memref<8x64xi32, #tpu.memory_space<hbm>>
      %dma_wait3A_1456 = arith.constant 0 : i32
      %dma_wait3A_1457 = tpu.memref_slice %arg3[%mul3A_20, %dma_wait3A_1456] : memref<256x64xi32, #tpu.memory_space<hbm>> -> memref<8x64xi32, #tpu.memory_space<hbm>>
      tpu.wait_dma2 semaphore(%run_scoped3A : memref<!tpu.dma_semaphore, #tpu.memory_space<semaphore_mem>>) src(%dma_wait3A_1457 : memref<8x64xi32, #tpu.memory_space<hbm>>) dst(%arg11 : memref<8x64xi32, #tpu.memory_space<vmem>>)
      tpu.yield
    }) : () -> ()
    %mul3A_21 = arith.constant 8 : i32
    %mul3A_22 = arith.muli %add3A, %mul3A_21 : i32
    "tpu.region"() ({
      %run_scoped3A = tpu.sem_alloc : memref<!tpu.dma_semaphore, #tpu.memory_space<semaphore_mem>>
      %dma_start3A_1450 = arith.constant 0 : i32
      %dma_start3A_1451 = tpu.memref_slice %arg4[%mul3A_22, %dma_start3A_1450] : memref<256x64xi32, #tpu.memory_space<hbm>> -> memref<8x64xi32, #tpu.memory_space<hbm>>
      %dma_start3A_1452 = arith.constant 0 : i32
      %dma_start3A_1453 = tpu.memref_slice %arg4[%mul3A_22, %dma_start3A_1452] : memref<256x64xi32, #tpu.memory_space<hbm>> -> memref<8x64xi32, #tpu.memory_space<hbm>>
      tpu.enqueue_dma source(%dma_start3A_1453 : memref<8x64xi32, #tpu.memory_space<hbm>>) target(%arg12 : memref<8x64xi32, #tpu.memory_space<vmem>>) target_semaphore(%run_scoped3A : memref<!tpu.dma_semaphore, #tpu.memory_space<semaphore_mem>>)
      %dma_wait3A_1454 = arith.constant 0 : i32
      %dma_wait3A_1455 = tpu.memref_slice %arg4[%mul3A_22, %dma_wait3A_1454] : memref<256x64xi32, #tpu.memory_space<hbm>> -> memref<8x64xi32, #tpu.memory_space<hbm>>
      %dma_wait3A_1456 = arith.constant 0 : i32
      %dma_wait3A_1457 = tpu.memref_slice %arg4[%mul3A_22, %dma_wait3A_1456] : memref<256x64xi32, #tpu.memory_space<hbm>> -> memref<8x64xi32, #tpu.memory_space<hbm>>
      tpu.wait_dma2 semaphore(%run_scoped3A : memref<!tpu.dma_semaphore, #tpu.memory_space<semaphore_mem>>) src(%dma_wait3A_1457 : memref<8x64xi32, #tpu.memory_space<hbm>>) dst(%arg12 : memref<8x64xi32, #tpu.memory_space<vmem>>)
      tpu.yield
    }) : () -> ()
    %mul3A_23 = arith.constant 8 : i32
    %mul3A_24 = arith.muli %add3A, %mul3A_23 : i32
    "tpu.region"() ({
      %run_scoped3A = tpu.sem_alloc : memref<!tpu.dma_semaphore, #tpu.memory_space<semaphore_mem>>
      %dma_start3A_1450 = arith.constant 0 : i32
      %dma_start3A_1451 = tpu.memref_slice %arg5[%mul3A_24, %dma_start3A_1450] : memref<256x64xi32, #tpu.memory_space<hbm>> -> memref<8x64xi32, #tpu.memory_space<hbm>>
      %dma_start3A_1452 = arith.constant 0 : i32
      %dma_start3A_1453 = tpu.memref_slice %arg5[%mul3A_24, %dma_start3A_1452] : memref<256x64xi32, #tpu.memory_space<hbm>> -> memref<8x64xi32, #tpu.memory_space<hbm>>
      tpu.enqueue_dma source(%dma_start3A_1453 : memref<8x64xi32, #tpu.memory_space<hbm>>) target(%arg14 : memref<8x64xi32, #tpu.memory_space<vmem>>) target_semaphore(%run_scoped3A : memref<!tpu.dma_semaphore, #tpu.memory_space<semaphore_mem>>)
      %dma_wait3A_1454 = arith.constant 0 : i32
      %dma_wait3A_1455 = tpu.memref_slice %arg5[%mul3A_24, %dma_wait3A_1454] : memref<256x64xi32, #tpu.memory_space<hbm>> -> memref<8x64xi32, #tpu.memory_space<hbm>>
      %dma_wait3A_1456 = arith.constant 0 : i32
      %dma_wait3A_1457 = tpu.memref_slice %arg5[%mul3A_24, %dma_wait3A_1456] : memref<256x64xi32, #tpu.memory_space<hbm>> -> memref<8x64xi32, #tpu.memory_space<hbm>>
      tpu.wait_dma2 semaphore(%run_scoped3A : memref<!tpu.dma_semaphore, #tpu.memory_space<semaphore_mem>>) src(%dma_wait3A_1457 : memref<8x64xi32, #tpu.memory_space<hbm>>) dst(%arg14 : memref<8x64xi32, #tpu.memory_space<vmem>>)
      tpu.yield
    }) : () -> ()
    %get3A = arith.constant 0 : i32
    %get3A_25 = arith.index_cast %get3A : i32 to index
    %get3A_26 = arith.constant 0 : index
    %get3A_27 = tpu.vector_load %arg12[%get3A_25, %get3A_26] {strides = array<i32>} : memref<8x64xi32, #tpu.memory_space<vmem>>, vector<1x16xi32>,
    %get3A_28 = vector.shape_cast %get3A_27 : vector<1x16xi32> to vector<16xi32>
    %mul3A_29 = arith.constant 1024 : i32
    %mul3A_30 = vector.broadcast %mul3A_29 : i32 to vector<16xi32>
    %mul3A_31 = arith.muli %get3A_28, %mul3A_30 : vector<16xi32>
    %get3A_32 = arith.constant 0 : i32
    %get3A_33 = arith.index_cast %get3A_32 : i32 to index
    %get3A_34 = arith.constant 0 : index
    %get3A_35 = tpu.vector_load %arg11[%get3A_33, %get3A_34] {strides = array<i32>} : memref<8x64xi32, #tpu.memory_space<vmem>>, vector<1x16xi32>,
    %get3A_36 = vector.shape_cast %get3A_35 : vector<1x16xi32> to vector<16xi32>
    %add3A_37 = arith.addi %mul3A_31, %get3A_36 : vector<16xi32>
    %swap3A = arith.constant 0 : i32
    %swap3A_38 = arith.index_cast %swap3A : i32 to index
    %swap3A_39 = arith.constant 0 : index
    %swap3A_40 = tpu.vector_load %arg13[%swap3A_38, %swap3A_39] {strides = array<i32>} : memref<8x64xi32, #tpu.memory_space<vmem>>, vector<1x16xi32>,
    %swap3A_41 = vector.shape_cast %swap3A_40 : vector<1x16xi32> to vector<16xi32>
    %swap3A_42 = vector.shape_cast %add3A_37 : vector<16xi32> to vector<1x16xi32>
    tpu.vector_store %arg13[%swap3A_38, %swap3A_39], %swap3A_42 {strides = array<i32>} : memref<8x64xi32, #tpu.memory_space<vmem>>, vector<1x16xi32>,
    %get3A_43 = arith.constant 0 : i32
    %get3A_44 = arith.index_cast %get3A_43 : i32 to index
    %get3A_45 = arith.constant 16 : index
    %get3A_46 = tpu.vector_load %arg12[%get3A_44, %get3A_45] {strides = array<i32>} : memref<8x64xi32, #tpu.memory_space<vmem>>, vector<1x16xi32>,
    %get3A_47 = vector.shape_cast %get3A_46 : vector<1x16xi32> to vector<16xi32>
    %mul3A_48 = arith.constant 1024 : i32
    %mul3A_49 = vector.broadcast %mul3A_48 : i32 to vector<16xi32>
    %mul3A_50 = arith.muli %get3A_47, %mul3A_49 : vector<16xi32>
    %get3A_51 = arith.constant 0 : i32
    %get3A_52 = arith.index_cast %get3A_51 : i32 to index
    %get3A_53 = arith.constant 16 : index
    %get3A_54 = tpu.vector_load %arg11[%get3A_52, %get3A_53] {strides = array<i32>} : memref<8x64xi32, #tpu.memory_space<vmem>>, vector<1x16xi32>,
    %get3A_55 = vector.shape_cast %get3A_54 : vector<1x16xi32> to vector<16xi32>
    %add3A_56 = arith.addi %mul3A_50, %get3A_55 : vector<16xi32>
    %swap3A_57 = arith.constant 0 : i32
    %swap3A_58 = arith.index_cast %swap3A_57 : i32 to index
    %swap3A_59 = arith.constant 16 : index
    %swap3A_60 = tpu.vector_load %arg13[%swap3A_58, %swap3A_59] {strides = array<i32>} : memref<8x64xi32, #tpu.memory_space<vmem>>, vector<1x16xi32>,
    %swap3A_61 = vector.shape_cast %swap3A_60 : vector<1x16xi32> to vector<16xi32>
    %swap3A_62 = vector.shape_cast %add3A_56 : vector<16xi32> to vector<1x16xi32>
    tpu.vector_store %arg13[%swap3A_58, %swap3A_59], %swap3A_62 {strides = array<i32>} : memref<8x64xi32, #tpu.memory_space<vmem>>, vector<1x16xi32>,
    %get3A_63 = arith.constant 0 : i32
    %get3A_64 = arith.index_cast %get3A_63 : i32 to index
    %get3A_65 = arith.constant 32 : index
    %get3A_66 = tpu.vector_load %arg12[%get3A_64, %get3A_65] {strides = array<i32>} : memref<8x64xi32, #tpu.memory_space<vmem>>, vector<1x16xi32>,
    %get3A_67 = vector.shape_cast %get3A_66 : vector<1x16xi32> to vector<16xi32>
    %mul3A_68 = arith.constant 1024 : i32
    %mul3A_69 = vector.broadcast %mul3A_68 : i32 to vector<16xi32>
    %mul3A_70 = arith.muli %get3A_67, %mul3A_69 : vector<16xi32>
    %get3A_71 = arith.constant 0 : i32
    %get3A_72 = arith.index_cast %get3A_71 : i32 to index
    %get3A_73 = arith.constant 32 : index
    %get3A_74 = tpu.vector_load %arg11[%get3A_72, %get3A_73] {strides = array<i32>} : memref<8x64xi32, #tpu.memory_space<vmem>>, vector<1x16xi32>,
    %get3A_75 = vector.shape_cast %get3A_74 : vector<1x16xi32> to vector<16xi32>
    %add3A_76 = arith.addi %mul3A_70, %get3A_75 : vector<16xi32>
    %swap3A_77 = arith.constant 0 : i32
    %swap3A_78 = arith.index_cast %swap3A_77 : i32 to index
    %swap3A_79 = arith.constant 32 : index
    %swap3A_80 = tpu.vector_load %arg13[%swap3A_78, %swap3A_79] {strides = array<i32>} : memref<8x64xi32, #tpu.memory_space<vmem>>, vector<1x16xi32>,
    %swap3A_81 = vector.shape_cast %swap3A_80 : vector<1x16xi32> to vector<16xi32>
    %swap3A_82 = vector.shape_cast %add3A_76 : vector<16xi32> to vector<1x16xi32>
    tpu.vector_store %arg13[%swap3A_78, %swap3A_79], %swap3A_82 {strides = array<i32>} : memref<8x64xi32, #tpu.memory_space<vmem>>, vector<1x16xi32>,
    %get3A_83 = arith.constant 0 : i32
    %get3A_84 = arith.index_cast %get3A_83 : i32 to index
    %get3A_85 = arith.constant 48 : index
    %get3A_86 = tpu.vector_load %arg12[%get3A_84, %get3A_85] {strides = array<i32>} : memref<8x64xi32, #tpu.memory_space<vmem>>, vector<1x16xi32>,
    %get3A_87 = vector.shape_cast %get3A_86 : vector<1x16xi32> to vector<16xi32>
    %mul3A_88 = arith.constant 1024 : i32
    %mul3A_89 = vector.broadcast %mul3A_88 : i32 to vector<16xi32>
    %mul3A_90 = arith.muli %get3A_87, %mul3A_89 : vector<16xi32>
    %get3A_91 = arith.constant 0 : i32
    %get3A_92 = arith.index_cast %get3A_91 : i32 to index
    %get3A_93 = arith.constant 48 : index
    %get3A_94 = tpu.vector_load %arg11[%get3A_92, %get3A_93] {strides = array<i32>} : memref<8x64xi32, #tpu.memory_space<vmem>>, vector<1x16xi32>,
    %get3A_95 = vector.shape_cast %get3A_94 : vector<1x16xi32> to vector<16xi32>
    %add3A_96 = arith.addi %mul3A_90, %get3A_95 : vector<16xi32>
    %swap3A_97 = arith.constant 0 : i32
    %swap3A_98 = arith.index_cast %swap3A_97 : i32 to index
    %swap3A_99 = arith.constant 48 : index
    %swap3A_100 = tpu.vector_load %arg13[%swap3A_98, %swap3A_99] {strides = array<i32>} : memref<8x64xi32, #tpu.memory_space<vmem>>, vector<1x16xi32>,
    %swap3A_101 = vector.shape_cast %swap3A_100 : vector<1x16xi32> to vector<16xi32>
    %swap3A_102 = vector.shape_cast %add3A_96 : vector<16xi32> to vector<1x16xi32>
    tpu.vector_store %arg13[%swap3A_98, %swap3A_99], %swap3A_102 {strides = array<i32>} : memref<8x64xi32, #tpu.memory_space<vmem>>, vector<1x16xi32>,
    %get3A_103 = arith.constant 1 : i32
    %get3A_104 = arith.index_cast %get3A_103 : i32 to index
    %get3A_105 = arith.constant 0 : index
    %get3A_106 = tpu.vector_load %arg12[%get3A_104, %get3A_105] {strides = array<i32>} : memref<8x64xi32, #tpu.memory_space<vmem>>, vector<1x16xi32>,
    %get3A_107 = vector.shape_cast %get3A_106 : vector<1x16xi32> to vector<16xi32>
    %mul3A_108 = arith.constant 1024 : i32
    %mul3A_109 = vector.broadcast %mul3A_108 : i32 to vector<16xi32>
    %mul3A_110 = arith.muli %get3A_107, %mul3A_109 : vector<16xi32>
    %get3A_111 = arith.constant 1 : i32
    %get3A_112 = arith.index_cast %get3A_111 : i32 to index
    %get3A_113 = arith.constant 0 : index
    %get3A_114 = tpu.vector_load %arg11[%get3A_112, %get3A_113] {strides = array<i32>} : memref<8x64xi32, #tpu.memory_space<vmem>>, vector<1x16xi32>,
    %get3A_115 = vector.shape_cast %get3A_114 : vector<1x16xi32> to vector<16xi32>
    %add3A_116 = arith.addi %mul3A_110, %get3A_115 : vector<16xi32>
    %swap3A_117 = arith.constant 1 : i32
    %swap3A_118 = arith.index_cast %swap3A_117 : i32 to index
    %swap3A_119 = arith.constant 0 : index
    %swap3A_120 = tpu.vector_load %arg13[%swap3A_118, %swap3A_119] {strides = array<i32>} : memref<8x64xi32, #tpu.memory_space<vmem>>, vector<1x16xi32>,
    %swap3A_121 = vector.shape_cast %swap3A_120 : vector<1x16xi32> to vector<16xi32>
    %swap3A_122 = vector.shape_cast %add3A_116 : vector<16xi32> to vector<1x16xi32>
    tpu.vector_store %arg13[%swap3A_118, %swap3A_119], %swap3A_122 {strides = array<i32>} : memref<8x64xi32, #tpu.memory_space<vmem>>, vector<1x16xi32>,
    %get3A_123 = arith.constant 1 : i32
    %get3A_124 = arith.index_cast %get3A_123 : i32 to index
    %get3A_125 = arith.constant 16 : index
    %get3A_126 = tpu.vector_load %arg12[%get3A_124, %get3A_125] {strides = array<i32>} : memref<8x64xi32, #tpu.memory_space<vmem>>, vector<1x16xi32>,
    %get3A_127 = vector.shape_cast %get3A_126 : vector<1x16xi32> to vector<16xi32>
    %mul3A_128 = arith.constant 1024 : i32
    %mul3A_129 = vector.broadcast %mul3A_128 : i32 to vector<16xi32>
    %mul3A_130 = arith.muli %get3A_127, %mul3A_129 : vector<16xi32>
    %get3A_131 = arith.constant 1 : i32
    %get3A_132 = arith.index_cast %get3A_131 : i32 to index
    %get3A_133 = arith.constant 16 : index
    %get3A_134 = tpu.vector_load %arg11[%get3A_132, %get3A_133] {strides = array<i32>} : memref<8x64xi32, #tpu.memory_space<vmem>>, vector<1x16xi32>,
    %get3A_135 = vector.shape_cast %get3A_134 : vector<1x16xi32> to vector<16xi32>
    %add3A_136 = arith.addi %mul3A_130, %get3A_135 : vector<16xi32>
    %swap3A_137 = arith.constant 1 : i32
    %swap3A_138 = arith.index_cast %swap3A_137 : i32 to index
    %swap3A_139 = arith.constant 16 : index
    %swap3A_140 = tpu.vector_load %arg13[%swap3A_138, %swap3A_139] {strides = array<i32>} : memref<8x64xi32, #tpu.memory_space<vmem>>, vector<1x16xi32>,
    %swap3A_141 = vector.shape_cast %swap3A_140 : vector<1x16xi32> to vector<16xi32>
    %swap3A_142 = vector.shape_cast %add3A_136 : vector<16xi32> to vector<1x16xi32>
    tpu.vector_store %arg13[%swap3A_138, %swap3A_139], %swap3A_142 {strides = array<i32>} : memref<8x64xi32, #tpu.memory_space<vmem>>, vector<1x16xi32>,
    %get3A_143 = arith.constant 1 : i32
    %get3A_144 = arith.index_cast %get3A_143 : i32 to index
    %get3A_145 = arith.constant 32 : index
    %get3A_146 = tpu.vector_load %arg12[%get3A_144, %get3A_145] {strides = array<i32>} : memref<8x64xi32, #tpu.memory_space<vmem>>, vector<1x16xi32>,
    %get3A_147 = vector.shape_cast %get3A_146 : vector<1x16xi32> to vector<16xi32>
    %mul3A_148 = arith.constant 1024 : i32
    %mul3A_149 = vector.broadcast %mul3A_148 : i32 to vector<16xi32>
    %mul3A_150 = arith.muli %get3A_147, %mul3A_149 : vector<16xi32>
    %get3A_151 = arith.constant 1 : i32
    %get3A_152 = arith.index_cast %get3A_151 : i32 to index
    %get3A_153 = arith.constant 32 : index
    %get3A_154 = tpu.vector_load %arg11[%get3A_152, %get3A_153] {strides = array<i32>} : memref<8x64xi32, #tpu.memory_space<vmem>>, vector<1x16xi32>,
    %get3A_155 = vector.shape_cast %get3A_154 : vector<1x16xi32> to vector<16xi32>
    %add3A_156 = arith.addi %mul3A_150, %get3A_155 : vector<16xi32>
    %swap3A_157 = arith.constant 1 : i32
    %swap3A_158 = arith.index_cast %swap3A_157 : i32 to index
    %swap3A_159 = arith.constant 32 : index
    %swap3A_160 = tpu.vector_load %arg13[%swap3A_158, %swap3A_159] {strides = array<i32>} : memref<8x64xi32, #tpu.memory_space<vmem>>, vector<1x16xi32>,
    %swap3A_161 = vector.shape_cast %swap3A_160 : vector<1x16xi32> to vector<16xi32>
    %swap3A_162 = vector.shape_cast %add3A_156 : vector<16xi32> to vector<1x16xi32>
    tpu.vector_store %arg13[%swap3A_158, %swap3A_159], %swap3A_162 {strides = array<i32>} : memref<8x64xi32, #tpu.memory_space<vmem>>, vector<1x16xi32>,
    %get3A_163 = arith.constant 1 : i32
    %get3A_164 = arith.index_cast %get3A_163 : i32 to index
    %get3A_165 = arith.constant 48 : index
    %get3A_166 = tpu.vector_load %arg12[%get3A_164, %get3A_165] {strides = array<i32>} : memref<8x64xi32, #tpu.memory_space<vmem>>, vector<1x16xi32>,
    %get3A_167 = vector.shape_cast %get3A_166 : vector<1x16xi32> to vector<16xi32>
    %mul3A_168 = arith.constant 1024 : i32
    %mul3A_169 = vector.broadcast %mul3A_168 : i32 to vector<16xi32>
    %mul3A_170 = arith.muli %get3A_167, %mul3A_169 : vector<16xi32>
    %get3A_171 = arith.constant 1 : i32
    %get3A_172 = arith.index_cast %get3A_171 : i32 to index
    %get3A_173 = arith.constant 48 : index
    %get3A_174 = tpu.vector_load %arg11[%get3A_172, %get3A_173] {strides = array<i32>} : memref<8x64xi32, #tpu.memory_space<vmem>>, vector<1x16xi32>,
    %get3A_175 = vector.shape_cast %get3A_174 : vector<1x16xi32> to vector<16xi32>
    %add3A_176 = arith.addi %mul3A_170, %get3A_175 : vector<16xi32>
    %swap3A_177 = arith.constant 1 : i32
    %swap3A_178 = arith.index_cast %swap3A_177 : i32 to index
    %swap3A_179 = arith.constant 48 : index
    %swap3A_180 = tpu.vector_load %arg13[%swap3A_178, %swap3A_179] {strides = array<i32>} : memref<8x64xi32, #tpu.memory_space<vmem>>, vector<1x16xi32>,
    %swap3A_181 = vector.shape_cast %swap3A_180 : vector<1x16xi32> to vector<16xi32>
    %swap3A_182 = vector.shape_cast %add3A_176 : vector<16xi32> to vector<1x16xi32>
    tpu.vector_store %arg13[%swap3A_178, %swap3A_179], %swap3A_182 {strides = array<i32>} : memref<8x64xi32, #tpu.memory_space<vmem>>, vector<1x16xi32>,
    %get3A_183 = arith.constant 2 : i32
    %get3A_184 = arith.index_cast %get3A_183 : i32 to index
    %get3A_185 = arith.constant 0 : index
    %get3A_186 = tpu.vector_load %arg12[%get3A_184, %get3A_185] {strides = array<i32>} : memref<8x64xi32, #tpu.memory_space<vmem>>, vector<1x16xi32>,
    %get3A_187 = vector.shape_cast %get3A_186 : vector<1x16xi32> to vector<16xi32>
    %mul3A_188 = arith.constant 1024 : i32
    %mul3A_189 = vector.broadcast %mul3A_188 : i32 to vector<16xi32>
    %mul3A_190 = arith.muli %get3A_187, %mul3A_189 : vector<16xi32>
    %get3A_191 = arith.constant 2 : i32
    %get3A_192 = arith.index_cast %get3A_191 : i32 to index
    %get3A_193 = arith.constant 0 : index
    %get3A_194 = tpu.vector_load %arg11[%get3A_192, %get3A_193] {strides = array<i32>} : memref<8x64xi32, #tpu.memory_space<vmem>>, vector<1x16xi32>,
    %get3A_195 = vector.shape_cast %get3A_194 : vector<1x16xi32> to vector<16xi32>
    %add3A_196 = arith.addi %mul3A_190, %get3A_195 : vector<16xi32>
    %swap3A_197 = arith.constant 2 : i32
    %swap3A_198 = arith.index_cast %swap3A_197 : i32 to index
    %swap3A_199 = arith.constant 0 : index
    %swap3A_200 = tpu.vector_load %arg13[%swap3A_198, %swap3A_199] {strides = array<i32>} : memref<8x64xi32, #tpu.memory_space<vmem>>, vector<1x16xi32>,
    %swap3A_201 = vector.shape_cast %swap3A_200 : vector<1x16xi32> to vector<16xi32>
    %swap3A_202 = vector.shape_cast %add3A_196 : vector<16xi32> to vector<1x16xi32>
    tpu.vector_store %arg13[%swap3A_198, %swap3A_199], %swap3A_202 {strides = array<i32>} : memref<8x64xi32, #tpu.memory_space<vmem>>, vector<1x16xi32>,
    %get3A_203 = arith.constant 2 : i32
    %get3A_204 = arith.index_cast %get3A_203 : i32 to index
    %get3A_205 = arith.constant 16 : index
    %get3A_206 = tpu.vector_load %arg12[%get3A_204, %get3A_205] {strides = array<i32>} : memref<8x64xi32, #tpu.memory_space<vmem>>, vector<1x16xi32>,
    %get3A_207 = vector.shape_cast %get3A_206 : vector<1x16xi32> to vector<16xi32>
    %mul3A_208 = arith.constant 1024 : i32
    %mul3A_209 = vector.broadcast %mul3A_208 : i32 to vector<16xi32>
    %mul3A_210 = arith.muli %get3A_207, %mul3A_209 : vector<16xi32>
    %get3A_211 = arith.constant 2 : i32
    %get3A_212 = arith.index_cast %get3A_211 : i32 to index
    %get3A_213 = arith.constant 16 : index
    %get3A_214 = tpu.vector_load %arg11[%get3A_212, %get3A_213] {strides = array<i32>} : memref<8x64xi32, #tpu.memory_space<vmem>>, vector<1x16xi32>,
    %get3A_215 = vector.shape_cast %get3A_214 : vector<1x16xi32> to vector<16xi32>
    %add3A_216 = arith.addi %mul3A_210, %get3A_215 : vector<16xi32>
    %swap3A_217 = arith.constant 2 : i32
    %swap3A_218 = arith.index_cast %swap3A_217 : i32 to index
    %swap3A_219 = arith.constant 16 : index
    %swap3A_220 = tpu.vector_load %arg13[%swap3A_218, %swap3A_219] {strides = array<i32>} : memref<8x64xi32, #tpu.memory_space<vmem>>, vector<1x16xi32>,
    %swap3A_221 = vector.shape_cast %swap3A_220 : vector<1x16xi32> to vector<16xi32>
    %swap3A_222 = vector.shape_cast %add3A_216 : vector<16xi32> to vector<1x16xi32>
    tpu.vector_store %arg13[%swap3A_218, %swap3A_219], %swap3A_222 {strides = array<i32>} : memref<8x64xi32, #tpu.memory_space<vmem>>, vector<1x16xi32>,
    %get3A_223 = arith.constant 2 : i32
    %get3A_224 = arith.index_cast %get3A_223 : i32 to index
    %get3A_225 = arith.constant 32 : index
    %get3A_226 = tpu.vector_load %arg12[%get3A_224, %get3A_225] {strides = array<i32>} : memref<8x64xi32, #tpu.memory_space<vmem>>, vector<1x16xi32>,
    %get3A_227 = vector.shape_cast %get3A_226 : vector<1x16xi32> to vector<16xi32>
    %mul3A_228 = arith.constant 1024 : i32
    %mul3A_229 = vector.broadcast %mul3A_228 : i32 to vector<16xi32>
    %mul3A_230 = arith.muli %get3A_227, %mul3A_229 : vector<16xi32>
    %get3A_231 = arith.constant 2 : i32
    %get3A_232 = arith.index_cast %get3A_231 : i32 to index
    %get3A_233 = arith.constant 32 : index
    %get3A_234 = tpu.vector_load %arg11[%get3A_232, %get3A_233] {strides = array<i32>} : memref<8x64xi32, #tpu.memory_space<vmem>>, vector<1x16xi32>,
    %get3A_235 = vector.shape_cast %get3A_234 : vector<1x16xi32> to vector<16xi32>
    %add3A_236 = arith.addi %mul3A_230, %get3A_235 : vector<16xi32>
    %swap3A_237 = arith.constant 2 : i32
    %swap3A_238 = arith.index_cast %swap3A_237 : i32 to index
    %swap3A_239 = arith.constant 32 : index
    %swap3A_240 = tpu.vector_load %arg13[%swap3A_238, %swap3A_239] {strides = array<i32>} : memref<8x64xi32, #tpu.memory_space<vmem>>, vector<1x16xi32>,
    %swap3A_241 = vector.shape_cast %swap3A_240 : vector<1x16xi32> to vector<16xi32>
    %swap3A_242 = vector.shape_cast %add3A_236 : vector<16xi32> to vector<1x16xi32>
    tpu.vector_store %arg13[%swap3A_238, %swap3A_239], %swap3A_242 {strides = array<i32>} : memref<8x64xi32, #tpu.memory_space<vmem>>, vector<1x16xi32>,
    %get3A_243 = arith.constant 2 : i32
    %get3A_244 = arith.index_cast %get3A_243 : i32 to index
    %get3A_245 = arith.constant 48 : index
    %get3A_246 = tpu.vector_load %arg12[%get3A_244, %get3A_245] {strides = array<i32>} : memref<8x64xi32, #tpu.memory_space<vmem>>, vector<1x16xi32>,
    %get3A_247 = vector.shape_cast %get3A_246 : vector<1x16xi32> to vector<16xi32>
    %mul3A_248 = arith.constant 1024 : i32
    %mul3A_249 = vector.broadcast %mul3A_248 : i32 to vector<16xi32>
    %mul3A_250 = arith.muli %get3A_247, %mul3A_249 : vector<16xi32>
    %get3A_251 = arith.constant 2 : i32
    %get3A_252 = arith.index_cast %get3A_251 : i32 to index
    %get3A_253 = arith.constant 48 : index
    %get3A_254 = tpu.vector_load %arg11[%get3A_252, %get3A_253] {strides = array<i32>} : memref<8x64xi32, #tpu.memory_space<vmem>>, vector<1x16xi32>,
    %get3A_255 = vector.shape_cast %get3A_254 : vector<1x16xi32> to vector<16xi32>
    %add3A_256 = arith.addi %mul3A_250, %get3A_255 : vector<16xi32>
    %swap3A_257 = arith.constant 2 : i32
    %swap3A_258 = arith.index_cast %swap3A_257 : i32 to index
    %swap3A_259 = arith.constant 48 : index
    %swap3A_260 = tpu.vector_load %arg13[%swap3A_258, %swap3A_259] {strides = array<i32>} : memref<8x64xi32, #tpu.memory_space<vmem>>, vector<1x16xi32>,
    %swap3A_261 = vector.shape_cast %swap3A_260 : vector<1x16xi32> to vector<16xi32>
    %swap3A_262 = vector.shape_cast %add3A_256 : vector<16xi32> to vector<1x16xi32>
    tpu.vector_store %arg13[%swap3A_258, %swap3A_259], %swap3A_262 {strides = array<i32>} : memref<8x64xi32, #tpu.memory_space<vmem>>, vector<1x16xi32>,
    %get3A_263 = arith.constant 3 : i32
    %get3A_264 = arith.index_cast %get3A_263 : i32 to index
    %get3A_265 = arith.constant 0 : index
    %get3A_266 = tpu.vector_load %arg12[%get3A_264, %get3A_265] {strides = array<i32>} : memref<8x64xi32, #tpu.memory_space<vmem>>, vector<1x16xi32>,
    %get3A_267 = vector.shape_cast %get3A_266 : vector<1x16xi32> to vector<16xi32>
    %mul3A_268 = arith.constant 1024 : i32
    %mul3A_269 = vector.broadcast %mul3A_268 : i32 to vector<16xi32>
    %mul3A_270 = arith.muli %get3A_267, %mul3A_269 : vector<16xi32>
    %get3A_271 = arith.constant 3 : i32
    %get3A_272 = arith.index_cast %get3A_271 : i32 to index
    %get3A_273 = arith.constant 0 : index
    %get3A_274 = tpu.vector_load %arg11[%get3A_272, %get3A_273] {strides = array<i32>} : memref<8x64xi32, #tpu.memory_space<vmem>>, vector<1x16xi32>,
    %get3A_275 = vector.shape_cast %get3A_274 : vector<1x16xi32> to vector<16xi32>
    %add3A_276 = arith.addi %mul3A_270, %get3A_275 : vector<16xi32>
    %swap3A_277 = arith.constant 3 : i32
    %swap3A_278 = arith.index_cast %swap3A_277 : i32 to index
    %swap3A_279 = arith.constant 0 : index
    %swap3A_280 = tpu.vector_load %arg13[%swap3A_278, %swap3A_279] {strides = array<i32>} : memref<8x64xi32, #tpu.memory_space<vmem>>, vector<1x16xi32>,
    %swap3A_281 = vector.shape_cast %swap3A_280 : vector<1x16xi32> to vector<16xi32>
    %swap3A_282 = vector.shape_cast %add3A_276 : vector<16xi32> to vector<1x16xi32>
    tpu.vector_store %arg13[%swap3A_278, %swap3A_279], %swap3A_282 {strides = array<i32>} : memref<8x64xi32, #tpu.memory_space<vmem>>, vector<1x16xi32>,
    %get3A_283 = arith.constant 3 : i32
    %get3A_284 = arith.index_cast %get3A_283 : i32 to index
    %get3A_285 = arith.constant 16 : index
    %get3A_286 = tpu.vector_load %arg12[%get3A_284, %get3A_285] {strides = array<i32>} : memref<8x64xi32, #tpu.memory_space<vmem>>, vector<1x16xi32>,
    %get3A_287 = vector.shape_cast %get3A_286 : vector<1x16xi32> to vector<16xi32>
    %mul3A_288 = arith.constant 1024 : i32
    %mul3A_289 = vector.broadcast %mul3A_288 : i32 to vector<16xi32>
    %mul3A_290 = arith.muli %get3A_287, %mul3A_289 : vector<16xi32>
    %get3A_291 = arith.constant 3 : i32
    %get3A_292 = arith.index_cast %get3A_291 : i32 to index
    %get3A_293 = arith.constant 16 : index
    %get3A_294 = tpu.vector_load %arg11[%get3A_292, %get3A_293] {strides = array<i32>} : memref<8x64xi32, #tpu.memory_space<vmem>>, vector<1x16xi32>,
    %get3A_295 = vector.shape_cast %get3A_294 : vector<1x16xi32> to vector<16xi32>
    %add3A_296 = arith.addi %mul3A_290, %get3A_295 : vector<16xi32>
    %swap3A_297 = arith.constant 3 : i32
    %swap3A_298 = arith.index_cast %swap3A_297 : i32 to index
    %swap3A_299 = arith.constant 16 : index
    %swap3A_300 = tpu.vector_load %arg13[%swap3A_298, %swap3A_299] {strides = array<i32>} : memref<8x64xi32, #tpu.memory_space<vmem>>, vector<1x16xi32>,
    %swap3A_301 = vector.shape_cast %swap3A_300 : vector<1x16xi32> to vector<16xi32>
    %swap3A_302 = vector.shape_cast %add3A_296 : vector<16xi32> to vector<1x16xi32>
    tpu.vector_store %arg13[%swap3A_298, %swap3A_299], %swap3A_302 {strides = array<i32>} : memref<8x64xi32, #tpu.memory_space<vmem>>, vector<1x16xi32>,
    %get3A_303 = arith.constant 3 : i32
    %get3A_304 = arith.index_cast %get3A_303 : i32 to index
    %get3A_305 = arith.constant 32 : index
    %get3A_306 = tpu.vector_load %arg12[%get3A_304, %get3A_305] {strides = array<i32>} : memref<8x64xi32, #tpu.memory_space<vmem>>, vector<1x16xi32>,
    %get3A_307 = vector.shape_cast %get3A_306 : vector<1x16xi32> to vector<16xi32>
    %mul3A_308 = arith.constant 1024 : i32
    %mul3A_309 = vector.broadcast %mul3A_308 : i32 to vector<16xi32>
    %mul3A_310 = arith.muli %get3A_307, %mul3A_309 : vector<16xi32>
    %get3A_311 = arith.constant 3 : i32
    %get3A_312 = arith.index_cast %get3A_311 : i32 to index
    %get3A_313 = arith.constant 32 : index
    %get3A_314 = tpu.vector_load %arg11[%get3A_312, %get3A_313] {strides = array<i32>} : memref<8x64xi32, #tpu.memory_space<vmem>>, vector<1x16xi32>,
    %get3A_315 = vector.shape_cast %get3A_314 : vector<1x16xi32> to vector<16xi32>
    %add3A_316 = arith.addi %mul3A_310, %get3A_315 : vector<16xi32>
    %swap3A_317 = arith.constant 3 : i32
    %swap3A_318 = arith.index_cast %swap3A_317 : i32 to index
    %swap3A_319 = arith.constant 32 : index
    %swap3A_320 = tpu.vector_load %arg13[%swap3A_318, %swap3A_319] {strides = array<i32>} : memref<8x64xi32, #tpu.memory_space<vmem>>, vector<1x16xi32>,
    %swap3A_321 = vector.shape_cast %swap3A_320 : vector<1x16xi32> to vector<16xi32>
    %swap3A_322 = vector.shape_cast %add3A_316 : vector<16xi32> to vector<1x16xi32>
    tpu.vector_store %arg13[%swap3A_318, %swap3A_319], %swap3A_322 {strides = array<i32>} : memref<8x64xi32, #tpu.memory_space<vmem>>, vector<1x16xi32>,
    %get3A_323 = arith.constant 3 : i32
    %get3A_324 = arith.index_cast %get3A_323 : i32 to index
    %get3A_325 = arith.constant 48 : index
    %get3A_326 = tpu.vector_load %arg12[%get3A_324, %get3A_325] {strides = array<i32>} : memref<8x64xi32, #tpu.memory_space<vmem>>, vector<1x16xi32>,
    %get3A_327 = vector.shape_cast %get3A_326 : vector<1x16xi32> to vector<16xi32>
    %mul3A_328 = arith.constant 1024 : i32
    %mul3A_329 = vector.broadcast %mul3A_328 : i32 to vector<16xi32>
    %mul3A_330 = arith.muli %get3A_327, %mul3A_329 : vector<16xi32>
    %get3A_331 = arith.constant 3 : i32
    %get3A_332 = arith.index_cast %get3A_331 : i32 to index
    %get3A_333 = arith.constant 48 : index
    %get3A_334 = tpu.vector_load %arg11[%get3A_332, %get3A_333] {strides = array<i32>} : memref<8x64xi32, #tpu.memory_space<vmem>>, vector<1x16xi32>,
    %get3A_335 = vector.shape_cast %get3A_334 : vector<1x16xi32> to vector<16xi32>
    %add3A_336 = arith.addi %mul3A_330, %get3A_335 : vector<16xi32>
    %swap3A_337 = arith.constant 3 : i32
    %swap3A_338 = arith.index_cast %swap3A_337 : i32 to index
    %swap3A_339 = arith.constant 48 : index
    %swap3A_340 = tpu.vector_load %arg13[%swap3A_338, %swap3A_339] {strides = array<i32>} : memref<8x64xi32, #tpu.memory_space<vmem>>, vector<1x16xi32>,
    %swap3A_341 = vector.shape_cast %swap3A_340 : vector<1x16xi32> to vector<16xi32>
    %swap3A_342 = vector.shape_cast %add3A_336 : vector<16xi32> to vector<1x16xi32>
    tpu.vector_store %arg13[%swap3A_338, %swap3A_339], %swap3A_342 {strides = array<i32>} : memref<8x64xi32, #tpu.memory_space<vmem>>, vector<1x16xi32>,
    %get3A_343 = arith.constant 4 : i32
    %get3A_344 = arith.index_cast %get3A_343 : i32 to index
    %get3A_345 = arith.constant 0 : index
    %get3A_346 = tpu.vector_load %arg12[%get3A_344, %get3A_345] {strides = array<i32>} : memref<8x64xi32, #tpu.memory_space<vmem>>, vector<1x16xi32>,
    %get3A_347 = vector.shape_cast %get3A_346 : vector<1x16xi32> to vector<16xi32>
    %mul3A_348 = arith.constant 1024 : i32
    %mul3A_349 = vector.broadcast %mul3A_348 : i32 to vector<16xi32>
    %mul3A_350 = arith.muli %get3A_347, %mul3A_349 : vector<16xi32>
    %get3A_351 = arith.constant 4 : i32
    %get3A_352 = arith.index_cast %get3A_351 : i32 to index
    %get3A_353 = arith.constant 0 : index
    %get3A_354 = tpu.vector_load %arg11[%get3A_352, %get3A_353] {strides = array<i32>} : memref<8x64xi32, #tpu.memory_space<vmem>>, vector<1x16xi32>,
    %get3A_355 = vector.shape_cast %get3A_354 : vector<1x16xi32> to vector<16xi32>
    %add3A_356 = arith.addi %mul3A_350, %get3A_355 : vector<16xi32>
    %swap3A_357 = arith.constant 4 : i32
    %swap3A_358 = arith.index_cast %swap3A_357 : i32 to index
    %swap3A_359 = arith.constant 0 : index
    %swap3A_360 = tpu.vector_load %arg13[%swap3A_358, %swap3A_359] {strides = array<i32>} : memref<8x64xi32, #tpu.memory_space<vmem>>, vector<1x16xi32>,
    %swap3A_361 = vector.shape_cast %swap3A_360 : vector<1x16xi32> to vector<16xi32>
    %swap3A_362 = vector.shape_cast %add3A_356 : vector<16xi32> to vector<1x16xi32>
    tpu.vector_store %arg13[%swap3A_358, %swap3A_359], %swap3A_362 {strides = array<i32>} : memref<8x64xi32, #tpu.memory_space<vmem>>, vector<1x16xi32>,
    %get3A_363 = arith.constant 4 : i32
    %get3A_364 = arith.index_cast %get3A_363 : i32 to index
    %get3A_365 = arith.constant 16 : index
    %get3A_366 = tpu.vector_load %arg12[%get3A_364, %get3A_365] {strides = array<i32>} : memref<8x64xi32, #tpu.memory_space<vmem>>, vector<1x16xi32>,
    %get3A_367 = vector.shape_cast %get3A_366 : vector<1x16xi32> to vector<16xi32>
    %mul3A_368 = arith.constant 1024 : i32
    %mul3A_369 = vector.broadcast %mul3A_368 : i32 to vector<16xi32>
    %mul3A_370 = arith.muli %get3A_367, %mul3A_369 : vector<16xi32>
    %get3A_371 = arith.constant 4 : i32
    %get3A_372 = arith.index_cast %get3A_371 : i32 to index
    %get3A_373 = arith.constant 16 : index
    %get3A_374 = tpu.vector_load %arg11[%get3A_372, %get3A_373] {strides = array<i32>} : memref<8x64xi32, #tpu.memory_space<vmem>>, vector<1x16xi32>,
    %get3A_375 = vector.shape_cast %get3A_374 : vector<1x16xi32> to vector<16xi32>
    %add3A_376 = arith.addi %mul3A_370, %get3A_375 : vector<16xi32>
    %swap3A_377 = arith.constant 4 : i32
    %swap3A_378 = arith.index_cast %swap3A_377 : i32 to index
    %swap3A_379 = arith.constant 16 : index
    %swap3A_380 = tpu.vector_load %arg13[%swap3A_378, %swap3A_379] {strides = array<i32>} : memref<8x64xi32, #tpu.memory_space<vmem>>, vector<1x16xi32>,
    %swap3A_381 = vector.shape_cast %swap3A_380 : vector<1x16xi32> to vector<16xi32>
    %swap3A_382 = vector.shape_cast %add3A_376 : vector<16xi32> to vector<1x16xi32>
    tpu.vector_store %arg13[%swap3A_378, %swap3A_379], %swap3A_382 {strides = array<i32>} : memref<8x64xi32, #tpu.memory_space<vmem>>, vector<1x16xi32>,
    %get3A_383 = arith.constant 4 : i32
    %get3A_384 = arith.index_cast %get3A_383 : i32 to index
    %get3A_385 = arith.constant 32 : index
    %get3A_386 = tpu.vector_load %arg12[%get3A_384, %get3A_385] {strides = array<i32>} : memref<8x64xi32, #tpu.memory_space<vmem>>, vector<1x16xi32>,
    %get3A_387 = vector.shape_cast %get3A_386 : vector<1x16xi32> to vector<16xi32>
    %mul3A_388 = arith.constant 1024 : i32
    %mul3A_389 = vector.broadcast %mul3A_388 : i32 to vector<16xi32>
    %mul3A_390 = arith.muli %get3A_387, %mul3A_389 : vector<16xi32>
    %get3A_391 = arith.constant 4 : i32
    %get3A_392 = arith.index_cast %get3A_391 : i32 to index
    %get3A_393 = arith.constant 32 : index
    %get3A_394 = tpu.vector_load %arg11[%get3A_392, %get3A_393] {strides = array<i32>} : memref<8x64xi32, #tpu.memory_space<vmem>>, vector<1x16xi32>,
    %get3A_395 = vector.shape_cast %get3A_394 : vector<1x16xi32> to vector<16xi32>
    %add3A_396 = arith.addi %mul3A_390, %get3A_395 : vector<16xi32>
    %swap3A_397 = arith.constant 4 : i32
    %swap3A_398 = arith.index_cast %swap3A_397 : i32 to index
    %swap3A_399 = arith.constant 32 : index
    %swap3A_400 = tpu.vector_load %arg13[%swap3A_398, %swap3A_399] {strides = array<i32>} : memref<8x64xi32, #tpu.memory_space<vmem>>, vector<1x16xi32>,
    %swap3A_401 = vector.shape_cast %swap3A_400 : vector<1x16xi32> to vector<16xi32>
    %swap3A_402 = vector.shape_cast %add3A_396 : vector<16xi32> to vector<1x16xi32>
    tpu.vector_store %arg13[%swap3A_398, %swap3A_399], %swap3A_402 {strides = array<i32>} : memref<8x64xi32, #tpu.memory_space<vmem>>, vector<1x16xi32>,
    %get3A_403 = arith.constant 4 : i32
    %get3A_404 = arith.index_cast %get3A_403 : i32 to index
    %get3A_405 = arith.constant 48 : index
    %get3A_406 = tpu.vector_load %arg12[%get3A_404, %get3A_405] {strides = array<i32>} : memref<8x64xi32, #tpu.memory_space<vmem>>, vector<1x16xi32>,
    %get3A_407 = vector.shape_cast %get3A_406 : vector<1x16xi32> to vector<16xi32>
    %mul3A_408 = arith.constant 1024 : i32
    %mul3A_409 = vector.broadcast %mul3A_408 : i32 to vector<16xi32>
    %mul3A_410 = arith.muli %get3A_407, %mul3A_409 : vector<16xi32>
    %get3A_411 = arith.constant 4 : i32
    %get3A_412 = arith.index_cast %get3A_411 : i32 to index
    %get3A_413 = arith.constant 48 : index
    %get3A_414 = tpu.vector_load %arg11[%get3A_412, %get3A_413] {strides = array<i32>} : memref<8x64xi32, #tpu.memory_space<vmem>>, vector<1x16xi32>,
    %get3A_415 = vector.shape_cast %get3A_414 : vector<1x16xi32> to vector<16xi32>
    %add3A_416 = arith.addi %mul3A_410, %get3A_415 : vector<16xi32>
    %swap3A_417 = arith.constant 4 : i32
    %swap3A_418 = arith.index_cast %swap3A_417 : i32 to index
    %swap3A_419 = arith.constant 48 : index
    %swap3A_420 = tpu.vector_load %arg13[%swap3A_418, %swap3A_419] {strides = array<i32>} : memref<8x64xi32, #tpu.memory_space<vmem>>, vector<1x16xi32>,
    %swap3A_421 = vector.shape_cast %swap3A_420 : vector<1x16xi32> to vector<16xi32>
    %swap3A_422 = vector.shape_cast %add3A_416 : vector<16xi32> to vector<1x16xi32>
    tpu.vector_store %arg13[%swap3A_418, %swap3A_419], %swap3A_422 {strides = array<i32>} : memref<8x64xi32, #tpu.memory_space<vmem>>, vector<1x16xi32>,
    %get3A_423 = arith.constant 5 : i32
    %get3A_424 = arith.index_cast %get3A_423 : i32 to index
    %get3A_425 = arith.constant 0 : index
    %get3A_426 = tpu.vector_load %arg12[%get3A_424, %get3A_425] {strides = array<i32>} : memref<8x64xi32, #tpu.memory_space<vmem>>, vector<1x16xi32>,
    %get3A_427 = vector.shape_cast %get3A_426 : vector<1x16xi32> to vector<16xi32>
    %mul3A_428 = arith.constant 1024 : i32
    %mul3A_429 = vector.broadcast %mul3A_428 : i32 to vector<16xi32>
    %mul3A_430 = arith.muli %get3A_427, %mul3A_429 : vector<16xi32>
    %get3A_431 = arith.constant 5 : i32
    %get3A_432 = arith.index_cast %get3A_431 : i32 to index
    %get3A_433 = arith.constant 0 : index
    %get3A_434 = tpu.vector_load %arg11[%get3A_432, %get3A_433] {strides = array<i32>} : memref<8x64xi32, #tpu.memory_space<vmem>>, vector<1x16xi32>,
    %get3A_435 = vector.shape_cast %get3A_434 : vector<1x16xi32> to vector<16xi32>
    %add3A_436 = arith.addi %mul3A_430, %get3A_435 : vector<16xi32>
    %swap3A_437 = arith.constant 5 : i32
    %swap3A_438 = arith.index_cast %swap3A_437 : i32 to index
    %swap3A_439 = arith.constant 0 : index
    %swap3A_440 = tpu.vector_load %arg13[%swap3A_438, %swap3A_439] {strides = array<i32>} : memref<8x64xi32, #tpu.memory_space<vmem>>, vector<1x16xi32>,
    %swap3A_441 = vector.shape_cast %swap3A_440 : vector<1x16xi32> to vector<16xi32>
    %swap3A_442 = vector.shape_cast %add3A_436 : vector<16xi32> to vector<1x16xi32>
    tpu.vector_store %arg13[%swap3A_438, %swap3A_439], %swap3A_442 {strides = array<i32>} : memref<8x64xi32, #tpu.memory_space<vmem>>, vector<1x16xi32>,
    %get3A_443 = arith.constant 5 : i32
    %get3A_444 = arith.index_cast %get3A_443 : i32 to index
    %get3A_445 = arith.constant 16 : index
    %get3A_446 = tpu.vector_load %arg12[%get3A_444, %get3A_445] {strides = array<i32>} : memref<8x64xi32, #tpu.memory_space<vmem>>, vector<1x16xi32>,
    %get3A_447 = vector.shape_cast %get3A_446 : vector<1x16xi32> to vector<16xi32>
    %mul3A_448 = arith.constant 1024 : i32
    %mul3A_449 = vector.broadcast %mul3A_448 : i32 to vector<16xi32>
    %mul3A_450 = arith.muli %get3A_447, %mul3A_449 : vector<16xi32>
    %get3A_451 = arith.constant 5 : i32
    %get3A_452 = arith.index_cast %get3A_451 : i32 to index
    %get3A_453 = arith.constant 16 : index
    %get3A_454 = tpu.vector_load %arg11[%get3A_452, %get3A_453] {strides = array<i32>} : memref<8x64xi32, #tpu.memory_space<vmem>>, vector<1x16xi32>,
    %get3A_455 = vector.shape_cast %get3A_454 : vector<1x16xi32> to vector<16xi32>
    %add3A_456 = arith.addi %mul3A_450, %get3A_455 : vector<16xi32>
    %swap3A_457 = arith.constant 5 : i32
    %swap3A_458 = arith.index_cast %swap3A_457 : i32 to index
    %swap3A_459 = arith.constant 16 : index
    %swap3A_460 = tpu.vector_load %arg13[%swap3A_458, %swap3A_459] {strides = array<i32>} : memref<8x64xi32, #tpu.memory_space<vmem>>, vector<1x16xi32>,
    %swap3A_461 = vector.shape_cast %swap3A_460 : vector<1x16xi32> to vector<16xi32>
    %swap3A_462 = vector.shape_cast %add3A_456 : vector<16xi32> to vector<1x16xi32>
    tpu.vector_store %arg13[%swap3A_458, %swap3A_459], %swap3A_462 {strides = array<i32>} : memref<8x64xi32, #tpu.memory_space<vmem>>, vector<1x16xi32>,
    %get3A_463 = arith.constant 5 : i32
    %get3A_464 = arith.index_cast %get3A_463 : i32 to index
    %get3A_465 = arith.constant 32 : index
    %get3A_466 = tpu.vector_load %arg12[%get3A_464, %get3A_465] {strides = array<i32>} : memref<8x64xi32, #tpu.memory_space<vmem>>, vector<1x16xi32>,
    %get3A_467 = vector.shape_cast %get3A_466 : vector<1x16xi32> to vector<16xi32>
    %mul3A_468 = arith.constant 1024 : i32
    %mul3A_469 = vector.broadcast %mul3A_468 : i32 to vector<16xi32>
    %mul3A_470 = arith.muli %get3A_467, %mul3A_469 : vector<16xi32>
    %get3A_471 = arith.constant 5 : i32
    %get3A_472 = arith.index_cast %get3A_471 : i32 to index
    %get3A_473 = arith.constant 32 : index
    %get3A_474 = tpu.vector_load %arg11[%get3A_472, %get3A_473] {strides = array<i32>} : memref<8x64xi32, #tpu.memory_space<vmem>>, vector<1x16xi32>,
    %get3A_475 = vector.shape_cast %get3A_474 : vector<1x16xi32> to vector<16xi32>
    %add3A_476 = arith.addi %mul3A_470, %get3A_475 : vector<16xi32>
    %swap3A_477 = arith.constant 5 : i32
    %swap3A_478 = arith.index_cast %swap3A_477 : i32 to index
    %swap3A_479 = arith.constant 32 : index
    %swap3A_480 = tpu.vector_load %arg13[%swap3A_478, %swap3A_479] {strides = array<i32>} : memref<8x64xi32, #tpu.memory_space<vmem>>, vector<1x16xi32>,
    %swap3A_481 = vector.shape_cast %swap3A_480 : vector<1x16xi32> to vector<16xi32>
    %swap3A_482 = vector.shape_cast %add3A_476 : vector<16xi32> to vector<1x16xi32>
    tpu.vector_store %arg13[%swap3A_478, %swap3A_479], %swap3A_482 {strides = array<i32>} : memref<8x64xi32, #tpu.memory_space<vmem>>, vector<1x16xi32>,
    %get3A_483 = arith.constant 5 : i32
    %get3A_484 = arith.index_cast %get3A_483 : i32 to index
    %get3A_485 = arith.constant 48 : index
    %get3A_486 = tpu.vector_load %arg12[%get3A_484, %get3A_485] {strides = array<i32>} : memref<8x64xi32, #tpu.memory_space<vmem>>, vector<1x16xi32>,
    %get3A_487 = vector.shape_cast %get3A_486 : vector<1x16xi32> to vector<16xi32>
    %mul3A_488 = arith.constant 1024 : i32
    %mul3A_489 = vector.broadcast %mul3A_488 : i32 to vector<16xi32>
    %mul3A_490 = arith.muli %get3A_487, %mul3A_489 : vector<16xi32>
    %get3A_491 = arith.constant 5 : i32
    %get3A_492 = arith.index_cast %get3A_491 : i32 to index
    %get3A_493 = arith.constant 48 : index
    %get3A_494 = tpu.vector_load %arg11[%get3A_492, %get3A_493] {strides = array<i32>} : memref<8x64xi32, #tpu.memory_space<vmem>>, vector<1x16xi32>,
    %get3A_495 = vector.shape_cast %get3A_494 : vector<1x16xi32> to vector<16xi32>
    %add3A_496 = arith.addi %mul3A_490, %get3A_495 : vector<16xi32>
    %swap3A_497 = arith.constant 5 : i32
    %swap3A_498 = arith.index_cast %swap3A_497 : i32 to index
    %swap3A_499 = arith.constant 48 : index
    %swap3A_500 = tpu.vector_load %arg13[%swap3A_498, %swap3A_499] {strides = array<i32>} : memref<8x64xi32, #tpu.memory_space<vmem>>, vector<1x16xi32>,
    %swap3A_501 = vector.shape_cast %swap3A_500 : vector<1x16xi32> to vector<16xi32>
    %swap3A_502 = vector.shape_cast %add3A_496 : vector<16xi32> to vector<1x16xi32>
    tpu.vector_store %arg13[%swap3A_498, %swap3A_499], %swap3A_502 {strides = array<i32>} : memref<8x64xi32, #tpu.memory_space<vmem>>, vector<1x16xi32>,
    %get3A_503 = arith.constant 6 : i32
    %get3A_504 = arith.index_cast %get3A_503 : i32 to index
    %get3A_505 = arith.constant 0 : index
    %get3A_506 = tpu.vector_load %arg12[%get3A_504, %get3A_505] {strides = array<i32>} : memref<8x64xi32, #tpu.memory_space<vmem>>, vector<1x16xi32>,
    %get3A_507 = vector.shape_cast %get3A_506 : vector<1x16xi32> to vector<16xi32>
    %mul3A_508 = arith.constant 1024 : i32
    %mul3A_509 = vector.broadcast %mul3A_508 : i32 to vector<16xi32>
    %mul3A_510 = arith.muli %get3A_507, %mul3A_509 : vector<16xi32>
    %get3A_511 = arith.constant 6 : i32
    %get3A_512 = arith.index_cast %get3A_511 : i32 to index
    %get3A_513 = arith.constant 0 : index
    %get3A_514 = tpu.vector_load %arg11[%get3A_512, %get3A_513] {strides = array<i32>} : memref<8x64xi32, #tpu.memory_space<vmem>>, vector<1x16xi32>,
    %get3A_515 = vector.shape_cast %get3A_514 : vector<1x16xi32> to vector<16xi32>
    %add3A_516 = arith.addi %mul3A_510, %get3A_515 : vector<16xi32>
    %swap3A_517 = arith.constant 6 : i32
    %swap3A_518 = arith.index_cast %swap3A_517 : i32 to index
    %swap3A_519 = arith.constant 0 : index
    %swap3A_520 = tpu.vector_load %arg13[%swap3A_518, %swap3A_519] {strides = array<i32>} : memref<8x64xi32, #tpu.memory_space<vmem>>, vector<1x16xi32>,
    %swap3A_521 = vector.shape_cast %swap3A_520 : vector<1x16xi32> to vector<16xi32>
    %swap3A_522 = vector.shape_cast %add3A_516 : vector<16xi32> to vector<1x16xi32>
    tpu.vector_store %arg13[%swap3A_518, %swap3A_519], %swap3A_522 {strides = array<i32>} : memref<8x64xi32, #tpu.memory_space<vmem>>, vector<1x16xi32>,
    %get3A_523 = arith.constant 6 : i32
    %get3A_524 = arith.index_cast %get3A_523 : i32 to index
    %get3A_525 = arith.constant 16 : index
    %get3A_526 = tpu.vector_load %arg12[%get3A_524, %get3A_525] {strides = array<i32>} : memref<8x64xi32, #tpu.memory_space<vmem>>, vector<1x16xi32>,
    %get3A_527 = vector.shape_cast %get3A_526 : vector<1x16xi32> to vector<16xi32>
    %mul3A_528 = arith.constant 1024 : i32
    %mul3A_529 = vector.broadcast %mul3A_528 : i32 to vector<16xi32>
    %mul3A_530 = arith.muli %get3A_527, %mul3A_529 : vector<16xi32>
    %get3A_531 = arith.constant 6 : i32
    %get3A_532 = arith.index_cast %get3A_531 : i32 to index
    %get3A_533 = arith.constant 16 : index
    %get3A_534 = tpu.vector_load %arg11[%get3A_532, %get3A_533] {strides = array<i32>} : memref<8x64xi32, #tpu.memory_space<vmem>>, vector<1x16xi32>,
    %get3A_535 = vector.shape_cast %get3A_534 : vector<1x16xi32> to vector<16xi32>
    %add3A_536 = arith.addi %mul3A_530, %get3A_535 : vector<16xi32>
    %swap3A_537 = arith.constant 6 : i32
    %swap3A_538 = arith.index_cast %swap3A_537 : i32 to index
    %swap3A_539 = arith.constant 16 : index
    %swap3A_540 = tpu.vector_load %arg13[%swap3A_538, %swap3A_539] {strides = array<i32>} : memref<8x64xi32, #tpu.memory_space<vmem>>, vector<1x16xi32>,
    %swap3A_541 = vector.shape_cast %swap3A_540 : vector<1x16xi32> to vector<16xi32>
    %swap3A_542 = vector.shape_cast %add3A_536 : vector<16xi32> to vector<1x16xi32>
    tpu.vector_store %arg13[%swap3A_538, %swap3A_539], %swap3A_542 {strides = array<i32>} : memref<8x64xi32, #tpu.memory_space<vmem>>, vector<1x16xi32>,
    %get3A_543 = arith.constant 6 : i32
    %get3A_544 = arith.index_cast %get3A_543 : i32 to index
    %get3A_545 = arith.constant 32 : index
    %get3A_546 = tpu.vector_load %arg12[%get3A_544, %get3A_545] {strides = array<i32>} : memref<8x64xi32, #tpu.memory_space<vmem>>, vector<1x16xi32>,
    %get3A_547 = vector.shape_cast %get3A_546 : vector<1x16xi32> to vector<16xi32>
    %mul3A_548 = arith.constant 1024 : i32
    %mul3A_549 = vector.broadcast %mul3A_548 : i32 to vector<16xi32>
    %mul3A_550 = arith.muli %get3A_547, %mul3A_549 : vector<16xi32>
    %get3A_551 = arith.constant 6 : i32
    %get3A_552 = arith.index_cast %get3A_551 : i32 to index
    %get3A_553 = arith.constant 32 : index
    %get3A_554 = tpu.vector_load %arg11[%get3A_552, %get3A_553] {strides = array<i32>} : memref<8x64xi32, #tpu.memory_space<vmem>>, vector<1x16xi32>,
    %get3A_555 = vector.shape_cast %get3A_554 : vector<1x16xi32> to vector<16xi32>
    %add3A_556 = arith.addi %mul3A_550, %get3A_555 : vector<16xi32>
    %swap3A_557 = arith.constant 6 : i32
    %swap3A_558 = arith.index_cast %swap3A_557 : i32 to index
    %swap3A_559 = arith.constant 32 : index
    %swap3A_560 = tpu.vector_load %arg13[%swap3A_558, %swap3A_559] {strides = array<i32>} : memref<8x64xi32, #tpu.memory_space<vmem>>, vector<1x16xi32>,
    %swap3A_561 = vector.shape_cast %swap3A_560 : vector<1x16xi32> to vector<16xi32>
    %swap3A_562 = vector.shape_cast %add3A_556 : vector<16xi32> to vector<1x16xi32>
    tpu.vector_store %arg13[%swap3A_558, %swap3A_559], %swap3A_562 {strides = array<i32>} : memref<8x64xi32, #tpu.memory_space<vmem>>, vector<1x16xi32>,
    %get3A_563 = arith.constant 6 : i32
    %get3A_564 = arith.index_cast %get3A_563 : i32 to index
    %get3A_565 = arith.constant 48 : index
    %get3A_566 = tpu.vector_load %arg12[%get3A_564, %get3A_565] {strides = array<i32>} : memref<8x64xi32, #tpu.memory_space<vmem>>, vector<1x16xi32>,
    %get3A_567 = vector.shape_cast %get3A_566 : vector<1x16xi32> to vector<16xi32>
    %mul3A_568 = arith.constant 1024 : i32
    %mul3A_569 = vector.broadcast %mul3A_568 : i32 to vector<16xi32>
    %mul3A_570 = arith.muli %get3A_567, %mul3A_569 : vector<16xi32>
    %get3A_571 = arith.constant 6 : i32
    %get3A_572 = arith.index_cast %get3A_571 : i32 to index
    %get3A_573 = arith.constant 48 : index
    %get3A_574 = tpu.vector_load %arg11[%get3A_572, %get3A_573] {strides = array<i32>} : memref<8x64xi32, #tpu.memory_space<vmem>>, vector<1x16xi32>,
    %get3A_575 = vector.shape_cast %get3A_574 : vector<1x16xi32> to vector<16xi32>
    %add3A_576 = arith.addi %mul3A_570, %get3A_575 : vector<16xi32>
    %swap3A_577 = arith.constant 6 : i32
    %swap3A_578 = arith.index_cast %swap3A_577 : i32 to index
    %swap3A_579 = arith.constant 48 : index
    %swap3A_580 = tpu.vector_load %arg13[%swap3A_578, %swap3A_579] {strides = array<i32>} : memref<8x64xi32, #tpu.memory_space<vmem>>, vector<1x16xi32>,
    %swap3A_581 = vector.shape_cast %swap3A_580 : vector<1x16xi32> to vector<16xi32>
    %swap3A_582 = vector.shape_cast %add3A_576 : vector<16xi32> to vector<1x16xi32>
    tpu.vector_store %arg13[%swap3A_578, %swap3A_579], %swap3A_582 {strides = array<i32>} : memref<8x64xi32, #tpu.memory_space<vmem>>, vector<1x16xi32>,
    %get3A_583 = arith.constant 7 : i32
    %get3A_584 = arith.index_cast %get3A_583 : i32 to index
    %get3A_585 = arith.constant 0 : index
    %get3A_586 = tpu.vector_load %arg12[%get3A_584, %get3A_585] {strides = array<i32>} : memref<8x64xi32, #tpu.memory_space<vmem>>, vector<1x16xi32>,
    %get3A_587 = vector.shape_cast %get3A_586 : vector<1x16xi32> to vector<16xi32>
    %mul3A_588 = arith.constant 1024 : i32
    %mul3A_589 = vector.broadcast %mul3A_588 : i32 to vector<16xi32>
    %mul3A_590 = arith.muli %get3A_587, %mul3A_589 : vector<16xi32>
    %get3A_591 = arith.constant 7 : i32
    %get3A_592 = arith.index_cast %get3A_591 : i32 to index
    %get3A_593 = arith.constant 0 : index
    %get3A_594 = tpu.vector_load %arg11[%get3A_592, %get3A_593] {strides = array<i32>} : memref<8x64xi32, #tpu.memory_space<vmem>>, vector<1x16xi32>,
    %get3A_595 = vector.shape_cast %get3A_594 : vector<1x16xi32> to vector<16xi32>
    %add3A_596 = arith.addi %mul3A_590, %get3A_595 : vector<16xi32>
    %swap3A_597 = arith.constant 7 : i32
    %swap3A_598 = arith.index_cast %swap3A_597 : i32 to index
    %swap3A_599 = arith.constant 0 : index
    %swap3A_600 = tpu.vector_load %arg13[%swap3A_598, %swap3A_599] {strides = array<i32>} : memref<8x64xi32, #tpu.memory_space<vmem>>, vector<1x16xi32>,
    %swap3A_601 = vector.shape_cast %swap3A_600 : vector<1x16xi32> to vector<16xi32>
    %swap3A_602 = vector.shape_cast %add3A_596 : vector<16xi32> to vector<1x16xi32>
    tpu.vector_store %arg13[%swap3A_598, %swap3A_599], %swap3A_602 {strides = array<i32>} : memref<8x64xi32, #tpu.memory_space<vmem>>, vector<1x16xi32>,
    %get3A_603 = arith.constant 7 : i32
    %get3A_604 = arith.index_cast %get3A_603 : i32 to index
    %get3A_605 = arith.constant 16 : index
    %get3A_606 = tpu.vector_load %arg12[%get3A_604, %get3A_605] {strides = array<i32>} : memref<8x64xi32, #tpu.memory_space<vmem>>, vector<1x16xi32>,
    %get3A_607 = vector.shape_cast %get3A_606 : vector<1x16xi32> to vector<16xi32>
    %mul3A_608 = arith.constant 1024 : i32
    %mul3A_609 = vector.broadcast %mul3A_608 : i32 to vector<16xi32>
    %mul3A_610 = arith.muli %get3A_607, %mul3A_609 : vector<16xi32>
    %get3A_611 = arith.constant 7 : i32
    %get3A_612 = arith.index_cast %get3A_611 : i32 to index
    %get3A_613 = arith.constant 16 : index
    %get3A_614 = tpu.vector_load %arg11[%get3A_612, %get3A_613] {strides = array<i32>} : memref<8x64xi32, #tpu.memory_space<vmem>>, vector<1x16xi32>,
    %get3A_615 = vector.shape_cast %get3A_614 : vector<1x16xi32> to vector<16xi32>
    %add3A_616 = arith.addi %mul3A_610, %get3A_615 : vector<16xi32>
    %swap3A_617 = arith.constant 7 : i32
    %swap3A_618 = arith.index_cast %swap3A_617 : i32 to index
    %swap3A_619 = arith.constant 16 : index
    %swap3A_620 = tpu.vector_load %arg13[%swap3A_618, %swap3A_619] {strides = array<i32>} : memref<8x64xi32, #tpu.memory_space<vmem>>, vector<1x16xi32>,
    %swap3A_621 = vector.shape_cast %swap3A_620 : vector<1x16xi32> to vector<16xi32>
    %swap3A_622 = vector.shape_cast %add3A_616 : vector<16xi32> to vector<1x16xi32>
    tpu.vector_store %arg13[%swap3A_618, %swap3A_619], %swap3A_622 {strides = array<i32>} : memref<8x64xi32, #tpu.memory_space<vmem>>, vector<1x16xi32>,
    %get3A_623 = arith.constant 7 : i32
    %get3A_624 = arith.index_cast %get3A_623 : i32 to index
    %get3A_625 = arith.constant 32 : index
    %get3A_626 = tpu.vector_load %arg12[%get3A_624, %get3A_625] {strides = array<i32>} : memref<8x64xi32, #tpu.memory_space<vmem>>, vector<1x16xi32>,
    %get3A_627 = vector.shape_cast %get3A_626 : vector<1x16xi32> to vector<16xi32>
    %mul3A_628 = arith.constant 1024 : i32
    %mul3A_629 = vector.broadcast %mul3A_628 : i32 to vector<16xi32>
    %mul3A_630 = arith.muli %get3A_627, %mul3A_629 : vector<16xi32>
    %get3A_631 = arith.constant 7 : i32
    %get3A_632 = arith.index_cast %get3A_631 : i32 to index
    %get3A_633 = arith.constant 32 : index
    %get3A_634 = tpu.vector_load %arg11[%get3A_632, %get3A_633] {strides = array<i32>} : memref<8x64xi32, #tpu.memory_space<vmem>>, vector<1x16xi32>,
    %get3A_635 = vector.shape_cast %get3A_634 : vector<1x16xi32> to vector<16xi32>
    %add3A_636 = arith.addi %mul3A_630, %get3A_635 : vector<16xi32>
    %swap3A_637 = arith.constant 7 : i32
    %swap3A_638 = arith.index_cast %swap3A_637 : i32 to index
    %swap3A_639 = arith.constant 32 : index
    %swap3A_640 = tpu.vector_load %arg13[%swap3A_638, %swap3A_639] {strides = array<i32>} : memref<8x64xi32, #tpu.memory_space<vmem>>, vector<1x16xi32>,
    %swap3A_641 = vector.shape_cast %swap3A_640 : vector<1x16xi32> to vector<16xi32>
    %swap3A_642 = vector.shape_cast %add3A_636 : vector<16xi32> to vector<1x16xi32>
    tpu.vector_store %arg13[%swap3A_638, %swap3A_639], %swap3A_642 {strides = array<i32>} : memref<8x64xi32, #tpu.memory_space<vmem>>, vector<1x16xi32>,
    %get3A_643 = arith.constant 7 : i32
    %get3A_644 = arith.index_cast %get3A_643 : i32 to index
    %get3A_645 = arith.constant 48 : index
    %get3A_646 = tpu.vector_load %arg12[%get3A_644, %get3A_645] {strides = array<i32>} : memref<8x64xi32, #tpu.memory_space<vmem>>, vector<1x16xi32>,
    %get3A_647 = vector.shape_cast %get3A_646 : vector<1x16xi32> to vector<16xi32>
    %mul3A_648 = arith.constant 1024 : i32
    %mul3A_649 = vector.broadcast %mul3A_648 : i32 to vector<16xi32>
    %mul3A_650 = arith.muli %get3A_647, %mul3A_649 : vector<16xi32>
    %get3A_651 = arith.constant 7 : i32
    %get3A_652 = arith.index_cast %get3A_651 : i32 to index
    %get3A_653 = arith.constant 48 : index
    %get3A_654 = tpu.vector_load %arg11[%get3A_652, %get3A_653] {strides = array<i32>} : memref<8x64xi32, #tpu.memory_space<vmem>>, vector<1x16xi32>,
    %get3A_655 = vector.shape_cast %get3A_654 : vector<1x16xi32> to vector<16xi32>
    %add3A_656 = arith.addi %mul3A_650, %get3A_655 : vector<16xi32>
    %swap3A_657 = arith.constant 7 : i32
    %swap3A_658 = arith.index_cast %swap3A_657 : i32 to index
    %swap3A_659 = arith.constant 48 : index
    %swap3A_660 = tpu.vector_load %arg13[%swap3A_658, %swap3A_659] {strides = array<i32>} : memref<8x64xi32, #tpu.memory_space<vmem>>, vector<1x16xi32>,
    %swap3A_661 = vector.shape_cast %swap3A_660 : vector<1x16xi32> to vector<16xi32>
    %swap3A_662 = vector.shape_cast %add3A_656 : vector<16xi32> to vector<1x16xi32>
    tpu.vector_store %arg13[%swap3A_658, %swap3A_659], %swap3A_662 {strides = array<i32>} : memref<8x64xi32, #tpu.memory_space<vmem>>, vector<1x16xi32>,
    %mul3A_663 = arith.constant 65536 : i32
    %mul3A_664 = arith.muli %arg1, %mul3A_663 : i32
    %add3A_665 = arith.constant 0 : i32
    %add3A_666 = arith.addi %mul3A_664, %add3A_665 : i32
    %dma_start3A = tpu.memref_slice %arg27[%add3A_666] : memref<1048576xf32, #tpu.memory_space<vmem_shared>> -> memref<8192xf32, #tpu.memory_space<vmem_shared>>
    %dma_start3A_667 = tpu.memref_slice %arg27[%add3A_666] : memref<1048576xf32, #tpu.memory_space<vmem_shared>> -> memref<8192xf32, #tpu.memory_space<vmem_shared>>
    tpu.enqueue_dma source(%arg16 : memref<8192xf32, #tpu.memory_space<vmem>>) target(%dma_start3A_667 : memref<8192xf32, #tpu.memory_space<vmem_shared>>) target_semaphore(%arg18 : memref<!tpu.dma_semaphore, #tpu.memory_space<semaphore_mem>>)
    %mul3A_668 = arith.constant 65536 : i32
    %mul3A_669 = arith.muli %arg1, %mul3A_668 : i32
    %add3A_670 = arith.constant 8192 : i32
    %add3A_671 = arith.addi %mul3A_669, %add3A_670 : i32
    %dma_start3A_672 = tpu.memref_slice %arg27[%add3A_671] : memref<1048576xf32, #tpu.memory_space<vmem_shared>> -> memref<8192xf32, #tpu.memory_space<vmem_shared>>
    %dma_start3A_673 = tpu.memref_slice %arg27[%add3A_671] : memref<1048576xf32, #tpu.memory_space<vmem_shared>> -> memref<8192xf32, #tpu.memory_space<vmem_shared>>
    tpu.enqueue_dma source(%arg16 : memref<8192xf32, #tpu.memory_space<vmem>>) target(%dma_start3A_673 : memref<8192xf32, #tpu.memory_space<vmem_shared>>) target_semaphore(%arg18 : memref<!tpu.dma_semaphore, #tpu.memory_space<semaphore_mem>>)
    %mul3A_674 = arith.constant 65536 : i32
    %mul3A_675 = arith.muli %arg1, %mul3A_674 : i32
    %add3A_676 = arith.constant 16384 : i32
    %add3A_677 = arith.addi %mul3A_675, %add3A_676 : i32
    %dma_start3A_678 = tpu.memref_slice %arg27[%add3A_677] : memref<1048576xf32, #tpu.memory_space<vmem_shared>> -> memref<8192xf32, #tpu.memory_space<vmem_shared>>
    %dma_start3A_679 = tpu.memref_slice %arg27[%add3A_677] : memref<1048576xf32, #tpu.memory_space<vmem_shared>> -> memref<8192xf32, #tpu.memory_space<vmem_shared>>
    tpu.enqueue_dma source(%arg16 : memref<8192xf32, #tpu.memory_space<vmem>>) target(%dma_start3A_679 : memref<8192xf32, #tpu.memory_space<vmem_shared>>) target_semaphore(%arg18 : memref<!tpu.dma_semaphore, #tpu.memory_space<semaphore_mem>>)
    %mul3A_680 = arith.constant 65536 : i32
    %mul3A_681 = arith.muli %arg1, %mul3A_680 : i32
    %add3A_682 = arith.constant 24576 : i32
    %add3A_683 = arith.addi %mul3A_681, %add3A_682 : i32
    %dma_start3A_684 = tpu.memref_slice %arg27[%add3A_683] : memref<1048576xf32, #tpu.memory_space<vmem_shared>> -> memref<8192xf32, #tpu.memory_space<vmem_shared>>
    %dma_start3A_685 = tpu.memref_slice %arg27[%add3A_683] : memref<1048576xf32, #tpu.memory_space<vmem_shared>> -> memref<8192xf32, #tpu.memory_space<vmem_shared>>
    tpu.enqueue_dma source(%arg16 : memref<8192xf32, #tpu.memory_space<vmem>>) target(%dma_start3A_685 : memref<8192xf32, #tpu.memory_space<vmem_shared>>) target_semaphore(%arg18 : memref<!tpu.dma_semaphore, #tpu.memory_space<semaphore_mem>>)
    %mul3A_686 = arith.constant 65536 : i32
    %mul3A_687 = arith.muli %arg1, %mul3A_686 : i32
    %add3A_688 = arith.constant 32768 : i32
    %add3A_689 = arith.addi %mul3A_687, %add3A_688 : i32
    %dma_start3A_690 = tpu.memref_slice %arg27[%add3A_689] : memref<1048576xf32, #tpu.memory_space<vmem_shared>> -> memref<8192xf32, #tpu.memory_space<vmem_shared>>
    %dma_start3A_691 = tpu.memref_slice %arg27[%add3A_689] : memref<1048576xf32, #tpu.memory_space<vmem_shared>> -> memref<8192xf32, #tpu.memory_space<vmem_shared>>
    tpu.enqueue_dma source(%arg16 : memref<8192xf32, #tpu.memory_space<vmem>>) target(%dma_start3A_691 : memref<8192xf32, #tpu.memory_space<vmem_shared>>) target_semaphore(%arg18 : memref<!tpu.dma_semaphore, #tpu.memory_space<semaphore_mem>>)
    %mul3A_692 = arith.constant 65536 : i32
    %mul3A_693 = arith.muli %arg1, %mul3A_692 : i32
    %add3A_694 = arith.constant 40960 : i32
    %add3A_695 = arith.addi %mul3A_693, %add3A_694 : i32
    %dma_start3A_696 = tpu.memref_slice %arg27[%add3A_695] : memref<1048576xf32, #tpu.memory_space<vmem_shared>> -> memref<8192xf32, #tpu.memory_space<vmem_shared>>
    %dma_start3A_697 = tpu.memref_slice %arg27[%add3A_695] : memref<1048576xf32, #tpu.memory_space<vmem_shared>> -> memref<8192xf32, #tpu.memory_space<vmem_shared>>
    tpu.enqueue_dma source(%arg16 : memref<8192xf32, #tpu.memory_space<vmem>>) target(%dma_start3A_697 : memref<8192xf32, #tpu.memory_space<vmem_shared>>) target_semaphore(%arg18 : memref<!tpu.dma_semaphore, #tpu.memory_space<semaphore_mem>>)
    %mul3A_698 = arith.constant 65536 : i32
    %mul3A_699 = arith.muli %arg1, %mul3A_698 : i32
    %add3A_700 = arith.constant 49152 : i32
    %add3A_701 = arith.addi %mul3A_699, %add3A_700 : i32
    %dma_start3A_702 = tpu.memref_slice %arg27[%add3A_701] : memref<1048576xf32, #tpu.memory_space<vmem_shared>> -> memref<8192xf32, #tpu.memory_space<vmem_shared>>
    %dma_start3A_703 = tpu.memref_slice %arg27[%add3A_701] : memref<1048576xf32, #tpu.memory_space<vmem_shared>> -> memref<8192xf32, #tpu.memory_space<vmem_shared>>
    tpu.enqueue_dma source(%arg16 : memref<8192xf32, #tpu.memory_space<vmem>>) target(%dma_start3A_703 : memref<8192xf32, #tpu.memory_space<vmem_shared>>) target_semaphore(%arg18 : memref<!tpu.dma_semaphore, #tpu.memory_space<semaphore_mem>>)
    %mul3A_704 = arith.constant 65536 : i32
    %mul3A_705 = arith.muli %arg1, %mul3A_704 : i32
    %add3A_706 = arith.constant 57344 : i32
    %add3A_707 = arith.addi %mul3A_705, %add3A_706 : i32
    %dma_start3A_708 = tpu.memref_slice %arg27[%add3A_707] : memref<1048576xf32, #tpu.memory_space<vmem_shared>> -> memref<8192xf32, #tpu.memory_space<vmem_shared>>
    %dma_start3A_709 = tpu.memref_slice %arg27[%add3A_707] : memref<1048576xf32, #tpu.memory_space<vmem_shared>> -> memref<8192xf32, #tpu.memory_space<vmem_shared>>
    tpu.enqueue_dma source(%arg16 : memref<8192xf32, #tpu.memory_space<vmem>>) target(%dma_start3A_709 : memref<8192xf32, #tpu.memory_space<vmem_shared>>) target_semaphore(%arg18 : memref<!tpu.dma_semaphore, #tpu.memory_space<semaphore_mem>>)
    %mul3A_710 = arith.constant 640 : i32
    %mul3A_711 = arith.muli %arg1, %mul3A_710 : i32
    %dma_start3A_712 = arith.constant 0 : i32
    %dma_start3A_713 = tpu.memref_slice %arg16[%dma_start3A_712] : memref<8192xf32, #tpu.memory_space<vmem>> -> memref<640xf32, #tpu.memory_space<vmem>>
    %dma_start3A_714 = tpu.memref_slice %arg24[%mul3A_711] : memref<10240xf32, #tpu.memory_space<vmem_shared>> -> memref<640xf32, #tpu.memory_space<vmem_shared>>
    %dma_start3A_715 = tpu.memref_slice %arg24[%mul3A_711] : memref<10240xf32, #tpu.memory_space<vmem_shared>> -> memref<640xf32, #tpu.memory_space<vmem_shared>>
    %dma_start3A_716 = arith.constant 0 : i32
    %dma_start3A_717 = tpu.memref_slice %arg16[%dma_start3A_716] : memref<8192xf32, #tpu.memory_space<vmem>> -> memref<640xf32, #tpu.memory_space<vmem>>
    tpu.enqueue_dma source(%dma_start3A_717 : memref<640xf32, #tpu.memory_space<vmem>>) target(%dma_start3A_715 : memref<640xf32, #tpu.memory_space<vmem_shared>>) target_semaphore(%arg19 : memref<!tpu.dma_semaphore, #tpu.memory_space<semaphore_mem>>)
    %mul3A_718 = arith.constant 64 : i32
    %mul3A_719 = arith.muli %arg1, %mul3A_718 : i32
    %dma_start3A_720 = arith.constant 0 : i32
    %dma_start3A_721 = tpu.memref_slice %arg16[%dma_start3A_720] : memref<8192xf32, #tpu.memory_space<vmem>> -> memref<64xf32, #tpu.memory_space<vmem>>
    %dma_start3A_722 = tpu.memref_slice %arg25[%mul3A_719] : memref<1024xf32, #tpu.memory_space<vmem_shared>> -> memref<64xf32, #tpu.memory_space<vmem_shared>>
    %dma_start3A_723 = tpu.memref_slice %arg25[%mul3A_719] : memref<1024xf32, #tpu.memory_space<vmem_shared>> -> memref<64xf32, #tpu.memory_space<vmem_shared>>
    %dma_start3A_724 = arith.constant 0 : i32
    %dma_start3A_725 = tpu.memref_slice %arg16[%dma_start3A_724] : memref<8192xf32, #tpu.memory_space<vmem>> -> memref<64xf32, #tpu.memory_space<vmem>>
    tpu.enqueue_dma source(%dma_start3A_725 : memref<64xf32, #tpu.memory_space<vmem>>) target(%dma_start3A_723 : memref<64xf32, #tpu.memory_space<vmem_shared>>) target_semaphore(%arg20 : memref<!tpu.dma_semaphore, #tpu.memory_space<semaphore_mem>>)
    %mul3A_726 = arith.constant 64 : i32
    %mul3A_727 = arith.muli %arg1, %mul3A_726 : i32
    %dma_start3A_728 = arith.constant 0 : i32
    %dma_start3A_729 = tpu.memref_slice %arg16[%dma_start3A_728] : memref<8192xf32, #tpu.memory_space<vmem>> -> memref<64xf32, #tpu.memory_space<vmem>>
    %dma_start3A_730 = tpu.memref_slice %arg26[%mul3A_727] : memref<1024xf32, #tpu.memory_space<vmem_shared>> -> memref<64xf32, #tpu.memory_space<vmem_shared>>
    %dma_start3A_731 = tpu.memref_slice %arg26[%mul3A_727] : memref<1024xf32, #tpu.memory_space<vmem_shared>> -> memref<64xf32, #tpu.memory_space<vmem_shared>>
    %dma_start3A_732 = arith.constant 0 : i32
    %dma_start3A_733 = tpu.memref_slice %arg16[%dma_start3A_732] : memref<8192xf32, #tpu.memory_space<vmem>> -> memref<64xf32, #tpu.memory_space<vmem>>
    tpu.enqueue_dma source(%dma_start3A_733 : memref<64xf32, #tpu.memory_space<vmem>>) target(%dma_start3A_731 : memref<64xf32, #tpu.memory_space<vmem_shared>>) target_semaphore(%arg21 : memref<!tpu.dma_semaphore, #tpu.memory_space<semaphore_mem>>)
    %mul3A_734 = arith.constant 65536 : i32
    %mul3A_735 = arith.muli %arg1, %mul3A_734 : i32
    %add3A_736 = arith.constant 0 : i32
    %add3A_737 = arith.addi %mul3A_735, %add3A_736 : i32
    %dma_wait3A = tpu.memref_slice %arg27[%add3A_737] : memref<1048576xf32, #tpu.memory_space<vmem_shared>> -> memref<8192xf32, #tpu.memory_space<vmem_shared>>
    %dma_wait3A_738 = tpu.memref_slice %arg27[%add3A_737] : memref<1048576xf32, #tpu.memory_space<vmem_shared>> -> memref<8192xf32, #tpu.memory_space<vmem_shared>>
    tpu.wait_dma2 semaphore(%arg18 : memref<!tpu.dma_semaphore, #tpu.memory_space<semaphore_mem>>) src(%arg16 : memref<8192xf32, #tpu.memory_space<vmem>>) dst(%dma_wait3A_738 : memref<8192xf32, #tpu.memory_space<vmem_shared>>)
    %mul3A_739 = arith.constant 65536 : i32
    %mul3A_740 = arith.muli %arg1, %mul3A_739 : i32
    %add3A_741 = arith.constant 8192 : i32
    %add3A_742 = arith.addi %mul3A_740, %add3A_741 : i32
    %dma_wait3A_743 = tpu.memref_slice %arg27[%add3A_742] : memref<1048576xf32, #tpu.memory_space<vmem_shared>> -> memref<8192xf32, #tpu.memory_space<vmem_shared>>
    %dma_wait3A_744 = tpu.memref_slice %arg27[%add3A_742] : memref<1048576xf32, #tpu.memory_space<vmem_shared>> -> memref<8192xf32, #tpu.memory_space<vmem_shared>>
    tpu.wait_dma2 semaphore(%arg18 : memref<!tpu.dma_semaphore, #tpu.memory_space<semaphore_mem>>) src(%arg16 : memref<8192xf32, #tpu.memory_space<vmem>>) dst(%dma_wait3A_744 : memref<8192xf32, #tpu.memory_space<vmem_shared>>)
    %mul3A_745 = arith.constant 65536 : i32
    %mul3A_746 = arith.muli %arg1, %mul3A_745 : i32
    %add3A_747 = arith.constant 16384 : i32
    %add3A_748 = arith.addi %mul3A_746, %add3A_747 : i32
    %dma_wait3A_749 = tpu.memref_slice %arg27[%add3A_748] : memref<1048576xf32, #tpu.memory_space<vmem_shared>> -> memref<8192xf32, #tpu.memory_space<vmem_shared>>
    %dma_wait3A_750 = tpu.memref_slice %arg27[%add3A_748] : memref<1048576xf32, #tpu.memory_space<vmem_shared>> -> memref<8192xf32, #tpu.memory_space<vmem_shared>>
    tpu.wait_dma2 semaphore(%arg18 : memref<!tpu.dma_semaphore, #tpu.memory_space<semaphore_mem>>) src(%arg16 : memref<8192xf32, #tpu.memory_space<vmem>>) dst(%dma_wait3A_750 : memref<8192xf32, #tpu.memory_space<vmem_shared>>)
    %mul3A_751 = arith.constant 65536 : i32
    %mul3A_752 = arith.muli %arg1, %mul3A_751 : i32
    %add3A_753 = arith.constant 24576 : i32
    %add3A_754 = arith.addi %mul3A_752, %add3A_753 : i32
    %dma_wait3A_755 = tpu.memref_slice %arg27[%add3A_754] : memref<1048576xf32, #tpu.memory_space<vmem_shared>> -> memref<8192xf32, #tpu.memory_space<vmem_shared>>
    %dma_wait3A_756 = tpu.memref_slice %arg27[%add3A_754] : memref<1048576xf32, #tpu.memory_space<vmem_shared>> -> memref<8192xf32, #tpu.memory_space<vmem_shared>>
    tpu.wait_dma2 semaphore(%arg18 : memref<!tpu.dma_semaphore, #tpu.memory_space<semaphore_mem>>) src(%arg16 : memref<8192xf32, #tpu.memory_space<vmem>>) dst(%dma_wait3A_756 : memref<8192xf32, #tpu.memory_space<vmem_shared>>)
    %mul3A_757 = arith.constant 65536 : i32
    %mul3A_758 = arith.muli %arg1, %mul3A_757 : i32
    %add3A_759 = arith.constant 32768 : i32
    %add3A_760 = arith.addi %mul3A_758, %add3A_759 : i32
    %dma_wait3A_761 = tpu.memref_slice %arg27[%add3A_760] : memref<1048576xf32, #tpu.memory_space<vmem_shared>> -> memref<8192xf32, #tpu.memory_space<vmem_shared>>
    %dma_wait3A_762 = tpu.memref_slice %arg27[%add3A_760] : memref<1048576xf32, #tpu.memory_space<vmem_shared>> -> memref<8192xf32, #tpu.memory_space<vmem_shared>>
    tpu.wait_dma2 semaphore(%arg18 : memref<!tpu.dma_semaphore, #tpu.memory_space<semaphore_mem>>) src(%arg16 : memref<8192xf32, #tpu.memory_space<vmem>>) dst(%dma_wait3A_762 : memref<8192xf32, #tpu.memory_space<vmem_shared>>)
    %mul3A_763 = arith.constant 65536 : i32
    %mul3A_764 = arith.muli %arg1, %mul3A_763 : i32
    %add3A_765 = arith.constant 40960 : i32
    %add3A_766 = arith.addi %mul3A_764, %add3A_765 : i32
    %dma_wait3A_767 = tpu.memref_slice %arg27[%add3A_766] : memref<1048576xf32, #tpu.memory_space<vmem_shared>> -> memref<8192xf32, #tpu.memory_space<vmem_shared>>
    %dma_wait3A_768 = tpu.memref_slice %arg27[%add3A_766] : memref<1048576xf32, #tpu.memory_space<vmem_shared>> -> memref<8192xf32, #tpu.memory_space<vmem_shared>>
    tpu.wait_dma2 semaphore(%arg18 : memref<!tpu.dma_semaphore, #tpu.memory_space<semaphore_mem>>) src(%arg16 : memref<8192xf32, #tpu.memory_space<vmem>>) dst(%dma_wait3A_768 : memref<8192xf32, #tpu.memory_space<vmem_shared>>)
    %mul3A_769 = arith.constant 65536 : i32
    %mul3A_770 = arith.muli %arg1, %mul3A_769 : i32
    %add3A_771 = arith.constant 49152 : i32
    %add3A_772 = arith.addi %mul3A_770, %add3A_771 : i32
    %dma_wait3A_773 = tpu.memref_slice %arg27[%add3A_772] : memref<1048576xf32, #tpu.memory_space<vmem_shared>> -> memref<8192xf32, #tpu.memory_space<vmem_shared>>
    %dma_wait3A_774 = tpu.memref_slice %arg27[%add3A_772] : memref<1048576xf32, #tpu.memory_space<vmem_shared>> -> memref<8192xf32, #tpu.memory_space<vmem_shared>>
    tpu.wait_dma2 semaphore(%arg18 : memref<!tpu.dma_semaphore, #tpu.memory_space<semaphore_mem>>) src(%arg16 : memref<8192xf32, #tpu.memory_space<vmem>>) dst(%dma_wait3A_774 : memref<8192xf32, #tpu.memory_space<vmem_shared>>)
    %mul3A_775 = arith.constant 65536 : i32
    %mul3A_776 = arith.muli %arg1, %mul3A_775 : i32
    %add3A_777 = arith.constant 57344 : i32
    %add3A_778 = arith.addi %mul3A_776, %add3A_777 : i32
    %dma_wait3A_779 = tpu.memref_slice %arg27[%add3A_778] : memref<1048576xf32, #tpu.memory_space<vmem_shared>> -> memref<8192xf32, #tpu.memory_space<vmem_shared>>
    %dma_wait3A_780 = tpu.memref_slice %arg27[%add3A_778] : memref<1048576xf32, #tpu.memory_space<vmem_shared>> -> memref<8192xf32, #tpu.memory_space<vmem_shared>>
    tpu.wait_dma2 semaphore(%arg18 : memref<!tpu.dma_semaphore, #tpu.memory_space<semaphore_mem>>) src(%arg16 : memref<8192xf32, #tpu.memory_space<vmem>>) dst(%dma_wait3A_780 : memref<8192xf32, #tpu.memory_space<vmem_shared>>)
    %mul3A_781 = arith.constant 640 : i32
    %mul3A_782 = arith.muli %arg1, %mul3A_781 : i32
    %dma_wait3A_783 = arith.constant 0 : i32
    %dma_wait3A_784 = tpu.memref_slice %arg16[%dma_wait3A_783] : memref<8192xf32, #tpu.memory_space<vmem>> -> memref<640xf32, #tpu.memory_space<vmem>>
    %dma_wait3A_785 = tpu.memref_slice %arg24[%mul3A_782] : memref<10240xf32, #tpu.memory_space<vmem_shared>> -> memref<640xf32, #tpu.memory_space<vmem_shared>>
    %dma_wait3A_786 = tpu.memref_slice %arg24[%mul3A_782] : memref<10240xf32, #tpu.memory_space<vmem_shared>> -> memref<640xf32, #tpu.memory_space<vmem_shared>>
    %dma_wait3A_787 = arith.constant 0 : i32
    %dma_wait3A_788 = tpu.memref_slice %arg16[%dma_wait3A_787] : memref<8192xf32, #tpu.memory_space<vmem>> -> memref<640xf32, #tpu.memory_space<vmem>>
    tpu.wait_dma2 semaphore(%arg19 : memref<!tpu.dma_semaphore, #tpu.memory_space<semaphore_mem>>) src(%dma_wait3A_788 : memref<640xf32, #tpu.memory_space<vmem>>) dst(%dma_wait3A_786 : memref<640xf32, #tpu.memory_space<vmem_shared>>)
    %mul3A_789 = arith.constant 64 : i32
    %mul3A_790 = arith.muli %arg1, %mul3A_789 : i32
    %dma_wait3A_791 = arith.constant 0 : i32
    %dma_wait3A_792 = tpu.memref_slice %arg16[%dma_wait3A_791] : memref<8192xf32, #tpu.memory_space<vmem>> -> memref<64xf32, #tpu.memory_space<vmem>>
    %dma_wait3A_793 = tpu.memref_slice %arg25[%mul3A_790] : memref<1024xf32, #tpu.memory_space<vmem_shared>> -> memref<64xf32, #tpu.memory_space<vmem_shared>>
    %dma_wait3A_794 = tpu.memref_slice %arg25[%mul3A_790] : memref<1024xf32, #tpu.memory_space<vmem_shared>> -> memref<64xf32, #tpu.memory_space<vmem_shared>>
    %dma_wait3A_795 = arith.constant 0 : i32
    %dma_wait3A_796 = tpu.memref_slice %arg16[%dma_wait3A_795] : memref<8192xf32, #tpu.memory_space<vmem>> -> memref<64xf32, #tpu.memory_space<vmem>>
    tpu.wait_dma2 semaphore(%arg20 : memref<!tpu.dma_semaphore, #tpu.memory_space<semaphore_mem>>) src(%dma_wait3A_796 : memref<64xf32, #tpu.memory_space<vmem>>) dst(%dma_wait3A_794 : memref<64xf32, #tpu.memory_space<vmem_shared>>)
    %mul3A_797 = arith.constant 64 : i32
    %mul3A_798 = arith.muli %arg1, %mul3A_797 : i32
    %dma_wait3A_799 = arith.constant 0 : i32
    %dma_wait3A_800 = tpu.memref_slice %arg16[%dma_wait3A_799] : memref<8192xf32, #tpu.memory_space<vmem>> -> memref<64xf32, #tpu.memory_space<vmem>>
    %dma_wait3A_801 = tpu.memref_slice %arg26[%mul3A_798] : memref<1024xf32, #tpu.memory_space<vmem_shared>> -> memref<64xf32, #tpu.memory_space<vmem_shared>>
    %dma_wait3A_802 = tpu.memref_slice %arg26[%mul3A_798] : memref<1024xf32, #tpu.memory_space<vmem_shared>> -> memref<64xf32, #tpu.memory_space<vmem_shared>>
    %dma_wait3A_803 = arith.constant 0 : i32
    %dma_wait3A_804 = tpu.memref_slice %arg16[%dma_wait3A_803] : memref<8192xf32, #tpu.memory_space<vmem>> -> memref<64xf32, #tpu.memory_space<vmem>>
    tpu.wait_dma2 semaphore(%arg21 : memref<!tpu.dma_semaphore, #tpu.memory_space<semaphore_mem>>) src(%dma_wait3A_804 : memref<64xf32, #tpu.memory_space<vmem>>) dst(%dma_wait3A_802 : memref<64xf32, #tpu.memory_space<vmem_shared>>)
    %barrier3A = arith.constant 0 : index
    tpu.barrier barrier_id(%barrier3A)
    %scan3A_805 = arith.constant 0 : i32
    %scan3A_806 = arith.constant 0 : i32
    %scan3A_807 = arith.constant 20 : i32
    %scan3A_808 = arith.addi %scan3A_806, %scan3A_807 : i32
    %scan3A_809 = arith.constant 1 : i32
    %scan3A_810 = scf.for %scan3A_1450 = %scan3A_806 to %scan3A_808 step %scan3A_809 iter_args(%scan3A_1451 = %scan3A_805) -> (i32)  : i32 {
      %gt3A = arith.constant 0 : i32
      %gt3A_1452 = arith.cmpi sgt, %scan3A_1450, %gt3A : i32
      %convert_element_type3A = arith.extui %gt3A_1452 : i1 to i32
      %cond3A = arith.constant 0 : i32
      %cond3A_1453 = arith.cmpi ne, %convert_element_type3A, %cond3A : i32
      scf.if %cond3A_1453 {
        %dma_wait3A_1506 = arith.constant 0 : i32
        %dma_wait3A_1507 = arith.constant 0 : i32
        %dma_wait3A_1508 = tpu.memref_slice %arg10[%dma_wait3A_1506, %dma_wait3A_1507] : memref<80x128xi32, #tpu.memory_space<vmem>> -> memref<1x128xi32, #tpu.memory_space<vmem>>
        %dma_wait3A_1509 = tpu.memref_squeeze %dma_wait3A_1508 : memref<1x128xi32, #tpu.memory_space<vmem>> -> memref<128xi32, #tpu.memory_space<vmem>>
        %dma_wait3A_1510 = arith.constant 0 : i32
        %dma_wait3A_1511 = tpu.memref_slice %arg24[%dma_wait3A_1510] : memref<10240xf32, #tpu.memory_space<vmem_shared>> -> memref<10240xf32, #tpu.memory_space<vmem_shared>>
        tpu.wait_indirect_dma semaphore(%arg18 : memref<!tpu.dma_semaphore, #tpu.memory_space<semaphore_mem>>) src(%arg15 : memref<128xf32, #tpu.memory_space<vmem>>) dst(%dma_wait3A_1511 : memref<10240xf32, #tpu.memory_space<vmem_shared>>)
      } else {
      }
      %mul3A_1454 = arith.constant 4 : i32
      %mul3A_1455 = arith.muli %scan3A_1450, %mul3A_1454 : i32
      %add3A_1456 = arith.constant 0 : i32
      %add3A_1457 = arith.addi %mul3A_1455, %add3A_1456 : i32
      %dma_start3A_1458 = arith.constant 0 : i32
      %dma_start3A_1459 = tpu.memref_slice %arg10[%add3A_1457, %dma_start3A_1458] : memref<80x128xi32, #tpu.memory_space<vmem>> -> memref<1x128xi32, #tpu.memory_space<vmem>>
      %dma_start3A_1460 = tpu.memref_squeeze %dma_start3A_1459 : memref<1x128xi32, #tpu.memory_space<vmem>> -> memref<128xi32, #tpu.memory_space<vmem>>
      %dma_start3A_1461 = arith.constant 0 : i32
      %dma_start3A_1462 = tpu.memref_slice %arg24[%dma_start3A_1461] : memref<10240xf32, #tpu.memory_space<vmem_shared>> -> memref<10240xf32, #tpu.memory_space<vmem_shared>>
      tpu.enqueue_indirect_dma source(%arg15 : memref<128xf32, #tpu.memory_space<vmem>>) target(%dma_start3A_1462 : memref<10240xf32, #tpu.memory_space<vmem_shared>>) offsets(%dma_start3A_1460 : memref<128xi32, #tpu.memory_space<vmem>>) semaphore(%arg18 : memref<!tpu.dma_semaphore, #tpu.memory_space<semaphore_mem>>) {add = true}
      %gt3A_1463 = arith.constant 0 : i32
      %gt3A_1464 = arith.cmpi sgt, %scan3A_1450, %gt3A_1463 : i32
      %convert_element_type3A_1465 = arith.extui %gt3A_1464 : i1 to i32
      %cond3A_1466 = arith.constant 0 : i32
      %cond3A_1467 = arith.cmpi ne, %convert_element_type3A_1465, %cond3A_1466 : i32
      scf.if %cond3A_1467 {
        %dma_wait3A_1506 = arith.constant 0 : i32
        %dma_wait3A_1507 = arith.constant 0 : i32
        %dma_wait3A_1508 = tpu.memref_slice %arg10[%dma_wait3A_1506, %dma_wait3A_1507] : memref<80x128xi32, #tpu.memory_space<vmem>> -> memref<1x128xi32, #tpu.memory_space<vmem>>
        %dma_wait3A_1509 = tpu.memref_squeeze %dma_wait3A_1508 : memref<1x128xi32, #tpu.memory_space<vmem>> -> memref<128xi32, #tpu.memory_space<vmem>>
        %dma_wait3A_1510 = arith.constant 0 : i32
        %dma_wait3A_1511 = tpu.memref_slice %arg24[%dma_wait3A_1510] : memref<10240xf32, #tpu.memory_space<vmem_shared>> -> memref<10240xf32, #tpu.memory_space<vmem_shared>>
        tpu.wait_indirect_dma semaphore(%arg19 : memref<!tpu.dma_semaphore, #tpu.memory_space<semaphore_mem>>) src(%arg15 : memref<128xf32, #tpu.memory_space<vmem>>) dst(%dma_wait3A_1511 : memref<10240xf32, #tpu.memory_space<vmem_shared>>)
      } else {
      }
      %mul3A_1468 = arith.constant 4 : i32
      %mul3A_1469 = arith.muli %scan3A_1450, %mul3A_1468 : i32
      %add3A_1470 = arith.constant 1 : i32
      %add3A_1471 = arith.addi %mul3A_1469, %add3A_1470 : i32
      %dma_start3A_1472 = arith.constant 0 : i32
      %dma_start3A_1473 = tpu.memref_slice %arg10[%add3A_1471, %dma_start3A_1472] : memref<80x128xi32, #tpu.memory_space<vmem>> -> memref<1x128xi32, #tpu.memory_space<vmem>>
      %dma_start3A_1474 = tpu.memref_squeeze %dma_start3A_1473 : memref<1x128xi32, #tpu.memory_space<vmem>> -> memref<128xi32, #tpu.memory_space<vmem>>
      %dma_start3A_1475 = arith.constant 0 : i32
      %dma_start3A_1476 = tpu.memref_slice %arg24[%dma_start3A_1475] : memref<10240xf32, #tpu.memory_space<vmem_shared>> -> memref<10240xf32, #tpu.memory_space<vmem_shared>>
      tpu.enqueue_indirect_dma source(%arg15 : memref<128xf32, #tpu.memory_space<vmem>>) target(%dma_start3A_1476 : memref<10240xf32, #tpu.memory_space<vmem_shared>>) offsets(%dma_start3A_1474 : memref<128xi32, #tpu.memory_space<vmem>>) semaphore(%arg19 : memref<!tpu.dma_semaphore, #tpu.memory_space<semaphore_mem>>) {add = true}
      %gt3A_1477 = arith.constant 0 : i32
      %gt3A_1478 = arith.cmpi sgt, %scan3A_1450, %gt3A_1477 : i32
      %convert_element_type3A_1479 = arith.extui %gt3A_1478 : i1 to i32
      %cond3A_1480 = arith.constant 0 : i32
      %cond3A_1481 = arith.cmpi ne, %convert_element_type3A_1479, %cond3A_1480 : i32
      scf.if %cond3A_1481 {
        %dma_wait3A_1506 = arith.constant 0 : i32
        %dma_wait3A_1507 = arith.constant 0 : i32
        %dma_wait3A_1508 = tpu.memref_slice %arg10[%dma_wait3A_1506, %dma_wait3A_1507] : memref<80x128xi32, #tpu.memory_space<vmem>> -> memref<1x128xi32, #tpu.memory_space<vmem>>
        %dma_wait3A_1509 = tpu.memref_squeeze %dma_wait3A_1508 : memref<1x128xi32, #tpu.memory_space<vmem>> -> memref<128xi32, #tpu.memory_space<vmem>>
        %dma_wait3A_1510 = arith.constant 0 : i32
        %dma_wait3A_1511 = tpu.memref_slice %arg24[%dma_wait3A_1510] : memref<10240xf32, #tpu.memory_space<vmem_shared>> -> memref<10240xf32, #tpu.memory_space<vmem_shared>>
        tpu.wait_indirect_dma semaphore(%arg20 : memref<!tpu.dma_semaphore, #tpu.memory_space<semaphore_mem>>) src(%arg15 : memref<128xf32, #tpu.memory_space<vmem>>) dst(%dma_wait3A_1511 : memref<10240xf32, #tpu.memory_space<vmem_shared>>)
      } else {
      }
      %mul3A_1482 = arith.constant 4 : i32
      %mul3A_1483 = arith.muli %scan3A_1450, %mul3A_1482 : i32
      %add3A_1484 = arith.constant 2 : i32
      %add3A_1485 = arith.addi %mul3A_1483, %add3A_1484 : i32
      %dma_start3A_1486 = arith.constant 0 : i32
      %dma_start3A_1487 = tpu.memref_slice %arg10[%add3A_1485, %dma_start3A_1486] : memref<80x128xi32, #tpu.memory_space<vmem>> -> memref<1x128xi32, #tpu.memory_space<vmem>>
      %dma_start3A_1488 = tpu.memref_squeeze %dma_start3A_1487 : memref<1x128xi32, #tpu.memory_space<vmem>> -> memref<128xi32, #tpu.memory_space<vmem>>
      %dma_start3A_1489 = arith.constant 0 : i32
      %dma_start3A_1490 = tpu.memref_slice %arg24[%dma_start3A_1489] : memref<10240xf32, #tpu.memory_space<vmem_shared>> -> memref<10240xf32, #tpu.memory_space<vmem_shared>>
      tpu.enqueue_indirect_dma source(%arg15 : memref<128xf32, #tpu.memory_space<vmem>>) target(%dma_start3A_1490 : memref<10240xf32, #tpu.memory_space<vmem_shared>>) offsets(%dma_start3A_1488 : memref<128xi32, #tpu.memory_space<vmem>>) semaphore(%arg20 : memref<!tpu.dma_semaphore, #tpu.memory_space<semaphore_mem>>) {add = true}
      %gt3A_1491 = arith.constant 0 : i32
      %gt3A_1492 = arith.cmpi sgt, %scan3A_1450, %gt3A_1491 : i32
      %convert_element_type3A_1493 = arith.extui %gt3A_1492 : i1 to i32
      %cond3A_1494 = arith.constant 0 : i32
      %cond3A_1495 = arith.cmpi ne, %convert_element_type3A_1493, %cond3A_1494 : i32
      scf.if %cond3A_1495 {
        %dma_wait3A_1506 = arith.constant 0 : i32
        %dma_wait3A_1507 = arith.constant 0 : i32
        %dma_wait3A_1508 = tpu.memref_slice %arg10[%dma_wait3A_1506, %dma_wait3A_1507] : memref<80x128xi32, #tpu.memory_space<vmem>> -> memref<1x128xi32, #tpu.memory_space<vmem>>
        %dma_wait3A_1509 = tpu.memref_squeeze %dma_wait3A_1508 : memref<1x128xi32, #tpu.memory_space<vmem>> -> memref<128xi32, #tpu.memory_space<vmem>>
        %dma_wait3A_1510 = arith.constant 0 : i32
        %dma_wait3A_1511 = tpu.memref_slice %arg24[%dma_wait3A_1510] : memref<10240xf32, #tpu.memory_space<vmem_shared>> -> memref<10240xf32, #tpu.memory_space<vmem_shared>>
        tpu.wait_indirect_dma semaphore(%arg21 : memref<!tpu.dma_semaphore, #tpu.memory_space<semaphore_mem>>) src(%arg15 : memref<128xf32, #tpu.memory_space<vmem>>) dst(%dma_wait3A_1511 : memref<10240xf32, #tpu.memory_space<vmem_shared>>)
      } else {
      }
      %mul3A_1496 = arith.constant 4 : i32
      %mul3A_1497 = arith.muli %scan3A_1450, %mul3A_1496 : i32
      %add3A_1498 = arith.constant 3 : i32
      %add3A_1499 = arith.addi %mul3A_1497, %add3A_1498 : i32
      %dma_start3A_1500 = arith.constant 0 : i32
      %dma_start3A_1501 = tpu.memref_slice %arg10[%add3A_1499, %dma_start3A_1500] : memref<80x128xi32, #tpu.memory_space<vmem>> -> memref<1x128xi32, #tpu.memory_space<vmem>>
      %dma_start3A_1502 = tpu.memref_squeeze %dma_start3A_1501 : memref<1x128xi32, #tpu.memory_space<vmem>> -> memref<128xi32, #tpu.memory_space<vmem>>
      %dma_start3A_1503 = arith.constant 0 : i32
      %dma_start3A_1504 = tpu.memref_slice %arg24[%dma_start3A_1503] : memref<10240xf32, #tpu.memory_space<vmem_shared>> -> memref<10240xf32, #tpu.memory_space<vmem_shared>>
      tpu.enqueue_indirect_dma source(%arg15 : memref<128xf32, #tpu.memory_space<vmem>>) target(%dma_start3A_1504 : memref<10240xf32, #tpu.memory_space<vmem_shared>>) offsets(%dma_start3A_1502 : memref<128xi32, #tpu.memory_space<vmem>>) semaphore(%arg21 : memref<!tpu.dma_semaphore, #tpu.memory_space<semaphore_mem>>) {add = true}
      %scan3A_1505 = arith.constant 0 : i32
      scf.yield %scan3A_1505 : i32
    }
    %scan3A_811 = arith.constant 20 : i32
    %dma_wait3A_812 = arith.constant 0 : i32
    %dma_wait3A_813 = arith.constant 0 : i32
    %dma_wait3A_814 = tpu.memref_slice %arg10[%dma_wait3A_812, %dma_wait3A_813] : memref<80x128xi32, #tpu.memory_space<vmem>> -> memref<1x128xi32, #tpu.memory_space<vmem>>
    %dma_wait3A_815 = tpu.memref_squeeze %dma_wait3A_814 : memref<1x128xi32, #tpu.memory_space<vmem>> -> memref<128xi32, #tpu.memory_space<vmem>>
    %dma_wait3A_816 = arith.constant 0 : i32
    %dma_wait3A_817 = tpu.memref_slice %arg24[%dma_wait3A_816] : memref<10240xf32, #tpu.memory_space<vmem_shared>> -> memref<10240xf32, #tpu.memory_space<vmem_shared>>
    tpu.wait_indirect_dma semaphore(%arg18 : memref<!tpu.dma_semaphore, #tpu.memory_space<semaphore_mem>>) src(%arg15 : memref<128xf32, #tpu.memory_space<vmem>>) dst(%dma_wait3A_817 : memref<10240xf32, #tpu.memory_space<vmem_shared>>)
    %dma_wait3A_818 = arith.constant 0 : i32
    %dma_wait3A_819 = arith.constant 0 : i32
    %dma_wait3A_820 = tpu.memref_slice %arg10[%dma_wait3A_818, %dma_wait3A_819] : memref<80x128xi32, #tpu.memory_space<vmem>> -> memref<1x128xi32, #tpu.memory_space<vmem>>
    %dma_wait3A_821 = tpu.memref_squeeze %dma_wait3A_820 : memref<1x128xi32, #tpu.memory_space<vmem>> -> memref<128xi32, #tpu.memory_space<vmem>>
    %dma_wait3A_822 = arith.constant 0 : i32
    %dma_wait3A_823 = tpu.memref_slice %arg24[%dma_wait3A_822] : memref<10240xf32, #tpu.memory_space<vmem_shared>> -> memref<10240xf32, #tpu.memory_space<vmem_shared>>
    tpu.wait_indirect_dma semaphore(%arg19 : memref<!tpu.dma_semaphore, #tpu.memory_space<semaphore_mem>>) src(%arg15 : memref<128xf32, #tpu.memory_space<vmem>>) dst(%dma_wait3A_823 : memref<10240xf32, #tpu.memory_space<vmem_shared>>)
    %dma_wait3A_824 = arith.constant 0 : i32
    %dma_wait3A_825 = arith.constant 0 : i32
    %dma_wait3A_826 = tpu.memref_slice %arg10[%dma_wait3A_824, %dma_wait3A_825] : memref<80x128xi32, #tpu.memory_space<vmem>> -> memref<1x128xi32, #tpu.memory_space<vmem>>
    %dma_wait3A_827 = tpu.memref_squeeze %dma_wait3A_826 : memref<1x128xi32, #tpu.memory_space<vmem>> -> memref<128xi32, #tpu.memory_space<vmem>>
    %dma_wait3A_828 = arith.constant 0 : i32
    %dma_wait3A_829 = tpu.memref_slice %arg24[%dma_wait3A_828] : memref<10240xf32, #tpu.memory_space<vmem_shared>> -> memref<10240xf32, #tpu.memory_space<vmem_shared>>
    tpu.wait_indirect_dma semaphore(%arg20 : memref<!tpu.dma_semaphore, #tpu.memory_space<semaphore_mem>>) src(%arg15 : memref<128xf32, #tpu.memory_space<vmem>>) dst(%dma_wait3A_829 : memref<10240xf32, #tpu.memory_space<vmem_shared>>)
    %dma_wait3A_830 = arith.constant 0 : i32
    %dma_wait3A_831 = arith.constant 0 : i32
    %dma_wait3A_832 = tpu.memref_slice %arg10[%dma_wait3A_830, %dma_wait3A_831] : memref<80x128xi32, #tpu.memory_space<vmem>> -> memref<1x128xi32, #tpu.memory_space<vmem>>
    %dma_wait3A_833 = tpu.memref_squeeze %dma_wait3A_832 : memref<1x128xi32, #tpu.memory_space<vmem>> -> memref<128xi32, #tpu.memory_space<vmem>>
    %dma_wait3A_834 = arith.constant 0 : i32
    %dma_wait3A_835 = tpu.memref_slice %arg24[%dma_wait3A_834] : memref<10240xf32, #tpu.memory_space<vmem_shared>> -> memref<10240xf32, #tpu.memory_space<vmem_shared>>
    tpu.wait_indirect_dma semaphore(%arg21 : memref<!tpu.dma_semaphore, #tpu.memory_space<semaphore_mem>>) src(%arg15 : memref<128xf32, #tpu.memory_space<vmem>>) dst(%dma_wait3A_835 : memref<10240xf32, #tpu.memory_space<vmem_shared>>)
    %dma_start3A_836 = arith.constant 0 : i32
    %dma_start3A_837 = arith.constant 0 : i32
    %dma_start3A_838 = tpu.memref_slice %arg15[%dma_start3A_837] : memref<128xf32, #tpu.memory_space<vmem>> -> memref<64xf32, #tpu.memory_space<vmem>>
    %dma_start3A_839 = arith.constant 0 : i32
    %dma_start3A_840 = tpu.memref_slice %arg12[%dma_start3A_836, %dma_start3A_839] : memref<8x64xi32, #tpu.memory_space<vmem>> -> memref<1x64xi32, #tpu.memory_space<vmem>>
    %dma_start3A_841 = tpu.memref_squeeze %dma_start3A_840 : memref<1x64xi32, #tpu.memory_space<vmem>> -> memref<64xi32, #tpu.memory_space<vmem>>
    %dma_start3A_842 = arith.constant 0 : i32
    %dma_start3A_843 = tpu.memref_slice %arg25[%dma_start3A_842] : memref<1024xf32, #tpu.memory_space<vmem_shared>> -> memref<1024xf32, #tpu.memory_space<vmem_shared>>
    tpu.enqueue_indirect_dma source(%dma_start3A_838 : memref<64xf32, #tpu.memory_space<vmem>>) target(%dma_start3A_843 : memref<1024xf32, #tpu.memory_space<vmem_shared>>) offsets(%dma_start3A_841 : memref<64xi32, #tpu.memory_space<vmem>>) semaphore(%arg18 : memref<!tpu.dma_semaphore, #tpu.memory_space<semaphore_mem>>) {add = true}
    %dma_start3A_844 = arith.constant 1 : i32
    %dma_start3A_845 = arith.constant 0 : i32
    %dma_start3A_846 = tpu.memref_slice %arg15[%dma_start3A_845] : memref<128xf32, #tpu.memory_space<vmem>> -> memref<64xf32, #tpu.memory_space<vmem>>
    %dma_start3A_847 = arith.constant 0 : i32
    %dma_start3A_848 = tpu.memref_slice %arg12[%dma_start3A_844, %dma_start3A_847] : memref<8x64xi32, #tpu.memory_space<vmem>> -> memref<1x64xi32, #tpu.memory_space<vmem>>
    %dma_start3A_849 = tpu.memref_squeeze %dma_start3A_848 : memref<1x64xi32, #tpu.memory_space<vmem>> -> memref<64xi32, #tpu.memory_space<vmem>>
    %dma_start3A_850 = arith.constant 0 : i32
    %dma_start3A_851 = tpu.memref_slice %arg25[%dma_start3A_850] : memref<1024xf32, #tpu.memory_space<vmem_shared>> -> memref<1024xf32, #tpu.memory_space<vmem_shared>>
    tpu.enqueue_indirect_dma source(%dma_start3A_846 : memref<64xf32, #tpu.memory_space<vmem>>) target(%dma_start3A_851 : memref<1024xf32, #tpu.memory_space<vmem_shared>>) offsets(%dma_start3A_849 : memref<64xi32, #tpu.memory_space<vmem>>) semaphore(%arg19 : memref<!tpu.dma_semaphore, #tpu.memory_space<semaphore_mem>>) {add = true}
    %dma_start3A_852 = arith.constant 2 : i32
    %dma_start3A_853 = arith.constant 0 : i32
    %dma_start3A_854 = tpu.memref_slice %arg15[%dma_start3A_853] : memref<128xf32, #tpu.memory_space<vmem>> -> memref<64xf32, #tpu.memory_space<vmem>>
    %dma_start3A_855 = arith.constant 0 : i32
    %dma_start3A_856 = tpu.memref_slice %arg12[%dma_start3A_852, %dma_start3A_855] : memref<8x64xi32, #tpu.memory_space<vmem>> -> memref<1x64xi32, #tpu.memory_space<vmem>>
    %dma_start3A_857 = tpu.memref_squeeze %dma_start3A_856 : memref<1x64xi32, #tpu.memory_space<vmem>> -> memref<64xi32, #tpu.memory_space<vmem>>
    %dma_start3A_858 = arith.constant 0 : i32
    %dma_start3A_859 = tpu.memref_slice %arg25[%dma_start3A_858] : memref<1024xf32, #tpu.memory_space<vmem_shared>> -> memref<1024xf32, #tpu.memory_space<vmem_shared>>
    tpu.enqueue_indirect_dma source(%dma_start3A_854 : memref<64xf32, #tpu.memory_space<vmem>>) target(%dma_start3A_859 : memref<1024xf32, #tpu.memory_space<vmem_shared>>) offsets(%dma_start3A_857 : memref<64xi32, #tpu.memory_space<vmem>>) semaphore(%arg18 : memref<!tpu.dma_semaphore, #tpu.memory_space<semaphore_mem>>) {add = true}
    %dma_start3A_860 = arith.constant 3 : i32
    %dma_start3A_861 = arith.constant 0 : i32
    %dma_start3A_862 = tpu.memref_slice %arg15[%dma_start3A_861] : memref<128xf32, #tpu.memory_space<vmem>> -> memref<64xf32, #tpu.memory_space<vmem>>
    %dma_start3A_863 = arith.constant 0 : i32
    %dma_start3A_864 = tpu.memref_slice %arg12[%dma_start3A_860, %dma_start3A_863] : memref<8x64xi32, #tpu.memory_space<vmem>> -> memref<1x64xi32, #tpu.memory_space<vmem>>
    %dma_start3A_865 = tpu.memref_squeeze %dma_start3A_864 : memref<1x64xi32, #tpu.memory_space<vmem>> -> memref<64xi32, #tpu.memory_space<vmem>>
    %dma_start3A_866 = arith.constant 0 : i32
    %dma_start3A_867 = tpu.memref_slice %arg25[%dma_start3A_866] : memref<1024xf32, #tpu.memory_space<vmem_shared>> -> memref<1024xf32, #tpu.memory_space<vmem_shared>>
    tpu.enqueue_indirect_dma source(%dma_start3A_862 : memref<64xf32, #tpu.memory_space<vmem>>) target(%dma_start3A_867 : memref<1024xf32, #tpu.memory_space<vmem_shared>>) offsets(%dma_start3A_865 : memref<64xi32, #tpu.memory_space<vmem>>) semaphore(%arg19 : memref<!tpu.dma_semaphore, #tpu.memory_space<semaphore_mem>>) {add = true}
    %dma_start3A_868 = arith.constant 4 : i32
    %dma_start3A_869 = arith.constant 0 : i32
    %dma_start3A_870 = tpu.memref_slice %arg15[%dma_start3A_869] : memref<128xf32, #tpu.memory_space<vmem>> -> memref<64xf32, #tpu.memory_space<vmem>>
    %dma_start3A_871 = arith.constant 0 : i32
    %dma_start3A_872 = tpu.memref_slice %arg12[%dma_start3A_868, %dma_start3A_871] : memref<8x64xi32, #tpu.memory_space<vmem>> -> memref<1x64xi32, #tpu.memory_space<vmem>>
    %dma_start3A_873 = tpu.memref_squeeze %dma_start3A_872 : memref<1x64xi32, #tpu.memory_space<vmem>> -> memref<64xi32, #tpu.memory_space<vmem>>
    %dma_start3A_874 = arith.constant 0 : i32
    %dma_start3A_875 = tpu.memref_slice %arg25[%dma_start3A_874] : memref<1024xf32, #tpu.memory_space<vmem_shared>> -> memref<1024xf32, #tpu.memory_space<vmem_shared>>
    tpu.enqueue_indirect_dma source(%dma_start3A_870 : memref<64xf32, #tpu.memory_space<vmem>>) target(%dma_start3A_875 : memref<1024xf32, #tpu.memory_space<vmem_shared>>) offsets(%dma_start3A_873 : memref<64xi32, #tpu.memory_space<vmem>>) semaphore(%arg18 : memref<!tpu.dma_semaphore, #tpu.memory_space<semaphore_mem>>) {add = true}
    %dma_start3A_876 = arith.constant 5 : i32
    %dma_start3A_877 = arith.constant 0 : i32
    %dma_start3A_878 = tpu.memref_slice %arg15[%dma_start3A_877] : memref<128xf32, #tpu.memory_space<vmem>> -> memref<64xf32, #tpu.memory_space<vmem>>
    %dma_start3A_879 = arith.constant 0 : i32
    %dma_start3A_880 = tpu.memref_slice %arg12[%dma_start3A_876, %dma_start3A_879] : memref<8x64xi32, #tpu.memory_space<vmem>> -> memref<1x64xi32, #tpu.memory_space<vmem>>
    %dma_start3A_881 = tpu.memref_squeeze %dma_start3A_880 : memref<1x64xi32, #tpu.memory_space<vmem>> -> memref<64xi32, #tpu.memory_space<vmem>>
    %dma_start3A_882 = arith.constant 0 : i32
    %dma_start3A_883 = tpu.memref_slice %arg25[%dma_start3A_882] : memref<1024xf32, #tpu.memory_space<vmem_shared>> -> memref<1024xf32, #tpu.memory_space<vmem_shared>>
    tpu.enqueue_indirect_dma source(%dma_start3A_878 : memref<64xf32, #tpu.memory_space<vmem>>) target(%dma_start3A_883 : memref<1024xf32, #tpu.memory_space<vmem_shared>>) offsets(%dma_start3A_881 : memref<64xi32, #tpu.memory_space<vmem>>) semaphore(%arg19 : memref<!tpu.dma_semaphore, #tpu.memory_space<semaphore_mem>>) {add = true}
    %dma_start3A_884 = arith.constant 6 : i32
    %dma_start3A_885 = arith.constant 0 : i32
    %dma_start3A_886 = tpu.memref_slice %arg15[%dma_start3A_885] : memref<128xf32, #tpu.memory_space<vmem>> -> memref<64xf32, #tpu.memory_space<vmem>>
    %dma_start3A_887 = arith.constant 0 : i32
    %dma_start3A_888 = tpu.memref_slice %arg12[%dma_start3A_884, %dma_start3A_887] : memref<8x64xi32, #tpu.memory_space<vmem>> -> memref<1x64xi32, #tpu.memory_space<vmem>>
    %dma_start3A_889 = tpu.memref_squeeze %dma_start3A_888 : memref<1x64xi32, #tpu.memory_space<vmem>> -> memref<64xi32, #tpu.memory_space<vmem>>
    %dma_start3A_890 = arith.constant 0 : i32
    %dma_start3A_891 = tpu.memref_slice %arg25[%dma_start3A_890] : memref<1024xf32, #tpu.memory_space<vmem_shared>> -> memref<1024xf32, #tpu.memory_space<vmem_shared>>
    tpu.enqueue_indirect_dma source(%dma_start3A_886 : memref<64xf32, #tpu.memory_space<vmem>>) target(%dma_start3A_891 : memref<1024xf32, #tpu.memory_space<vmem_shared>>) offsets(%dma_start3A_889 : memref<64xi32, #tpu.memory_space<vmem>>) semaphore(%arg18 : memref<!tpu.dma_semaphore, #tpu.memory_space<semaphore_mem>>) {add = true}
    %dma_start3A_892 = arith.constant 7 : i32
    %dma_start3A_893 = arith.constant 0 : i32
    %dma_start3A_894 = tpu.memref_slice %arg15[%dma_start3A_893] : memref<128xf32, #tpu.memory_space<vmem>> -> memref<64xf32, #tpu.memory_space<vmem>>
    %dma_start3A_895 = arith.constant 0 : i32
    %dma_start3A_896 = tpu.memref_slice %arg12[%dma_start3A_892, %dma_start3A_895] : memref<8x64xi32, #tpu.memory_space<vmem>> -> memref<1x64xi32, #tpu.memory_space<vmem>>
    %dma_start3A_897 = tpu.memref_squeeze %dma_start3A_896 : memref<1x64xi32, #tpu.memory_space<vmem>> -> memref<64xi32, #tpu.memory_space<vmem>>
    %dma_start3A_898 = arith.constant 0 : i32
    %dma_start3A_899 = tpu.memref_slice %arg25[%dma_start3A_898] : memref<1024xf32, #tpu.memory_space<vmem_shared>> -> memref<1024xf32, #tpu.memory_space<vmem_shared>>
    tpu.enqueue_indirect_dma source(%dma_start3A_894 : memref<64xf32, #tpu.memory_space<vmem>>) target(%dma_start3A_899 : memref<1024xf32, #tpu.memory_space<vmem_shared>>) offsets(%dma_start3A_897 : memref<64xi32, #tpu.memory_space<vmem>>) semaphore(%arg19 : memref<!tpu.dma_semaphore, #tpu.memory_space<semaphore_mem>>) {add = true}
    %dma_start3A_900 = arith.constant 0 : i32
    %dma_start3A_901 = arith.constant 0 : i32
    %dma_start3A_902 = tpu.memref_slice %arg15[%dma_start3A_901] : memref<128xf32, #tpu.memory_space<vmem>> -> memref<64xf32, #tpu.memory_space<vmem>>
    %dma_start3A_903 = arith.constant 0 : i32
    %dma_start3A_904 = tpu.memref_slice %arg13[%dma_start3A_900, %dma_start3A_903] : memref<8x64xi32, #tpu.memory_space<vmem>> -> memref<1x64xi32, #tpu.memory_space<vmem>>
    %dma_start3A_905 = tpu.memref_squeeze %dma_start3A_904 : memref<1x64xi32, #tpu.memory_space<vmem>> -> memref<64xi32, #tpu.memory_space<vmem>>
    %dma_start3A_906 = arith.constant 0 : i32
    %dma_start3A_907 = tpu.memref_slice %arg27[%dma_start3A_906] : memref<1048576xf32, #tpu.memory_space<vmem_shared>> -> memref<1048576xf32, #tpu.memory_space<vmem_shared>>
    tpu.enqueue_indirect_dma source(%dma_start3A_902 : memref<64xf32, #tpu.memory_space<vmem>>) target(%dma_start3A_907 : memref<1048576xf32, #tpu.memory_space<vmem_shared>>) offsets(%dma_start3A_905 : memref<64xi32, #tpu.memory_space<vmem>>) semaphore(%arg20 : memref<!tpu.dma_semaphore, #tpu.memory_space<semaphore_mem>>) {add = true}
    %dma_start3A_908 = arith.constant 1 : i32
    %dma_start3A_909 = arith.constant 0 : i32
    %dma_start3A_910 = tpu.memref_slice %arg15[%dma_start3A_909] : memref<128xf32, #tpu.memory_space<vmem>> -> memref<64xf32, #tpu.memory_space<vmem>>
    %dma_start3A_911 = arith.constant 0 : i32
    %dma_start3A_912 = tpu.memref_slice %arg13[%dma_start3A_908, %dma_start3A_911] : memref<8x64xi32, #tpu.memory_space<vmem>> -> memref<1x64xi32, #tpu.memory_space<vmem>>
    %dma_start3A_913 = tpu.memref_squeeze %dma_start3A_912 : memref<1x64xi32, #tpu.memory_space<vmem>> -> memref<64xi32, #tpu.memory_space<vmem>>
    %dma_start3A_914 = arith.constant 0 : i32
    %dma_start3A_915 = tpu.memref_slice %arg27[%dma_start3A_914] : memref<1048576xf32, #tpu.memory_space<vmem_shared>> -> memref<1048576xf32, #tpu.memory_space<vmem_shared>>
    tpu.enqueue_indirect_dma source(%dma_start3A_910 : memref<64xf32, #tpu.memory_space<vmem>>) target(%dma_start3A_915 : memref<1048576xf32, #tpu.memory_space<vmem_shared>>) offsets(%dma_start3A_913 : memref<64xi32, #tpu.memory_space<vmem>>) semaphore(%arg21 : memref<!tpu.dma_semaphore, #tpu.memory_space<semaphore_mem>>) {add = true}
    %dma_start3A_916 = arith.constant 2 : i32
    %dma_start3A_917 = arith.constant 0 : i32
    %dma_start3A_918 = tpu.memref_slice %arg15[%dma_start3A_917] : memref<128xf32, #tpu.memory_space<vmem>> -> memref<64xf32, #tpu.memory_space<vmem>>
    %dma_start3A_919 = arith.constant 0 : i32
    %dma_start3A_920 = tpu.memref_slice %arg13[%dma_start3A_916, %dma_start3A_919] : memref<8x64xi32, #tpu.memory_space<vmem>> -> memref<1x64xi32, #tpu.memory_space<vmem>>
    %dma_start3A_921 = tpu.memref_squeeze %dma_start3A_920 : memref<1x64xi32, #tpu.memory_space<vmem>> -> memref<64xi32, #tpu.memory_space<vmem>>
    %dma_start3A_922 = arith.constant 0 : i32
    %dma_start3A_923 = tpu.memref_slice %arg27[%dma_start3A_922] : memref<1048576xf32, #tpu.memory_space<vmem_shared>> -> memref<1048576xf32, #tpu.memory_space<vmem_shared>>
    tpu.enqueue_indirect_dma source(%dma_start3A_918 : memref<64xf32, #tpu.memory_space<vmem>>) target(%dma_start3A_923 : memref<1048576xf32, #tpu.memory_space<vmem_shared>>) offsets(%dma_start3A_921 : memref<64xi32, #tpu.memory_space<vmem>>) semaphore(%arg20 : memref<!tpu.dma_semaphore, #tpu.memory_space<semaphore_mem>>) {add = true}
    %dma_start3A_924 = arith.constant 3 : i32
    %dma_start3A_925 = arith.constant 0 : i32
    %dma_start3A_926 = tpu.memref_slice %arg15[%dma_start3A_925] : memref<128xf32, #tpu.memory_space<vmem>> -> memref<64xf32, #tpu.memory_space<vmem>>
    %dma_start3A_927 = arith.constant 0 : i32
    %dma_start3A_928 = tpu.memref_slice %arg13[%dma_start3A_924, %dma_start3A_927] : memref<8x64xi32, #tpu.memory_space<vmem>> -> memref<1x64xi32, #tpu.memory_space<vmem>>
    %dma_start3A_929 = tpu.memref_squeeze %dma_start3A_928 : memref<1x64xi32, #tpu.memory_space<vmem>> -> memref<64xi32, #tpu.memory_space<vmem>>
    %dma_start3A_930 = arith.constant 0 : i32
    %dma_start3A_931 = tpu.memref_slice %arg27[%dma_start3A_930] : memref<1048576xf32, #tpu.memory_space<vmem_shared>> -> memref<1048576xf32, #tpu.memory_space<vmem_shared>>
    tpu.enqueue_indirect_dma source(%dma_start3A_926 : memref<64xf32, #tpu.memory_space<vmem>>) target(%dma_start3A_931 : memref<1048576xf32, #tpu.memory_space<vmem_shared>>) offsets(%dma_start3A_929 : memref<64xi32, #tpu.memory_space<vmem>>) semaphore(%arg21 : memref<!tpu.dma_semaphore, #tpu.memory_space<semaphore_mem>>) {add = true}
    %dma_start3A_932 = arith.constant 4 : i32
    %dma_start3A_933 = arith.constant 0 : i32
    %dma_start3A_934 = tpu.memref_slice %arg15[%dma_start3A_933] : memref<128xf32, #tpu.memory_space<vmem>> -> memref<64xf32, #tpu.memory_space<vmem>>
    %dma_start3A_935 = arith.constant 0 : i32
    %dma_start3A_936 = tpu.memref_slice %arg13[%dma_start3A_932, %dma_start3A_935] : memref<8x64xi32, #tpu.memory_space<vmem>> -> memref<1x64xi32, #tpu.memory_space<vmem>>
    %dma_start3A_937 = tpu.memref_squeeze %dma_start3A_936 : memref<1x64xi32, #tpu.memory_space<vmem>> -> memref<64xi32, #tpu.memory_space<vmem>>
    %dma_start3A_938 = arith.constant 0 : i32
    %dma_start3A_939 = tpu.memref_slice %arg27[%dma_start3A_938] : memref<1048576xf32, #tpu.memory_space<vmem_shared>> -> memref<1048576xf32, #tpu.memory_space<vmem_shared>>
    tpu.enqueue_indirect_dma source(%dma_start3A_934 : memref<64xf32, #tpu.memory_space<vmem>>) target(%dma_start3A_939 : memref<1048576xf32, #tpu.memory_space<vmem_shared>>) offsets(%dma_start3A_937 : memref<64xi32, #tpu.memory_space<vmem>>) semaphore(%arg20 : memref<!tpu.dma_semaphore, #tpu.memory_space<semaphore_mem>>) {add = true}
    %dma_start3A_940 = arith.constant 5 : i32
    %dma_start3A_941 = arith.constant 0 : i32
    %dma_start3A_942 = tpu.memref_slice %arg15[%dma_start3A_941] : memref<128xf32, #tpu.memory_space<vmem>> -> memref<64xf32, #tpu.memory_space<vmem>>
    %dma_start3A_943 = arith.constant 0 : i32
    %dma_start3A_944 = tpu.memref_slice %arg13[%dma_start3A_940, %dma_start3A_943] : memref<8x64xi32, #tpu.memory_space<vmem>> -> memref<1x64xi32, #tpu.memory_space<vmem>>
    %dma_start3A_945 = tpu.memref_squeeze %dma_start3A_944 : memref<1x64xi32, #tpu.memory_space<vmem>> -> memref<64xi32, #tpu.memory_space<vmem>>
    %dma_start3A_946 = arith.constant 0 : i32
    %dma_start3A_947 = tpu.memref_slice %arg27[%dma_start3A_946] : memref<1048576xf32, #tpu.memory_space<vmem_shared>> -> memref<1048576xf32, #tpu.memory_space<vmem_shared>>
    tpu.enqueue_indirect_dma source(%dma_start3A_942 : memref<64xf32, #tpu.memory_space<vmem>>) target(%dma_start3A_947 : memref<1048576xf32, #tpu.memory_space<vmem_shared>>) offsets(%dma_start3A_945 : memref<64xi32, #tpu.memory_space<vmem>>) semaphore(%arg21 : memref<!tpu.dma_semaphore, #tpu.memory_space<semaphore_mem>>) {add = true}
    %dma_start3A_948 = arith.constant 6 : i32
    %dma_start3A_949 = arith.constant 0 : i32
    %dma_start3A_950 = tpu.memref_slice %arg15[%dma_start3A_949] : memref<128xf32, #tpu.memory_space<vmem>> -> memref<64xf32, #tpu.memory_space<vmem>>
    %dma_start3A_951 = arith.constant 0 : i32
    %dma_start3A_952 = tpu.memref_slice %arg13[%dma_start3A_948, %dma_start3A_951] : memref<8x64xi32, #tpu.memory_space<vmem>> -> memref<1x64xi32, #tpu.memory_space<vmem>>
    %dma_start3A_953 = tpu.memref_squeeze %dma_start3A_952 : memref<1x64xi32, #tpu.memory_space<vmem>> -> memref<64xi32, #tpu.memory_space<vmem>>
    %dma_start3A_954 = arith.constant 0 : i32
    %dma_start3A_955 = tpu.memref_slice %arg27[%dma_start3A_954] : memref<1048576xf32, #tpu.memory_space<vmem_shared>> -> memref<1048576xf32, #tpu.memory_space<vmem_shared>>
    tpu.enqueue_indirect_dma source(%dma_start3A_950 : memref<64xf32, #tpu.memory_space<vmem>>) target(%dma_start3A_955 : memref<1048576xf32, #tpu.memory_space<vmem_shared>>) offsets(%dma_start3A_953 : memref<64xi32, #tpu.memory_space<vmem>>) semaphore(%arg20 : memref<!tpu.dma_semaphore, #tpu.memory_space<semaphore_mem>>) {add = true}
    %dma_start3A_956 = arith.constant 7 : i32
    %dma_start3A_957 = arith.constant 0 : i32
    %dma_start3A_958 = tpu.memref_slice %arg15[%dma_start3A_957] : memref<128xf32, #tpu.memory_space<vmem>> -> memref<64xf32, #tpu.memory_space<vmem>>
    %dma_start3A_959 = arith.constant 0 : i32
    %dma_start3A_960 = tpu.memref_slice %arg13[%dma_start3A_956, %dma_start3A_959] : memref<8x64xi32, #tpu.memory_space<vmem>> -> memref<1x64xi32, #tpu.memory_space<vmem>>
    %dma_start3A_961 = tpu.memref_squeeze %dma_start3A_960 : memref<1x64xi32, #tpu.memory_space<vmem>> -> memref<64xi32, #tpu.memory_space<vmem>>
    %dma_start3A_962 = arith.constant 0 : i32
    %dma_start3A_963 = tpu.memref_slice %arg27[%dma_start3A_962] : memref<1048576xf32, #tpu.memory_space<vmem_shared>> -> memref<1048576xf32, #tpu.memory_space<vmem_shared>>
    tpu.enqueue_indirect_dma source(%dma_start3A_958 : memref<64xf32, #tpu.memory_space<vmem>>) target(%dma_start3A_963 : memref<1048576xf32, #tpu.memory_space<vmem_shared>>) offsets(%dma_start3A_961 : memref<64xi32, #tpu.memory_space<vmem>>) semaphore(%arg21 : memref<!tpu.dma_semaphore, #tpu.memory_space<semaphore_mem>>) {add = true}
    %dma_start3A_964 = arith.constant 0 : i32
    %dma_start3A_965 = arith.constant 0 : i32
    %dma_start3A_966 = tpu.memref_slice %arg15[%dma_start3A_965] : memref<128xf32, #tpu.memory_space<vmem>> -> memref<64xf32, #tpu.memory_space<vmem>>
    %dma_start3A_967 = arith.constant 0 : i32
    %dma_start3A_968 = tpu.memref_slice %arg14[%dma_start3A_964, %dma_start3A_967] : memref<8x64xi32, #tpu.memory_space<vmem>> -> memref<1x64xi32, #tpu.memory_space<vmem>>
    %dma_start3A_969 = tpu.memref_squeeze %dma_start3A_968 : memref<1x64xi32, #tpu.memory_space<vmem>> -> memref<64xi32, #tpu.memory_space<vmem>>
    %dma_start3A_970 = arith.constant 0 : i32
    %dma_start3A_971 = tpu.memref_slice %arg26[%dma_start3A_970] : memref<1024xf32, #tpu.memory_space<vmem_shared>> -> memref<1024xf32, #tpu.memory_space<vmem_shared>>
    tpu.enqueue_indirect_dma source(%dma_start3A_966 : memref<64xf32, #tpu.memory_space<vmem>>) target(%dma_start3A_971 : memref<1024xf32, #tpu.memory_space<vmem_shared>>) offsets(%dma_start3A_969 : memref<64xi32, #tpu.memory_space<vmem>>) semaphore(%arg18 : memref<!tpu.dma_semaphore, #tpu.memory_space<semaphore_mem>>) {add = true}
    %dma_start3A_972 = arith.constant 1 : i32
    %dma_start3A_973 = arith.constant 0 : i32
    %dma_start3A_974 = tpu.memref_slice %arg15[%dma_start3A_973] : memref<128xf32, #tpu.memory_space<vmem>> -> memref<64xf32, #tpu.memory_space<vmem>>
    %dma_start3A_975 = arith.constant 0 : i32
    %dma_start3A_976 = tpu.memref_slice %arg14[%dma_start3A_972, %dma_start3A_975] : memref<8x64xi32, #tpu.memory_space<vmem>> -> memref<1x64xi32, #tpu.memory_space<vmem>>
    %dma_start3A_977 = tpu.memref_squeeze %dma_start3A_976 : memref<1x64xi32, #tpu.memory_space<vmem>> -> memref<64xi32, #tpu.memory_space<vmem>>
    %dma_start3A_978 = arith.constant 0 : i32
    %dma_start3A_979 = tpu.memref_slice %arg26[%dma_start3A_978] : memref<1024xf32, #tpu.memory_space<vmem_shared>> -> memref<1024xf32, #tpu.memory_space<vmem_shared>>
    tpu.enqueue_indirect_dma source(%dma_start3A_974 : memref<64xf32, #tpu.memory_space<vmem>>) target(%dma_start3A_979 : memref<1024xf32, #tpu.memory_space<vmem_shared>>) offsets(%dma_start3A_977 : memref<64xi32, #tpu.memory_space<vmem>>) semaphore(%arg19 : memref<!tpu.dma_semaphore, #tpu.memory_space<semaphore_mem>>) {add = true}
    %dma_start3A_980 = arith.constant 2 : i32
    %dma_start3A_981 = arith.constant 0 : i32
    %dma_start3A_982 = tpu.memref_slice %arg15[%dma_start3A_981] : memref<128xf32, #tpu.memory_space<vmem>> -> memref<64xf32, #tpu.memory_space<vmem>>
    %dma_start3A_983 = arith.constant 0 : i32
    %dma_start3A_984 = tpu.memref_slice %arg14[%dma_start3A_980, %dma_start3A_983] : memref<8x64xi32, #tpu.memory_space<vmem>> -> memref<1x64xi32, #tpu.memory_space<vmem>>
    %dma_start3A_985 = tpu.memref_squeeze %dma_start3A_984 : memref<1x64xi32, #tpu.memory_space<vmem>> -> memref<64xi32, #tpu.memory_space<vmem>>
    %dma_start3A_986 = arith.constant 0 : i32
    %dma_start3A_987 = tpu.memref_slice %arg26[%dma_start3A_986] : memref<1024xf32, #tpu.memory_space<vmem_shared>> -> memref<1024xf32, #tpu.memory_space<vmem_shared>>
    tpu.enqueue_indirect_dma source(%dma_start3A_982 : memref<64xf32, #tpu.memory_space<vmem>>) target(%dma_start3A_987 : memref<1024xf32, #tpu.memory_space<vmem_shared>>) offsets(%dma_start3A_985 : memref<64xi32, #tpu.memory_space<vmem>>) semaphore(%arg18 : memref<!tpu.dma_semaphore, #tpu.memory_space<semaphore_mem>>) {add = true}
    %dma_start3A_988 = arith.constant 3 : i32
    %dma_start3A_989 = arith.constant 0 : i32
    %dma_start3A_990 = tpu.memref_slice %arg15[%dma_start3A_989] : memref<128xf32, #tpu.memory_space<vmem>> -> memref<64xf32, #tpu.memory_space<vmem>>
    %dma_start3A_991 = arith.constant 0 : i32
    %dma_start3A_992 = tpu.memref_slice %arg14[%dma_start3A_988, %dma_start3A_991] : memref<8x64xi32, #tpu.memory_space<vmem>> -> memref<1x64xi32, #tpu.memory_space<vmem>>
    %dma_start3A_993 = tpu.memref_squeeze %dma_start3A_992 : memref<1x64xi32, #tpu.memory_space<vmem>> -> memref<64xi32, #tpu.memory_space<vmem>>
    %dma_start3A_994 = arith.constant 0 : i32
    %dma_start3A_995 = tpu.memref_slice %arg26[%dma_start3A_994] : memref<1024xf32, #tpu.memory_space<vmem_shared>> -> memref<1024xf32, #tpu.memory_space<vmem_shared>>
    tpu.enqueue_indirect_dma source(%dma_start3A_990 : memref<64xf32, #tpu.memory_space<vmem>>) target(%dma_start3A_995 : memref<1024xf32, #tpu.memory_space<vmem_shared>>) offsets(%dma_start3A_993 : memref<64xi32, #tpu.memory_space<vmem>>) semaphore(%arg19 : memref<!tpu.dma_semaphore, #tpu.memory_space<semaphore_mem>>) {add = true}
    %dma_start3A_996 = arith.constant 4 : i32
    %dma_start3A_997 = arith.constant 0 : i32
    %dma_start3A_998 = tpu.memref_slice %arg15[%dma_start3A_997] : memref<128xf32, #tpu.memory_space<vmem>> -> memref<64xf32, #tpu.memory_space<vmem>>
    %dma_start3A_999 = arith.constant 0 : i32
    %dma_start3A_1000 = tpu.memref_slice %arg14[%dma_start3A_996, %dma_start3A_999] : memref<8x64xi32, #tpu.memory_space<vmem>> -> memref<1x64xi32, #tpu.memory_space<vmem>>
    %dma_start3A_1001 = tpu.memref_squeeze %dma_start3A_1000 : memref<1x64xi32, #tpu.memory_space<vmem>> -> memref<64xi32, #tpu.memory_space<vmem>>
    %dma_start3A_1002 = arith.constant 0 : i32
    %dma_start3A_1003 = tpu.memref_slice %arg26[%dma_start3A_1002] : memref<1024xf32, #tpu.memory_space<vmem_shared>> -> memref<1024xf32, #tpu.memory_space<vmem_shared>>
    tpu.enqueue_indirect_dma source(%dma_start3A_998 : memref<64xf32, #tpu.memory_space<vmem>>) target(%dma_start3A_1003 : memref<1024xf32, #tpu.memory_space<vmem_shared>>) offsets(%dma_start3A_1001 : memref<64xi32, #tpu.memory_space<vmem>>) semaphore(%arg18 : memref<!tpu.dma_semaphore, #tpu.memory_space<semaphore_mem>>) {add = true}
    %dma_start3A_1004 = arith.constant 5 : i32
    %dma_start3A_1005 = arith.constant 0 : i32
    %dma_start3A_1006 = tpu.memref_slice %arg15[%dma_start3A_1005] : memref<128xf32, #tpu.memory_space<vmem>> -> memref<64xf32, #tpu.memory_space<vmem>>
    %dma_start3A_1007 = arith.constant 0 : i32
    %dma_start3A_1008 = tpu.memref_slice %arg14[%dma_start3A_1004, %dma_start3A_1007] : memref<8x64xi32, #tpu.memory_space<vmem>> -> memref<1x64xi32, #tpu.memory_space<vmem>>
    %dma_start3A_1009 = tpu.memref_squeeze %dma_start3A_1008 : memref<1x64xi32, #tpu.memory_space<vmem>> -> memref<64xi32, #tpu.memory_space<vmem>>
    %dma_start3A_1010 = arith.constant 0 : i32
    %dma_start3A_1011 = tpu.memref_slice %arg26[%dma_start3A_1010] : memref<1024xf32, #tpu.memory_space<vmem_shared>> -> memref<1024xf32, #tpu.memory_space<vmem_shared>>
    tpu.enqueue_indirect_dma source(%dma_start3A_1006 : memref<64xf32, #tpu.memory_space<vmem>>) target(%dma_start3A_1011 : memref<1024xf32, #tpu.memory_space<vmem_shared>>) offsets(%dma_start3A_1009 : memref<64xi32, #tpu.memory_space<vmem>>) semaphore(%arg19 : memref<!tpu.dma_semaphore, #tpu.memory_space<semaphore_mem>>) {add = true}
    %dma_start3A_1012 = arith.constant 6 : i32
    %dma_start3A_1013 = arith.constant 0 : i32
    %dma_start3A_1014 = tpu.memref_slice %arg15[%dma_start3A_1013] : memref<128xf32, #tpu.memory_space<vmem>> -> memref<64xf32, #tpu.memory_space<vmem>>
    %dma_start3A_1015 = arith.constant 0 : i32
    %dma_start3A_1016 = tpu.memref_slice %arg14[%dma_start3A_1012, %dma_start3A_1015] : memref<8x64xi32, #tpu.memory_space<vmem>> -> memref<1x64xi32, #tpu.memory_space<vmem>>
    %dma_start3A_1017 = tpu.memref_squeeze %dma_start3A_1016 : memref<1x64xi32, #tpu.memory_space<vmem>> -> memref<64xi32, #tpu.memory_space<vmem>>
    %dma_start3A_1018 = arith.constant 0 : i32
    %dma_start3A_1019 = tpu.memref_slice %arg26[%dma_start3A_1018] : memref<1024xf32, #tpu.memory_space<vmem_shared>> -> memref<1024xf32, #tpu.memory_space<vmem_shared>>
    tpu.enqueue_indirect_dma source(%dma_start3A_1014 : memref<64xf32, #tpu.memory_space<vmem>>) target(%dma_start3A_1019 : memref<1024xf32, #tpu.memory_space<vmem_shared>>) offsets(%dma_start3A_1017 : memref<64xi32, #tpu.memory_space<vmem>>) semaphore(%arg18 : memref<!tpu.dma_semaphore, #tpu.memory_space<semaphore_mem>>) {add = true}
    %dma_start3A_1020 = arith.constant 7 : i32
    %dma_start3A_1021 = arith.constant 0 : i32
    %dma_start3A_1022 = tpu.memref_slice %arg15[%dma_start3A_1021] : memref<128xf32, #tpu.memory_space<vmem>> -> memref<64xf32, #tpu.memory_space<vmem>>
    %dma_start3A_1023 = arith.constant 0 : i32
    %dma_start3A_1024 = tpu.memref_slice %arg14[%dma_start3A_1020, %dma_start3A_1023] : memref<8x64xi32, #tpu.memory_space<vmem>> -> memref<1x64xi32, #tpu.memory_space<vmem>>
    %dma_start3A_1025 = tpu.memref_squeeze %dma_start3A_1024 : memref<1x64xi32, #tpu.memory_space<vmem>> -> memref<64xi32, #tpu.memory_space<vmem>>
    %dma_start3A_1026 = arith.constant 0 : i32
    %dma_start3A_1027 = tpu.memref_slice %arg26[%dma_start3A_1026] : memref<1024xf32, #tpu.memory_space<vmem_shared>> -> memref<1024xf32, #tpu.memory_space<vmem_shared>>
    tpu.enqueue_indirect_dma source(%dma_start3A_1022 : memref<64xf32, #tpu.memory_space<vmem>>) target(%dma_start3A_1027 : memref<1024xf32, #tpu.memory_space<vmem_shared>>) offsets(%dma_start3A_1025 : memref<64xi32, #tpu.memory_space<vmem>>) semaphore(%arg19 : memref<!tpu.dma_semaphore, #tpu.memory_space<semaphore_mem>>) {add = true}
    %dma_wait3A_1028 = arith.constant 0 : i32
    %dma_wait3A_1029 = arith.constant 0 : i32
    %dma_wait3A_1030 = tpu.memref_slice %arg15[%dma_wait3A_1029] : memref<128xf32, #tpu.memory_space<vmem>> -> memref<64xf32, #tpu.memory_space<vmem>>
    %dma_wait3A_1031 = arith.constant 0 : i32
    %dma_wait3A_1032 = tpu.memref_slice %arg12[%dma_wait3A_1028, %dma_wait3A_1031] : memref<8x64xi32, #tpu.memory_space<vmem>> -> memref<1x64xi32, #tpu.memory_space<vmem>>
    %dma_wait3A_1033 = tpu.memref_squeeze %dma_wait3A_1032 : memref<1x64xi32, #tpu.memory_space<vmem>> -> memref<64xi32, #tpu.memory_space<vmem>>
    %dma_wait3A_1034 = arith.constant 0 : i32
    %dma_wait3A_1035 = tpu.memref_slice %arg25[%dma_wait3A_1034] : memref<1024xf32, #tpu.memory_space<vmem_shared>> -> memref<1024xf32, #tpu.memory_space<vmem_shared>>
    tpu.wait_indirect_dma semaphore(%arg18 : memref<!tpu.dma_semaphore, #tpu.memory_space<semaphore_mem>>) src(%dma_wait3A_1030 : memref<64xf32, #tpu.memory_space<vmem>>) dst(%dma_wait3A_1035 : memref<1024xf32, #tpu.memory_space<vmem_shared>>)
    %dma_wait3A_1036 = arith.constant 1 : i32
    %dma_wait3A_1037 = arith.constant 0 : i32
    %dma_wait3A_1038 = tpu.memref_slice %arg15[%dma_wait3A_1037] : memref<128xf32, #tpu.memory_space<vmem>> -> memref<64xf32, #tpu.memory_space<vmem>>
    %dma_wait3A_1039 = arith.constant 0 : i32
    %dma_wait3A_1040 = tpu.memref_slice %arg12[%dma_wait3A_1036, %dma_wait3A_1039] : memref<8x64xi32, #tpu.memory_space<vmem>> -> memref<1x64xi32, #tpu.memory_space<vmem>>
    %dma_wait3A_1041 = tpu.memref_squeeze %dma_wait3A_1040 : memref<1x64xi32, #tpu.memory_space<vmem>> -> memref<64xi32, #tpu.memory_space<vmem>>
    %dma_wait3A_1042 = arith.constant 0 : i32
    %dma_wait3A_1043 = tpu.memref_slice %arg25[%dma_wait3A_1042] : memref<1024xf32, #tpu.memory_space<vmem_shared>> -> memref<1024xf32, #tpu.memory_space<vmem_shared>>
    tpu.wait_indirect_dma semaphore(%arg19 : memref<!tpu.dma_semaphore, #tpu.memory_space<semaphore_mem>>) src(%dma_wait3A_1038 : memref<64xf32, #tpu.memory_space<vmem>>) dst(%dma_wait3A_1043 : memref<1024xf32, #tpu.memory_space<vmem_shared>>)
    %dma_wait3A_1044 = arith.constant 2 : i32
    %dma_wait3A_1045 = arith.constant 0 : i32
    %dma_wait3A_1046 = tpu.memref_slice %arg15[%dma_wait3A_1045] : memref<128xf32, #tpu.memory_space<vmem>> -> memref<64xf32, #tpu.memory_space<vmem>>
    %dma_wait3A_1047 = arith.constant 0 : i32
    %dma_wait3A_1048 = tpu.memref_slice %arg12[%dma_wait3A_1044, %dma_wait3A_1047] : memref<8x64xi32, #tpu.memory_space<vmem>> -> memref<1x64xi32, #tpu.memory_space<vmem>>
    %dma_wait3A_1049 = tpu.memref_squeeze %dma_wait3A_1048 : memref<1x64xi32, #tpu.memory_space<vmem>> -> memref<64xi32, #tpu.memory_space<vmem>>
    %dma_wait3A_1050 = arith.constant 0 : i32
    %dma_wait3A_1051 = tpu.memref_slice %arg25[%dma_wait3A_1050] : memref<1024xf32, #tpu.memory_space<vmem_shared>> -> memref<1024xf32, #tpu.memory_space<vmem_shared>>
    tpu.wait_indirect_dma semaphore(%arg18 : memref<!tpu.dma_semaphore, #tpu.memory_space<semaphore_mem>>) src(%dma_wait3A_1046 : memref<64xf32, #tpu.memory_space<vmem>>) dst(%dma_wait3A_1051 : memref<1024xf32, #tpu.memory_space<vmem_shared>>)
    %dma_wait3A_1052 = arith.constant 3 : i32
    %dma_wait3A_1053 = arith.constant 0 : i32
    %dma_wait3A_1054 = tpu.memref_slice %arg15[%dma_wait3A_1053] : memref<128xf32, #tpu.memory_space<vmem>> -> memref<64xf32, #tpu.memory_space<vmem>>
    %dma_wait3A_1055 = arith.constant 0 : i32
    %dma_wait3A_1056 = tpu.memref_slice %arg12[%dma_wait3A_1052, %dma_wait3A_1055] : memref<8x64xi32, #tpu.memory_space<vmem>> -> memref<1x64xi32, #tpu.memory_space<vmem>>
    %dma_wait3A_1057 = tpu.memref_squeeze %dma_wait3A_1056 : memref<1x64xi32, #tpu.memory_space<vmem>> -> memref<64xi32, #tpu.memory_space<vmem>>
    %dma_wait3A_1058 = arith.constant 0 : i32
    %dma_wait3A_1059 = tpu.memref_slice %arg25[%dma_wait3A_1058] : memref<1024xf32, #tpu.memory_space<vmem_shared>> -> memref<1024xf32, #tpu.memory_space<vmem_shared>>
    tpu.wait_indirect_dma semaphore(%arg19 : memref<!tpu.dma_semaphore, #tpu.memory_space<semaphore_mem>>) src(%dma_wait3A_1054 : memref<64xf32, #tpu.memory_space<vmem>>) dst(%dma_wait3A_1059 : memref<1024xf32, #tpu.memory_space<vmem_shared>>)
    %dma_wait3A_1060 = arith.constant 4 : i32
    %dma_wait3A_1061 = arith.constant 0 : i32
    %dma_wait3A_1062 = tpu.memref_slice %arg15[%dma_wait3A_1061] : memref<128xf32, #tpu.memory_space<vmem>> -> memref<64xf32, #tpu.memory_space<vmem>>
    %dma_wait3A_1063 = arith.constant 0 : i32
    %dma_wait3A_1064 = tpu.memref_slice %arg12[%dma_wait3A_1060, %dma_wait3A_1063] : memref<8x64xi32, #tpu.memory_space<vmem>> -> memref<1x64xi32, #tpu.memory_space<vmem>>
    %dma_wait3A_1065 = tpu.memref_squeeze %dma_wait3A_1064 : memref<1x64xi32, #tpu.memory_space<vmem>> -> memref<64xi32, #tpu.memory_space<vmem>>
    %dma_wait3A_1066 = arith.constant 0 : i32
    %dma_wait3A_1067 = tpu.memref_slice %arg25[%dma_wait3A_1066] : memref<1024xf32, #tpu.memory_space<vmem_shared>> -> memref<1024xf32, #tpu.memory_space<vmem_shared>>
    tpu.wait_indirect_dma semaphore(%arg18 : memref<!tpu.dma_semaphore, #tpu.memory_space<semaphore_mem>>) src(%dma_wait3A_1062 : memref<64xf32, #tpu.memory_space<vmem>>) dst(%dma_wait3A_1067 : memref<1024xf32, #tpu.memory_space<vmem_shared>>)
    %dma_wait3A_1068 = arith.constant 5 : i32
    %dma_wait3A_1069 = arith.constant 0 : i32
    %dma_wait3A_1070 = tpu.memref_slice %arg15[%dma_wait3A_1069] : memref<128xf32, #tpu.memory_space<vmem>> -> memref<64xf32, #tpu.memory_space<vmem>>
    %dma_wait3A_1071 = arith.constant 0 : i32
    %dma_wait3A_1072 = tpu.memref_slice %arg12[%dma_wait3A_1068, %dma_wait3A_1071] : memref<8x64xi32, #tpu.memory_space<vmem>> -> memref<1x64xi32, #tpu.memory_space<vmem>>
    %dma_wait3A_1073 = tpu.memref_squeeze %dma_wait3A_1072 : memref<1x64xi32, #tpu.memory_space<vmem>> -> memref<64xi32, #tpu.memory_space<vmem>>
    %dma_wait3A_1074 = arith.constant 0 : i32
    %dma_wait3A_1075 = tpu.memref_slice %arg25[%dma_wait3A_1074] : memref<1024xf32, #tpu.memory_space<vmem_shared>> -> memref<1024xf32, #tpu.memory_space<vmem_shared>>
    tpu.wait_indirect_dma semaphore(%arg19 : memref<!tpu.dma_semaphore, #tpu.memory_space<semaphore_mem>>) src(%dma_wait3A_1070 : memref<64xf32, #tpu.memory_space<vmem>>) dst(%dma_wait3A_1075 : memref<1024xf32, #tpu.memory_space<vmem_shared>>)
    %dma_wait3A_1076 = arith.constant 6 : i32
    %dma_wait3A_1077 = arith.constant 0 : i32
    %dma_wait3A_1078 = tpu.memref_slice %arg15[%dma_wait3A_1077] : memref<128xf32, #tpu.memory_space<vmem>> -> memref<64xf32, #tpu.memory_space<vmem>>
    %dma_wait3A_1079 = arith.constant 0 : i32
    %dma_wait3A_1080 = tpu.memref_slice %arg12[%dma_wait3A_1076, %dma_wait3A_1079] : memref<8x64xi32, #tpu.memory_space<vmem>> -> memref<1x64xi32, #tpu.memory_space<vmem>>
    %dma_wait3A_1081 = tpu.memref_squeeze %dma_wait3A_1080 : memref<1x64xi32, #tpu.memory_space<vmem>> -> memref<64xi32, #tpu.memory_space<vmem>>
    %dma_wait3A_1082 = arith.constant 0 : i32
    %dma_wait3A_1083 = tpu.memref_slice %arg25[%dma_wait3A_1082] : memref<1024xf32, #tpu.memory_space<vmem_shared>> -> memref<1024xf32, #tpu.memory_space<vmem_shared>>
    tpu.wait_indirect_dma semaphore(%arg18 : memref<!tpu.dma_semaphore, #tpu.memory_space<semaphore_mem>>) src(%dma_wait3A_1078 : memref<64xf32, #tpu.memory_space<vmem>>) dst(%dma_wait3A_1083 : memref<1024xf32, #tpu.memory_space<vmem_shared>>)
    %dma_wait3A_1084 = arith.constant 7 : i32
    %dma_wait3A_1085 = arith.constant 0 : i32
    %dma_wait3A_1086 = tpu.memref_slice %arg15[%dma_wait3A_1085] : memref<128xf32, #tpu.memory_space<vmem>> -> memref<64xf32, #tpu.memory_space<vmem>>
    %dma_wait3A_1087 = arith.constant 0 : i32
    %dma_wait3A_1088 = tpu.memref_slice %arg12[%dma_wait3A_1084, %dma_wait3A_1087] : memref<8x64xi32, #tpu.memory_space<vmem>> -> memref<1x64xi32, #tpu.memory_space<vmem>>
    %dma_wait3A_1089 = tpu.memref_squeeze %dma_wait3A_1088 : memref<1x64xi32, #tpu.memory_space<vmem>> -> memref<64xi32, #tpu.memory_space<vmem>>
    %dma_wait3A_1090 = arith.constant 0 : i32
    %dma_wait3A_1091 = tpu.memref_slice %arg25[%dma_wait3A_1090] : memref<1024xf32, #tpu.memory_space<vmem_shared>> -> memref<1024xf32, #tpu.memory_space<vmem_shared>>
    tpu.wait_indirect_dma semaphore(%arg19 : memref<!tpu.dma_semaphore, #tpu.memory_space<semaphore_mem>>) src(%dma_wait3A_1086 : memref<64xf32, #tpu.memory_space<vmem>>) dst(%dma_wait3A_1091 : memref<1024xf32, #tpu.memory_space<vmem_shared>>)
    %dma_wait3A_1092 = arith.constant 0 : i32
    %dma_wait3A_1093 = arith.constant 0 : i32
    %dma_wait3A_1094 = tpu.memref_slice %arg15[%dma_wait3A_1093] : memref<128xf32, #tpu.memory_space<vmem>> -> memref<64xf32, #tpu.memory_space<vmem>>
    %dma_wait3A_1095 = arith.constant 0 : i32
    %dma_wait3A_1096 = tpu.memref_slice %arg13[%dma_wait3A_1092, %dma_wait3A_1095] : memref<8x64xi32, #tpu.memory_space<vmem>> -> memref<1x64xi32, #tpu.memory_space<vmem>>
    %dma_wait3A_1097 = tpu.memref_squeeze %dma_wait3A_1096 : memref<1x64xi32, #tpu.memory_space<vmem>> -> memref<64xi32, #tpu.memory_space<vmem>>
    %dma_wait3A_1098 = arith.constant 0 : i32
    %dma_wait3A_1099 = tpu.memref_slice %arg27[%dma_wait3A_1098] : memref<1048576xf32, #tpu.memory_space<vmem_shared>> -> memref<1048576xf32, #tpu.memory_space<vmem_shared>>
    tpu.wait_indirect_dma semaphore(%arg20 : memref<!tpu.dma_semaphore, #tpu.memory_space<semaphore_mem>>) src(%dma_wait3A_1094 : memref<64xf32, #tpu.memory_space<vmem>>) dst(%dma_wait3A_1099 : memref<1048576xf32, #tpu.memory_space<vmem_shared>>)
    %dma_wait3A_1100 = arith.constant 1 : i32
    %dma_wait3A_1101 = arith.constant 0 : i32
    %dma_wait3A_1102 = tpu.memref_slice %arg15[%dma_wait3A_1101] : memref<128xf32, #tpu.memory_space<vmem>> -> memref<64xf32, #tpu.memory_space<vmem>>
    %dma_wait3A_1103 = arith.constant 0 : i32
    %dma_wait3A_1104 = tpu.memref_slice %arg13[%dma_wait3A_1100, %dma_wait3A_1103] : memref<8x64xi32, #tpu.memory_space<vmem>> -> memref<1x64xi32, #tpu.memory_space<vmem>>
    %dma_wait3A_1105 = tpu.memref_squeeze %dma_wait3A_1104 : memref<1x64xi32, #tpu.memory_space<vmem>> -> memref<64xi32, #tpu.memory_space<vmem>>
    %dma_wait3A_1106 = arith.constant 0 : i32
    %dma_wait3A_1107 = tpu.memref_slice %arg27[%dma_wait3A_1106] : memref<1048576xf32, #tpu.memory_space<vmem_shared>> -> memref<1048576xf32, #tpu.memory_space<vmem_shared>>
    tpu.wait_indirect_dma semaphore(%arg21 : memref<!tpu.dma_semaphore, #tpu.memory_space<semaphore_mem>>) src(%dma_wait3A_1102 : memref<64xf32, #tpu.memory_space<vmem>>) dst(%dma_wait3A_1107 : memref<1048576xf32, #tpu.memory_space<vmem_shared>>)
    %dma_wait3A_1108 = arith.constant 2 : i32
    %dma_wait3A_1109 = arith.constant 0 : i32
    %dma_wait3A_1110 = tpu.memref_slice %arg15[%dma_wait3A_1109] : memref<128xf32, #tpu.memory_space<vmem>> -> memref<64xf32, #tpu.memory_space<vmem>>
    %dma_wait3A_1111 = arith.constant 0 : i32
    %dma_wait3A_1112 = tpu.memref_slice %arg13[%dma_wait3A_1108, %dma_wait3A_1111] : memref<8x64xi32, #tpu.memory_space<vmem>> -> memref<1x64xi32, #tpu.memory_space<vmem>>
    %dma_wait3A_1113 = tpu.memref_squeeze %dma_wait3A_1112 : memref<1x64xi32, #tpu.memory_space<vmem>> -> memref<64xi32, #tpu.memory_space<vmem>>
    %dma_wait3A_1114 = arith.constant 0 : i32
    %dma_wait3A_1115 = tpu.memref_slice %arg27[%dma_wait3A_1114] : memref<1048576xf32, #tpu.memory_space<vmem_shared>> -> memref<1048576xf32, #tpu.memory_space<vmem_shared>>
    tpu.wait_indirect_dma semaphore(%arg20 : memref<!tpu.dma_semaphore, #tpu.memory_space<semaphore_mem>>) src(%dma_wait3A_1110 : memref<64xf32, #tpu.memory_space<vmem>>) dst(%dma_wait3A_1115 : memref<1048576xf32, #tpu.memory_space<vmem_shared>>)
    %dma_wait3A_1116 = arith.constant 3 : i32
    %dma_wait3A_1117 = arith.constant 0 : i32
    %dma_wait3A_1118 = tpu.memref_slice %arg15[%dma_wait3A_1117] : memref<128xf32, #tpu.memory_space<vmem>> -> memref<64xf32, #tpu.memory_space<vmem>>
    %dma_wait3A_1119 = arith.constant 0 : i32
    %dma_wait3A_1120 = tpu.memref_slice %arg13[%dma_wait3A_1116, %dma_wait3A_1119] : memref<8x64xi32, #tpu.memory_space<vmem>> -> memref<1x64xi32, #tpu.memory_space<vmem>>
    %dma_wait3A_1121 = tpu.memref_squeeze %dma_wait3A_1120 : memref<1x64xi32, #tpu.memory_space<vmem>> -> memref<64xi32, #tpu.memory_space<vmem>>
    %dma_wait3A_1122 = arith.constant 0 : i32
    %dma_wait3A_1123 = tpu.memref_slice %arg27[%dma_wait3A_1122] : memref<1048576xf32, #tpu.memory_space<vmem_shared>> -> memref<1048576xf32, #tpu.memory_space<vmem_shared>>
    tpu.wait_indirect_dma semaphore(%arg21 : memref<!tpu.dma_semaphore, #tpu.memory_space<semaphore_mem>>) src(%dma_wait3A_1118 : memref<64xf32, #tpu.memory_space<vmem>>) dst(%dma_wait3A_1123 : memref<1048576xf32, #tpu.memory_space<vmem_shared>>)
    %dma_wait3A_1124 = arith.constant 4 : i32
    %dma_wait3A_1125 = arith.constant 0 : i32
    %dma_wait3A_1126 = tpu.memref_slice %arg15[%dma_wait3A_1125] : memref<128xf32, #tpu.memory_space<vmem>> -> memref<64xf32, #tpu.memory_space<vmem>>
    %dma_wait3A_1127 = arith.constant 0 : i32
    %dma_wait3A_1128 = tpu.memref_slice %arg13[%dma_wait3A_1124, %dma_wait3A_1127] : memref<8x64xi32, #tpu.memory_space<vmem>> -> memref<1x64xi32, #tpu.memory_space<vmem>>
    %dma_wait3A_1129 = tpu.memref_squeeze %dma_wait3A_1128 : memref<1x64xi32, #tpu.memory_space<vmem>> -> memref<64xi32, #tpu.memory_space<vmem>>
    %dma_wait3A_1130 = arith.constant 0 : i32
    %dma_wait3A_1131 = tpu.memref_slice %arg27[%dma_wait3A_1130] : memref<1048576xf32, #tpu.memory_space<vmem_shared>> -> memref<1048576xf32, #tpu.memory_space<vmem_shared>>
    tpu.wait_indirect_dma semaphore(%arg20 : memref<!tpu.dma_semaphore, #tpu.memory_space<semaphore_mem>>) src(%dma_wait3A_1126 : memref<64xf32, #tpu.memory_space<vmem>>) dst(%dma_wait3A_1131 : memref<1048576xf32, #tpu.memory_space<vmem_shared>>)
    %dma_wait3A_1132 = arith.constant 5 : i32
    %dma_wait3A_1133 = arith.constant 0 : i32
    %dma_wait3A_1134 = tpu.memref_slice %arg15[%dma_wait3A_1133] : memref<128xf32, #tpu.memory_space<vmem>> -> memref<64xf32, #tpu.memory_space<vmem>>
    %dma_wait3A_1135 = arith.constant 0 : i32
    %dma_wait3A_1136 = tpu.memref_slice %arg13[%dma_wait3A_1132, %dma_wait3A_1135] : memref<8x64xi32, #tpu.memory_space<vmem>> -> memref<1x64xi32, #tpu.memory_space<vmem>>
    %dma_wait3A_1137 = tpu.memref_squeeze %dma_wait3A_1136 : memref<1x64xi32, #tpu.memory_space<vmem>> -> memref<64xi32, #tpu.memory_space<vmem>>
    %dma_wait3A_1138 = arith.constant 0 : i32
    %dma_wait3A_1139 = tpu.memref_slice %arg27[%dma_wait3A_1138] : memref<1048576xf32, #tpu.memory_space<vmem_shared>> -> memref<1048576xf32, #tpu.memory_space<vmem_shared>>
    tpu.wait_indirect_dma semaphore(%arg21 : memref<!tpu.dma_semaphore, #tpu.memory_space<semaphore_mem>>) src(%dma_wait3A_1134 : memref<64xf32, #tpu.memory_space<vmem>>) dst(%dma_wait3A_1139 : memref<1048576xf32, #tpu.memory_space<vmem_shared>>)
    %dma_wait3A_1140 = arith.constant 6 : i32
    %dma_wait3A_1141 = arith.constant 0 : i32
    %dma_wait3A_1142 = tpu.memref_slice %arg15[%dma_wait3A_1141] : memref<128xf32, #tpu.memory_space<vmem>> -> memref<64xf32, #tpu.memory_space<vmem>>
    %dma_wait3A_1143 = arith.constant 0 : i32
    %dma_wait3A_1144 = tpu.memref_slice %arg13[%dma_wait3A_1140, %dma_wait3A_1143] : memref<8x64xi32, #tpu.memory_space<vmem>> -> memref<1x64xi32, #tpu.memory_space<vmem>>
    %dma_wait3A_1145 = tpu.memref_squeeze %dma_wait3A_1144 : memref<1x64xi32, #tpu.memory_space<vmem>> -> memref<64xi32, #tpu.memory_space<vmem>>
    %dma_wait3A_1146 = arith.constant 0 : i32
    %dma_wait3A_1147 = tpu.memref_slice %arg27[%dma_wait3A_1146] : memref<1048576xf32, #tpu.memory_space<vmem_shared>> -> memref<1048576xf32, #tpu.memory_space<vmem_shared>>
    tpu.wait_indirect_dma semaphore(%arg20 : memref<!tpu.dma_semaphore, #tpu.memory_space<semaphore_mem>>) src(%dma_wait3A_1142 : memref<64xf32, #tpu.memory_space<vmem>>) dst(%dma_wait3A_1147 : memref<1048576xf32, #tpu.memory_space<vmem_shared>>)
    %dma_wait3A_1148 = arith.constant 7 : i32
    %dma_wait3A_1149 = arith.constant 0 : i32
    %dma_wait3A_1150 = tpu.memref_slice %arg15[%dma_wait3A_1149] : memref<128xf32, #tpu.memory_space<vmem>> -> memref<64xf32, #tpu.memory_space<vmem>>
    %dma_wait3A_1151 = arith.constant 0 : i32
    %dma_wait3A_1152 = tpu.memref_slice %arg13[%dma_wait3A_1148, %dma_wait3A_1151] : memref<8x64xi32, #tpu.memory_space<vmem>> -> memref<1x64xi32, #tpu.memory_space<vmem>>
    %dma_wait3A_1153 = tpu.memref_squeeze %dma_wait3A_1152 : memref<1x64xi32, #tpu.memory_space<vmem>> -> memref<64xi32, #tpu.memory_space<vmem>>
    %dma_wait3A_1154 = arith.constant 0 : i32
    %dma_wait3A_1155 = tpu.memref_slice %arg27[%dma_wait3A_1154] : memref<1048576xf32, #tpu.memory_space<vmem_shared>> -> memref<1048576xf32, #tpu.memory_space<vmem_shared>>
    tpu.wait_indirect_dma semaphore(%arg21 : memref<!tpu.dma_semaphore, #tpu.memory_space<semaphore_mem>>) src(%dma_wait3A_1150 : memref<64xf32, #tpu.memory_space<vmem>>) dst(%dma_wait3A_1155 : memref<1048576xf32, #tpu.memory_space<vmem_shared>>)
    %dma_wait3A_1156 = arith.constant 0 : i32
    %dma_wait3A_1157 = arith.constant 0 : i32
    %dma_wait3A_1158 = tpu.memref_slice %arg15[%dma_wait3A_1157] : memref<128xf32, #tpu.memory_space<vmem>> -> memref<64xf32, #tpu.memory_space<vmem>>
    %dma_wait3A_1159 = arith.constant 0 : i32
    %dma_wait3A_1160 = tpu.memref_slice %arg14[%dma_wait3A_1156, %dma_wait3A_1159] : memref<8x64xi32, #tpu.memory_space<vmem>> -> memref<1x64xi32, #tpu.memory_space<vmem>>
    %dma_wait3A_1161 = tpu.memref_squeeze %dma_wait3A_1160 : memref<1x64xi32, #tpu.memory_space<vmem>> -> memref<64xi32, #tpu.memory_space<vmem>>
    %dma_wait3A_1162 = arith.constant 0 : i32
    %dma_wait3A_1163 = tpu.memref_slice %arg26[%dma_wait3A_1162] : memref<1024xf32, #tpu.memory_space<vmem_shared>> -> memref<1024xf32, #tpu.memory_space<vmem_shared>>
    tpu.wait_indirect_dma semaphore(%arg18 : memref<!tpu.dma_semaphore, #tpu.memory_space<semaphore_mem>>) src(%dma_wait3A_1158 : memref<64xf32, #tpu.memory_space<vmem>>) dst(%dma_wait3A_1163 : memref<1024xf32, #tpu.memory_space<vmem_shared>>)
    %dma_wait3A_1164 = arith.constant 1 : i32
    %dma_wait3A_1165 = arith.constant 0 : i32
    %dma_wait3A_1166 = tpu.memref_slice %arg15[%dma_wait3A_1165] : memref<128xf32, #tpu.memory_space<vmem>> -> memref<64xf32, #tpu.memory_space<vmem>>
    %dma_wait3A_1167 = arith.constant 0 : i32
    %dma_wait3A_1168 = tpu.memref_slice %arg14[%dma_wait3A_1164, %dma_wait3A_1167] : memref<8x64xi32, #tpu.memory_space<vmem>> -> memref<1x64xi32, #tpu.memory_space<vmem>>
    %dma_wait3A_1169 = tpu.memref_squeeze %dma_wait3A_1168 : memref<1x64xi32, #tpu.memory_space<vmem>> -> memref<64xi32, #tpu.memory_space<vmem>>
    %dma_wait3A_1170 = arith.constant 0 : i32
    %dma_wait3A_1171 = tpu.memref_slice %arg26[%dma_wait3A_1170] : memref<1024xf32, #tpu.memory_space<vmem_shared>> -> memref<1024xf32, #tpu.memory_space<vmem_shared>>
    tpu.wait_indirect_dma semaphore(%arg19 : memref<!tpu.dma_semaphore, #tpu.memory_space<semaphore_mem>>) src(%dma_wait3A_1166 : memref<64xf32, #tpu.memory_space<vmem>>) dst(%dma_wait3A_1171 : memref<1024xf32, #tpu.memory_space<vmem_shared>>)
    %dma_wait3A_1172 = arith.constant 2 : i32
    %dma_wait3A_1173 = arith.constant 0 : i32
    %dma_wait3A_1174 = tpu.memref_slice %arg15[%dma_wait3A_1173] : memref<128xf32, #tpu.memory_space<vmem>> -> memref<64xf32, #tpu.memory_space<vmem>>
    %dma_wait3A_1175 = arith.constant 0 : i32
    %dma_wait3A_1176 = tpu.memref_slice %arg14[%dma_wait3A_1172, %dma_wait3A_1175] : memref<8x64xi32, #tpu.memory_space<vmem>> -> memref<1x64xi32, #tpu.memory_space<vmem>>
    %dma_wait3A_1177 = tpu.memref_squeeze %dma_wait3A_1176 : memref<1x64xi32, #tpu.memory_space<vmem>> -> memref<64xi32, #tpu.memory_space<vmem>>
    %dma_wait3A_1178 = arith.constant 0 : i32
    %dma_wait3A_1179 = tpu.memref_slice %arg26[%dma_wait3A_1178] : memref<1024xf32, #tpu.memory_space<vmem_shared>> -> memref<1024xf32, #tpu.memory_space<vmem_shared>>
    tpu.wait_indirect_dma semaphore(%arg18 : memref<!tpu.dma_semaphore, #tpu.memory_space<semaphore_mem>>) src(%dma_wait3A_1174 : memref<64xf32, #tpu.memory_space<vmem>>) dst(%dma_wait3A_1179 : memref<1024xf32, #tpu.memory_space<vmem_shared>>)
    %dma_wait3A_1180 = arith.constant 3 : i32
    %dma_wait3A_1181 = arith.constant 0 : i32
    %dma_wait3A_1182 = tpu.memref_slice %arg15[%dma_wait3A_1181] : memref<128xf32, #tpu.memory_space<vmem>> -> memref<64xf32, #tpu.memory_space<vmem>>
    %dma_wait3A_1183 = arith.constant 0 : i32
    %dma_wait3A_1184 = tpu.memref_slice %arg14[%dma_wait3A_1180, %dma_wait3A_1183] : memref<8x64xi32, #tpu.memory_space<vmem>> -> memref<1x64xi32, #tpu.memory_space<vmem>>
    %dma_wait3A_1185 = tpu.memref_squeeze %dma_wait3A_1184 : memref<1x64xi32, #tpu.memory_space<vmem>> -> memref<64xi32, #tpu.memory_space<vmem>>
    %dma_wait3A_1186 = arith.constant 0 : i32
    %dma_wait3A_1187 = tpu.memref_slice %arg26[%dma_wait3A_1186] : memref<1024xf32, #tpu.memory_space<vmem_shared>> -> memref<1024xf32, #tpu.memory_space<vmem_shared>>
    tpu.wait_indirect_dma semaphore(%arg19 : memref<!tpu.dma_semaphore, #tpu.memory_space<semaphore_mem>>) src(%dma_wait3A_1182 : memref<64xf32, #tpu.memory_space<vmem>>) dst(%dma_wait3A_1187 : memref<1024xf32, #tpu.memory_space<vmem_shared>>)
    %dma_wait3A_1188 = arith.constant 4 : i32
    %dma_wait3A_1189 = arith.constant 0 : i32
    %dma_wait3A_1190 = tpu.memref_slice %arg15[%dma_wait3A_1189] : memref<128xf32, #tpu.memory_space<vmem>> -> memref<64xf32, #tpu.memory_space<vmem>>
    %dma_wait3A_1191 = arith.constant 0 : i32
    %dma_wait3A_1192 = tpu.memref_slice %arg14[%dma_wait3A_1188, %dma_wait3A_1191] : memref<8x64xi32, #tpu.memory_space<vmem>> -> memref<1x64xi32, #tpu.memory_space<vmem>>
    %dma_wait3A_1193 = tpu.memref_squeeze %dma_wait3A_1192 : memref<1x64xi32, #tpu.memory_space<vmem>> -> memref<64xi32, #tpu.memory_space<vmem>>
    %dma_wait3A_1194 = arith.constant 0 : i32
    %dma_wait3A_1195 = tpu.memref_slice %arg26[%dma_wait3A_1194] : memref<1024xf32, #tpu.memory_space<vmem_shared>> -> memref<1024xf32, #tpu.memory_space<vmem_shared>>
    tpu.wait_indirect_dma semaphore(%arg18 : memref<!tpu.dma_semaphore, #tpu.memory_space<semaphore_mem>>) src(%dma_wait3A_1190 : memref<64xf32, #tpu.memory_space<vmem>>) dst(%dma_wait3A_1195 : memref<1024xf32, #tpu.memory_space<vmem_shared>>)
    %dma_wait3A_1196 = arith.constant 5 : i32
    %dma_wait3A_1197 = arith.constant 0 : i32
    %dma_wait3A_1198 = tpu.memref_slice %arg15[%dma_wait3A_1197] : memref<128xf32, #tpu.memory_space<vmem>> -> memref<64xf32, #tpu.memory_space<vmem>>
    %dma_wait3A_1199 = arith.constant 0 : i32
    %dma_wait3A_1200 = tpu.memref_slice %arg14[%dma_wait3A_1196, %dma_wait3A_1199] : memref<8x64xi32, #tpu.memory_space<vmem>> -> memref<1x64xi32, #tpu.memory_space<vmem>>
    %dma_wait3A_1201 = tpu.memref_squeeze %dma_wait3A_1200 : memref<1x64xi32, #tpu.memory_space<vmem>> -> memref<64xi32, #tpu.memory_space<vmem>>
    %dma_wait3A_1202 = arith.constant 0 : i32
    %dma_wait3A_1203 = tpu.memref_slice %arg26[%dma_wait3A_1202] : memref<1024xf32, #tpu.memory_space<vmem_shared>> -> memref<1024xf32, #tpu.memory_space<vmem_shared>>
    tpu.wait_indirect_dma semaphore(%arg19 : memref<!tpu.dma_semaphore, #tpu.memory_space<semaphore_mem>>) src(%dma_wait3A_1198 : memref<64xf32, #tpu.memory_space<vmem>>) dst(%dma_wait3A_1203 : memref<1024xf32, #tpu.memory_space<vmem_shared>>)
    %dma_wait3A_1204 = arith.constant 6 : i32
    %dma_wait3A_1205 = arith.constant 0 : i32
    %dma_wait3A_1206 = tpu.memref_slice %arg15[%dma_wait3A_1205] : memref<128xf32, #tpu.memory_space<vmem>> -> memref<64xf32, #tpu.memory_space<vmem>>
    %dma_wait3A_1207 = arith.constant 0 : i32
    %dma_wait3A_1208 = tpu.memref_slice %arg14[%dma_wait3A_1204, %dma_wait3A_1207] : memref<8x64xi32, #tpu.memory_space<vmem>> -> memref<1x64xi32, #tpu.memory_space<vmem>>
    %dma_wait3A_1209 = tpu.memref_squeeze %dma_wait3A_1208 : memref<1x64xi32, #tpu.memory_space<vmem>> -> memref<64xi32, #tpu.memory_space<vmem>>
    %dma_wait3A_1210 = arith.constant 0 : i32
    %dma_wait3A_1211 = tpu.memref_slice %arg26[%dma_wait3A_1210] : memref<1024xf32, #tpu.memory_space<vmem_shared>> -> memref<1024xf32, #tpu.memory_space<vmem_shared>>
    tpu.wait_indirect_dma semaphore(%arg18 : memref<!tpu.dma_semaphore, #tpu.memory_space<semaphore_mem>>) src(%dma_wait3A_1206 : memref<64xf32, #tpu.memory_space<vmem>>) dst(%dma_wait3A_1211 : memref<1024xf32, #tpu.memory_space<vmem_shared>>)
    %dma_wait3A_1212 = arith.constant 7 : i32
    %dma_wait3A_1213 = arith.constant 0 : i32
    %dma_wait3A_1214 = tpu.memref_slice %arg15[%dma_wait3A_1213] : memref<128xf32, #tpu.memory_space<vmem>> -> memref<64xf32, #tpu.memory_space<vmem>>
    %dma_wait3A_1215 = arith.constant 0 : i32
    %dma_wait3A_1216 = tpu.memref_slice %arg14[%dma_wait3A_1212, %dma_wait3A_1215] : memref<8x64xi32, #tpu.memory_space<vmem>> -> memref<1x64xi32, #tpu.memory_space<vmem>>
    %dma_wait3A_1217 = tpu.memref_squeeze %dma_wait3A_1216 : memref<1x64xi32, #tpu.memory_space<vmem>> -> memref<64xi32, #tpu.memory_space<vmem>>
    %dma_wait3A_1218 = arith.constant 0 : i32
    %dma_wait3A_1219 = tpu.memref_slice %arg26[%dma_wait3A_1218] : memref<1024xf32, #tpu.memory_space<vmem_shared>> -> memref<1024xf32, #tpu.memory_space<vmem_shared>>
    tpu.wait_indirect_dma semaphore(%arg19 : memref<!tpu.dma_semaphore, #tpu.memory_space<semaphore_mem>>) src(%dma_wait3A_1214 : memref<64xf32, #tpu.memory_space<vmem>>) dst(%dma_wait3A_1219 : memref<1024xf32, #tpu.memory_space<vmem_shared>>)
    %barrier3A_1220 = arith.constant 0 : index
    tpu.barrier barrier_id(%barrier3A_1220)
    %mul3A_1221 = arith.constant 640 : i32
    %mul3A_1222 = arith.muli %arg1, %mul3A_1221 : i32
    "tpu.region"() ({
      %run_scoped3A = tpu.sem_alloc : memref<!tpu.dma_semaphore, #tpu.memory_space<semaphore_mem>>
      %dma_start3A_1450 = arith.constant 0 : i32
      %dma_start3A_1451 = tpu.memref_slice %arg17[%dma_start3A_1450] : memref<8192xf32, #tpu.memory_space<vmem>> -> memref<640xf32, #tpu.memory_space<vmem>>
      %dma_start3A_1452 = tpu.memref_slice %arg24[%mul3A_1222] : memref<10240xf32, #tpu.memory_space<vmem_shared>> -> memref<640xf32, #tpu.memory_space<vmem_shared>>
      %dma_start3A_1453 = arith.constant 0 : i32
      %dma_start3A_1454 = tpu.memref_slice %arg17[%dma_start3A_1453] : memref<8192xf32, #tpu.memory_space<vmem>> -> memref<640xf32, #tpu.memory_space<vmem>>
      %dma_start3A_1455 = tpu.memref_slice %arg24[%mul3A_1222] : memref<10240xf32, #tpu.memory_space<vmem_shared>> -> memref<640xf32, #tpu.memory_space<vmem_shared>>
      tpu.enqueue_dma source(%dma_start3A_1455 : memref<640xf32, #tpu.memory_space<vmem_shared>>) target(%dma_start3A_1454 : memref<640xf32, #tpu.memory_space<vmem>>) target_semaphore(%run_scoped3A : memref<!tpu.dma_semaphore, #tpu.memory_space<semaphore_mem>>)
      %dma_wait3A_1456 = arith.constant 0 : i32
      %dma_wait3A_1457 = tpu.memref_slice %arg17[%dma_wait3A_1456] : memref<8192xf32, #tpu.memory_space<vmem>> -> memref<640xf32, #tpu.memory_space<vmem>>
      %dma_wait3A_1458 = tpu.memref_slice %arg24[%mul3A_1222] : memref<10240xf32, #tpu.memory_space<vmem_shared>> -> memref<640xf32, #tpu.memory_space<vmem_shared>>
      %dma_wait3A_1459 = arith.constant 0 : i32
      %dma_wait3A_1460 = tpu.memref_slice %arg17[%dma_wait3A_1459] : memref<8192xf32, #tpu.memory_space<vmem>> -> memref<640xf32, #tpu.memory_space<vmem>>
      %dma_wait3A_1461 = tpu.memref_slice %arg24[%mul3A_1222] : memref<10240xf32, #tpu.memory_space<vmem_shared>> -> memref<640xf32, #tpu.memory_space<vmem_shared>>
      tpu.wait_dma2 semaphore(%run_scoped3A : memref<!tpu.dma_semaphore, #tpu.memory_space<semaphore_mem>>) src(%dma_wait3A_1461 : memref<640xf32, #tpu.memory_space<vmem_shared>>) dst(%dma_wait3A_1460 : memref<640xf32, #tpu.memory_space<vmem>>)
      tpu.yield
    }) : () -> ()
    %mul3A_1223 = arith.constant 10240 : i32
    %mul3A_1224 = arith.muli %arg0, %mul3A_1223 : i32
    %mul3A_1225 = arith.constant 640 : i32
    %mul3A_1226 = arith.muli %arg1, %mul3A_1225 : i32
    %add3A_1227 = arith.addi %mul3A_1224, %mul3A_1226 : i32
    "tpu.region"() ({
      %run_scoped3A = tpu.sem_alloc : memref<!tpu.dma_semaphore, #tpu.memory_space<semaphore_mem>>
      %dma_start3A_1450 = arith.constant 0 : i32
      %dma_start3A_1451 = tpu.memref_slice %arg17[%dma_start3A_1450] : memref<8192xf32, #tpu.memory_space<vmem>> -> memref<640xf32, #tpu.memory_space<vmem>>
      %dma_start3A_1452 = tpu.memref_slice %arg6[%add3A_1227] : memref<20480xf32, #tpu.memory_space<hbm>> -> memref<640xf32, #tpu.memory_space<hbm>>
      %dma_start3A_1453 = tpu.memref_slice %arg6[%add3A_1227] : memref<20480xf32, #tpu.memory_space<hbm>> -> memref<640xf32, #tpu.memory_space<hbm>>
      %dma_start3A_1454 = arith.constant 0 : i32
      %dma_start3A_1455 = tpu.memref_slice %arg17[%dma_start3A_1454] : memref<8192xf32, #tpu.memory_space<vmem>> -> memref<640xf32, #tpu.memory_space<vmem>>
      tpu.enqueue_dma source(%dma_start3A_1455 : memref<640xf32, #tpu.memory_space<vmem>>) target(%dma_start3A_1453 : memref<640xf32, #tpu.memory_space<hbm>>) target_semaphore(%run_scoped3A : memref<!tpu.dma_semaphore, #tpu.memory_space<semaphore_mem>>)
      %dma_wait3A_1456 = arith.constant 0 : i32
      %dma_wait3A_1457 = tpu.memref_slice %arg17[%dma_wait3A_1456] : memref<8192xf32, #tpu.memory_space<vmem>> -> memref<640xf32, #tpu.memory_space<vmem>>
      %dma_wait3A_1458 = tpu.memref_slice %arg6[%add3A_1227] : memref<20480xf32, #tpu.memory_space<hbm>> -> memref<640xf32, #tpu.memory_space<hbm>>
      %dma_wait3A_1459 = tpu.memref_slice %arg6[%add3A_1227] : memref<20480xf32, #tpu.memory_space<hbm>> -> memref<640xf32, #tpu.memory_space<hbm>>
      %dma_wait3A_1460 = arith.constant 0 : i32
      %dma_wait3A_1461 = tpu.memref_slice %arg17[%dma_wait3A_1460] : memref<8192xf32, #tpu.memory_space<vmem>> -> memref<640xf32, #tpu.memory_space<vmem>>
      tpu.wait_dma2 semaphore(%run_scoped3A : memref<!tpu.dma_semaphore, #tpu.memory_space<semaphore_mem>>) src(%dma_wait3A_1461 : memref<640xf32, #tpu.memory_space<vmem>>) dst(%dma_wait3A_1459 : memref<640xf32, #tpu.memory_space<hbm>>)
      tpu.yield
    }) : () -> ()
    %mul3A_1228 = arith.constant 64 : i32
    %mul3A_1229 = arith.muli %arg1, %mul3A_1228 : i32
    "tpu.region"() ({
      %run_scoped3A = tpu.sem_alloc : memref<!tpu.dma_semaphore, #tpu.memory_space<semaphore_mem>>
      %dma_start3A_1450 = arith.constant 0 : i32
      %dma_start3A_1451 = tpu.memref_slice %arg17[%dma_start3A_1450] : memref<8192xf32, #tpu.memory_space<vmem>> -> memref<64xf32, #tpu.memory_space<vmem>>
      %dma_start3A_1452 = tpu.memref_slice %arg25[%mul3A_1229] : memref<1024xf32, #tpu.memory_space<vmem_shared>> -> memref<64xf32, #tpu.memory_space<vmem_shared>>
      %dma_start3A_1453 = arith.constant 0 : i32
      %dma_start3A_1454 = tpu.memref_slice %arg17[%dma_start3A_1453] : memref<8192xf32, #tpu.memory_space<vmem>> -> memref<64xf32, #tpu.memory_space<vmem>>
      %dma_start3A_1455 = tpu.memref_slice %arg25[%mul3A_1229] : memref<1024xf32, #tpu.memory_space<vmem_shared>> -> memref<64xf32, #tpu.memory_space<vmem_shared>>
      tpu.enqueue_dma source(%dma_start3A_1455 : memref<64xf32, #tpu.memory_space<vmem_shared>>) target(%dma_start3A_1454 : memref<64xf32, #tpu.memory_space<vmem>>) target_semaphore(%run_scoped3A : memref<!tpu.dma_semaphore, #tpu.memory_space<semaphore_mem>>)
      %dma_wait3A_1456 = arith.constant 0 : i32
      %dma_wait3A_1457 = tpu.memref_slice %arg17[%dma_wait3A_1456] : memref<8192xf32, #tpu.memory_space<vmem>> -> memref<64xf32, #tpu.memory_space<vmem>>
      %dma_wait3A_1458 = tpu.memref_slice %arg25[%mul3A_1229] : memref<1024xf32, #tpu.memory_space<vmem_shared>> -> memref<64xf32, #tpu.memory_space<vmem_shared>>
      %dma_wait3A_1459 = arith.constant 0 : i32
      %dma_wait3A_1460 = tpu.memref_slice %arg17[%dma_wait3A_1459] : memref<8192xf32, #tpu.memory_space<vmem>> -> memref<64xf32, #tpu.memory_space<vmem>>
      %dma_wait3A_1461 = tpu.memref_slice %arg25[%mul3A_1229] : memref<1024xf32, #tpu.memory_space<vmem_shared>> -> memref<64xf32, #tpu.memory_space<vmem_shared>>
      tpu.wait_dma2 semaphore(%run_scoped3A : memref<!tpu.dma_semaphore, #tpu.memory_space<semaphore_mem>>) src(%dma_wait3A_1461 : memref<64xf32, #tpu.memory_space<vmem_shared>>) dst(%dma_wait3A_1460 : memref<64xf32, #tpu.memory_space<vmem>>)
      tpu.yield
    }) : () -> ()
    %mul3A_1230 = arith.constant 1024 : i32
    %mul3A_1231 = arith.muli %arg0, %mul3A_1230 : i32
    %mul3A_1232 = arith.constant 64 : i32
    %mul3A_1233 = arith.muli %arg1, %mul3A_1232 : i32
    %add3A_1234 = arith.addi %mul3A_1231, %mul3A_1233 : i32
    "tpu.region"() ({
      %run_scoped3A = tpu.sem_alloc : memref<!tpu.dma_semaphore, #tpu.memory_space<semaphore_mem>>
      %dma_start3A_1450 = arith.constant 0 : i32
      %dma_start3A_1451 = tpu.memref_slice %arg17[%dma_start3A_1450] : memref<8192xf32, #tpu.memory_space<vmem>> -> memref<64xf32, #tpu.memory_space<vmem>>
      %dma_start3A_1452 = tpu.memref_slice %arg7[%add3A_1234] : memref<2048xf32, #tpu.memory_space<hbm>> -> memref<64xf32, #tpu.memory_space<hbm>>
      %dma_start3A_1453 = tpu.memref_slice %arg7[%add3A_1234] : memref<2048xf32, #tpu.memory_space<hbm>> -> memref<64xf32, #tpu.memory_space<hbm>>
      %dma_start3A_1454 = arith.constant 0 : i32
      %dma_start3A_1455 = tpu.memref_slice %arg17[%dma_start3A_1454] : memref<8192xf32, #tpu.memory_space<vmem>> -> memref<64xf32, #tpu.memory_space<vmem>>
      tpu.enqueue_dma source(%dma_start3A_1455 : memref<64xf32, #tpu.memory_space<vmem>>) target(%dma_start3A_1453 : memref<64xf32, #tpu.memory_space<hbm>>) target_semaphore(%run_scoped3A : memref<!tpu.dma_semaphore, #tpu.memory_space<semaphore_mem>>)
      %dma_wait3A_1456 = arith.constant 0 : i32
      %dma_wait3A_1457 = tpu.memref_slice %arg17[%dma_wait3A_1456] : memref<8192xf32, #tpu.memory_space<vmem>> -> memref<64xf32, #tpu.memory_space<vmem>>
      %dma_wait3A_1458 = tpu.memref_slice %arg7[%add3A_1234] : memref<2048xf32, #tpu.memory_space<hbm>> -> memref<64xf32, #tpu.memory_space<hbm>>
      %dma_wait3A_1459 = tpu.memref_slice %arg7[%add3A_1234] : memref<2048xf32, #tpu.memory_space<hbm>> -> memref<64xf32, #tpu.memory_space<hbm>>
      %dma_wait3A_1460 = arith.constant 0 : i32
      %dma_wait3A_1461 = tpu.memref_slice %arg17[%dma_wait3A_1460] : memref<8192xf32, #tpu.memory_space<vmem>> -> memref<64xf32, #tpu.memory_space<vmem>>
      tpu.wait_dma2 semaphore(%run_scoped3A : memref<!tpu.dma_semaphore, #tpu.memory_space<semaphore_mem>>) src(%dma_wait3A_1461 : memref<64xf32, #tpu.memory_space<vmem>>) dst(%dma_wait3A_1459 : memref<64xf32, #tpu.memory_space<hbm>>)
      tpu.yield
    }) : () -> ()
    %mul3A_1235 = arith.constant 64 : i32
    %mul3A_1236 = arith.muli %arg1, %mul3A_1235 : i32
    "tpu.region"() ({
      %run_scoped3A = tpu.sem_alloc : memref<!tpu.dma_semaphore, #tpu.memory_space<semaphore_mem>>
      %dma_start3A_1450 = arith.constant 0 : i32
      %dma_start3A_1451 = tpu.memref_slice %arg17[%dma_start3A_1450] : memref<8192xf32, #tpu.memory_space<vmem>> -> memref<64xf32, #tpu.memory_space<vmem>>
      %dma_start3A_1452 = tpu.memref_slice %arg26[%mul3A_1236] : memref<1024xf32, #tpu.memory_space<vmem_shared>> -> memref<64xf32, #tpu.memory_space<vmem_shared>>
      %dma_start3A_1453 = arith.constant 0 : i32
      %dma_start3A_1454 = tpu.memref_slice %arg17[%dma_start3A_1453] : memref<8192xf32, #tpu.memory_space<vmem>> -> memref<64xf32, #tpu.memory_space<vmem>>
      %dma_start3A_1455 = tpu.memref_slice %arg26[%mul3A_1236] : memref<1024xf32, #tpu.memory_space<vmem_shared>> -> memref<64xf32, #tpu.memory_space<vmem_shared>>
      tpu.enqueue_dma source(%dma_start3A_1455 : memref<64xf32, #tpu.memory_space<vmem_shared>>) target(%dma_start3A_1454 : memref<64xf32, #tpu.memory_space<vmem>>) target_semaphore(%run_scoped3A : memref<!tpu.dma_semaphore, #tpu.memory_space<semaphore_mem>>)
      %dma_wait3A_1456 = arith.constant 0 : i32
      %dma_wait3A_1457 = tpu.memref_slice %arg17[%dma_wait3A_1456] : memref<8192xf32, #tpu.memory_space<vmem>> -> memref<64xf32, #tpu.memory_space<vmem>>
      %dma_wait3A_1458 = tpu.memref_slice %arg26[%mul3A_1236] : memref<1024xf32, #tpu.memory_space<vmem_shared>> -> memref<64xf32, #tpu.memory_space<vmem_shared>>
      %dma_wait3A_1459 = arith.constant 0 : i32
      %dma_wait3A_1460 = tpu.memref_slice %arg17[%dma_wait3A_1459] : memref<8192xf32, #tpu.memory_space<vmem>> -> memref<64xf32, #tpu.memory_space<vmem>>
      %dma_wait3A_1461 = tpu.memref_slice %arg26[%mul3A_1236] : memref<1024xf32, #tpu.memory_space<vmem_shared>> -> memref<64xf32, #tpu.memory_space<vmem_shared>>
      tpu.wait_dma2 semaphore(%run_scoped3A : memref<!tpu.dma_semaphore, #tpu.memory_space<semaphore_mem>>) src(%dma_wait3A_1461 : memref<64xf32, #tpu.memory_space<vmem_shared>>) dst(%dma_wait3A_1460 : memref<64xf32, #tpu.memory_space<vmem>>)
      tpu.yield
    }) : () -> ()
    %mul3A_1237 = arith.constant 1024 : i32
    %mul3A_1238 = arith.muli %arg0, %mul3A_1237 : i32
    %mul3A_1239 = arith.constant 64 : i32
    %mul3A_1240 = arith.muli %arg1, %mul3A_1239 : i32
    %add3A_1241 = arith.addi %mul3A_1238, %mul3A_1240 : i32
    "tpu.region"() ({
      %run_scoped3A = tpu.sem_alloc : memref<!tpu.dma_semaphore, #tpu.memory_space<semaphore_mem>>
      %dma_start3A_1450 = arith.constant 0 : i32
      %dma_start3A_1451 = tpu.memref_slice %arg17[%dma_start3A_1450] : memref<8192xf32, #tpu.memory_space<vmem>> -> memref<64xf32, #tpu.memory_space<vmem>>
      %dma_start3A_1452 = tpu.memref_slice %arg8[%add3A_1241] : memref<2048xf32, #tpu.memory_space<hbm>> -> memref<64xf32, #tpu.memory_space<hbm>>
      %dma_start3A_1453 = tpu.memref_slice %arg8[%add3A_1241] : memref<2048xf32, #tpu.memory_space<hbm>> -> memref<64xf32, #tpu.memory_space<hbm>>
      %dma_start3A_1454 = arith.constant 0 : i32
      %dma_start3A_1455 = tpu.memref_slice %arg17[%dma_start3A_1454] : memref<8192xf32, #tpu.memory_space<vmem>> -> memref<64xf32, #tpu.memory_space<vmem>>
      tpu.enqueue_dma source(%dma_start3A_1455 : memref<64xf32, #tpu.memory_space<vmem>>) target(%dma_start3A_1453 : memref<64xf32, #tpu.memory_space<hbm>>) target_semaphore(%run_scoped3A : memref<!tpu.dma_semaphore, #tpu.memory_space<semaphore_mem>>)
      %dma_wait3A_1456 = arith.constant 0 : i32
      %dma_wait3A_1457 = tpu.memref_slice %arg17[%dma_wait3A_1456] : memref<8192xf32, #tpu.memory_space<vmem>> -> memref<64xf32, #tpu.memory_space<vmem>>
      %dma_wait3A_1458 = tpu.memref_slice %arg8[%add3A_1241] : memref<2048xf32, #tpu.memory_space<hbm>> -> memref<64xf32, #tpu.memory_space<hbm>>
      %dma_wait3A_1459 = tpu.memref_slice %arg8[%add3A_1241] : memref<2048xf32, #tpu.memory_space<hbm>> -> memref<64xf32, #tpu.memory_space<hbm>>
      %dma_wait3A_1460 = arith.constant 0 : i32
      %dma_wait3A_1461 = tpu.memref_slice %arg17[%dma_wait3A_1460] : memref<8192xf32, #tpu.memory_space<vmem>> -> memref<64xf32, #tpu.memory_space<vmem>>
      tpu.wait_dma2 semaphore(%run_scoped3A : memref<!tpu.dma_semaphore, #tpu.memory_space<semaphore_mem>>) src(%dma_wait3A_1461 : memref<64xf32, #tpu.memory_space<vmem>>) dst(%dma_wait3A_1459 : memref<64xf32, #tpu.memory_space<hbm>>)
      tpu.yield
    }) : () -> ()
    %mul3A_1242 = arith.constant 65536 : i32
    %mul3A_1243 = arith.muli %arg1, %mul3A_1242 : i32
    %add3A_1244 = arith.constant 0 : i32
    %add3A_1245 = arith.addi %mul3A_1243, %add3A_1244 : i32
    "tpu.region"() ({
      %run_scoped3A = tpu.sem_alloc : memref<!tpu.dma_semaphore, #tpu.memory_space<semaphore_mem>>
      %dma_start3A_1450 = tpu.memref_slice %arg27[%add3A_1245] : memref<1048576xf32, #tpu.memory_space<vmem_shared>> -> memref<8192xf32, #tpu.memory_space<vmem_shared>>
      %dma_start3A_1451 = tpu.memref_slice %arg27[%add3A_1245] : memref<1048576xf32, #tpu.memory_space<vmem_shared>> -> memref<8192xf32, #tpu.memory_space<vmem_shared>>
      tpu.enqueue_dma source(%dma_start3A_1451 : memref<8192xf32, #tpu.memory_space<vmem_shared>>) target(%arg16 : memref<8192xf32, #tpu.memory_space<vmem>>) target_semaphore(%run_scoped3A : memref<!tpu.dma_semaphore, #tpu.memory_space<semaphore_mem>>)
      %dma_wait3A_1452 = tpu.memref_slice %arg27[%add3A_1245] : memref<1048576xf32, #tpu.memory_space<vmem_shared>> -> memref<8192xf32, #tpu.memory_space<vmem_shared>>
      %dma_wait3A_1453 = tpu.memref_slice %arg27[%add3A_1245] : memref<1048576xf32, #tpu.memory_space<vmem_shared>> -> memref<8192xf32, #tpu.memory_space<vmem_shared>>
      tpu.wait_dma2 semaphore(%run_scoped3A : memref<!tpu.dma_semaphore, #tpu.memory_space<semaphore_mem>>) src(%dma_wait3A_1453 : memref<8192xf32, #tpu.memory_space<vmem_shared>>) dst(%arg16 : memref<8192xf32, #tpu.memory_space<vmem>>)
      tpu.yield
    }) : () -> ()
    %mul3A_1246 = arith.constant 65536 : i32
    %mul3A_1247 = arith.muli %arg1, %mul3A_1246 : i32
    %add3A_1248 = arith.constant 0 : i32
    %add3A_1249 = arith.addi %mul3A_1247, %add3A_1248 : i32
    %mul3A_1250 = arith.constant 1024 : i32
    %mul3A_1251 = arith.muli %arg0, %mul3A_1250 : i32
    %mul3A_1252 = arith.constant 1024 : i32
    %mul3A_1253 = arith.muli %mul3A_1251, %mul3A_1252 : i32
    %add3A_1254 = arith.addi %mul3A_1253, %add3A_1249 : i32
    %dma_start3A_1255 = tpu.memref_slice %arg9[%add3A_1254] : memref<2097152xf32, #tpu.memory_space<hbm>> -> memref<8192xf32, #tpu.memory_space<hbm>>
    %dma_start3A_1256 = tpu.memref_slice %arg9[%add3A_1254] : memref<2097152xf32, #tpu.memory_space<hbm>> -> memref<8192xf32, #tpu.memory_space<hbm>>
    tpu.enqueue_dma source(%arg16 : memref<8192xf32, #tpu.memory_space<vmem>>) target(%dma_start3A_1256 : memref<8192xf32, #tpu.memory_space<hbm>>) target_semaphore(%arg22 : memref<!tpu.dma_semaphore, #tpu.memory_space<semaphore_mem>>)
    %mul3A_1257 = arith.constant 65536 : i32
    %mul3A_1258 = arith.muli %arg1, %mul3A_1257 : i32
    %add3A_1259 = arith.constant 8192 : i32
    %add3A_1260 = arith.addi %mul3A_1258, %add3A_1259 : i32
    "tpu.region"() ({
      %run_scoped3A = tpu.sem_alloc : memref<!tpu.dma_semaphore, #tpu.memory_space<semaphore_mem>>
      %dma_start3A_1450 = tpu.memref_slice %arg27[%add3A_1260] : memref<1048576xf32, #tpu.memory_space<vmem_shared>> -> memref<8192xf32, #tpu.memory_space<vmem_shared>>
      %dma_start3A_1451 = tpu.memref_slice %arg27[%add3A_1260] : memref<1048576xf32, #tpu.memory_space<vmem_shared>> -> memref<8192xf32, #tpu.memory_space<vmem_shared>>
      tpu.enqueue_dma source(%dma_start3A_1451 : memref<8192xf32, #tpu.memory_space<vmem_shared>>) target(%arg17 : memref<8192xf32, #tpu.memory_space<vmem>>) target_semaphore(%run_scoped3A : memref<!tpu.dma_semaphore, #tpu.memory_space<semaphore_mem>>)
      %dma_wait3A_1452 = tpu.memref_slice %arg27[%add3A_1260] : memref<1048576xf32, #tpu.memory_space<vmem_shared>> -> memref<8192xf32, #tpu.memory_space<vmem_shared>>
      %dma_wait3A_1453 = tpu.memref_slice %arg27[%add3A_1260] : memref<1048576xf32, #tpu.memory_space<vmem_shared>> -> memref<8192xf32, #tpu.memory_space<vmem_shared>>
      tpu.wait_dma2 semaphore(%run_scoped3A : memref<!tpu.dma_semaphore, #tpu.memory_space<semaphore_mem>>) src(%dma_wait3A_1453 : memref<8192xf32, #tpu.memory_space<vmem_shared>>) dst(%arg17 : memref<8192xf32, #tpu.memory_space<vmem>>)
      tpu.yield
    }) : () -> ()
    %mul3A_1261 = arith.constant 65536 : i32
    %mul3A_1262 = arith.muli %arg1, %mul3A_1261 : i32
    %add3A_1263 = arith.constant 8192 : i32
    %add3A_1264 = arith.addi %mul3A_1262, %add3A_1263 : i32
    %mul3A_1265 = arith.constant 1024 : i32
    %mul3A_1266 = arith.muli %arg0, %mul3A_1265 : i32
    %mul3A_1267 = arith.constant 1024 : i32
    %mul3A_1268 = arith.muli %mul3A_1266, %mul3A_1267 : i32
    %add3A_1269 = arith.addi %mul3A_1268, %add3A_1264 : i32
    %dma_start3A_1270 = tpu.memref_slice %arg9[%add3A_1269] : memref<2097152xf32, #tpu.memory_space<hbm>> -> memref<8192xf32, #tpu.memory_space<hbm>>
    %dma_start3A_1271 = tpu.memref_slice %arg9[%add3A_1269] : memref<2097152xf32, #tpu.memory_space<hbm>> -> memref<8192xf32, #tpu.memory_space<hbm>>
    tpu.enqueue_dma source(%arg17 : memref<8192xf32, #tpu.memory_space<vmem>>) target(%dma_start3A_1271 : memref<8192xf32, #tpu.memory_space<hbm>>) target_semaphore(%arg23 : memref<!tpu.dma_semaphore, #tpu.memory_space<semaphore_mem>>)
    %mul3A_1272 = arith.constant 65536 : i32
    %mul3A_1273 = arith.muli %arg1, %mul3A_1272 : i32
    %add3A_1274 = arith.constant 0 : i32
    %add3A_1275 = arith.addi %mul3A_1273, %add3A_1274 : i32
    %mul3A_1276 = arith.constant 1024 : i32
    %mul3A_1277 = arith.muli %arg0, %mul3A_1276 : i32
    %mul3A_1278 = arith.constant 1024 : i32
    %mul3A_1279 = arith.muli %mul3A_1277, %mul3A_1278 : i32
    %add3A_1280 = arith.addi %mul3A_1279, %add3A_1275 : i32
    %dma_wait3A_1281 = tpu.memref_slice %arg9[%add3A_1280] : memref<2097152xf32, #tpu.memory_space<hbm>> -> memref<8192xf32, #tpu.memory_space<hbm>>
    %dma_wait3A_1282 = tpu.memref_slice %arg9[%add3A_1280] : memref<2097152xf32, #tpu.memory_space<hbm>> -> memref<8192xf32, #tpu.memory_space<hbm>>
    tpu.wait_dma2 semaphore(%arg22 : memref<!tpu.dma_semaphore, #tpu.memory_space<semaphore_mem>>) src(%arg16 : memref<8192xf32, #tpu.memory_space<vmem>>) dst(%dma_wait3A_1282 : memref<8192xf32, #tpu.memory_space<hbm>>)
    %mul3A_1283 = arith.constant 65536 : i32
    %mul3A_1284 = arith.muli %arg1, %mul3A_1283 : i32
    %add3A_1285 = arith.constant 16384 : i32
    %add3A_1286 = arith.addi %mul3A_1284, %add3A_1285 : i32
    "tpu.region"() ({
      %run_scoped3A = tpu.sem_alloc : memref<!tpu.dma_semaphore, #tpu.memory_space<semaphore_mem>>
      %dma_start3A_1450 = tpu.memref_slice %arg27[%add3A_1286] : memref<1048576xf32, #tpu.memory_space<vmem_shared>> -> memref<8192xf32, #tpu.memory_space<vmem_shared>>
      %dma_start3A_1451 = tpu.memref_slice %arg27[%add3A_1286] : memref<1048576xf32, #tpu.memory_space<vmem_shared>> -> memref<8192xf32, #tpu.memory_space<vmem_shared>>
      tpu.enqueue_dma source(%dma_start3A_1451 : memref<8192xf32, #tpu.memory_space<vmem_shared>>) target(%arg16 : memref<8192xf32, #tpu.memory_space<vmem>>) target_semaphore(%run_scoped3A : memref<!tpu.dma_semaphore, #tpu.memory_space<semaphore_mem>>)
      %dma_wait3A_1452 = tpu.memref_slice %arg27[%add3A_1286] : memref<1048576xf32, #tpu.memory_space<vmem_shared>> -> memref<8192xf32, #tpu.memory_space<vmem_shared>>
      %dma_wait3A_1453 = tpu.memref_slice %arg27[%add3A_1286] : memref<1048576xf32, #tpu.memory_space<vmem_shared>> -> memref<8192xf32, #tpu.memory_space<vmem_shared>>
      tpu.wait_dma2 semaphore(%run_scoped3A : memref<!tpu.dma_semaphore, #tpu.memory_space<semaphore_mem>>) src(%dma_wait3A_1453 : memref<8192xf32, #tpu.memory_space<vmem_shared>>) dst(%arg16 : memref<8192xf32, #tpu.memory_space<vmem>>)
      tpu.yield
    }) : () -> ()
    %mul3A_1287 = arith.constant 65536 : i32
    %mul3A_1288 = arith.muli %arg1, %mul3A_1287 : i32
    %add3A_1289 = arith.constant 16384 : i32
    %add3A_1290 = arith.addi %mul3A_1288, %add3A_1289 : i32
    %mul3A_1291 = arith.constant 1024 : i32
    %mul3A_1292 = arith.muli %arg0, %mul3A_1291 : i32
    %mul3A_1293 = arith.constant 1024 : i32
    %mul3A_1294 = arith.muli %mul3A_1292, %mul3A_1293 : i32
    %add3A_1295 = arith.addi %mul3A_1294, %add3A_1290 : i32
    %dma_start3A_1296 = tpu.memref_slice %arg9[%add3A_1295] : memref<2097152xf32, #tpu.memory_space<hbm>> -> memref<8192xf32, #tpu.memory_space<hbm>>
    %dma_start3A_1297 = tpu.memref_slice %arg9[%add3A_1295] : memref<2097152xf32, #tpu.memory_space<hbm>> -> memref<8192xf32, #tpu.memory_space<hbm>>
    tpu.enqueue_dma source(%arg16 : memref<8192xf32, #tpu.memory_space<vmem>>) target(%dma_start3A_1297 : memref<8192xf32, #tpu.memory_space<hbm>>) target_semaphore(%arg22 : memref<!tpu.dma_semaphore, #tpu.memory_space<semaphore_mem>>)
    %mul3A_1298 = arith.constant 65536 : i32
    %mul3A_1299 = arith.muli %arg1, %mul3A_1298 : i32
    %add3A_1300 = arith.constant 8192 : i32
    %add3A_1301 = arith.addi %mul3A_1299, %add3A_1300 : i32
    %mul3A_1302 = arith.constant 1024 : i32
    %mul3A_1303 = arith.muli %arg0, %mul3A_1302 : i32
    %mul3A_1304 = arith.constant 1024 : i32
    %mul3A_1305 = arith.muli %mul3A_1303, %mul3A_1304 : i32
    %add3A_1306 = arith.addi %mul3A_1305, %add3A_1301 : i32
    %dma_wait3A_1307 = tpu.memref_slice %arg9[%add3A_1306] : memref<2097152xf32, #tpu.memory_space<hbm>> -> memref<8192xf32, #tpu.memory_space<hbm>>
    %dma_wait3A_1308 = tpu.memref_slice %arg9[%add3A_1306] : memref<2097152xf32, #tpu.memory_space<hbm>> -> memref<8192xf32, #tpu.memory_space<hbm>>
    tpu.wait_dma2 semaphore(%arg23 : memref<!tpu.dma_semaphore, #tpu.memory_space<semaphore_mem>>) src(%arg17 : memref<8192xf32, #tpu.memory_space<vmem>>) dst(%dma_wait3A_1308 : memref<8192xf32, #tpu.memory_space<hbm>>)
    %mul3A_1309 = arith.constant 65536 : i32
    %mul3A_1310 = arith.muli %arg1, %mul3A_1309 : i32
    %add3A_1311 = arith.constant 24576 : i32
    %add3A_1312 = arith.addi %mul3A_1310, %add3A_1311 : i32
    "tpu.region"() ({
      %run_scoped3A = tpu.sem_alloc : memref<!tpu.dma_semaphore, #tpu.memory_space<semaphore_mem>>
      %dma_start3A_1450 = tpu.memref_slice %arg27[%add3A_1312] : memref<1048576xf32, #tpu.memory_space<vmem_shared>> -> memref<8192xf32, #tpu.memory_space<vmem_shared>>
      %dma_start3A_1451 = tpu.memref_slice %arg27[%add3A_1312] : memref<1048576xf32, #tpu.memory_space<vmem_shared>> -> memref<8192xf32, #tpu.memory_space<vmem_shared>>
      tpu.enqueue_dma source(%dma_start3A_1451 : memref<8192xf32, #tpu.memory_space<vmem_shared>>) target(%arg17 : memref<8192xf32, #tpu.memory_space<vmem>>) target_semaphore(%run_scoped3A : memref<!tpu.dma_semaphore, #tpu.memory_space<semaphore_mem>>)
      %dma_wait3A_1452 = tpu.memref_slice %arg27[%add3A_1312] : memref<1048576xf32, #tpu.memory_space<vmem_shared>> -> memref<8192xf32, #tpu.memory_space<vmem_shared>>
      %dma_wait3A_1453 = tpu.memref_slice %arg27[%add3A_1312] : memref<1048576xf32, #tpu.memory_space<vmem_shared>> -> memref<8192xf32, #tpu.memory_space<vmem_shared>>
      tpu.wait_dma2 semaphore(%run_scoped3A : memref<!tpu.dma_semaphore, #tpu.memory_space<semaphore_mem>>) src(%dma_wait3A_1453 : memref<8192xf32, #tpu.memory_space<vmem_shared>>) dst(%arg17 : memref<8192xf32, #tpu.memory_space<vmem>>)
      tpu.yield
    }) : () -> ()
    %mul3A_1313 = arith.constant 65536 : i32
    %mul3A_1314 = arith.muli %arg1, %mul3A_1313 : i32
    %add3A_1315 = arith.constant 24576 : i32
    %add3A_1316 = arith.addi %mul3A_1314, %add3A_1315 : i32
    %mul3A_1317 = arith.constant 1024 : i32
    %mul3A_1318 = arith.muli %arg0, %mul3A_1317 : i32
    %mul3A_1319 = arith.constant 1024 : i32
    %mul3A_1320 = arith.muli %mul3A_1318, %mul3A_1319 : i32
    %add3A_1321 = arith.addi %mul3A_1320, %add3A_1316 : i32
    %dma_start3A_1322 = tpu.memref_slice %arg9[%add3A_1321] : memref<2097152xf32, #tpu.memory_space<hbm>> -> memref<8192xf32, #tpu.memory_space<hbm>>
    %dma_start3A_1323 = tpu.memref_slice %arg9[%add3A_1321] : memref<2097152xf32, #tpu.memory_space<hbm>> -> memref<8192xf32, #tpu.memory_space<hbm>>
    tpu.enqueue_dma source(%arg17 : memref<8192xf32, #tpu.memory_space<vmem>>) target(%dma_start3A_1323 : memref<8192xf32, #tpu.memory_space<hbm>>) target_semaphore(%arg23 : memref<!tpu.dma_semaphore, #tpu.memory_space<semaphore_mem>>)
    %mul3A_1324 = arith.constant 65536 : i32
    %mul3A_1325 = arith.muli %arg1, %mul3A_1324 : i32
    %add3A_1326 = arith.constant 16384 : i32
    %add3A_1327 = arith.addi %mul3A_1325, %add3A_1326 : i32
    %mul3A_1328 = arith.constant 1024 : i32
    %mul3A_1329 = arith.muli %arg0, %mul3A_1328 : i32
    %mul3A_1330 = arith.constant 1024 : i32
    %mul3A_1331 = arith.muli %mul3A_1329, %mul3A_1330 : i32
    %add3A_1332 = arith.addi %mul3A_1331, %add3A_1327 : i32
    %dma_wait3A_1333 = tpu.memref_slice %arg9[%add3A_1332] : memref<2097152xf32, #tpu.memory_space<hbm>> -> memref<8192xf32, #tpu.memory_space<hbm>>
    %dma_wait3A_1334 = tpu.memref_slice %arg9[%add3A_1332] : memref<2097152xf32, #tpu.memory_space<hbm>> -> memref<8192xf32, #tpu.memory_space<hbm>>
    tpu.wait_dma2 semaphore(%arg22 : memref<!tpu.dma_semaphore, #tpu.memory_space<semaphore_mem>>) src(%arg16 : memref<8192xf32, #tpu.memory_space<vmem>>) dst(%dma_wait3A_1334 : memref<8192xf32, #tpu.memory_space<hbm>>)
    %mul3A_1335 = arith.constant 65536 : i32
    %mul3A_1336 = arith.muli %arg1, %mul3A_1335 : i32
    %add3A_1337 = arith.constant 32768 : i32
    %add3A_1338 = arith.addi %mul3A_1336, %add3A_1337 : i32
    "tpu.region"() ({
      %run_scoped3A = tpu.sem_alloc : memref<!tpu.dma_semaphore, #tpu.memory_space<semaphore_mem>>
      %dma_start3A_1450 = tpu.memref_slice %arg27[%add3A_1338] : memref<1048576xf32, #tpu.memory_space<vmem_shared>> -> memref<8192xf32, #tpu.memory_space<vmem_shared>>
      %dma_start3A_1451 = tpu.memref_slice %arg27[%add3A_1338] : memref<1048576xf32, #tpu.memory_space<vmem_shared>> -> memref<8192xf32, #tpu.memory_space<vmem_shared>>
      tpu.enqueue_dma source(%dma_start3A_1451 : memref<8192xf32, #tpu.memory_space<vmem_shared>>) target(%arg16 : memref<8192xf32, #tpu.memory_space<vmem>>) target_semaphore(%run_scoped3A : memref<!tpu.dma_semaphore, #tpu.memory_space<semaphore_mem>>)
      %dma_wait3A_1452 = tpu.memref_slice %arg27[%add3A_1338] : memref<1048576xf32, #tpu.memory_space<vmem_shared>> -> memref<8192xf32, #tpu.memory_space<vmem_shared>>
      %dma_wait3A_1453 = tpu.memref_slice %arg27[%add3A_1338] : memref<1048576xf32, #tpu.memory_space<vmem_shared>> -> memref<8192xf32, #tpu.memory_space<vmem_shared>>
      tpu.wait_dma2 semaphore(%run_scoped3A : memref<!tpu.dma_semaphore, #tpu.memory_space<semaphore_mem>>) src(%dma_wait3A_1453 : memref<8192xf32, #tpu.memory_space<vmem_shared>>) dst(%arg16 : memref<8192xf32, #tpu.memory_space<vmem>>)
      tpu.yield
    }) : () -> ()
    %mul3A_1339 = arith.constant 65536 : i32
    %mul3A_1340 = arith.muli %arg1, %mul3A_1339 : i32
    %add3A_1341 = arith.constant 32768 : i32
    %add3A_1342 = arith.addi %mul3A_1340, %add3A_1341 : i32
    %mul3A_1343 = arith.constant 1024 : i32
    %mul3A_1344 = arith.muli %arg0, %mul3A_1343 : i32
    %mul3A_1345 = arith.constant 1024 : i32
    %mul3A_1346 = arith.muli %mul3A_1344, %mul3A_1345 : i32
    %add3A_1347 = arith.addi %mul3A_1346, %add3A_1342 : i32
    %dma_start3A_1348 = tpu.memref_slice %arg9[%add3A_1347] : memref<2097152xf32, #tpu.memory_space<hbm>> -> memref<8192xf32, #tpu.memory_space<hbm>>
    %dma_start3A_1349 = tpu.memref_slice %arg9[%add3A_1347] : memref<2097152xf32, #tpu.memory_space<hbm>> -> memref<8192xf32, #tpu.memory_space<hbm>>
    tpu.enqueue_dma source(%arg16 : memref<8192xf32, #tpu.memory_space<vmem>>) target(%dma_start3A_1349 : memref<8192xf32, #tpu.memory_space<hbm>>) target_semaphore(%arg22 : memref<!tpu.dma_semaphore, #tpu.memory_space<semaphore_mem>>)
    %mul3A_1350 = arith.constant 65536 : i32
    %mul3A_1351 = arith.muli %arg1, %mul3A_1350 : i32
    %add3A_1352 = arith.constant 24576 : i32
    %add3A_1353 = arith.addi %mul3A_1351, %add3A_1352 : i32
    %mul3A_1354 = arith.constant 1024 : i32
    %mul3A_1355 = arith.muli %arg0, %mul3A_1354 : i32
    %mul3A_1356 = arith.constant 1024 : i32
    %mul3A_1357 = arith.muli %mul3A_1355, %mul3A_1356 : i32
    %add3A_1358 = arith.addi %mul3A_1357, %add3A_1353 : i32
    %dma_wait3A_1359 = tpu.memref_slice %arg9[%add3A_1358] : memref<2097152xf32, #tpu.memory_space<hbm>> -> memref<8192xf32, #tpu.memory_space<hbm>>
    %dma_wait3A_1360 = tpu.memref_slice %arg9[%add3A_1358] : memref<2097152xf32, #tpu.memory_space<hbm>> -> memref<8192xf32, #tpu.memory_space<hbm>>
    tpu.wait_dma2 semaphore(%arg23 : memref<!tpu.dma_semaphore, #tpu.memory_space<semaphore_mem>>) src(%arg17 : memref<8192xf32, #tpu.memory_space<vmem>>) dst(%dma_wait3A_1360 : memref<8192xf32, #tpu.memory_space<hbm>>)
    %mul3A_1361 = arith.constant 65536 : i32
    %mul3A_1362 = arith.muli %arg1, %mul3A_1361 : i32
    %add3A_1363 = arith.constant 40960 : i32
    %add3A_1364 = arith.addi %mul3A_1362, %add3A_1363 : i32
    "tpu.region"() ({
      %run_scoped3A = tpu.sem_alloc : memref<!tpu.dma_semaphore, #tpu.memory_space<semaphore_mem>>
      %dma_start3A_1450 = tpu.memref_slice %arg27[%add3A_1364] : memref<1048576xf32, #tpu.memory_space<vmem_shared>> -> memref<8192xf32, #tpu.memory_space<vmem_shared>>
      %dma_start3A_1451 = tpu.memref_slice %arg27[%add3A_1364] : memref<1048576xf32, #tpu.memory_space<vmem_shared>> -> memref<8192xf32, #tpu.memory_space<vmem_shared>>
      tpu.enqueue_dma source(%dma_start3A_1451 : memref<8192xf32, #tpu.memory_space<vmem_shared>>) target(%arg17 : memref<8192xf32, #tpu.memory_space<vmem>>) target_semaphore(%run_scoped3A : memref<!tpu.dma_semaphore, #tpu.memory_space<semaphore_mem>>)
      %dma_wait3A_1452 = tpu.memref_slice %arg27[%add3A_1364] : memref<1048576xf32, #tpu.memory_space<vmem_shared>> -> memref<8192xf32, #tpu.memory_space<vmem_shared>>
      %dma_wait3A_1453 = tpu.memref_slice %arg27[%add3A_1364] : memref<1048576xf32, #tpu.memory_space<vmem_shared>> -> memref<8192xf32, #tpu.memory_space<vmem_shared>>
      tpu.wait_dma2 semaphore(%run_scoped3A : memref<!tpu.dma_semaphore, #tpu.memory_space<semaphore_mem>>) src(%dma_wait3A_1453 : memref<8192xf32, #tpu.memory_space<vmem_shared>>) dst(%arg17 : memref<8192xf32, #tpu.memory_space<vmem>>)
      tpu.yield
    }) : () -> ()
    %mul3A_1365 = arith.constant 65536 : i32
    %mul3A_1366 = arith.muli %arg1, %mul3A_1365 : i32
    %add3A_1367 = arith.constant 40960 : i32
    %add3A_1368 = arith.addi %mul3A_1366, %add3A_1367 : i32
    %mul3A_1369 = arith.constant 1024 : i32
    %mul3A_1370 = arith.muli %arg0, %mul3A_1369 : i32
    %mul3A_1371 = arith.constant 1024 : i32
    %mul3A_1372 = arith.muli %mul3A_1370, %mul3A_1371 : i32
    %add3A_1373 = arith.addi %mul3A_1372, %add3A_1368 : i32
    %dma_start3A_1374 = tpu.memref_slice %arg9[%add3A_1373] : memref<2097152xf32, #tpu.memory_space<hbm>> -> memref<8192xf32, #tpu.memory_space<hbm>>
    %dma_start3A_1375 = tpu.memref_slice %arg9[%add3A_1373] : memref<2097152xf32, #tpu.memory_space<hbm>> -> memref<8192xf32, #tpu.memory_space<hbm>>
    tpu.enqueue_dma source(%arg17 : memref<8192xf32, #tpu.memory_space<vmem>>) target(%dma_start3A_1375 : memref<8192xf32, #tpu.memory_space<hbm>>) target_semaphore(%arg23 : memref<!tpu.dma_semaphore, #tpu.memory_space<semaphore_mem>>)
    %mul3A_1376 = arith.constant 65536 : i32
    %mul3A_1377 = arith.muli %arg1, %mul3A_1376 : i32
    %add3A_1378 = arith.constant 32768 : i32
    %add3A_1379 = arith.addi %mul3A_1377, %add3A_1378 : i32
    %mul3A_1380 = arith.constant 1024 : i32
    %mul3A_1381 = arith.muli %arg0, %mul3A_1380 : i32
    %mul3A_1382 = arith.constant 1024 : i32
    %mul3A_1383 = arith.muli %mul3A_1381, %mul3A_1382 : i32
    %add3A_1384 = arith.addi %mul3A_1383, %add3A_1379 : i32
    %dma_wait3A_1385 = tpu.memref_slice %arg9[%add3A_1384] : memref<2097152xf32, #tpu.memory_space<hbm>> -> memref<8192xf32, #tpu.memory_space<hbm>>
    %dma_wait3A_1386 = tpu.memref_slice %arg9[%add3A_1384] : memref<2097152xf32, #tpu.memory_space<hbm>> -> memref<8192xf32, #tpu.memory_space<hbm>>
    tpu.wait_dma2 semaphore(%arg22 : memref<!tpu.dma_semaphore, #tpu.memory_space<semaphore_mem>>) src(%arg16 : memref<8192xf32, #tpu.memory_space<vmem>>) dst(%dma_wait3A_1386 : memref<8192xf32, #tpu.memory_space<hbm>>)
    %mul3A_1387 = arith.constant 65536 : i32
    %mul3A_1388 = arith.muli %arg1, %mul3A_1387 : i32
    %add3A_1389 = arith.constant 49152 : i32
    %add3A_1390 = arith.addi %mul3A_1388, %add3A_1389 : i32
    "tpu.region"() ({
      %run_scoped3A = tpu.sem_alloc : memref<!tpu.dma_semaphore, #tpu.memory_space<semaphore_mem>>
      %dma_start3A_1450 = tpu.memref_slice %arg27[%add3A_1390] : memref<1048576xf32, #tpu.memory_space<vmem_shared>> -> memref<8192xf32, #tpu.memory_space<vmem_shared>>
      %dma_start3A_1451 = tpu.memref_slice %arg27[%add3A_1390] : memref<1048576xf32, #tpu.memory_space<vmem_shared>> -> memref<8192xf32, #tpu.memory_space<vmem_shared>>
      tpu.enqueue_dma source(%dma_start3A_1451 : memref<8192xf32, #tpu.memory_space<vmem_shared>>) target(%arg16 : memref<8192xf32, #tpu.memory_space<vmem>>) target_semaphore(%run_scoped3A : memref<!tpu.dma_semaphore, #tpu.memory_space<semaphore_mem>>)
      %dma_wait3A_1452 = tpu.memref_slice %arg27[%add3A_1390] : memref<1048576xf32, #tpu.memory_space<vmem_shared>> -> memref<8192xf32, #tpu.memory_space<vmem_shared>>
      %dma_wait3A_1453 = tpu.memref_slice %arg27[%add3A_1390] : memref<1048576xf32, #tpu.memory_space<vmem_shared>> -> memref<8192xf32, #tpu.memory_space<vmem_shared>>
      tpu.wait_dma2 semaphore(%run_scoped3A : memref<!tpu.dma_semaphore, #tpu.memory_space<semaphore_mem>>) src(%dma_wait3A_1453 : memref<8192xf32, #tpu.memory_space<vmem_shared>>) dst(%arg16 : memref<8192xf32, #tpu.memory_space<vmem>>)
      tpu.yield
    }) : () -> ()
    %mul3A_1391 = arith.constant 65536 : i32
    %mul3A_1392 = arith.muli %arg1, %mul3A_1391 : i32
    %add3A_1393 = arith.constant 49152 : i32
    %add3A_1394 = arith.addi %mul3A_1392, %add3A_1393 : i32
    %mul3A_1395 = arith.constant 1024 : i32
    %mul3A_1396 = arith.muli %arg0, %mul3A_1395 : i32
    %mul3A_1397 = arith.constant 1024 : i32
    %mul3A_1398 = arith.muli %mul3A_1396, %mul3A_1397 : i32
    %add3A_1399 = arith.addi %mul3A_1398, %add3A_1394 : i32
    %dma_start3A_1400 = tpu.memref_slice %arg9[%add3A_1399] : memref<2097152xf32, #tpu.memory_space<hbm>> -> memref<8192xf32, #tpu.memory_space<hbm>>
    %dma_start3A_1401 = tpu.memref_slice %arg9[%add3A_1399] : memref<2097152xf32, #tpu.memory_space<hbm>> -> memref<8192xf32, #tpu.memory_space<hbm>>
    tpu.enqueue_dma source(%arg16 : memref<8192xf32, #tpu.memory_space<vmem>>) target(%dma_start3A_1401 : memref<8192xf32, #tpu.memory_space<hbm>>) target_semaphore(%arg22 : memref<!tpu.dma_semaphore, #tpu.memory_space<semaphore_mem>>)
    %mul3A_1402 = arith.constant 65536 : i32
    %mul3A_1403 = arith.muli %arg1, %mul3A_1402 : i32
    %add3A_1404 = arith.constant 40960 : i32
    %add3A_1405 = arith.addi %mul3A_1403, %add3A_1404 : i32
    %mul3A_1406 = arith.constant 1024 : i32
    %mul3A_1407 = arith.muli %arg0, %mul3A_1406 : i32
    %mul3A_1408 = arith.constant 1024 : i32
    %mul3A_1409 = arith.muli %mul3A_1407, %mul3A_1408 : i32
    %add3A_1410 = arith.addi %mul3A_1409, %add3A_1405 : i32
    %dma_wait3A_1411 = tpu.memref_slice %arg9[%add3A_1410] : memref<2097152xf32, #tpu.memory_space<hbm>> -> memref<8192xf32, #tpu.memory_space<hbm>>
    %dma_wait3A_1412 = tpu.memref_slice %arg9[%add3A_1410] : memref<2097152xf32, #tpu.memory_space<hbm>> -> memref<8192xf32, #tpu.memory_space<hbm>>
    tpu.wait_dma2 semaphore(%arg23 : memref<!tpu.dma_semaphore, #tpu.memory_space<semaphore_mem>>) src(%arg17 : memref<8192xf32, #tpu.memory_space<vmem>>) dst(%dma_wait3A_1412 : memref<8192xf32, #tpu.memory_space<hbm>>)
    %mul3A_1413 = arith.constant 65536 : i32
    %mul3A_1414 = arith.muli %arg1, %mul3A_1413 : i32
    %add3A_1415 = arith.constant 57344 : i32
    %add3A_1416 = arith.addi %mul3A_1414, %add3A_1415 : i32
    "tpu.region"() ({
      %run_scoped3A = tpu.sem_alloc : memref<!tpu.dma_semaphore, #tpu.memory_space<semaphore_mem>>
      %dma_start3A_1450 = tpu.memref_slice %arg27[%add3A_1416] : memref<1048576xf32, #tpu.memory_space<vmem_shared>> -> memref<8192xf32, #tpu.memory_space<vmem_shared>>
      %dma_start3A_1451 = tpu.memref_slice %arg27[%add3A_1416] : memref<1048576xf32, #tpu.memory_space<vmem_shared>> -> memref<8192xf32, #tpu.memory_space<vmem_shared>>
      tpu.enqueue_dma source(%dma_start3A_1451 : memref<8192xf32, #tpu.memory_space<vmem_shared>>) target(%arg17 : memref<8192xf32, #tpu.memory_space<vmem>>) target_semaphore(%run_scoped3A : memref<!tpu.dma_semaphore, #tpu.memory_space<semaphore_mem>>)
      %dma_wait3A_1452 = tpu.memref_slice %arg27[%add3A_1416] : memref<1048576xf32, #tpu.memory_space<vmem_shared>> -> memref<8192xf32, #tpu.memory_space<vmem_shared>>
      %dma_wait3A_1453 = tpu.memref_slice %arg27[%add3A_1416] : memref<1048576xf32, #tpu.memory_space<vmem_shared>> -> memref<8192xf32, #tpu.memory_space<vmem_shared>>
      tpu.wait_dma2 semaphore(%run_scoped3A : memref<!tpu.dma_semaphore, #tpu.memory_space<semaphore_mem>>) src(%dma_wait3A_1453 : memref<8192xf32, #tpu.memory_space<vmem_shared>>) dst(%arg17 : memref<8192xf32, #tpu.memory_space<vmem>>)
      tpu.yield
    }) : () -> ()
    %mul3A_1417 = arith.constant 65536 : i32
    %mul3A_1418 = arith.muli %arg1, %mul3A_1417 : i32
    %add3A_1419 = arith.constant 57344 : i32
    %add3A_1420 = arith.addi %mul3A_1418, %add3A_1419 : i32
    %mul3A_1421 = arith.constant 1024 : i32
    %mul3A_1422 = arith.muli %arg0, %mul3A_1421 : i32
    %mul3A_1423 = arith.constant 1024 : i32
    %mul3A_1424 = arith.muli %mul3A_1422, %mul3A_1423 : i32
    %add3A_1425 = arith.addi %mul3A_1424, %add3A_1420 : i32
    %dma_start3A_1426 = tpu.memref_slice %arg9[%add3A_1425] : memref<2097152xf32, #tpu.memory_space<hbm>> -> memref<8192xf32, #tpu.memory_space<hbm>>
    %dma_start3A_1427 = tpu.memref_slice %arg9[%add3A_1425] : memref<2097152xf32, #tpu.memory_space<hbm>> -> memref<8192xf32, #tpu.memory_space<hbm>>
    tpu.enqueue_dma source(%arg17 : memref<8192xf32, #tpu.memory_space<vmem>>) target(%dma_start3A_1427 : memref<8192xf32, #tpu.memory_space<hbm>>) target_semaphore(%arg23 : memref<!tpu.dma_semaphore, #tpu.memory_space<semaphore_mem>>)
    %mul3A_1428 = arith.constant 65536 : i32
    %mul3A_1429 = arith.muli %arg1, %mul3A_1428 : i32
    %add3A_1430 = arith.constant 49152 : i32
    %add3A_1431 = arith.addi %mul3A_1429, %add3A_1430 : i32
    %mul3A_1432 = arith.constant 1024 : i32
    %mul3A_1433 = arith.muli %arg0, %mul3A_1432 : i32
    %mul3A_1434 = arith.constant 1024 : i32
    %mul3A_1435 = arith.muli %mul3A_1433, %mul3A_1434 : i32
    %add3A_1436 = arith.addi %mul3A_1435, %add3A_1431 : i32
    %dma_wait3A_1437 = tpu.memref_slice %arg9[%add3A_1436] : memref<2097152xf32, #tpu.memory_space<hbm>> -> memref<8192xf32, #tpu.memory_space<hbm>>
    %dma_wait3A_1438 = tpu.memref_slice %arg9[%add3A_1436] : memref<2097152xf32, #tpu.memory_space<hbm>> -> memref<8192xf32, #tpu.memory_space<hbm>>
    tpu.wait_dma2 semaphore(%arg22 : memref<!tpu.dma_semaphore, #tpu.memory_space<semaphore_mem>>) src(%arg16 : memref<8192xf32, #tpu.memory_space<vmem>>) dst(%dma_wait3A_1438 : memref<8192xf32, #tpu.memory_space<hbm>>)
    %mul3A_1439 = arith.constant 65536 : i32
    %mul3A_1440 = arith.muli %arg1, %mul3A_1439 : i32
    %add3A_1441 = arith.constant 57344 : i32
    %add3A_1442 = arith.addi %mul3A_1440, %add3A_1441 : i32
    %mul3A_1443 = arith.constant 1024 : i32
    %mul3A_1444 = arith.muli %arg0, %mul3A_1443 : i32
    %mul3A_1445 = arith.constant 1024 : i32
    %mul3A_1446 = arith.muli %mul3A_1444, %mul3A_1445 : i32
    %add3A_1447 = arith.addi %mul3A_1446, %add3A_1442 : i32
    %dma_wait3A_1448 = tpu.memref_slice %arg9[%add3A_1447] : memref<2097152xf32, #tpu.memory_space<hbm>> -> memref<8192xf32, #tpu.memory_space<hbm>>
    %dma_wait3A_1449 = tpu.memref_slice %arg9[%add3A_1447] : memref<2097152xf32, #tpu.memory_space<hbm>> -> memref<8192xf32, #tpu.memory_space<hbm>>
    tpu.wait_dma2 semaphore(%arg23 : memref<!tpu.dma_semaphore, #tpu.memory_space<semaphore_mem>>) src(%arg17 : memref<8192xf32, #tpu.memory_space<vmem>>) dst(%dma_wait3A_1449 : memref<8192xf32, #tpu.memory_space<hbm>>)
    return
  }
}

#map = affine_map<(d0, d1) -> (0, 0)>
module attributes {stable_mosaic.version = 14 : i64} {
  func.func @rowscatter(%arg0: i32, %arg1: i32, %arg2: memref<20480x128xf32, #tpu.memory_space<hbm>>, %arg3: memref<2560x128xi32, #tpu.memory_space<hbm>>, %arg4: memref<2560x128xi32, #tpu.memory_space<hbm>>, %arg5: memref<20480x128xf32, #tpu.memory_space<hbm>>, %arg6: memref<40x128xi32, #tpu.memory_space<vmem>>, %arg7: memref<40x128xi32, #tpu.memory_space<vmem>>, %arg8: memref<128x128xf32, #tpu.memory_space<vmem>>, %arg9: memref<128x128xf32, #tpu.memory_space<vmem>>, %arg10: memref<!tpu.dma_semaphore, #tpu.memory_space<semaphore_mem>>, %arg11: memref<!tpu.dma_semaphore, #tpu.memory_space<semaphore_mem>>, %arg12: memref<!tpu.dma_semaphore, #tpu.memory_space<semaphore_mem>>, %arg13: memref<!tpu.dma_semaphore, #tpu.memory_space<semaphore_mem>>, %arg14: memref<10240x128xf32, #tpu.memory_space<vmem_shared>>) attributes {dimension_semantics = [#tpu.dimension_semantics<core_parallel>, #tpu.dimension_semantics<subcore_parallel>], iteration_bounds = array<i64: 2, 16>, scalar_prefetch = 0 : i64, scratch_operands = 9 : i64, tpu.core_type = #tpu.core_type<sc_vector_subcore>, window_params = [{transform_indices = #map}, {transform_indices = #map}, {transform_indices = #map}, {transform_indices = #map}]} {
    %mul3A = arith.constant 160 : i32
    %mul3A_0 = arith.muli %arg1, %mul3A : i32
    %mul3A_1 = arith.constant 10240 : i32
    %mul3A_2 = arith.muli %arg0, %mul3A_1 : i32
    %broadcast_in_dim3A = arith.constant 0.000000e+00 : f32
    %broadcast_in_dim3A_3 = vector.broadcast %broadcast_in_dim3A : f32 to vector<16xf32>
    %scan3A = arith.constant 0 : i32
    %scan3A_4 = arith.constant 0 : i32
    %scan3A_5 = arith.constant 128 : i32
    %scan3A_6 = arith.addi %scan3A_4, %scan3A_5 : i32
    %scan3A_7 = arith.constant 1 : i32
    %scan3A_8 = scf.for %scan3A_239 = %scan3A_4 to %scan3A_6 step %scan3A_7 iter_args(%scan3A_240 = %scan3A) -> (i32)  : i32 {
      %swap3A = arith.index_cast %scan3A_239 : i32 to index
      %swap3A_241 = arith.constant 0 : index
      %swap3A_242 = tpu.vector_load %arg8[%swap3A, %swap3A_241] {strides = array<i32>} : memref<128x128xf32, #tpu.memory_space<vmem>>, vector<1x16xf32>,
      %swap3A_243 = vector.shape_cast %swap3A_242 : vector<1x16xf32> to vector<16xf32>
      %swap3A_244 = vector.shape_cast %broadcast_in_dim3A_3 : vector<16xf32> to vector<1x16xf32>
      tpu.vector_store %arg8[%swap3A, %swap3A_241], %swap3A_244 {strides = array<i32>} : memref<128x128xf32, #tpu.memory_space<vmem>>, vector<1x16xf32>,
      %swap3A_245 = arith.index_cast %scan3A_239 : i32 to index
      %swap3A_246 = arith.constant 16 : index
      %swap3A_247 = tpu.vector_load %arg8[%swap3A_245, %swap3A_246] {strides = array<i32>} : memref<128x128xf32, #tpu.memory_space<vmem>>, vector<1x16xf32>,
      %swap3A_248 = vector.shape_cast %swap3A_247 : vector<1x16xf32> to vector<16xf32>
      %swap3A_249 = vector.shape_cast %broadcast_in_dim3A_3 : vector<16xf32> to vector<1x16xf32>
      tpu.vector_store %arg8[%swap3A_245, %swap3A_246], %swap3A_249 {strides = array<i32>} : memref<128x128xf32, #tpu.memory_space<vmem>>, vector<1x16xf32>,
      %swap3A_250 = arith.index_cast %scan3A_239 : i32 to index
      %swap3A_251 = arith.constant 32 : index
      %swap3A_252 = tpu.vector_load %arg8[%swap3A_250, %swap3A_251] {strides = array<i32>} : memref<128x128xf32, #tpu.memory_space<vmem>>, vector<1x16xf32>,
      %swap3A_253 = vector.shape_cast %swap3A_252 : vector<1x16xf32> to vector<16xf32>
      %swap3A_254 = vector.shape_cast %broadcast_in_dim3A_3 : vector<16xf32> to vector<1x16xf32>
      tpu.vector_store %arg8[%swap3A_250, %swap3A_251], %swap3A_254 {strides = array<i32>} : memref<128x128xf32, #tpu.memory_space<vmem>>, vector<1x16xf32>,
      %swap3A_255 = arith.index_cast %scan3A_239 : i32 to index
      %swap3A_256 = arith.constant 48 : index
      %swap3A_257 = tpu.vector_load %arg8[%swap3A_255, %swap3A_256] {strides = array<i32>} : memref<128x128xf32, #tpu.memory_space<vmem>>, vector<1x16xf32>,
      %swap3A_258 = vector.shape_cast %swap3A_257 : vector<1x16xf32> to vector<16xf32>
      %swap3A_259 = vector.shape_cast %broadcast_in_dim3A_3 : vector<16xf32> to vector<1x16xf32>
      tpu.vector_store %arg8[%swap3A_255, %swap3A_256], %swap3A_259 {strides = array<i32>} : memref<128x128xf32, #tpu.memory_space<vmem>>, vector<1x16xf32>,
      %swap3A_260 = arith.index_cast %scan3A_239 : i32 to index
      %swap3A_261 = arith.constant 64 : index
      %swap3A_262 = tpu.vector_load %arg8[%swap3A_260, %swap3A_261] {strides = array<i32>} : memref<128x128xf32, #tpu.memory_space<vmem>>, vector<1x16xf32>,
      %swap3A_263 = vector.shape_cast %swap3A_262 : vector<1x16xf32> to vector<16xf32>
      %swap3A_264 = vector.shape_cast %broadcast_in_dim3A_3 : vector<16xf32> to vector<1x16xf32>
      tpu.vector_store %arg8[%swap3A_260, %swap3A_261], %swap3A_264 {strides = array<i32>} : memref<128x128xf32, #tpu.memory_space<vmem>>, vector<1x16xf32>,
      %swap3A_265 = arith.index_cast %scan3A_239 : i32 to index
      %swap3A_266 = arith.constant 80 : index
      %swap3A_267 = tpu.vector_load %arg8[%swap3A_265, %swap3A_266] {strides = array<i32>} : memref<128x128xf32, #tpu.memory_space<vmem>>, vector<1x16xf32>,
      %swap3A_268 = vector.shape_cast %swap3A_267 : vector<1x16xf32> to vector<16xf32>
      %swap3A_269 = vector.shape_cast %broadcast_in_dim3A_3 : vector<16xf32> to vector<1x16xf32>
      tpu.vector_store %arg8[%swap3A_265, %swap3A_266], %swap3A_269 {strides = array<i32>} : memref<128x128xf32, #tpu.memory_space<vmem>>, vector<1x16xf32>,
      %swap3A_270 = arith.index_cast %scan3A_239 : i32 to index
      %swap3A_271 = arith.constant 96 : index
      %swap3A_272 = tpu.vector_load %arg8[%swap3A_270, %swap3A_271] {strides = array<i32>} : memref<128x128xf32, #tpu.memory_space<vmem>>, vector<1x16xf32>,
      %swap3A_273 = vector.shape_cast %swap3A_272 : vector<1x16xf32> to vector<16xf32>
      %swap3A_274 = vector.shape_cast %broadcast_in_dim3A_3 : vector<16xf32> to vector<1x16xf32>
      tpu.vector_store %arg8[%swap3A_270, %swap3A_271], %swap3A_274 {strides = array<i32>} : memref<128x128xf32, #tpu.memory_space<vmem>>, vector<1x16xf32>,
      %swap3A_275 = arith.index_cast %scan3A_239 : i32 to index
      %swap3A_276 = arith.constant 112 : index
      %swap3A_277 = tpu.vector_load %arg8[%swap3A_275, %swap3A_276] {strides = array<i32>} : memref<128x128xf32, #tpu.memory_space<vmem>>, vector<1x16xf32>,
      %swap3A_278 = vector.shape_cast %swap3A_277 : vector<1x16xf32> to vector<16xf32>
      %swap3A_279 = vector.shape_cast %broadcast_in_dim3A_3 : vector<16xf32> to vector<1x16xf32>
      tpu.vector_store %arg8[%swap3A_275, %swap3A_276], %swap3A_279 {strides = array<i32>} : memref<128x128xf32, #tpu.memory_space<vmem>>, vector<1x16xf32>,
      %scan3A_280 = arith.constant 0 : i32
      scf.yield %scan3A_280 : i32
    }
    %scan3A_9 = arith.constant 128 : i32
    %mul3A_10 = arith.constant 640 : i32
    %mul3A_11 = arith.muli %arg1, %mul3A_10 : i32
    %add3A = arith.constant 0 : i32
    %add3A_12 = arith.addi %mul3A_11, %add3A : i32
    %dma_start3A = arith.constant 0 : i32
    %dma_start3A_13 = tpu.memref_slice %arg14[%add3A_12, %dma_start3A] : memref<10240x128xf32, #tpu.memory_space<vmem_shared>> -> memref<128x128xf32, #tpu.memory_space<vmem_shared>>
    %dma_start3A_14 = arith.constant 0 : i32
    %dma_start3A_15 = tpu.memref_slice %arg14[%add3A_12, %dma_start3A_14] : memref<10240x128xf32, #tpu.memory_space<vmem_shared>> -> memref<128x128xf32, #tpu.memory_space<vmem_shared>>
    tpu.enqueue_dma source(%arg8 : memref<128x128xf32, #tpu.memory_space<vmem>>) target(%dma_start3A_15 : memref<128x128xf32, #tpu.memory_space<vmem_shared>>) target_semaphore(%arg10 : memref<!tpu.dma_semaphore, #tpu.memory_space<semaphore_mem>>)
    %mul3A_16 = arith.constant 640 : i32
    %mul3A_17 = arith.muli %arg1, %mul3A_16 : i32
    %add3A_18 = arith.constant 128 : i32
    %add3A_19 = arith.addi %mul3A_17, %add3A_18 : i32
    %dma_start3A_20 = arith.constant 0 : i32
    %dma_start3A_21 = tpu.memref_slice %arg14[%add3A_19, %dma_start3A_20] : memref<10240x128xf32, #tpu.memory_space<vmem_shared>> -> memref<128x128xf32, #tpu.memory_space<vmem_shared>>
    %dma_start3A_22 = arith.constant 0 : i32
    %dma_start3A_23 = tpu.memref_slice %arg14[%add3A_19, %dma_start3A_22] : memref<10240x128xf32, #tpu.memory_space<vmem_shared>> -> memref<128x128xf32, #tpu.memory_space<vmem_shared>>
    tpu.enqueue_dma source(%arg8 : memref<128x128xf32, #tpu.memory_space<vmem>>) target(%dma_start3A_23 : memref<128x128xf32, #tpu.memory_space<vmem_shared>>) target_semaphore(%arg10 : memref<!tpu.dma_semaphore, #tpu.memory_space<semaphore_mem>>)
    %mul3A_24 = arith.constant 640 : i32
    %mul3A_25 = arith.muli %arg1, %mul3A_24 : i32
    %add3A_26 = arith.constant 256 : i32
    %add3A_27 = arith.addi %mul3A_25, %add3A_26 : i32
    %dma_start3A_28 = arith.constant 0 : i32
    %dma_start3A_29 = tpu.memref_slice %arg14[%add3A_27, %dma_start3A_28] : memref<10240x128xf32, #tpu.memory_space<vmem_shared>> -> memref<128x128xf32, #tpu.memory_space<vmem_shared>>
    %dma_start3A_30 = arith.constant 0 : i32
    %dma_start3A_31 = tpu.memref_slice %arg14[%add3A_27, %dma_start3A_30] : memref<10240x128xf32, #tpu.memory_space<vmem_shared>> -> memref<128x128xf32, #tpu.memory_space<vmem_shared>>
    tpu.enqueue_dma source(%arg8 : memref<128x128xf32, #tpu.memory_space<vmem>>) target(%dma_start3A_31 : memref<128x128xf32, #tpu.memory_space<vmem_shared>>) target_semaphore(%arg10 : memref<!tpu.dma_semaphore, #tpu.memory_space<semaphore_mem>>)
    %mul3A_32 = arith.constant 640 : i32
    %mul3A_33 = arith.muli %arg1, %mul3A_32 : i32
    %add3A_34 = arith.constant 384 : i32
    %add3A_35 = arith.addi %mul3A_33, %add3A_34 : i32
    %dma_start3A_36 = arith.constant 0 : i32
    %dma_start3A_37 = tpu.memref_slice %arg14[%add3A_35, %dma_start3A_36] : memref<10240x128xf32, #tpu.memory_space<vmem_shared>> -> memref<128x128xf32, #tpu.memory_space<vmem_shared>>
    %dma_start3A_38 = arith.constant 0 : i32
    %dma_start3A_39 = tpu.memref_slice %arg14[%add3A_35, %dma_start3A_38] : memref<10240x128xf32, #tpu.memory_space<vmem_shared>> -> memref<128x128xf32, #tpu.memory_space<vmem_shared>>
    tpu.enqueue_dma source(%arg8 : memref<128x128xf32, #tpu.memory_space<vmem>>) target(%dma_start3A_39 : memref<128x128xf32, #tpu.memory_space<vmem_shared>>) target_semaphore(%arg10 : memref<!tpu.dma_semaphore, #tpu.memory_space<semaphore_mem>>)
    %mul3A_40 = arith.constant 640 : i32
    %mul3A_41 = arith.muli %arg1, %mul3A_40 : i32
    %add3A_42 = arith.constant 512 : i32
    %add3A_43 = arith.addi %mul3A_41, %add3A_42 : i32
    %dma_start3A_44 = arith.constant 0 : i32
    %dma_start3A_45 = tpu.memref_slice %arg14[%add3A_43, %dma_start3A_44] : memref<10240x128xf32, #tpu.memory_space<vmem_shared>> -> memref<128x128xf32, #tpu.memory_space<vmem_shared>>
    %dma_start3A_46 = arith.constant 0 : i32
    %dma_start3A_47 = tpu.memref_slice %arg14[%add3A_43, %dma_start3A_46] : memref<10240x128xf32, #tpu.memory_space<vmem_shared>> -> memref<128x128xf32, #tpu.memory_space<vmem_shared>>
    tpu.enqueue_dma source(%arg8 : memref<128x128xf32, #tpu.memory_space<vmem>>) target(%dma_start3A_47 : memref<128x128xf32, #tpu.memory_space<vmem_shared>>) target_semaphore(%arg10 : memref<!tpu.dma_semaphore, #tpu.memory_space<semaphore_mem>>)
    %mul3A_48 = arith.constant 640 : i32
    %mul3A_49 = arith.muli %arg1, %mul3A_48 : i32
    %add3A_50 = arith.constant 0 : i32
    %add3A_51 = arith.addi %mul3A_49, %add3A_50 : i32
    %dma_wait3A = arith.constant 0 : i32
    %dma_wait3A_52 = tpu.memref_slice %arg14[%add3A_51, %dma_wait3A] : memref<10240x128xf32, #tpu.memory_space<vmem_shared>> -> memref<128x128xf32, #tpu.memory_space<vmem_shared>>
    %dma_wait3A_53 = arith.constant 0 : i32
    %dma_wait3A_54 = tpu.memref_slice %arg14[%add3A_51, %dma_wait3A_53] : memref<10240x128xf32, #tpu.memory_space<vmem_shared>> -> memref<128x128xf32, #tpu.memory_space<vmem_shared>>
    tpu.wait_dma2 semaphore(%arg10 : memref<!tpu.dma_semaphore, #tpu.memory_space<semaphore_mem>>) src(%arg8 : memref<128x128xf32, #tpu.memory_space<vmem>>) dst(%dma_wait3A_54 : memref<128x128xf32, #tpu.memory_space<vmem_shared>>)
    %mul3A_55 = arith.constant 640 : i32
    %mul3A_56 = arith.muli %arg1, %mul3A_55 : i32
    %add3A_57 = arith.constant 128 : i32
    %add3A_58 = arith.addi %mul3A_56, %add3A_57 : i32
    %dma_wait3A_59 = arith.constant 0 : i32
    %dma_wait3A_60 = tpu.memref_slice %arg14[%add3A_58, %dma_wait3A_59] : memref<10240x128xf32, #tpu.memory_space<vmem_shared>> -> memref<128x128xf32, #tpu.memory_space<vmem_shared>>
    %dma_wait3A_61 = arith.constant 0 : i32
    %dma_wait3A_62 = tpu.memref_slice %arg14[%add3A_58, %dma_wait3A_61] : memref<10240x128xf32, #tpu.memory_space<vmem_shared>> -> memref<128x128xf32, #tpu.memory_space<vmem_shared>>
    tpu.wait_dma2 semaphore(%arg10 : memref<!tpu.dma_semaphore, #tpu.memory_space<semaphore_mem>>) src(%arg8 : memref<128x128xf32, #tpu.memory_space<vmem>>) dst(%dma_wait3A_62 : memref<128x128xf32, #tpu.memory_space<vmem_shared>>)
    %mul3A_63 = arith.constant 640 : i32
    %mul3A_64 = arith.muli %arg1, %mul3A_63 : i32
    %add3A_65 = arith.constant 256 : i32
    %add3A_66 = arith.addi %mul3A_64, %add3A_65 : i32
    %dma_wait3A_67 = arith.constant 0 : i32
    %dma_wait3A_68 = tpu.memref_slice %arg14[%add3A_66, %dma_wait3A_67] : memref<10240x128xf32, #tpu.memory_space<vmem_shared>> -> memref<128x128xf32, #tpu.memory_space<vmem_shared>>
    %dma_wait3A_69 = arith.constant 0 : i32
    %dma_wait3A_70 = tpu.memref_slice %arg14[%add3A_66, %dma_wait3A_69] : memref<10240x128xf32, #tpu.memory_space<vmem_shared>> -> memref<128x128xf32, #tpu.memory_space<vmem_shared>>
    tpu.wait_dma2 semaphore(%arg10 : memref<!tpu.dma_semaphore, #tpu.memory_space<semaphore_mem>>) src(%arg8 : memref<128x128xf32, #tpu.memory_space<vmem>>) dst(%dma_wait3A_70 : memref<128x128xf32, #tpu.memory_space<vmem_shared>>)
    %mul3A_71 = arith.constant 640 : i32
    %mul3A_72 = arith.muli %arg1, %mul3A_71 : i32
    %add3A_73 = arith.constant 384 : i32
    %add3A_74 = arith.addi %mul3A_72, %add3A_73 : i32
    %dma_wait3A_75 = arith.constant 0 : i32
    %dma_wait3A_76 = tpu.memref_slice %arg14[%add3A_74, %dma_wait3A_75] : memref<10240x128xf32, #tpu.memory_space<vmem_shared>> -> memref<128x128xf32, #tpu.memory_space<vmem_shared>>
    %dma_wait3A_77 = arith.constant 0 : i32
    %dma_wait3A_78 = tpu.memref_slice %arg14[%add3A_74, %dma_wait3A_77] : memref<10240x128xf32, #tpu.memory_space<vmem_shared>> -> memref<128x128xf32, #tpu.memory_space<vmem_shared>>
    tpu.wait_dma2 semaphore(%arg10 : memref<!tpu.dma_semaphore, #tpu.memory_space<semaphore_mem>>) src(%arg8 : memref<128x128xf32, #tpu.memory_space<vmem>>) dst(%dma_wait3A_78 : memref<128x128xf32, #tpu.memory_space<vmem_shared>>)
    %mul3A_79 = arith.constant 640 : i32
    %mul3A_80 = arith.muli %arg1, %mul3A_79 : i32
    %add3A_81 = arith.constant 512 : i32
    %add3A_82 = arith.addi %mul3A_80, %add3A_81 : i32
    %dma_wait3A_83 = arith.constant 0 : i32
    %dma_wait3A_84 = tpu.memref_slice %arg14[%add3A_82, %dma_wait3A_83] : memref<10240x128xf32, #tpu.memory_space<vmem_shared>> -> memref<128x128xf32, #tpu.memory_space<vmem_shared>>
    %dma_wait3A_85 = arith.constant 0 : i32
    %dma_wait3A_86 = tpu.memref_slice %arg14[%add3A_82, %dma_wait3A_85] : memref<10240x128xf32, #tpu.memory_space<vmem_shared>> -> memref<128x128xf32, #tpu.memory_space<vmem_shared>>
    tpu.wait_dma2 semaphore(%arg10 : memref<!tpu.dma_semaphore, #tpu.memory_space<semaphore_mem>>) src(%arg8 : memref<128x128xf32, #tpu.memory_space<vmem>>) dst(%dma_wait3A_86 : memref<128x128xf32, #tpu.memory_space<vmem_shared>>)
    %barrier3A = arith.constant 0 : index
    tpu.barrier barrier_id(%barrier3A)
    %scan3A_87 = arith.constant 0 : i32
    %scan3A_88 = arith.constant 0 : i32
    %scan3A_89 = arith.constant 80 : i32
    %scan3A_90 = arith.addi %scan3A_88, %scan3A_89 : i32
    %scan3A_91 = arith.constant 1 : i32
    %scan3A_92 = scf.for %scan3A_239 = %scan3A_88 to %scan3A_90 step %scan3A_91 iter_args(%scan3A_240 = %scan3A_87) -> (i32)  : i32 {
      %jit3A = arith.constant 20 : i32
      %eq3A = arith.constant 0 : i32
      %eq3A_241 = arith.cmpi eq, %jit3A, %eq3A : i32
      %jit3A_242 = arith.constant 1 : i32
      %select_n3A = arith.select %eq3A_241, %jit3A_242, %jit3A : i32
      %rem3A = arith.remsi %scan3A_239, %select_n3A : i32
      %ne3A = arith.constant 0 : i32
      %ne3A_243 = arith.cmpi ne, %rem3A, %ne3A : i32
      %lt3A = arith.constant 0 : i32
      %lt3A_244 = arith.cmpi slt, %rem3A, %lt3A : i32
      %lt3A_245 = arith.constant 0 : i32
      %lt3A_246 = arith.cmpi slt, %select_n3A, %lt3A_245 : i32
      %ne3A_247 = arith.xori %lt3A_244, %lt3A_246 : i1
      %and3A = arith.andi %ne3A_247, %ne3A_243 : i1
      %add3A_248 = arith.addi %rem3A, %select_n3A : i32
      %select_n3A_249 = arith.select %and3A, %add3A_248, %rem3A : i32
      %eq3A_250 = arith.constant 0 : i32
      %eq3A_251 = arith.cmpi eq, %select_n3A_249, %eq3A_250 : i32
      %gt3A = arith.constant 0 : i32
      %gt3A_252 = arith.cmpi sgt, %scan3A_239, %gt3A : i32
      %and3A_253 = arith.andi %gt3A_252, %eq3A_251 : i1
      %convert_element_type3A = arith.extui %and3A_253 : i1 to i32
      %cond3A = arith.constant 0 : i32
      %cond3A_254 = arith.cmpi ne, %convert_element_type3A, %cond3A : i32
      scf.if %cond3A_254 {
        %dma_wait3A_390 = arith.constant 0 : i32
        %dma_wait3A_391 = arith.constant 0 : i32
        %dma_wait3A_392 = tpu.memref_slice %arg7[%dma_wait3A_390, %dma_wait3A_391] : memref<40x128xi32, #tpu.memory_space<vmem>> -> memref<1x128xi32, #tpu.memory_space<vmem>>
        %dma_wait3A_393 = tpu.memref_squeeze %dma_wait3A_392 : memref<1x128xi32, #tpu.memory_space<vmem>> -> memref<128xi32, #tpu.memory_space<vmem>>
        %dma_wait3A_394 = arith.constant 0 : i32
        %dma_wait3A_395 = arith.constant 0 : i32
        %dma_wait3A_396 = tpu.memref_slice %arg14[%dma_wait3A_394, %dma_wait3A_395] : memref<10240x128xf32, #tpu.memory_space<vmem_shared>> -> memref<10240x128xf32, #tpu.memory_space<vmem_shared>>
        tpu.wait_indirect_dma semaphore(%arg12 : memref<!tpu.dma_semaphore, #tpu.memory_space<semaphore_mem>>) src(%arg8 : memref<128x128xf32, #tpu.memory_space<vmem>>) dst(%dma_wait3A_396 : memref<10240x128xf32, #tpu.memory_space<vmem_shared>>)
        %dma_wait3A_397 = arith.constant 0 : i32
        %dma_wait3A_398 = arith.constant 0 : i32
        %dma_wait3A_399 = tpu.memref_slice %arg7[%dma_wait3A_397, %dma_wait3A_398] : memref<40x128xi32, #tpu.memory_space<vmem>> -> memref<1x128xi32, #tpu.memory_space<vmem>>
        %dma_wait3A_400 = tpu.memref_squeeze %dma_wait3A_399 : memref<1x128xi32, #tpu.memory_space<vmem>> -> memref<128xi32, #tpu.memory_space<vmem>>
        %dma_wait3A_401 = arith.constant 0 : i32
        %dma_wait3A_402 = arith.constant 0 : i32
        %dma_wait3A_403 = tpu.memref_slice %arg14[%dma_wait3A_401, %dma_wait3A_402] : memref<10240x128xf32, #tpu.memory_space<vmem_shared>> -> memref<10240x128xf32, #tpu.memory_space<vmem_shared>>
        tpu.wait_indirect_dma semaphore(%arg13 : memref<!tpu.dma_semaphore, #tpu.memory_space<semaphore_mem>>) src(%arg9 : memref<128x128xf32, #tpu.memory_space<vmem>>) dst(%dma_wait3A_403 : memref<10240x128xf32, #tpu.memory_space<vmem_shared>>)
      } else {
      }
      %convert_element_type3A_255 = arith.extui %eq3A_251 : i1 to i32
      %cond3A_256 = arith.constant 0 : i32
      %cond3A_257 = arith.cmpi ne, %convert_element_type3A_255, %cond3A_256 : i32
      scf.if %cond3A_257 {
        %mul3A_390 = arith.constant 2 : i32
        %mul3A_391 = arith.muli %scan3A_239, %mul3A_390 : i32
        %add3A_392 = arith.addi %mul3A_0, %mul3A_391 : i32
        %multiple_of3A = tpu.assume_multiple %add3A_392, 8 : i32
        "tpu.region"() ({
          %run_scoped3A = tpu.sem_alloc : memref<!tpu.dma_semaphore, #tpu.memory_space<semaphore_mem>>
          %dma_start3A_400 = arith.constant 0 : i32
          %dma_start3A_401 = tpu.memref_slice %arg3[%multiple_of3A, %dma_start3A_400] : memref<2560x128xi32, #tpu.memory_space<hbm>> -> memref<40x128xi32, #tpu.memory_space<hbm>>
          %dma_start3A_402 = arith.constant 0 : i32
          %dma_start3A_403 = tpu.memref_slice %arg3[%multiple_of3A, %dma_start3A_402] : memref<2560x128xi32, #tpu.memory_space<hbm>> -> memref<40x128xi32, #tpu.memory_space<hbm>>
          tpu.enqueue_dma source(%dma_start3A_403 : memref<40x128xi32, #tpu.memory_space<hbm>>) target(%arg6 : memref<40x128xi32, #tpu.memory_space<vmem>>) target_semaphore(%run_scoped3A : memref<!tpu.dma_semaphore, #tpu.memory_space<semaphore_mem>>)
          %dma_wait3A_404 = arith.constant 0 : i32
          %dma_wait3A_405 = tpu.memref_slice %arg3[%multiple_of3A, %dma_wait3A_404] : memref<2560x128xi32, #tpu.memory_space<hbm>> -> memref<40x128xi32, #tpu.memory_space<hbm>>
          %dma_wait3A_406 = arith.constant 0 : i32
          %dma_wait3A_407 = tpu.memref_slice %arg3[%multiple_of3A, %dma_wait3A_406] : memref<2560x128xi32, #tpu.memory_space<hbm>> -> memref<40x128xi32, #tpu.memory_space<hbm>>
          tpu.wait_dma2 semaphore(%run_scoped3A : memref<!tpu.dma_semaphore, #tpu.memory_space<semaphore_mem>>) src(%dma_wait3A_407 : memref<40x128xi32, #tpu.memory_space<hbm>>) dst(%arg6 : memref<40x128xi32, #tpu.memory_space<vmem>>)
          tpu.yield
        }) : () -> ()
        "tpu.region"() ({
          %run_scoped3A = tpu.sem_alloc : memref<!tpu.dma_semaphore, #tpu.memory_space<semaphore_mem>>
          %dma_start3A_400 = arith.constant 0 : i32
          %dma_start3A_401 = tpu.memref_slice %arg4[%multiple_of3A, %dma_start3A_400] : memref<2560x128xi32, #tpu.memory_space<hbm>> -> memref<40x128xi32, #tpu.memory_space<hbm>>
          %dma_start3A_402 = arith.constant 0 : i32
          %dma_start3A_403 = tpu.memref_slice %arg4[%multiple_of3A, %dma_start3A_402] : memref<2560x128xi32, #tpu.memory_space<hbm>> -> memref<40x128xi32, #tpu.memory_space<hbm>>
          tpu.enqueue_dma source(%dma_start3A_403 : memref<40x128xi32, #tpu.memory_space<hbm>>) target(%arg7 : memref<40x128xi32, #tpu.memory_space<vmem>>) target_semaphore(%run_scoped3A : memref<!tpu.dma_semaphore, #tpu.memory_space<semaphore_mem>>)
          %dma_wait3A_404 = arith.constant 0 : i32
          %dma_wait3A_405 = tpu.memref_slice %arg4[%multiple_of3A, %dma_wait3A_404] : memref<2560x128xi32, #tpu.memory_space<hbm>> -> memref<40x128xi32, #tpu.memory_space<hbm>>
          %dma_wait3A_406 = arith.constant 0 : i32
          %dma_wait3A_407 = tpu.memref_slice %arg4[%multiple_of3A, %dma_wait3A_406] : memref<2560x128xi32, #tpu.memory_space<hbm>> -> memref<40x128xi32, #tpu.memory_space<hbm>>
          tpu.wait_dma2 semaphore(%run_scoped3A : memref<!tpu.dma_semaphore, #tpu.memory_space<semaphore_mem>>) src(%dma_wait3A_407 : memref<40x128xi32, #tpu.memory_space<hbm>>) dst(%arg7 : memref<40x128xi32, #tpu.memory_space<vmem>>)
          tpu.yield
        }) : () -> ()
        %scan3A_393 = arith.constant 0 : i32
        %scan3A_394 = arith.constant 0 : i32
        %scan3A_395 = arith.constant 40 : i32
        %scan3A_396 = arith.addi %scan3A_394, %scan3A_395 : i32
        %scan3A_397 = arith.constant 1 : i32
        %scan3A_398 = scf.for %scan3A_400 = %scan3A_394 to %scan3A_396 step %scan3A_397 iter_args(%scan3A_401 = %scan3A_393) -> (i32)  : i32 {
          %get3A = arith.index_cast %scan3A_400 : i32 to index
          %get3A_402 = arith.constant 0 : index
          %get3A_403 = tpu.vector_load %arg6[%get3A, %get3A_402] {strides = array<i32>} : memref<40x128xi32, #tpu.memory_space<vmem>>, vector<1x16xi32>,
          %get3A_404 = vector.shape_cast %get3A_403 : vector<1x16xi32> to vector<16xi32>
          %add3A_405 = vector.broadcast %mul3A_2 : i32 to vector<16xi32>
          %add3A_406 = arith.addi %get3A_404, %add3A_405 : vector<16xi32>
          %swap3A = arith.index_cast %scan3A_400 : i32 to index
          %swap3A_407 = arith.constant 0 : index
          %swap3A_408 = tpu.vector_load %arg6[%swap3A, %swap3A_407] {strides = array<i32>} : memref<40x128xi32, #tpu.memory_space<vmem>>, vector<1x16xi32>,
          %swap3A_409 = vector.shape_cast %swap3A_408 : vector<1x16xi32> to vector<16xi32>
          %swap3A_410 = vector.shape_cast %add3A_406 : vector<16xi32> to vector<1x16xi32>
          tpu.vector_store %arg6[%swap3A, %swap3A_407], %swap3A_410 {strides = array<i32>} : memref<40x128xi32, #tpu.memory_space<vmem>>, vector<1x16xi32>,
          %get3A_411 = arith.index_cast %scan3A_400 : i32 to index
          %get3A_412 = arith.constant 16 : index
          %get3A_413 = tpu.vector_load %arg6[%get3A_411, %get3A_412] {strides = array<i32>} : memref<40x128xi32, #tpu.memory_space<vmem>>, vector<1x16xi32>,
          %get3A_414 = vector.shape_cast %get3A_413 : vector<1x16xi32> to vector<16xi32>
          %add3A_415 = vector.broadcast %mul3A_2 : i32 to vector<16xi32>
          %add3A_416 = arith.addi %get3A_414, %add3A_415 : vector<16xi32>
          %swap3A_417 = arith.index_cast %scan3A_400 : i32 to index
          %swap3A_418 = arith.constant 16 : index
          %swap3A_419 = tpu.vector_load %arg6[%swap3A_417, %swap3A_418] {strides = array<i32>} : memref<40x128xi32, #tpu.memory_space<vmem>>, vector<1x16xi32>,
          %swap3A_420 = vector.shape_cast %swap3A_419 : vector<1x16xi32> to vector<16xi32>
          %swap3A_421 = vector.shape_cast %add3A_416 : vector<16xi32> to vector<1x16xi32>
          tpu.vector_store %arg6[%swap3A_417, %swap3A_418], %swap3A_421 {strides = array<i32>} : memref<40x128xi32, #tpu.memory_space<vmem>>, vector<1x16xi32>,
          %get3A_422 = arith.index_cast %scan3A_400 : i32 to index
          %get3A_423 = arith.constant 32 : index
          %get3A_424 = tpu.vector_load %arg6[%get3A_422, %get3A_423] {strides = array<i32>} : memref<40x128xi32, #tpu.memory_space<vmem>>, vector<1x16xi32>,
          %get3A_425 = vector.shape_cast %get3A_424 : vector<1x16xi32> to vector<16xi32>
          %add3A_426 = vector.broadcast %mul3A_2 : i32 to vector<16xi32>
          %add3A_427 = arith.addi %get3A_425, %add3A_426 : vector<16xi32>
          %swap3A_428 = arith.index_cast %scan3A_400 : i32 to index
          %swap3A_429 = arith.constant 32 : index
          %swap3A_430 = tpu.vector_load %arg6[%swap3A_428, %swap3A_429] {strides = array<i32>} : memref<40x128xi32, #tpu.memory_space<vmem>>, vector<1x16xi32>,
          %swap3A_431 = vector.shape_cast %swap3A_430 : vector<1x16xi32> to vector<16xi32>
          %swap3A_432 = vector.shape_cast %add3A_427 : vector<16xi32> to vector<1x16xi32>
          tpu.vector_store %arg6[%swap3A_428, %swap3A_429], %swap3A_432 {strides = array<i32>} : memref<40x128xi32, #tpu.memory_space<vmem>>, vector<1x16xi32>,
          %get3A_433 = arith.index_cast %scan3A_400 : i32 to index
          %get3A_434 = arith.constant 48 : index
          %get3A_435 = tpu.vector_load %arg6[%get3A_433, %get3A_434] {strides = array<i32>} : memref<40x128xi32, #tpu.memory_space<vmem>>, vector<1x16xi32>,
          %get3A_436 = vector.shape_cast %get3A_435 : vector<1x16xi32> to vector<16xi32>
          %add3A_437 = vector.broadcast %mul3A_2 : i32 to vector<16xi32>
          %add3A_438 = arith.addi %get3A_436, %add3A_437 : vector<16xi32>
          %swap3A_439 = arith.index_cast %scan3A_400 : i32 to index
          %swap3A_440 = arith.constant 48 : index
          %swap3A_441 = tpu.vector_load %arg6[%swap3A_439, %swap3A_440] {strides = array<i32>} : memref<40x128xi32, #tpu.memory_space<vmem>>, vector<1x16xi32>,
          %swap3A_442 = vector.shape_cast %swap3A_441 : vector<1x16xi32> to vector<16xi32>
          %swap3A_443 = vector.shape_cast %add3A_438 : vector<16xi32> to vector<1x16xi32>
          tpu.vector_store %arg6[%swap3A_439, %swap3A_440], %swap3A_443 {strides = array<i32>} : memref<40x128xi32, #tpu.memory_space<vmem>>, vector<1x16xi32>,
          %get3A_444 = arith.index_cast %scan3A_400 : i32 to index
          %get3A_445 = arith.constant 64 : index
          %get3A_446 = tpu.vector_load %arg6[%get3A_444, %get3A_445] {strides = array<i32>} : memref<40x128xi32, #tpu.memory_space<vmem>>, vector<1x16xi32>,
          %get3A_447 = vector.shape_cast %get3A_446 : vector<1x16xi32> to vector<16xi32>
          %add3A_448 = vector.broadcast %mul3A_2 : i32 to vector<16xi32>
          %add3A_449 = arith.addi %get3A_447, %add3A_448 : vector<16xi32>
          %swap3A_450 = arith.index_cast %scan3A_400 : i32 to index
          %swap3A_451 = arith.constant 64 : index
          %swap3A_452 = tpu.vector_load %arg6[%swap3A_450, %swap3A_451] {strides = array<i32>} : memref<40x128xi32, #tpu.memory_space<vmem>>, vector<1x16xi32>,
          %swap3A_453 = vector.shape_cast %swap3A_452 : vector<1x16xi32> to vector<16xi32>
          %swap3A_454 = vector.shape_cast %add3A_449 : vector<16xi32> to vector<1x16xi32>
          tpu.vector_store %arg6[%swap3A_450, %swap3A_451], %swap3A_454 {strides = array<i32>} : memref<40x128xi32, #tpu.memory_space<vmem>>, vector<1x16xi32>,
          %get3A_455 = arith.index_cast %scan3A_400 : i32 to index
          %get3A_456 = arith.constant 80 : index
          %get3A_457 = tpu.vector_load %arg6[%get3A_455, %get3A_456] {strides = array<i32>} : memref<40x128xi32, #tpu.memory_space<vmem>>, vector<1x16xi32>,
          %get3A_458 = vector.shape_cast %get3A_457 : vector<1x16xi32> to vector<16xi32>
          %add3A_459 = vector.broadcast %mul3A_2 : i32 to vector<16xi32>
          %add3A_460 = arith.addi %get3A_458, %add3A_459 : vector<16xi32>
          %swap3A_461 = arith.index_cast %scan3A_400 : i32 to index
          %swap3A_462 = arith.constant 80 : index
          %swap3A_463 = tpu.vector_load %arg6[%swap3A_461, %swap3A_462] {strides = array<i32>} : memref<40x128xi32, #tpu.memory_space<vmem>>, vector<1x16xi32>,
          %swap3A_464 = vector.shape_cast %swap3A_463 : vector<1x16xi32> to vector<16xi32>
          %swap3A_465 = vector.shape_cast %add3A_460 : vector<16xi32> to vector<1x16xi32>
          tpu.vector_store %arg6[%swap3A_461, %swap3A_462], %swap3A_465 {strides = array<i32>} : memref<40x128xi32, #tpu.memory_space<vmem>>, vector<1x16xi32>,
          %get3A_466 = arith.index_cast %scan3A_400 : i32 to index
          %get3A_467 = arith.constant 96 : index
          %get3A_468 = tpu.vector_load %arg6[%get3A_466, %get3A_467] {strides = array<i32>} : memref<40x128xi32, #tpu.memory_space<vmem>>, vector<1x16xi32>,
          %get3A_469 = vector.shape_cast %get3A_468 : vector<1x16xi32> to vector<16xi32>
          %add3A_470 = vector.broadcast %mul3A_2 : i32 to vector<16xi32>
          %add3A_471 = arith.addi %get3A_469, %add3A_470 : vector<16xi32>
          %swap3A_472 = arith.index_cast %scan3A_400 : i32 to index
          %swap3A_473 = arith.constant 96 : index
          %swap3A_474 = tpu.vector_load %arg6[%swap3A_472, %swap3A_473] {strides = array<i32>} : memref<40x128xi32, #tpu.memory_space<vmem>>, vector<1x16xi32>,
          %swap3A_475 = vector.shape_cast %swap3A_474 : vector<1x16xi32> to vector<16xi32>
          %swap3A_476 = vector.shape_cast %add3A_471 : vector<16xi32> to vector<1x16xi32>
          tpu.vector_store %arg6[%swap3A_472, %swap3A_473], %swap3A_476 {strides = array<i32>} : memref<40x128xi32, #tpu.memory_space<vmem>>, vector<1x16xi32>,
          %get3A_477 = arith.index_cast %scan3A_400 : i32 to index
          %get3A_478 = arith.constant 112 : index
          %get3A_479 = tpu.vector_load %arg6[%get3A_477, %get3A_478] {strides = array<i32>} : memref<40x128xi32, #tpu.memory_space<vmem>>, vector<1x16xi32>,
          %get3A_480 = vector.shape_cast %get3A_479 : vector<1x16xi32> to vector<16xi32>
          %add3A_481 = vector.broadcast %mul3A_2 : i32 to vector<16xi32>
          %add3A_482 = arith.addi %get3A_480, %add3A_481 : vector<16xi32>
          %swap3A_483 = arith.index_cast %scan3A_400 : i32 to index
          %swap3A_484 = arith.constant 112 : index
          %swap3A_485 = tpu.vector_load %arg6[%swap3A_483, %swap3A_484] {strides = array<i32>} : memref<40x128xi32, #tpu.memory_space<vmem>>, vector<1x16xi32>,
          %swap3A_486 = vector.shape_cast %swap3A_485 : vector<1x16xi32> to vector<16xi32>
          %swap3A_487 = vector.shape_cast %add3A_482 : vector<16xi32> to vector<1x16xi32>
          tpu.vector_store %arg6[%swap3A_483, %swap3A_484], %swap3A_487 {strides = array<i32>} : memref<40x128xi32, #tpu.memory_space<vmem>>, vector<1x16xi32>,
          %scan3A_488 = arith.constant 0 : i32
          scf.yield %scan3A_488 : i32
        }
        %scan3A_399 = arith.constant 40 : i32
      } else {
      }
      %gt3A_258 = arith.constant 0 : i32
      %gt3A_259 = arith.cmpi sgt, %scan3A_239, %gt3A_258 : i32
      %not3A = arith.constant true
      %not3A_260 = arith.xori %eq3A_251, %not3A : i1
      %and3A_261 = arith.andi %gt3A_259, %not3A_260 : i1
      %convert_element_type3A_262 = arith.extui %and3A_261 : i1 to i32
      %cond3A_263 = arith.constant 0 : i32
      %cond3A_264 = arith.cmpi ne, %convert_element_type3A_262, %cond3A_263 : i32
      scf.if %cond3A_264 {
        %dma_wait3A_390 = arith.constant 0 : i32
        %dma_wait3A_391 = arith.constant 0 : i32
        %dma_wait3A_392 = tpu.memref_slice %arg7[%dma_wait3A_390, %dma_wait3A_391] : memref<40x128xi32, #tpu.memory_space<vmem>> -> memref<1x128xi32, #tpu.memory_space<vmem>>
        %dma_wait3A_393 = tpu.memref_squeeze %dma_wait3A_392 : memref<1x128xi32, #tpu.memory_space<vmem>> -> memref<128xi32, #tpu.memory_space<vmem>>
        %dma_wait3A_394 = arith.constant 0 : i32
        %dma_wait3A_395 = arith.constant 0 : i32
        %dma_wait3A_396 = tpu.memref_slice %arg14[%dma_wait3A_394, %dma_wait3A_395] : memref<10240x128xf32, #tpu.memory_space<vmem_shared>> -> memref<10240x128xf32, #tpu.memory_space<vmem_shared>>
        tpu.wait_indirect_dma semaphore(%arg12 : memref<!tpu.dma_semaphore, #tpu.memory_space<semaphore_mem>>) src(%arg8 : memref<128x128xf32, #tpu.memory_space<vmem>>) dst(%dma_wait3A_396 : memref<10240x128xf32, #tpu.memory_space<vmem_shared>>)
      } else {
      }
      %jit3A_265 = arith.constant 20 : i32
      %eq3A_266 = arith.constant 0 : i32
      %eq3A_267 = arith.cmpi eq, %jit3A_265, %eq3A_266 : i32
      %jit3A_268 = arith.constant 1 : i32
      %select_n3A_269 = arith.select %eq3A_267, %jit3A_268, %jit3A_265 : i32
      %rem3A_270 = arith.remsi %scan3A_239, %select_n3A_269 : i32
      %ne3A_271 = arith.constant 0 : i32
      %ne3A_272 = arith.cmpi ne, %rem3A_270, %ne3A_271 : i32
      %lt3A_273 = arith.constant 0 : i32
      %lt3A_274 = arith.cmpi slt, %rem3A_270, %lt3A_273 : i32
      %lt3A_275 = arith.constant 0 : i32
      %lt3A_276 = arith.cmpi slt, %select_n3A_269, %lt3A_275 : i32
      %ne3A_277 = arith.xori %lt3A_274, %lt3A_276 : i1
      %and3A_278 = arith.andi %ne3A_277, %ne3A_272 : i1
      %add3A_279 = arith.addi %rem3A_270, %select_n3A_269 : i32
      %select_n3A_280 = arith.select %and3A_278, %add3A_279, %rem3A_270 : i32
      %mul3A_281 = arith.constant 2 : i32
      %mul3A_282 = arith.muli %select_n3A_280, %mul3A_281 : i32
      %add3A_283 = arith.constant 0 : i32
      %add3A_284 = arith.addi %mul3A_282, %add3A_283 : i32
      %dma_start3A_285 = arith.constant 0 : i32
      %dma_start3A_286 = tpu.memref_slice %arg6[%add3A_284, %dma_start3A_285] : memref<40x128xi32, #tpu.memory_space<vmem>> -> memref<1x128xi32, #tpu.memory_space<vmem>>
      %dma_start3A_287 = tpu.memref_squeeze %dma_start3A_286 : memref<1x128xi32, #tpu.memory_space<vmem>> -> memref<128xi32, #tpu.memory_space<vmem>>
      %dma_start3A_288 = arith.constant 0 : i32
      %dma_start3A_289 = arith.constant 0 : i32
      %dma_start3A_290 = tpu.memref_slice %arg2[%dma_start3A_288, %dma_start3A_289] : memref<20480x128xf32, #tpu.memory_space<hbm>> -> memref<20480x128xf32, #tpu.memory_space<hbm>>
      tpu.enqueue_indirect_dma source(%dma_start3A_290 : memref<20480x128xf32, #tpu.memory_space<hbm>>) target(%arg8 : memref<128x128xf32, #tpu.memory_space<vmem>>) offsets(%dma_start3A_287 : memref<128xi32, #tpu.memory_space<vmem>>) semaphore(%arg10 : memref<!tpu.dma_semaphore, #tpu.memory_space<semaphore_mem>>)
      %gt3A_291 = arith.constant 0 : i32
      %gt3A_292 = arith.cmpi sgt, %scan3A_239, %gt3A_291 : i32
      %not3A_293 = arith.constant true
      %not3A_294 = arith.xori %eq3A_251, %not3A_293 : i1
      %and3A_295 = arith.andi %gt3A_292, %not3A_294 : i1
      %convert_element_type3A_296 = arith.extui %and3A_295 : i1 to i32
      %cond3A_297 = arith.constant 0 : i32
      %cond3A_298 = arith.cmpi ne, %convert_element_type3A_296, %cond3A_297 : i32
      scf.if %cond3A_298 {
        %dma_wait3A_390 = arith.constant 0 : i32
        %dma_wait3A_391 = arith.constant 0 : i32
        %dma_wait3A_392 = tpu.memref_slice %arg7[%dma_wait3A_390, %dma_wait3A_391] : memref<40x128xi32, #tpu.memory_space<vmem>> -> memref<1x128xi32, #tpu.memory_space<vmem>>
        %dma_wait3A_393 = tpu.memref_squeeze %dma_wait3A_392 : memref<1x128xi32, #tpu.memory_space<vmem>> -> memref<128xi32, #tpu.memory_space<vmem>>
        %dma_wait3A_394 = arith.constant 0 : i32
        %dma_wait3A_395 = arith.constant 0 : i32
        %dma_wait3A_396 = tpu.memref_slice %arg14[%dma_wait3A_394, %dma_wait3A_395] : memref<10240x128xf32, #tpu.memory_space<vmem_shared>> -> memref<10240x128xf32, #tpu.memory_space<vmem_shared>>
        tpu.wait_indirect_dma semaphore(%arg13 : memref<!tpu.dma_semaphore, #tpu.memory_space<semaphore_mem>>) src(%arg9 : memref<128x128xf32, #tpu.memory_space<vmem>>) dst(%dma_wait3A_396 : memref<10240x128xf32, #tpu.memory_space<vmem_shared>>)
      } else {
      }
      %jit3A_299 = arith.constant 20 : i32
      %eq3A_300 = arith.constant 0 : i32
      %eq3A_301 = arith.cmpi eq, %jit3A_299, %eq3A_300 : i32
      %jit3A_302 = arith.constant 1 : i32
      %select_n3A_303 = arith.select %eq3A_301, %jit3A_302, %jit3A_299 : i32
      %rem3A_304 = arith.remsi %scan3A_239, %select_n3A_303 : i32
      %ne3A_305 = arith.constant 0 : i32
      %ne3A_306 = arith.cmpi ne, %rem3A_304, %ne3A_305 : i32
      %lt3A_307 = arith.constant 0 : i32
      %lt3A_308 = arith.cmpi slt, %rem3A_304, %lt3A_307 : i32
      %lt3A_309 = arith.constant 0 : i32
      %lt3A_310 = arith.cmpi slt, %select_n3A_303, %lt3A_309 : i32
      %ne3A_311 = arith.xori %lt3A_308, %lt3A_310 : i1
      %and3A_312 = arith.andi %ne3A_311, %ne3A_306 : i1
      %add3A_313 = arith.addi %rem3A_304, %select_n3A_303 : i32
      %select_n3A_314 = arith.select %and3A_312, %add3A_313, %rem3A_304 : i32
      %mul3A_315 = arith.constant 2 : i32
      %mul3A_316 = arith.muli %select_n3A_314, %mul3A_315 : i32
      %add3A_317 = arith.constant 1 : i32
      %add3A_318 = arith.addi %mul3A_316, %add3A_317 : i32
      %dma_start3A_319 = arith.constant 0 : i32
      %dma_start3A_320 = tpu.memref_slice %arg6[%add3A_318, %dma_start3A_319] : memref<40x128xi32, #tpu.memory_space<vmem>> -> memref<1x128xi32, #tpu.memory_space<vmem>>
      %dma_start3A_321 = tpu.memref_squeeze %dma_start3A_320 : memref<1x128xi32, #tpu.memory_space<vmem>> -> memref<128xi32, #tpu.memory_space<vmem>>
      %dma_start3A_322 = arith.constant 0 : i32
      %dma_start3A_323 = arith.constant 0 : i32
      %dma_start3A_324 = tpu.memref_slice %arg2[%dma_start3A_322, %dma_start3A_323] : memref<20480x128xf32, #tpu.memory_space<hbm>> -> memref<20480x128xf32, #tpu.memory_space<hbm>>
      tpu.enqueue_indirect_dma source(%dma_start3A_324 : memref<20480x128xf32, #tpu.memory_space<hbm>>) target(%arg9 : memref<128x128xf32, #tpu.memory_space<vmem>>) offsets(%dma_start3A_321 : memref<128xi32, #tpu.memory_space<vmem>>) semaphore(%arg11 : memref<!tpu.dma_semaphore, #tpu.memory_space<semaphore_mem>>)
      %jit3A_325 = arith.constant 20 : i32
      %eq3A_326 = arith.constant 0 : i32
      %eq3A_327 = arith.cmpi eq, %jit3A_325, %eq3A_326 : i32
      %jit3A_328 = arith.constant 1 : i32
      %select_n3A_329 = arith.select %eq3A_327, %jit3A_328, %jit3A_325 : i32
      %rem3A_330 = arith.remsi %scan3A_239, %select_n3A_329 : i32
      %ne3A_331 = arith.constant 0 : i32
      %ne3A_332 = arith.cmpi ne, %rem3A_330, %ne3A_331 : i32
      %lt3A_333 = arith.constant 0 : i32
      %lt3A_334 = arith.cmpi slt, %rem3A_330, %lt3A_333 : i32
      %lt3A_335 = arith.constant 0 : i32
      %lt3A_336 = arith.cmpi slt, %select_n3A_329, %lt3A_335 : i32
      %ne3A_337 = arith.xori %lt3A_334, %lt3A_336 : i1
      %and3A_338 = arith.andi %ne3A_337, %ne3A_332 : i1
      %add3A_339 = arith.addi %rem3A_330, %select_n3A_329 : i32
      %select_n3A_340 = arith.select %and3A_338, %add3A_339, %rem3A_330 : i32
      %mul3A_341 = arith.constant 2 : i32
      %mul3A_342 = arith.muli %select_n3A_340, %mul3A_341 : i32
      %add3A_343 = arith.constant 0 : i32
      %add3A_344 = arith.addi %mul3A_342, %add3A_343 : i32
      %dma_wait3A_345 = arith.constant 0 : i32
      %dma_wait3A_346 = tpu.memref_slice %arg6[%add3A_344, %dma_wait3A_345] : memref<40x128xi32, #tpu.memory_space<vmem>> -> memref<1x128xi32, #tpu.memory_space<vmem>>
      %dma_wait3A_347 = tpu.memref_squeeze %dma_wait3A_346 : memref<1x128xi32, #tpu.memory_space<vmem>> -> memref<128xi32, #tpu.memory_space<vmem>>
      %dma_wait3A_348 = arith.constant 0 : i32
      %dma_wait3A_349 = arith.constant 0 : i32
      %dma_wait3A_350 = tpu.memref_slice %arg2[%dma_wait3A_348, %dma_wait3A_349] : memref<20480x128xf32, #tpu.memory_space<hbm>> -> memref<20480x128xf32, #tpu.memory_space<hbm>>
      tpu.wait_indirect_dma semaphore(%arg10 : memref<!tpu.dma_semaphore, #tpu.memory_space<semaphore_mem>>) src(%dma_wait3A_350 : memref<20480x128xf32, #tpu.memory_space<hbm>>) dst(%arg8 : memref<128x128xf32, #tpu.memory_space<vmem>>)
      %dma_start3A_351 = arith.constant 0 : i32
      %dma_start3A_352 = tpu.memref_slice %arg7[%add3A_344, %dma_start3A_351] : memref<40x128xi32, #tpu.memory_space<vmem>> -> memref<1x128xi32, #tpu.memory_space<vmem>>
      %dma_start3A_353 = tpu.memref_squeeze %dma_start3A_352 : memref<1x128xi32, #tpu.memory_space<vmem>> -> memref<128xi32, #tpu.memory_space<vmem>>
      %dma_start3A_354 = arith.constant 0 : i32
      %dma_start3A_355 = arith.constant 0 : i32
      %dma_start3A_356 = tpu.memref_slice %arg14[%dma_start3A_354, %dma_start3A_355] : memref<10240x128xf32, #tpu.memory_space<vmem_shared>> -> memref<10240x128xf32, #tpu.memory_space<vmem_shared>>
      tpu.enqueue_indirect_dma source(%arg8 : memref<128x128xf32, #tpu.memory_space<vmem>>) target(%dma_start3A_356 : memref<10240x128xf32, #tpu.memory_space<vmem_shared>>) offsets(%dma_start3A_353 : memref<128xi32, #tpu.memory_space<vmem>>) semaphore(%arg12 : memref<!tpu.dma_semaphore, #tpu.memory_space<semaphore_mem>>) {add = true}
      %jit3A_357 = arith.constant 20 : i32
      %eq3A_358 = arith.constant 0 : i32
      %eq3A_359 = arith.cmpi eq, %jit3A_357, %eq3A_358 : i32
      %jit3A_360 = arith.constant 1 : i32
      %select_n3A_361 = arith.select %eq3A_359, %jit3A_360, %jit3A_357 : i32
      %rem3A_362 = arith.remsi %scan3A_239, %select_n3A_361 : i32
      %ne3A_363 = arith.constant 0 : i32
      %ne3A_364 = arith.cmpi ne, %rem3A_362, %ne3A_363 : i32
      %lt3A_365 = arith.constant 0 : i32
      %lt3A_366 = arith.cmpi slt, %rem3A_362, %lt3A_365 : i32
      %lt3A_367 = arith.constant 0 : i32
      %lt3A_368 = arith.cmpi slt, %select_n3A_361, %lt3A_367 : i32
      %ne3A_369 = arith.xori %lt3A_366, %lt3A_368 : i1
      %and3A_370 = arith.andi %ne3A_369, %ne3A_364 : i1
      %add3A_371 = arith.addi %rem3A_362, %select_n3A_361 : i32
      %select_n3A_372 = arith.select %and3A_370, %add3A_371, %rem3A_362 : i32
      %mul3A_373 = arith.constant 2 : i32
      %mul3A_374 = arith.muli %select_n3A_372, %mul3A_373 : i32
      %add3A_375 = arith.constant 1 : i32
      %add3A_376 = arith.addi %mul3A_374, %add3A_375 : i32
      %dma_wait3A_377 = arith.constant 0 : i32
      %dma_wait3A_378 = tpu.memref_slice %arg6[%add3A_376, %dma_wait3A_377] : memref<40x128xi32, #tpu.memory_space<vmem>> -> memref<1x128xi32, #tpu.memory_space<vmem>>
      %dma_wait3A_379 = tpu.memref_squeeze %dma_wait3A_378 : memref<1x128xi32, #tpu.memory_space<vmem>> -> memref<128xi32, #tpu.memory_space<vmem>>
      %dma_wait3A_380 = arith.constant 0 : i32
      %dma_wait3A_381 = arith.constant 0 : i32
      %dma_wait3A_382 = tpu.memref_slice %arg2[%dma_wait3A_380, %dma_wait3A_381] : memref<20480x128xf32, #tpu.memory_space<hbm>> -> memref<20480x128xf32, #tpu.memory_space<hbm>>
      tpu.wait_indirect_dma semaphore(%arg11 : memref<!tpu.dma_semaphore, #tpu.memory_space<semaphore_mem>>) src(%dma_wait3A_382 : memref<20480x128xf32, #tpu.memory_space<hbm>>) dst(%arg9 : memref<128x128xf32, #tpu.memory_space<vmem>>)
      %dma_start3A_383 = arith.constant 0 : i32
      %dma_start3A_384 = tpu.memref_slice %arg7[%add3A_376, %dma_start3A_383] : memref<40x128xi32, #tpu.memory_space<vmem>> -> memref<1x128xi32, #tpu.memory_space<vmem>>
      %dma_start3A_385 = tpu.memref_squeeze %dma_start3A_384 : memref<1x128xi32, #tpu.memory_space<vmem>> -> memref<128xi32, #tpu.memory_space<vmem>>
      %dma_start3A_386 = arith.constant 0 : i32
      %dma_start3A_387 = arith.constant 0 : i32
      %dma_start3A_388 = tpu.memref_slice %arg14[%dma_start3A_386, %dma_start3A_387] : memref<10240x128xf32, #tpu.memory_space<vmem_shared>> -> memref<10240x128xf32, #tpu.memory_space<vmem_shared>>
      tpu.enqueue_indirect_dma source(%arg9 : memref<128x128xf32, #tpu.memory_space<vmem>>) target(%dma_start3A_388 : memref<10240x128xf32, #tpu.memory_space<vmem_shared>>) offsets(%dma_start3A_385 : memref<128xi32, #tpu.memory_space<vmem>>) semaphore(%arg13 : memref<!tpu.dma_semaphore, #tpu.memory_space<semaphore_mem>>) {add = true}
      %scan3A_389 = arith.constant 0 : i32
      scf.yield %scan3A_389 : i32
    }
    %scan3A_93 = arith.constant 80 : i32
    %dma_wait3A_94 = arith.constant 0 : i32
    %dma_wait3A_95 = arith.constant 0 : i32
    %dma_wait3A_96 = tpu.memref_slice %arg7[%dma_wait3A_94, %dma_wait3A_95] : memref<40x128xi32, #tpu.memory_space<vmem>> -> memref<1x128xi32, #tpu.memory_space<vmem>>
    %dma_wait3A_97 = tpu.memref_squeeze %dma_wait3A_96 : memref<1x128xi32, #tpu.memory_space<vmem>> -> memref<128xi32, #tpu.memory_space<vmem>>
    %dma_wait3A_98 = arith.constant 0 : i32
    %dma_wait3A_99 = arith.constant 0 : i32
    %dma_wait3A_100 = tpu.memref_slice %arg14[%dma_wait3A_98, %dma_wait3A_99] : memref<10240x128xf32, #tpu.memory_space<vmem_shared>> -> memref<10240x128xf32, #tpu.memory_space<vmem_shared>>
    tpu.wait_indirect_dma semaphore(%arg12 : memref<!tpu.dma_semaphore, #tpu.memory_space<semaphore_mem>>) src(%arg8 : memref<128x128xf32, #tpu.memory_space<vmem>>) dst(%dma_wait3A_100 : memref<10240x128xf32, #tpu.memory_space<vmem_shared>>)
    %dma_wait3A_101 = arith.constant 0 : i32
    %dma_wait3A_102 = arith.constant 0 : i32
    %dma_wait3A_103 = tpu.memref_slice %arg7[%dma_wait3A_101, %dma_wait3A_102] : memref<40x128xi32, #tpu.memory_space<vmem>> -> memref<1x128xi32, #tpu.memory_space<vmem>>
    %dma_wait3A_104 = tpu.memref_squeeze %dma_wait3A_103 : memref<1x128xi32, #tpu.memory_space<vmem>> -> memref<128xi32, #tpu.memory_space<vmem>>
    %dma_wait3A_105 = arith.constant 0 : i32
    %dma_wait3A_106 = arith.constant 0 : i32
    %dma_wait3A_107 = tpu.memref_slice %arg14[%dma_wait3A_105, %dma_wait3A_106] : memref<10240x128xf32, #tpu.memory_space<vmem_shared>> -> memref<10240x128xf32, #tpu.memory_space<vmem_shared>>
    tpu.wait_indirect_dma semaphore(%arg13 : memref<!tpu.dma_semaphore, #tpu.memory_space<semaphore_mem>>) src(%arg9 : memref<128x128xf32, #tpu.memory_space<vmem>>) dst(%dma_wait3A_107 : memref<10240x128xf32, #tpu.memory_space<vmem_shared>>)
    %barrier3A_108 = arith.constant 0 : index
    tpu.barrier barrier_id(%barrier3A_108)
    %mul3A_109 = arith.constant 640 : i32
    %mul3A_110 = arith.muli %arg1, %mul3A_109 : i32
    %add3A_111 = arith.constant 0 : i32
    %add3A_112 = arith.addi %mul3A_110, %add3A_111 : i32
    "tpu.region"() ({
      %run_scoped3A = tpu.sem_alloc : memref<!tpu.dma_semaphore, #tpu.memory_space<semaphore_mem>>
      %dma_start3A_239 = arith.constant 0 : i32
      %dma_start3A_240 = tpu.memref_slice %arg14[%add3A_112, %dma_start3A_239] : memref<10240x128xf32, #tpu.memory_space<vmem_shared>> -> memref<128x128xf32, #tpu.memory_space<vmem_shared>>
      %dma_start3A_241 = arith.constant 0 : i32
      %dma_start3A_242 = tpu.memref_slice %arg14[%add3A_112, %dma_start3A_241] : memref<10240x128xf32, #tpu.memory_space<vmem_shared>> -> memref<128x128xf32, #tpu.memory_space<vmem_shared>>
      tpu.enqueue_dma source(%dma_start3A_242 : memref<128x128xf32, #tpu.memory_space<vmem_shared>>) target(%arg8 : memref<128x128xf32, #tpu.memory_space<vmem>>) target_semaphore(%run_scoped3A : memref<!tpu.dma_semaphore, #tpu.memory_space<semaphore_mem>>)
      %dma_wait3A_243 = arith.constant 0 : i32
      %dma_wait3A_244 = tpu.memref_slice %arg14[%add3A_112, %dma_wait3A_243] : memref<10240x128xf32, #tpu.memory_space<vmem_shared>> -> memref<128x128xf32, #tpu.memory_space<vmem_shared>>
      %dma_wait3A_245 = arith.constant 0 : i32
      %dma_wait3A_246 = tpu.memref_slice %arg14[%add3A_112, %dma_wait3A_245] : memref<10240x128xf32, #tpu.memory_space<vmem_shared>> -> memref<128x128xf32, #tpu.memory_space<vmem_shared>>
      tpu.wait_dma2 semaphore(%run_scoped3A : memref<!tpu.dma_semaphore, #tpu.memory_space<semaphore_mem>>) src(%dma_wait3A_246 : memref<128x128xf32, #tpu.memory_space<vmem_shared>>) dst(%arg8 : memref<128x128xf32, #tpu.memory_space<vmem>>)
      tpu.yield
    }) : () -> ()
    %mul3A_113 = arith.constant 640 : i32
    %mul3A_114 = arith.muli %arg1, %mul3A_113 : i32
    %add3A_115 = arith.constant 0 : i32
    %add3A_116 = arith.addi %mul3A_114, %add3A_115 : i32
    %mul3A_117 = arith.constant 10240 : i32
    %mul3A_118 = arith.muli %arg0, %mul3A_117 : i32
    %add3A_119 = arith.addi %mul3A_118, %add3A_116 : i32
    %dma_start3A_120 = arith.constant 0 : i32
    %dma_start3A_121 = tpu.memref_slice %arg5[%add3A_119, %dma_start3A_120] : memref<20480x128xf32, #tpu.memory_space<hbm>> -> memref<128x128xf32, #tpu.memory_space<hbm>>
    %dma_start3A_122 = arith.constant 0 : i32
    %dma_start3A_123 = tpu.memref_slice %arg5[%add3A_119, %dma_start3A_122] : memref<20480x128xf32, #tpu.memory_space<hbm>> -> memref<128x128xf32, #tpu.memory_space<hbm>>
    tpu.enqueue_dma source(%arg8 : memref<128x128xf32, #tpu.memory_space<vmem>>) target(%dma_start3A_123 : memref<128x128xf32, #tpu.memory_space<hbm>>) target_semaphore(%arg10 : memref<!tpu.dma_semaphore, #tpu.memory_space<semaphore_mem>>)
    %mul3A_124 = arith.constant 640 : i32
    %mul3A_125 = arith.muli %arg1, %mul3A_124 : i32
    %add3A_126 = arith.constant 128 : i32
    %add3A_127 = arith.addi %mul3A_125, %add3A_126 : i32
    "tpu.region"() ({
      %run_scoped3A = tpu.sem_alloc : memref<!tpu.dma_semaphore, #tpu.memory_space<semaphore_mem>>
      %dma_start3A_239 = arith.constant 0 : i32
      %dma_start3A_240 = tpu.memref_slice %arg14[%add3A_127, %dma_start3A_239] : memref<10240x128xf32, #tpu.memory_space<vmem_shared>> -> memref<128x128xf32, #tpu.memory_space<vmem_shared>>
      %dma_start3A_241 = arith.constant 0 : i32
      %dma_start3A_242 = tpu.memref_slice %arg14[%add3A_127, %dma_start3A_241] : memref<10240x128xf32, #tpu.memory_space<vmem_shared>> -> memref<128x128xf32, #tpu.memory_space<vmem_shared>>
      tpu.enqueue_dma source(%dma_start3A_242 : memref<128x128xf32, #tpu.memory_space<vmem_shared>>) target(%arg9 : memref<128x128xf32, #tpu.memory_space<vmem>>) target_semaphore(%run_scoped3A : memref<!tpu.dma_semaphore, #tpu.memory_space<semaphore_mem>>)
      %dma_wait3A_243 = arith.constant 0 : i32
      %dma_wait3A_244 = tpu.memref_slice %arg14[%add3A_127, %dma_wait3A_243] : memref<10240x128xf32, #tpu.memory_space<vmem_shared>> -> memref<128x128xf32, #tpu.memory_space<vmem_shared>>
      %dma_wait3A_245 = arith.constant 0 : i32
      %dma_wait3A_246 = tpu.memref_slice %arg14[%add3A_127, %dma_wait3A_245] : memref<10240x128xf32, #tpu.memory_space<vmem_shared>> -> memref<128x128xf32, #tpu.memory_space<vmem_shared>>
      tpu.wait_dma2 semaphore(%run_scoped3A : memref<!tpu.dma_semaphore, #tpu.memory_space<semaphore_mem>>) src(%dma_wait3A_246 : memref<128x128xf32, #tpu.memory_space<vmem_shared>>) dst(%arg9 : memref<128x128xf32, #tpu.memory_space<vmem>>)
      tpu.yield
    }) : () -> ()
    %mul3A_128 = arith.constant 640 : i32
    %mul3A_129 = arith.muli %arg1, %mul3A_128 : i32
    %add3A_130 = arith.constant 128 : i32
    %add3A_131 = arith.addi %mul3A_129, %add3A_130 : i32
    %mul3A_132 = arith.constant 10240 : i32
    %mul3A_133 = arith.muli %arg0, %mul3A_132 : i32
    %add3A_134 = arith.addi %mul3A_133, %add3A_131 : i32
    %dma_start3A_135 = arith.constant 0 : i32
    %dma_start3A_136 = tpu.memref_slice %arg5[%add3A_134, %dma_start3A_135] : memref<20480x128xf32, #tpu.memory_space<hbm>> -> memref<128x128xf32, #tpu.memory_space<hbm>>
    %dma_start3A_137 = arith.constant 0 : i32
    %dma_start3A_138 = tpu.memref_slice %arg5[%add3A_134, %dma_start3A_137] : memref<20480x128xf32, #tpu.memory_space<hbm>> -> memref<128x128xf32, #tpu.memory_space<hbm>>
    tpu.enqueue_dma source(%arg9 : memref<128x128xf32, #tpu.memory_space<vmem>>) target(%dma_start3A_138 : memref<128x128xf32, #tpu.memory_space<hbm>>) target_semaphore(%arg11 : memref<!tpu.dma_semaphore, #tpu.memory_space<semaphore_mem>>)
    %mul3A_139 = arith.constant 640 : i32
    %mul3A_140 = arith.muli %arg1, %mul3A_139 : i32
    %add3A_141 = arith.constant 0 : i32
    %add3A_142 = arith.addi %mul3A_140, %add3A_141 : i32
    %mul3A_143 = arith.constant 10240 : i32
    %mul3A_144 = arith.muli %arg0, %mul3A_143 : i32
    %add3A_145 = arith.addi %mul3A_144, %add3A_142 : i32
    %dma_wait3A_146 = arith.constant 0 : i32
    %dma_wait3A_147 = tpu.memref_slice %arg5[%add3A_145, %dma_wait3A_146] : memref<20480x128xf32, #tpu.memory_space<hbm>> -> memref<128x128xf32, #tpu.memory_space<hbm>>
    %dma_wait3A_148 = arith.constant 0 : i32
    %dma_wait3A_149 = tpu.memref_slice %arg5[%add3A_145, %dma_wait3A_148] : memref<20480x128xf32, #tpu.memory_space<hbm>> -> memref<128x128xf32, #tpu.memory_space<hbm>>
    tpu.wait_dma2 semaphore(%arg10 : memref<!tpu.dma_semaphore, #tpu.memory_space<semaphore_mem>>) src(%arg8 : memref<128x128xf32, #tpu.memory_space<vmem>>) dst(%dma_wait3A_149 : memref<128x128xf32, #tpu.memory_space<hbm>>)
    %mul3A_150 = arith.constant 640 : i32
    %mul3A_151 = arith.muli %arg1, %mul3A_150 : i32
    %add3A_152 = arith.constant 256 : i32
    %add3A_153 = arith.addi %mul3A_151, %add3A_152 : i32
    "tpu.region"() ({
      %run_scoped3A = tpu.sem_alloc : memref<!tpu.dma_semaphore, #tpu.memory_space<semaphore_mem>>
      %dma_start3A_239 = arith.constant 0 : i32
      %dma_start3A_240 = tpu.memref_slice %arg14[%add3A_153, %dma_start3A_239] : memref<10240x128xf32, #tpu.memory_space<vmem_shared>> -> memref<128x128xf32, #tpu.memory_space<vmem_shared>>
      %dma_start3A_241 = arith.constant 0 : i32
      %dma_start3A_242 = tpu.memref_slice %arg14[%add3A_153, %dma_start3A_241] : memref<10240x128xf32, #tpu.memory_space<vmem_shared>> -> memref<128x128xf32, #tpu.memory_space<vmem_shared>>
      tpu.enqueue_dma source(%dma_start3A_242 : memref<128x128xf32, #tpu.memory_space<vmem_shared>>) target(%arg8 : memref<128x128xf32, #tpu.memory_space<vmem>>) target_semaphore(%run_scoped3A : memref<!tpu.dma_semaphore, #tpu.memory_space<semaphore_mem>>)
      %dma_wait3A_243 = arith.constant 0 : i32
      %dma_wait3A_244 = tpu.memref_slice %arg14[%add3A_153, %dma_wait3A_243] : memref<10240x128xf32, #tpu.memory_space<vmem_shared>> -> memref<128x128xf32, #tpu.memory_space<vmem_shared>>
      %dma_wait3A_245 = arith.constant 0 : i32
      %dma_wait3A_246 = tpu.memref_slice %arg14[%add3A_153, %dma_wait3A_245] : memref<10240x128xf32, #tpu.memory_space<vmem_shared>> -> memref<128x128xf32, #tpu.memory_space<vmem_shared>>
      tpu.wait_dma2 semaphore(%run_scoped3A : memref<!tpu.dma_semaphore, #tpu.memory_space<semaphore_mem>>) src(%dma_wait3A_246 : memref<128x128xf32, #tpu.memory_space<vmem_shared>>) dst(%arg8 : memref<128x128xf32, #tpu.memory_space<vmem>>)
      tpu.yield
    }) : () -> ()
    %mul3A_154 = arith.constant 640 : i32
    %mul3A_155 = arith.muli %arg1, %mul3A_154 : i32
    %add3A_156 = arith.constant 256 : i32
    %add3A_157 = arith.addi %mul3A_155, %add3A_156 : i32
    %mul3A_158 = arith.constant 10240 : i32
    %mul3A_159 = arith.muli %arg0, %mul3A_158 : i32
    %add3A_160 = arith.addi %mul3A_159, %add3A_157 : i32
    %dma_start3A_161 = arith.constant 0 : i32
    %dma_start3A_162 = tpu.memref_slice %arg5[%add3A_160, %dma_start3A_161] : memref<20480x128xf32, #tpu.memory_space<hbm>> -> memref<128x128xf32, #tpu.memory_space<hbm>>
    %dma_start3A_163 = arith.constant 0 : i32
    %dma_start3A_164 = tpu.memref_slice %arg5[%add3A_160, %dma_start3A_163] : memref<20480x128xf32, #tpu.memory_space<hbm>> -> memref<128x128xf32, #tpu.memory_space<hbm>>
    tpu.enqueue_dma source(%arg8 : memref<128x128xf32, #tpu.memory_space<vmem>>) target(%dma_start3A_164 : memref<128x128xf32, #tpu.memory_space<hbm>>) target_semaphore(%arg10 : memref<!tpu.dma_semaphore, #tpu.memory_space<semaphore_mem>>)
    %mul3A_165 = arith.constant 640 : i32
    %mul3A_166 = arith.muli %arg1, %mul3A_165 : i32
    %add3A_167 = arith.constant 128 : i32
    %add3A_168 = arith.addi %mul3A_166, %add3A_167 : i32
    %mul3A_169 = arith.constant 10240 : i32
    %mul3A_170 = arith.muli %arg0, %mul3A_169 : i32
    %add3A_171 = arith.addi %mul3A_170, %add3A_168 : i32
    %dma_wait3A_172 = arith.constant 0 : i32
    %dma_wait3A_173 = tpu.memref_slice %arg5[%add3A_171, %dma_wait3A_172] : memref<20480x128xf32, #tpu.memory_space<hbm>> -> memref<128x128xf32, #tpu.memory_space<hbm>>
    %dma_wait3A_174 = arith.constant 0 : i32
    %dma_wait3A_175 = tpu.memref_slice %arg5[%add3A_171, %dma_wait3A_174] : memref<20480x128xf32, #tpu.memory_space<hbm>> -> memref<128x128xf32, #tpu.memory_space<hbm>>
    tpu.wait_dma2 semaphore(%arg11 : memref<!tpu.dma_semaphore, #tpu.memory_space<semaphore_mem>>) src(%arg9 : memref<128x128xf32, #tpu.memory_space<vmem>>) dst(%dma_wait3A_175 : memref<128x128xf32, #tpu.memory_space<hbm>>)
    %mul3A_176 = arith.constant 640 : i32
    %mul3A_177 = arith.muli %arg1, %mul3A_176 : i32
    %add3A_178 = arith.constant 384 : i32
    %add3A_179 = arith.addi %mul3A_177, %add3A_178 : i32
    "tpu.region"() ({
      %run_scoped3A = tpu.sem_alloc : memref<!tpu.dma_semaphore, #tpu.memory_space<semaphore_mem>>
      %dma_start3A_239 = arith.constant 0 : i32
      %dma_start3A_240 = tpu.memref_slice %arg14[%add3A_179, %dma_start3A_239] : memref<10240x128xf32, #tpu.memory_space<vmem_shared>> -> memref<128x128xf32, #tpu.memory_space<vmem_shared>>
      %dma_start3A_241 = arith.constant 0 : i32
      %dma_start3A_242 = tpu.memref_slice %arg14[%add3A_179, %dma_start3A_241] : memref<10240x128xf32, #tpu.memory_space<vmem_shared>> -> memref<128x128xf32, #tpu.memory_space<vmem_shared>>
      tpu.enqueue_dma source(%dma_start3A_242 : memref<128x128xf32, #tpu.memory_space<vmem_shared>>) target(%arg9 : memref<128x128xf32, #tpu.memory_space<vmem>>) target_semaphore(%run_scoped3A : memref<!tpu.dma_semaphore, #tpu.memory_space<semaphore_mem>>)
      %dma_wait3A_243 = arith.constant 0 : i32
      %dma_wait3A_244 = tpu.memref_slice %arg14[%add3A_179, %dma_wait3A_243] : memref<10240x128xf32, #tpu.memory_space<vmem_shared>> -> memref<128x128xf32, #tpu.memory_space<vmem_shared>>
      %dma_wait3A_245 = arith.constant 0 : i32
      %dma_wait3A_246 = tpu.memref_slice %arg14[%add3A_179, %dma_wait3A_245] : memref<10240x128xf32, #tpu.memory_space<vmem_shared>> -> memref<128x128xf32, #tpu.memory_space<vmem_shared>>
      tpu.wait_dma2 semaphore(%run_scoped3A : memref<!tpu.dma_semaphore, #tpu.memory_space<semaphore_mem>>) src(%dma_wait3A_246 : memref<128x128xf32, #tpu.memory_space<vmem_shared>>) dst(%arg9 : memref<128x128xf32, #tpu.memory_space<vmem>>)
      tpu.yield
    }) : () -> ()
    %mul3A_180 = arith.constant 640 : i32
    %mul3A_181 = arith.muli %arg1, %mul3A_180 : i32
    %add3A_182 = arith.constant 384 : i32
    %add3A_183 = arith.addi %mul3A_181, %add3A_182 : i32
    %mul3A_184 = arith.constant 10240 : i32
    %mul3A_185 = arith.muli %arg0, %mul3A_184 : i32
    %add3A_186 = arith.addi %mul3A_185, %add3A_183 : i32
    %dma_start3A_187 = arith.constant 0 : i32
    %dma_start3A_188 = tpu.memref_slice %arg5[%add3A_186, %dma_start3A_187] : memref<20480x128xf32, #tpu.memory_space<hbm>> -> memref<128x128xf32, #tpu.memory_space<hbm>>
    %dma_start3A_189 = arith.constant 0 : i32
    %dma_start3A_190 = tpu.memref_slice %arg5[%add3A_186, %dma_start3A_189] : memref<20480x128xf32, #tpu.memory_space<hbm>> -> memref<128x128xf32, #tpu.memory_space<hbm>>
    tpu.enqueue_dma source(%arg9 : memref<128x128xf32, #tpu.memory_space<vmem>>) target(%dma_start3A_190 : memref<128x128xf32, #tpu.memory_space<hbm>>) target_semaphore(%arg11 : memref<!tpu.dma_semaphore, #tpu.memory_space<semaphore_mem>>)
    %mul3A_191 = arith.constant 640 : i32
    %mul3A_192 = arith.muli %arg1, %mul3A_191 : i32
    %add3A_193 = arith.constant 256 : i32
    %add3A_194 = arith.addi %mul3A_192, %add3A_193 : i32
    %mul3A_195 = arith.constant 10240 : i32
    %mul3A_196 = arith.muli %arg0, %mul3A_195 : i32
    %add3A_197 = arith.addi %mul3A_196, %add3A_194 : i32
    %dma_wait3A_198 = arith.constant 0 : i32
    %dma_wait3A_199 = tpu.memref_slice %arg5[%add3A_197, %dma_wait3A_198] : memref<20480x128xf32, #tpu.memory_space<hbm>> -> memref<128x128xf32, #tpu.memory_space<hbm>>
    %dma_wait3A_200 = arith.constant 0 : i32
    %dma_wait3A_201 = tpu.memref_slice %arg5[%add3A_197, %dma_wait3A_200] : memref<20480x128xf32, #tpu.memory_space<hbm>> -> memref<128x128xf32, #tpu.memory_space<hbm>>
    tpu.wait_dma2 semaphore(%arg10 : memref<!tpu.dma_semaphore, #tpu.memory_space<semaphore_mem>>) src(%arg8 : memref<128x128xf32, #tpu.memory_space<vmem>>) dst(%dma_wait3A_201 : memref<128x128xf32, #tpu.memory_space<hbm>>)
    %mul3A_202 = arith.constant 640 : i32
    %mul3A_203 = arith.muli %arg1, %mul3A_202 : i32
    %add3A_204 = arith.constant 512 : i32
    %add3A_205 = arith.addi %mul3A_203, %add3A_204 : i32
    "tpu.region"() ({
      %run_scoped3A = tpu.sem_alloc : memref<!tpu.dma_semaphore, #tpu.memory_space<semaphore_mem>>
      %dma_start3A_239 = arith.constant 0 : i32
      %dma_start3A_240 = tpu.memref_slice %arg14[%add3A_205, %dma_start3A_239] : memref<10240x128xf32, #tpu.memory_space<vmem_shared>> -> memref<128x128xf32, #tpu.memory_space<vmem_shared>>
      %dma_start3A_241 = arith.constant 0 : i32
      %dma_start3A_242 = tpu.memref_slice %arg14[%add3A_205, %dma_start3A_241] : memref<10240x128xf32, #tpu.memory_space<vmem_shared>> -> memref<128x128xf32, #tpu.memory_space<vmem_shared>>
      tpu.enqueue_dma source(%dma_start3A_242 : memref<128x128xf32, #tpu.memory_space<vmem_shared>>) target(%arg8 : memref<128x128xf32, #tpu.memory_space<vmem>>) target_semaphore(%run_scoped3A : memref<!tpu.dma_semaphore, #tpu.memory_space<semaphore_mem>>)
      %dma_wait3A_243 = arith.constant 0 : i32
      %dma_wait3A_244 = tpu.memref_slice %arg14[%add3A_205, %dma_wait3A_243] : memref<10240x128xf32, #tpu.memory_space<vmem_shared>> -> memref<128x128xf32, #tpu.memory_space<vmem_shared>>
      %dma_wait3A_245 = arith.constant 0 : i32
      %dma_wait3A_246 = tpu.memref_slice %arg14[%add3A_205, %dma_wait3A_245] : memref<10240x128xf32, #tpu.memory_space<vmem_shared>> -> memref<128x128xf32, #tpu.memory_space<vmem_shared>>
      tpu.wait_dma2 semaphore(%run_scoped3A : memref<!tpu.dma_semaphore, #tpu.memory_space<semaphore_mem>>) src(%dma_wait3A_246 : memref<128x128xf32, #tpu.memory_space<vmem_shared>>) dst(%arg8 : memref<128x128xf32, #tpu.memory_space<vmem>>)
      tpu.yield
    }) : () -> ()
    %mul3A_206 = arith.constant 640 : i32
    %mul3A_207 = arith.muli %arg1, %mul3A_206 : i32
    %add3A_208 = arith.constant 512 : i32
    %add3A_209 = arith.addi %mul3A_207, %add3A_208 : i32
    %mul3A_210 = arith.constant 10240 : i32
    %mul3A_211 = arith.muli %arg0, %mul3A_210 : i32
    %add3A_212 = arith.addi %mul3A_211, %add3A_209 : i32
    %dma_start3A_213 = arith.constant 0 : i32
    %dma_start3A_214 = tpu.memref_slice %arg5[%add3A_212, %dma_start3A_213] : memref<20480x128xf32, #tpu.memory_space<hbm>> -> memref<128x128xf32, #tpu.memory_space<hbm>>
    %dma_start3A_215 = arith.constant 0 : i32
    %dma_start3A_216 = tpu.memref_slice %arg5[%add3A_212, %dma_start3A_215] : memref<20480x128xf32, #tpu.memory_space<hbm>> -> memref<128x128xf32, #tpu.memory_space<hbm>>
    tpu.enqueue_dma source(%arg8 : memref<128x128xf32, #tpu.memory_space<vmem>>) target(%dma_start3A_216 : memref<128x128xf32, #tpu.memory_space<hbm>>) target_semaphore(%arg10 : memref<!tpu.dma_semaphore, #tpu.memory_space<semaphore_mem>>)
    %mul3A_217 = arith.constant 640 : i32
    %mul3A_218 = arith.muli %arg1, %mul3A_217 : i32
    %add3A_219 = arith.constant 384 : i32
    %add3A_220 = arith.addi %mul3A_218, %add3A_219 : i32
    %mul3A_221 = arith.constant 10240 : i32
    %mul3A_222 = arith.muli %arg0, %mul3A_221 : i32
    %add3A_223 = arith.addi %mul3A_222, %add3A_220 : i32
    %dma_wait3A_224 = arith.constant 0 : i32
    %dma_wait3A_225 = tpu.memref_slice %arg5[%add3A_223, %dma_wait3A_224] : memref<20480x128xf32, #tpu.memory_space<hbm>> -> memref<128x128xf32, #tpu.memory_space<hbm>>
    %dma_wait3A_226 = arith.constant 0 : i32
    %dma_wait3A_227 = tpu.memref_slice %arg5[%add3A_223, %dma_wait3A_226] : memref<20480x128xf32, #tpu.memory_space<hbm>> -> memref<128x128xf32, #tpu.memory_space<hbm>>
    tpu.wait_dma2 semaphore(%arg11 : memref<!tpu.dma_semaphore, #tpu.memory_space<semaphore_mem>>) src(%arg9 : memref<128x128xf32, #tpu.memory_space<vmem>>) dst(%dma_wait3A_227 : memref<128x128xf32, #tpu.memory_space<hbm>>)
    %mul3A_228 = arith.constant 640 : i32
    %mul3A_229 = arith.muli %arg1, %mul3A_228 : i32
    %add3A_230 = arith.constant 512 : i32
    %add3A_231 = arith.addi %mul3A_229, %add3A_230 : i32
    %mul3A_232 = arith.constant 10240 : i32
    %mul3A_233 = arith.muli %arg0, %mul3A_232 : i32
    %add3A_234 = arith.addi %mul3A_233, %add3A_231 : i32
    %dma_wait3A_235 = arith.constant 0 : i32
    %dma_wait3A_236 = tpu.memref_slice %arg5[%add3A_234, %dma_wait3A_235] : memref<20480x128xf32, #tpu.memory_space<hbm>> -> memref<128x128xf32, #tpu.memory_space<hbm>>
    %dma_wait3A_237 = arith.constant 0 : i32
    %dma_wait3A_238 = tpu.memref_slice %arg5[%add3A_234, %dma_wait3A_237] : memref<20480x128xf32, #tpu.memory_space<hbm>> -> memref<128x128xf32, #tpu.memory_space<hbm>>
    tpu.wait_dma2 semaphore(%arg10 : memref<!tpu.dma_semaphore, #tpu.memory_space<semaphore_mem>>) src(%arg8 : memref<128x128xf32, #tpu.memory_space<vmem>>) dst(%dma_wait3A_238 : memref<128x128xf32, #tpu.memory_space<hbm>>)
    return
  }
}

module attributes {stable_mosaic.version = 14 : i64} {
  func.func @_k1_body(%arg0: i32, %arg1: i32, %arg2: memref<1024x128xf32, #tpu.memory_space<vmem>>, %arg3: memref<1x128x128xf32, #tpu.memory_space<vmem>>, %arg4: memref<1024x1xf32, #tpu.memory_space<vmem>>, %arg5: memref<1024x1xf32, #tpu.memory_space<vmem>>, %arg6: memref<1x1024x128xf32, #tpu.memory_space<vmem>>) attributes {dimension_semantics = [#tpu.dimension_semantics<arbitrary>, #tpu.dimension_semantics<arbitrary>], iteration_bounds = array<i64: 2, 10>, scalar_prefetch = 0 : i64, scratch_operands = 0 : i64, tpu.core_type = #tpu.core_type<tc>, window_params = [{transform_indices = @transform_0, window_bounds = array<i64: 1024, 128>}, {transform_indices = @transform_1, window_bounds = array<i64: 1, 128, 128>}, {transform_indices = @transform_2, window_bounds = array<i64: 1024, 1>}, {transform_indices = @transform_3, window_bounds = array<i64: 1024, 1>}, {transform_indices = @transform_4, window_bounds = array<i64: 1, 1024, 128>}]} {
    %get3A = arith.constant 0 : index
    %get3A_0 = arith.constant 0 : index
    %get3A_1 = vector.load %arg4[%get3A, %get3A_0] : memref<1024x1xf32, #tpu.memory_space<vmem>>, vector<1024x1xf32>
    %get3A_2 = arith.constant 0 : index
    %get3A_3 = arith.constant 0 : index
    %get3A_4 = vector.load %arg5[%get3A_2, %get3A_3] : memref<1024x1xf32, #tpu.memory_space<vmem>>, vector<1024x1xf32>
    %add3A = arith.addf %get3A_1, %get3A_4 : vector<1024x1xf32>
    %add3A_5 = arith.constant 1.000000e+00 : f32
    %add3A_6 = vector.broadcast %add3A_5 : f32 to vector<1024x1xf32>
    %add3A_7 = arith.addf %add3A, %add3A_6 : vector<1024x1xf32>
    %rsqrt3A = math.rsqrt %add3A_7 : vector<1024x1xf32>
    %get3A_8 = arith.constant 0 : index
    %get3A_9 = arith.constant 0 : index
    %get3A_10 = vector.load %arg2[%get3A_8, %get3A_9] : memref<1024x128xf32, #tpu.memory_space<vmem>>, vector<1024x128xf32>
    %get3A_11 = arith.constant 0 : index
    %get3A_12 = arith.constant 0 : index
    %get3A_13 = arith.constant 0 : index
    %get3A_14 = vector.load %arg3[%get3A_11, %get3A_12, %get3A_13] : memref<1x128x128xf32, #tpu.memory_space<vmem>>, vector<1x128x128xf32>
    %get3A_15 = vector.shape_cast %get3A_14 : vector<1x128x128xf32> to vector<128x128xf32>
    %dot_general3A = arith.constant dense<0.000000e+00> : vector<1024x128xf32>
    %dot_general3A_16 = tpu.matmul %get3A_10, %get3A_15, %dot_general3A {dimension_numbers = #tpu.dot_dimension_numbers<[1], [0], [0], [1], [0, 0, 1, 1], [], []>, transpose_lhs_hint = false} : vector<1024x128xf32>, vector<128x128xf32>, vector<1024x128xf32> -> vector<1024x128xf32>
    %mul3A = vector.broadcast %rsqrt3A : vector<1024x1xf32> to vector<1024x128xf32>
    %mul3A_17 = arith.mulf %dot_general3A_16, %mul3A : vector<1024x128xf32>
    %swap3A = arith.constant 0 : index
    %swap3A_18 = arith.constant 0 : index
    %swap3A_19 = arith.constant 0 : index
    %swap3A_20 = vector.load %arg6[%swap3A, %swap3A_18, %swap3A_19] : memref<1x1024x128xf32, #tpu.memory_space<vmem>>, vector<1x1024x128xf32>
    %swap3A_21 = vector.shape_cast %swap3A_20 : vector<1x1024x128xf32> to vector<1024x128xf32>
    %swap3A_22 = vector.shape_cast %mul3A_17 : vector<1024x128xf32> to vector<1x1024x128xf32>
    tpu.vector_store %arg6[%swap3A, %swap3A_18, %swap3A_19], %swap3A_22 {strides = array<i32>} : memref<1x1024x128xf32, #tpu.memory_space<vmem>>, vector<1x1024x128xf32>,
    return
  }
  func.func @transform_0(%arg0: i32, %arg1: i32) -> (i32, i32) {
    %c0_i32 = arith.constant 0 : i32
    %c0_i32_0 = arith.constant 0 : i32
    return %arg1, %c0_i32 : i32, i32
  }
  func.func @transform_1(%arg0: i32, %arg1: i32) -> (i32, i32, i32) {
    %c0_i32 = arith.constant 0 : i32
    %c0_i32_0 = arith.constant 0 : i32
    %c0_i32_1 = arith.constant 0 : i32
    return %arg0, %c0_i32, %c0_i32_0 : i32, i32, i32
  }
  func.func @transform_2(%arg0: i32, %arg1: i32) -> (i32, i32) {
    %c0_i32 = arith.constant 0 : i32
    %c0_i32_0 = arith.constant 0 : i32
    return %arg1, %c0_i32 : i32, i32
  }
  func.func @transform_3(%arg0: i32, %arg1: i32) -> (i32, i32) {
    %c0_i32 = arith.constant 0 : i32
    %c0_i32_0 = arith.constant 0 : i32
    return %arg1, %c0_i32 : i32, i32
  }
  func.func @transform_4(%arg0: i32, %arg1: i32) -> (i32, i32, i32) {
    %c0_i32 = arith.constant 0 : i32
    %c0_i32_0 = arith.constant 0 : i32
    return %arg0, %arg1, %c0_i32 : i32, i32, i32
  }
}

module attributes {stable_mosaic.version = 14 : i64} {
  func.func @_k3_body(%arg0: i32, %arg1: memref<2x1024x128xf32, #tpu.memory_space<vmem>>, %arg2: memref<2x1024x128xf32, #tpu.memory_space<vmem>>, %arg3: memref<1024x1xf32, #tpu.memory_space<vmem>>, %arg4: memref<1024x1xf32, #tpu.memory_space<vmem>>, %arg5: memref<2x128x128xf32, #tpu.memory_space<vmem>>, %arg6: memref<2x128xf32, #tpu.memory_space<vmem>>, %arg7: memref<1024x128xf32, #tpu.memory_space<vmem>>) attributes {dimension_semantics = [#tpu.dimension_semantics<arbitrary>], iteration_bounds = array<i64: 10>, scalar_prefetch = 0 : i64, scratch_operands = 0 : i64, tpu.core_type = #tpu.core_type<tc>, window_params = [{transform_indices = @transform_0, window_bounds = array<i64: 2, 1024, 128>}, {transform_indices = @transform_1, window_bounds = array<i64: 2, 1024, 128>}, {transform_indices = @transform_2, window_bounds = array<i64: 1024, 1>}, {transform_indices = @transform_3, window_bounds = array<i64: 1024, 1>}, {pipeline_mode = #tpu.pipeline_mode<synchronous>, transform_indices = @transform_4, window_bounds = array<i64: 2, 128, 128>}, {pipeline_mode = #tpu.pipeline_mode<synchronous>, transform_indices = @transform_5, window_bounds = array<i64: 2, 128>}, {transform_indices = @transform_6, window_bounds = array<i64: 1024, 128>}]} {
    %get3A = arith.constant 0 : index
    %get3A_0 = arith.constant 0 : index
    %get3A_1 = vector.load %arg3[%get3A, %get3A_0] : memref<1024x1xf32, #tpu.memory_space<vmem>>, vector<1024x1xf32>
    %get3A_2 = arith.constant 0 : index
    %get3A_3 = arith.constant 0 : index
    %get3A_4 = vector.load %arg4[%get3A_2, %get3A_3] : memref<1024x1xf32, #tpu.memory_space<vmem>>, vector<1024x1xf32>
    %add3A = arith.addf %get3A_1, %get3A_4 : vector<1024x1xf32>
    %add3A_5 = arith.constant 1.000000e+00 : f32
    %add3A_6 = vector.broadcast %add3A_5 : f32 to vector<1024x1xf32>
    %add3A_7 = arith.addf %add3A, %add3A_6 : vector<1024x1xf32>
    %rsqrt3A = math.rsqrt %add3A_7 : vector<1024x1xf32>
    %get3A_8 = arith.constant 0 : index
    %get3A_9 = arith.constant 0 : index
    %get3A_10 = arith.constant 0 : index
    %get3A_11 = vector.load %arg2[%get3A_8, %get3A_9, %get3A_10] : memref<2x1024x128xf32, #tpu.memory_space<vmem>>, vector<1x1024x128xf32>
    %get3A_12 = vector.shape_cast %get3A_11 : vector<1x1024x128xf32> to vector<1024x128xf32>
    %get3A_13 = arith.constant 0 : index
    %get3A_14 = arith.constant 0 : index
    %get3A_15 = arith.constant 0 : index
    %get3A_16 = vector.load %arg1[%get3A_13, %get3A_14, %get3A_15] : memref<2x1024x128xf32, #tpu.memory_space<vmem>>, vector<1x1024x128xf32>
    %get3A_17 = vector.shape_cast %get3A_16 : vector<1x1024x128xf32> to vector<1024x128xf32>
    %add3A_18 = arith.addf %get3A_12, %get3A_17 : vector<1024x128xf32>
    %mul3A = vector.broadcast %rsqrt3A : vector<1024x1xf32> to vector<1024x128xf32>
    %mul3A_19 = arith.mulf %add3A_18, %mul3A : vector<1024x128xf32>
    %get3A_20 = arith.constant 0 : index
    %get3A_21 = arith.constant 0 : index
    %get3A_22 = vector.load %arg6[%get3A_20, %get3A_21] : memref<2x128xf32, #tpu.memory_space<vmem>>, vector<1x128xf32>
    %get3A_23 = vector.shape_cast %get3A_22 : vector<1x128xf32> to vector<128xf32>
    %broadcast_in_dim3A = vector.shape_cast %get3A_23 : vector<128xf32> to vector<1x128xf32>
    %add3A_24 = vector.broadcast %broadcast_in_dim3A : vector<1x128xf32> to vector<1024x128xf32>
    %add3A_25 = arith.addf %mul3A_19, %add3A_24 : vector<1024x128xf32>
    %max3A = arith.constant 0.000000e+00 : f32
    %max3A_26 = vector.broadcast %max3A : f32 to vector<1024x128xf32>
    %max3A_27 = arith.maximumf %add3A_25, %max3A_26 : vector<1024x128xf32>
    %get3A_28 = arith.constant 1 : index
    %get3A_29 = arith.constant 0 : index
    %get3A_30 = arith.constant 0 : index
    %get3A_31 = vector.load %arg2[%get3A_28, %get3A_29, %get3A_30] : memref<2x1024x128xf32, #tpu.memory_space<vmem>>, vector<1x1024x128xf32>
    %get3A_32 = vector.shape_cast %get3A_31 : vector<1x1024x128xf32> to vector<1024x128xf32>
    %get3A_33 = arith.constant 1 : index
    %get3A_34 = arith.constant 0 : index
    %get3A_35 = arith.constant 0 : index
    %get3A_36 = vector.load %arg1[%get3A_33, %get3A_34, %get3A_35] : memref<2x1024x128xf32, #tpu.memory_space<vmem>>, vector<1x1024x128xf32>
    %get3A_37 = vector.shape_cast %get3A_36 : vector<1x1024x128xf32> to vector<1024x128xf32>
    %add3A_38 = arith.addf %get3A_32, %get3A_37 : vector<1024x128xf32>
    %mul3A_39 = vector.broadcast %rsqrt3A : vector<1024x1xf32> to vector<1024x128xf32>
    %mul3A_40 = arith.mulf %add3A_38, %mul3A_39 : vector<1024x128xf32>
    %get3A_41 = arith.constant 1 : index
    %get3A_42 = arith.constant 0 : index
    %get3A_43 = vector.load %arg6[%get3A_41, %get3A_42] : memref<2x128xf32, #tpu.memory_space<vmem>>, vector<1x128xf32>
    %get3A_44 = vector.shape_cast %get3A_43 : vector<1x128xf32> to vector<128xf32>
    %broadcast_in_dim3A_45 = vector.shape_cast %get3A_44 : vector<128xf32> to vector<1x128xf32>
    %add3A_46 = vector.broadcast %broadcast_in_dim3A_45 : vector<1x128xf32> to vector<1024x128xf32>
    %add3A_47 = arith.addf %mul3A_40, %add3A_46 : vector<1024x128xf32>
    %max3A_48 = arith.constant 0.000000e+00 : f32
    %max3A_49 = vector.broadcast %max3A_48 : f32 to vector<1024x128xf32>
    %max3A_50 = arith.maximumf %add3A_47, %max3A_49 : vector<1024x128xf32>
    %get3A_51 = arith.constant 0 : index
    %get3A_52 = arith.constant 0 : index
    %get3A_53 = arith.constant 0 : index
    %get3A_54 = vector.load %arg5[%get3A_51, %get3A_52, %get3A_53] : memref<2x128x128xf32, #tpu.memory_space<vmem>>, vector<1x128x128xf32>
    %get3A_55 = vector.shape_cast %get3A_54 : vector<1x128x128xf32> to vector<128x128xf32>
    %dot_general3A = arith.constant dense<0.000000e+00> : vector<1024x128xf32>
    %dot_general3A_56 = tpu.matmul %max3A_27, %get3A_55, %dot_general3A {dimension_numbers = #tpu.dot_dimension_numbers<[1], [0], [0], [1], [0, 0, 1, 1], [], []>, transpose_lhs_hint = false} : vector<1024x128xf32>, vector<128x128xf32>, vector<1024x128xf32> -> vector<1024x128xf32>
    %get3A_57 = arith.constant 1 : index
    %get3A_58 = arith.constant 0 : index
    %get3A_59 = arith.constant 0 : index
    %get3A_60 = vector.load %arg5[%get3A_57, %get3A_58, %get3A_59] : memref<2x128x128xf32, #tpu.memory_space<vmem>>, vector<1x128x128xf32>
    %get3A_61 = vector.shape_cast %get3A_60 : vector<1x128x128xf32> to vector<128x128xf32>
    %dot_general3A_62 = arith.constant dense<0.000000e+00> : vector<1024x128xf32>
    %dot_general3A_63 = tpu.matmul %max3A_50, %get3A_61, %dot_general3A_62 {dimension_numbers = #tpu.dot_dimension_numbers<[1], [0], [0], [1], [0, 0, 1, 1], [], []>, transpose_lhs_hint = false} : vector<1024x128xf32>, vector<128x128xf32>, vector<1024x128xf32> -> vector<1024x128xf32>
    %add3A_64 = arith.addf %dot_general3A_56, %dot_general3A_63 : vector<1024x128xf32>
    %mul3A_65 = vector.broadcast %rsqrt3A : vector<1024x1xf32> to vector<1024x128xf32>
    %mul3A_66 = arith.mulf %add3A_64, %mul3A_65 : vector<1024x128xf32>
    %swap3A = arith.constant 0 : index
    %swap3A_67 = arith.constant 0 : index
    %swap3A_68 = vector.load %arg7[%swap3A, %swap3A_67] : memref<1024x128xf32, #tpu.memory_space<vmem>>, vector<1024x128xf32>
    tpu.vector_store %arg7[%swap3A, %swap3A_67], %mul3A_66 {strides = array<i32>} : memref<1024x128xf32, #tpu.memory_space<vmem>>, vector<1024x128xf32>,
    return
  }
  func.func @transform_0(%arg0: i32) -> (i32, i32, i32) {
    %c0_i32 = arith.constant 0 : i32
    %c0_i32_0 = arith.constant 0 : i32
    %c0_i32_1 = arith.constant 0 : i32
    return %c0_i32, %arg0, %c0_i32_0 : i32, i32, i32
  }
  func.func @transform_1(%arg0: i32) -> (i32, i32, i32) {
    %c0_i32 = arith.constant 0 : i32
    %c0_i32_0 = arith.constant 0 : i32
    %c0_i32_1 = arith.constant 0 : i32
    return %c0_i32, %arg0, %c0_i32_0 : i32, i32, i32
  }
  func.func @transform_2(%arg0: i32) -> (i32, i32) {
    %c0_i32 = arith.constant 0 : i32
    %c0_i32_0 = arith.constant 0 : i32
    return %arg0, %c0_i32 : i32, i32
  }
  func.func @transform_3(%arg0: i32) -> (i32, i32) {
    %c0_i32 = arith.constant 0 : i32
    %c0_i32_0 = arith.constant 0 : i32
    return %arg0, %c0_i32 : i32, i32
  }
  func.func @transform_4(%arg0: i32) -> (i32, i32, i32) {
    %c0_i32 = arith.constant 0 : i32
    %c0_i32_0 = arith.constant 0 : i32
    %c0_i32_1 = arith.constant 0 : i32
    %c0_i32_2 = arith.constant 0 : i32
    return %c0_i32, %c0_i32_0, %c0_i32_1 : i32, i32, i32
  }
  func.func @transform_5(%arg0: i32) -> (i32, i32) {
    %c0_i32 = arith.constant 0 : i32
    %c0_i32_0 = arith.constant 0 : i32
    %c0_i32_1 = arith.constant 0 : i32
    return %c0_i32, %c0_i32_0 : i32, i32
  }
  func.func @transform_6(%arg0: i32) -> (i32, i32) {
    %c0_i32 = arith.constant 0 : i32
    %c0_i32_0 = arith.constant 0 : i32
    return %arg0, %c0_i32 : i32, i32
  }
}

module attributes {stable_mosaic.version = 14 : i64} {
  func.func @_k5_body(%arg0: i32, %arg1: memref<1024x128xf32, #tpu.memory_space<vmem>>, %arg2: memref<2x1024x128xf32, #tpu.memory_space<vmem>>, %arg3: memref<1024x1xf32, #tpu.memory_space<vmem>>, %arg4: memref<1024x1xf32, #tpu.memory_space<vmem>>, %arg5: memref<1x128xf32, #tpu.memory_space<vmem>>, %arg6: memref<1024x128xf32, #tpu.memory_space<vmem>>) attributes {dimension_semantics = [#tpu.dimension_semantics<arbitrary>], iteration_bounds = array<i64: 10>, scalar_prefetch = 0 : i64, scratch_operands = 0 : i64, tpu.core_type = #tpu.core_type<tc>, window_params = [{transform_indices = @transform_0, window_bounds = array<i64: 1024, 128>}, {transform_indices = @transform_1, window_bounds = array<i64: 2, 1024, 128>}, {transform_indices = @transform_2, window_bounds = array<i64: 1024, 1>}, {transform_indices = @transform_3, window_bounds = array<i64: 1024, 1>}, {pipeline_mode = #tpu.pipeline_mode<synchronous>, transform_indices = @transform_4, window_bounds = array<i64: 1, 128>}, {transform_indices = @transform_5, window_bounds = array<i64: 1024, 128>}]} {
    %get3A = arith.constant 0 : index
    %get3A_0 = arith.constant 0 : index
    %get3A_1 = vector.load %arg3[%get3A, %get3A_0] : memref<1024x1xf32, #tpu.memory_space<vmem>>, vector<1024x1xf32>
    %get3A_2 = arith.constant 0 : index
    %get3A_3 = arith.constant 0 : index
    %get3A_4 = vector.load %arg4[%get3A_2, %get3A_3] : memref<1024x1xf32, #tpu.memory_space<vmem>>, vector<1024x1xf32>
    %add3A = arith.addf %get3A_1, %get3A_4 : vector<1024x1xf32>
    %add3A_5 = arith.constant 1.000000e+00 : f32
    %add3A_6 = vector.broadcast %add3A_5 : f32 to vector<1024x1xf32>
    %add3A_7 = arith.addf %add3A, %add3A_6 : vector<1024x1xf32>
    %rsqrt3A = math.rsqrt %add3A_7 : vector<1024x1xf32>
    %get3A_8 = arith.constant 0 : index
    %get3A_9 = arith.constant 0 : index
    %get3A_10 = arith.constant 0 : index
    %get3A_11 = vector.load %arg2[%get3A_8, %get3A_9, %get3A_10] : memref<2x1024x128xf32, #tpu.memory_space<vmem>>, vector<1x1024x128xf32>
    %get3A_12 = vector.shape_cast %get3A_11 : vector<1x1024x128xf32> to vector<1024x128xf32>
    %get3A_13 = arith.constant 1 : index
    %get3A_14 = arith.constant 0 : index
    %get3A_15 = arith.constant 0 : index
    %get3A_16 = vector.load %arg2[%get3A_13, %get3A_14, %get3A_15] : memref<2x1024x128xf32, #tpu.memory_space<vmem>>, vector<1x1024x128xf32>
    %get3A_17 = vector.shape_cast %get3A_16 : vector<1x1024x128xf32> to vector<1024x128xf32>
    %add3A_18 = arith.addf %get3A_12, %get3A_17 : vector<1024x128xf32>
    %get3A_19 = arith.constant 0 : index
    %get3A_20 = arith.constant 0 : index
    %get3A_21 = vector.load %arg1[%get3A_19, %get3A_20] : memref<1024x128xf32, #tpu.memory_space<vmem>>, vector<1024x128xf32>
    %add3A_22 = arith.addf %add3A_18, %get3A_21 : vector<1024x128xf32>
    %mul3A = vector.broadcast %rsqrt3A : vector<1024x1xf32> to vector<1024x128xf32>
    %mul3A_23 = arith.mulf %add3A_22, %mul3A : vector<1024x128xf32>
    %get3A_24 = arith.constant 0 : index
    %get3A_25 = arith.constant 0 : index
    %get3A_26 = vector.load %arg5[%get3A_24, %get3A_25] : memref<1x128xf32, #tpu.memory_space<vmem>>, vector<1x128xf32>
    %add3A_27 = vector.broadcast %get3A_26 : vector<1x128xf32> to vector<1024x128xf32>
    %add3A_28 = arith.addf %mul3A_23, %add3A_27 : vector<1024x128xf32>
    %max3A = arith.constant 0.000000e+00 : f32
    %max3A_29 = vector.broadcast %max3A : f32 to vector<1024x128xf32>
    %max3A_30 = arith.maximumf %add3A_28, %max3A_29 : vector<1024x128xf32>
    %swap3A = arith.constant 0 : index
    %swap3A_31 = arith.constant 0 : index
    %swap3A_32 = vector.load %arg6[%swap3A, %swap3A_31] : memref<1024x128xf32, #tpu.memory_space<vmem>>, vector<1024x128xf32>
    tpu.vector_store %arg6[%swap3A, %swap3A_31], %max3A_30 {strides = array<i32>} : memref<1024x128xf32, #tpu.memory_space<vmem>>, vector<1024x128xf32>,
    return
  }
  func.func @transform_0(%arg0: i32) -> (i32, i32) {
    %c0_i32 = arith.constant 0 : i32
    %c0_i32_0 = arith.constant 0 : i32
    return %arg0, %c0_i32 : i32, i32
  }
  func.func @transform_1(%arg0: i32) -> (i32, i32, i32) {
    %c0_i32 = arith.constant 0 : i32
    %c0_i32_0 = arith.constant 0 : i32
    %c0_i32_1 = arith.constant 0 : i32
    return %c0_i32, %arg0, %c0_i32_0 : i32, i32, i32
  }
  func.func @transform_2(%arg0: i32) -> (i32, i32) {
    %c0_i32 = arith.constant 0 : i32
    %c0_i32_0 = arith.constant 0 : i32
    return %arg0, %c0_i32 : i32, i32
  }
  func.func @transform_3(%arg0: i32) -> (i32, i32) {
    %c0_i32 = arith.constant 0 : i32
    %c0_i32_0 = arith.constant 0 : i32
    return %arg0, %c0_i32 : i32, i32
  }
  func.func @transform_4(%arg0: i32) -> (i32, i32) {
    %c0_i32 = arith.constant 0 : i32
    %c0_i32_0 = arith.constant 0 : i32
    %c0_i32_1 = arith.constant 0 : i32
    return %c0_i32, %c0_i32_0 : i32, i32
  }
  func.func @transform_5(%arg0: i32) -> (i32, i32) {
    %c0_i32 = arith.constant 0 : i32
    %c0_i32_0 = arith.constant 0 : i32
    return %arg0, %c0_i32 : i32, i32
  }
}

module attributes {stable_mosaic.version = 14 : i64} {
  func.func @_k7_body(%arg0: memref<2x1024x128xf32, #tpu.memory_space<vmem>>, %arg1: memref<1024x1xf32, #tpu.memory_space<vmem>>, %arg2: memref<1024x1xf32, #tpu.memory_space<vmem>>, %arg3: memref<1024x1xf32, #tpu.memory_space<vmem>>, %arg4: memref<1024x1xf32, #tpu.memory_space<vmem>>, %arg5: memref<1x1024xf32, #tpu.memory_space<vmem>>, %arg6: memref<1x1024xf32, #tpu.memory_space<vmem>>, %arg7: memref<2x1024x1024xf32, #tpu.memory_space<vmem>>, %arg8: memref<128x128xf32, #tpu.memory_space<vmem>>, %arg9: memref<1x128xf32, #tpu.memory_space<vmem>>, %arg10: memref<128x16xf32, #tpu.memory_space<vmem>>, %arg11: memref<1x16xf32, #tpu.memory_space<vmem>>, %arg12: memref<128x128xf32, #tpu.memory_space<vmem>>, %arg13: memref<1x128xf32, #tpu.memory_space<vmem>>, %arg14: memref<128x128xf32, #tpu.memory_space<vmem>>, %arg15: memref<1x128xf32, #tpu.memory_space<vmem>>, %arg16: memref<128x16xf32, #tpu.memory_space<vmem>>, %arg17: memref<1x16xf32, #tpu.memory_space<vmem>>, %arg18: memref<1x128xf32, #tpu.memory_space<vmem>>, %arg19: memref<1x128xf32, #tpu.memory_space<vmem>>, %arg20: memref<1x128xf32, #tpu.memory_space<vmem>>, %arg21: memref<1x128xf32, #tpu.memory_space<vmem>>, %arg22: memref<1024x128xf32, #tpu.memory_space<vmem>>, %arg23: memref<1024x16xf32, #tpu.memory_space<vmem>>, %arg24: memref<1024x128xf32, #tpu.memory_space<vmem>>, %arg25: memref<1024x16xf32, #tpu.memory_space<vmem>>) attributes {dimension_semantics = [], scalar_prefetch = 0 : i64, scratch_operands = 0 : i64, tpu.core_type = #tpu.core_type<tc>} {
    %get3A = arith.constant 0 : index
    %get3A_0 = arith.constant 0 : index
    %get3A_1 = vector.load %arg1[%get3A, %get3A_0] : memref<1024x1xf32, #tpu.memory_space<vmem>>, vector<1024x1xf32>
    %get3A_2 = arith.constant 0 : index
    %get3A_3 = arith.constant 0 : index
    %get3A_4 = vector.load %arg2[%get3A_2, %get3A_3] : memref<1024x1xf32, #tpu.memory_space<vmem>>, vector<1024x1xf32>
    %add3A = arith.addf %get3A_1, %get3A_4 : vector<1024x1xf32>
    %max3A = arith.constant 1.000000e+00 : f32
    %max3A_5 = vector.broadcast %max3A : f32 to vector<1024x1xf32>
    %max3A_6 = arith.maximumf %add3A, %max3A_5 : vector<1024x1xf32>
    %get3A_7 = arith.constant 0 : index
    %get3A_8 = arith.constant 0 : index
    %get3A_9 = arith.constant 0 : index
    %get3A_10 = vector.load %arg0[%get3A_7, %get3A_8, %get3A_9] : memref<2x1024x128xf32, #tpu.memory_space<vmem>>, vector<1x1024x128xf32>
    %get3A_11 = vector.shape_cast %get3A_10 : vector<1x1024x128xf32> to vector<1024x128xf32>
    %get3A_12 = arith.constant 1 : index
    %get3A_13 = arith.constant 0 : index
    %get3A_14 = arith.constant 0 : index
    %get3A_15 = vector.load %arg0[%get3A_12, %get3A_13, %get3A_14] : memref<2x1024x128xf32, #tpu.memory_space<vmem>>, vector<1x1024x128xf32>
    %get3A_16 = vector.shape_cast %get3A_15 : vector<1x1024x128xf32> to vector<1024x128xf32>
    %add3A_17 = arith.addf %get3A_11, %get3A_16 : vector<1024x128xf32>
    %div3A = vector.broadcast %max3A_6 : vector<1024x1xf32> to vector<1024x128xf32>
    %div3A_18 = arith.divf %add3A_17, %div3A : vector<1024x128xf32>
    %get3A_19 = arith.constant 0 : index
    %get3A_20 = arith.constant 0 : index
    %get3A_21 = vector.load %arg8[%get3A_19, %get3A_20] : memref<128x128xf32, #tpu.memory_space<vmem>>, vector<128x128xf32>
    %dot_general3A = arith.constant dense<0.000000e+00> : vector<1024x128xf32>
    %dot_general3A_22 = tpu.matmul %div3A_18, %get3A_21, %dot_general3A {dimension_numbers = #tpu.dot_dimension_numbers<[1], [0], [0], [1], [0, 0, 1, 1], [], []>, transpose_lhs_hint = false} : vector<1024x128xf32>, vector<128x128xf32>, vector<1024x128xf32> -> vector<1024x128xf32>
    %get3A_23 = arith.constant 0 : index
    %get3A_24 = arith.constant 0 : index
    %get3A_25 = vector.load %arg9[%get3A_23, %get3A_24] : memref<1x128xf32, #tpu.memory_space<vmem>>, vector<1x128xf32>
    %div3A_26 = arith.divf %add3A, %max3A_6 : vector<1024x1xf32>
    %mul3A = vector.broadcast %get3A_25 : vector<1x128xf32> to vector<1024x128xf32>
    %mul3A_27 = vector.broadcast %div3A_26 : vector<1024x1xf32> to vector<1024x128xf32>
    %mul3A_28 = arith.mulf %mul3A, %mul3A_27 : vector<1024x128xf32>
    %add3A_29 = arith.addf %dot_general3A_22, %mul3A_28 : vector<1024x128xf32>
    %swap3A = arith.constant 0 : index
    %swap3A_30 = arith.constant 0 : index
    %swap3A_31 = vector.load %arg22[%swap3A, %swap3A_30] : memref<1024x128xf32, #tpu.memory_space<vmem>>, vector<1024x128xf32>
    tpu.vector_store %arg22[%swap3A, %swap3A_30], %add3A_29 {strides = array<i32>} : memref<1024x128xf32, #tpu.memory_space<vmem>>, vector<1024x128xf32>,
    %get3A_32 = arith.constant 0 : index
    %get3A_33 = arith.constant 0 : index
    %get3A_34 = vector.load %arg10[%get3A_32, %get3A_33] : memref<128x16xf32, #tpu.memory_space<vmem>>, vector<128x16xf32>
    %dot_general3A_35 = arith.constant dense<0.000000e+00> : vector<1024x16xf32>
    %dot_general3A_36 = tpu.matmul %add3A_29, %get3A_34, %dot_general3A_35 {dimension_numbers = #tpu.dot_dimension_numbers<[1], [0], [0], [1], [0, 0, 1, 1], [], []>, transpose_lhs_hint = false} : vector<1024x128xf32>, vector<128x16xf32>, vector<1024x16xf32> -> vector<1024x16xf32>
    %get3A_37 = arith.constant 0 : index
    %get3A_38 = arith.constant 0 : index
    %get3A_39 = vector.load %arg11[%get3A_37, %get3A_38] : memref<1x16xf32, #tpu.memory_space<vmem>>, vector<1x16xf32>
    %add3A_40 = vector.broadcast %get3A_39 : vector<1x16xf32> to vector<1024x16xf32>
    %add3A_41 = arith.addf %dot_general3A_36, %add3A_40 : vector<1024x16xf32>
    %swap3A_42 = arith.constant 0 : index
    %swap3A_43 = arith.constant 0 : index
    %swap3A_44 = vector.load %arg23[%swap3A_42, %swap3A_43] : memref<1024x16xf32, #tpu.memory_space<vmem>>, vector<1024x16xf32>
    tpu.vector_store %arg23[%swap3A_42, %swap3A_43], %add3A_41 {strides = array<i32>} : memref<1024x16xf32, #tpu.memory_space<vmem>>, vector<1024x16xf32>,
    %get3A_45 = arith.constant 0 : index
    %get3A_46 = arith.constant 0 : index
    %get3A_47 = vector.load %arg3[%get3A_45, %get3A_46] : memref<1024x1xf32, #tpu.memory_space<vmem>>, vector<1024x1xf32>
    %get3A_48 = arith.constant 0 : index
    %get3A_49 = arith.constant 0 : index
    %get3A_50 = vector.load %arg4[%get3A_48, %get3A_49] : memref<1024x1xf32, #tpu.memory_space<vmem>>, vector<1024x1xf32>
    %add3A_51 = arith.addf %get3A_47, %get3A_50 : vector<1024x1xf32>
    %add3A_52 = arith.constant 1.000000e+00 : f32
    %add3A_53 = vector.broadcast %add3A_52 : f32 to vector<1024x1xf32>
    %add3A_54 = arith.addf %add3A_51, %add3A_53 : vector<1024x1xf32>
    %rsqrt3A = math.rsqrt %add3A_54 : vector<1024x1xf32>
    %get3A_55 = arith.constant 0 : index
    %get3A_56 = arith.constant 0 : index
    %get3A_57 = vector.load %arg5[%get3A_55, %get3A_56] : memref<1x1024xf32, #tpu.memory_space<vmem>>, vector<1x1024xf32>
    %get3A_58 = arith.constant 0 : index
    %get3A_59 = arith.constant 0 : index
    %get3A_60 = vector.load %arg6[%get3A_58, %get3A_59] : memref<1x1024xf32, #tpu.memory_space<vmem>>, vector<1x1024xf32>
    %add3A_61 = arith.addf %get3A_57, %get3A_60 : vector<1x1024xf32>
    %add3A_62 = arith.constant 1.000000e+00 : f32
    %add3A_63 = vector.broadcast %add3A_62 : f32 to vector<1x1024xf32>
    %add3A_64 = arith.addf %add3A_61, %add3A_63 : vector<1x1024xf32>
    %rsqrt3A_65 = math.rsqrt %add3A_64 : vector<1x1024xf32>
    %iota3A = tpu.iota {dimensions = array<i32: 0>} : vector<1024x1024xi32>
    %iota3A_66 = tpu.iota {dimensions = array<i32: 1>} : vector<1024x1024xi32>
    %eq3A = arith.cmpi eq, %iota3A, %iota3A_66 : vector<1024x1024xi32>
    %jit3A = arith.constant 1.000000e+00 : f32
    %jit3A_67 = arith.constant 0.000000e+00 : f32
    %broadcast_in_dim3A = vector.broadcast %jit3A : f32 to vector<1024x1024xf32>
    %broadcast_in_dim3A_68 = vector.broadcast %jit3A_67 : f32 to vector<1024x1024xf32>
    %select_n3A = arith.select %eq3A, %broadcast_in_dim3A, %broadcast_in_dim3A_68 : vector<1024x1024xi1>, vector<1024x1024xf32>
    %get3A_69 = arith.constant 0 : index
    %get3A_70 = arith.constant 0 : index
    %get3A_71 = arith.constant 0 : index
    %get3A_72 = vector.load %arg7[%get3A_69, %get3A_70, %get3A_71] : memref<2x1024x1024xf32, #tpu.memory_space<vmem>>, vector<1x1024x1024xf32>
    %get3A_73 = vector.shape_cast %get3A_72 : vector<1x1024x1024xf32> to vector<1024x1024xf32>
    %get3A_74 = arith.constant 1 : index
    %get3A_75 = arith.constant 0 : index
    %get3A_76 = arith.constant 0 : index
    %get3A_77 = vector.load %arg7[%get3A_74, %get3A_75, %get3A_76] : memref<2x1024x1024xf32, #tpu.memory_space<vmem>>, vector<1x1024x1024xf32>
    %get3A_78 = vector.shape_cast %get3A_77 : vector<1x1024x1024xf32> to vector<1024x1024xf32>
    %add3A_79 = arith.addf %get3A_73, %get3A_78 : vector<1024x1024xf32>
    %add3A_80 = arith.addf %add3A_79, %select_n3A : vector<1024x1024xf32>
    %mul3A_81 = vector.broadcast %rsqrt3A : vector<1024x1xf32> to vector<1024x1024xf32>
    %mul3A_82 = vector.broadcast %rsqrt3A_65 : vector<1x1024xf32> to vector<1024x1024xf32>
    %mul3A_83 = arith.mulf %mul3A_81, %mul3A_82 : vector<1024x1024xf32>
    %mul3A_84 = arith.mulf %add3A_80, %mul3A_83 : vector<1024x1024xf32>
    %rsqrt3A_85 = arith.constant 1.000010e+00 : f32
    %rsqrt3A_86 = math.rsqrt %rsqrt3A_85 : f32
    %get3A_87 = arith.constant 0 : index
    %get3A_88 = arith.constant 0 : index
    %get3A_89 = vector.load %arg12[%get3A_87, %get3A_88] : memref<128x128xf32, #tpu.memory_space<vmem>>, vector<128x128xf32>
    %dot_general3A_90 = arith.constant dense<0.000000e+00> : vector<1024x128xf32>
    %dot_general3A_91 = tpu.matmul %add3A_29, %get3A_89, %dot_general3A_90 {dimension_numbers = #tpu.dot_dimension_numbers<[1], [0], [0], [1], [0, 0, 1, 1], [], []>, transpose_lhs_hint = false} : vector<1024x128xf32>, vector<128x128xf32>, vector<1024x128xf32> -> vector<1024x128xf32>
    %dot_general3A_92 = arith.constant dense<0.000000e+00> : vector<1024x128xf32>
    %dot_general3A_93 = tpu.matmul %mul3A_84, %dot_general3A_91, %dot_general3A_92 {dimension_numbers = #tpu.dot_dimension_numbers<[1], [0], [0], [1], [0, 0, 1, 1], [], []>, transpose_lhs_hint = false} : vector<1024x1024xf32>, vector<1024x128xf32>, vector<1024x128xf32> -> vector<1024x128xf32>
    %get3A_94 = arith.constant 0 : index
    %get3A_95 = arith.constant 0 : index
    %get3A_96 = vector.load %arg13[%get3A_94, %get3A_95] : memref<1x128xf32, #tpu.memory_space<vmem>>, vector<1x128xf32>
    %add3A_97 = vector.broadcast %get3A_96 : vector<1x128xf32> to vector<1024x128xf32>
    %add3A_98 = arith.addf %dot_general3A_93, %add3A_97 : vector<1024x128xf32>
    %get3A_99 = arith.constant 0 : index
    %get3A_100 = arith.constant 0 : index
    %get3A_101 = vector.load %arg18[%get3A_99, %get3A_100] : memref<1x128xf32, #tpu.memory_space<vmem>>, vector<1x128xf32>
    %mul3A_102 = vector.broadcast %rsqrt3A_86 : f32 to vector<1x128xf32>
    %mul3A_103 = arith.mulf %get3A_101, %mul3A_102 : vector<1x128xf32>
    %mul3A_104 = vector.broadcast %mul3A_103 : vector<1x128xf32> to vector<1024x128xf32>
    %mul3A_105 = arith.mulf %add3A_98, %mul3A_104 : vector<1024x128xf32>
    %get3A_106 = arith.constant 0 : index
    %get3A_107 = arith.constant 0 : index
    %get3A_108 = vector.load %arg19[%get3A_106, %get3A_107] : memref<1x128xf32, #tpu.memory_space<vmem>>, vector<1x128xf32>
    %add3A_109 = vector.broadcast %get3A_108 : vector<1x128xf32> to vector<1024x128xf32>
    %add3A_110 = arith.addf %mul3A_105, %add3A_109 : vector<1024x128xf32>
    %max3A_111 = arith.constant 0.000000e+00 : f32
    %max3A_112 = vector.broadcast %max3A_111 : f32 to vector<1024x128xf32>
    %max3A_113 = arith.maximumf %add3A_110, %max3A_112 : vector<1024x128xf32>
    %get3A_114 = arith.constant 0 : index
    %get3A_115 = arith.constant 0 : index
    %get3A_116 = vector.load %arg14[%get3A_114, %get3A_115] : memref<128x128xf32, #tpu.memory_space<vmem>>, vector<128x128xf32>
    %dot_general3A_117 = arith.constant dense<0.000000e+00> : vector<1024x128xf32>
    %dot_general3A_118 = tpu.matmul %max3A_113, %get3A_116, %dot_general3A_117 {dimension_numbers = #tpu.dot_dimension_numbers<[1], [0], [0], [1], [0, 0, 1, 1], [], []>, transpose_lhs_hint = false} : vector<1024x128xf32>, vector<128x128xf32>, vector<1024x128xf32> -> vector<1024x128xf32>
    %dot_general3A_119 = arith.constant dense<0.000000e+00> : vector<1024x128xf32>
    %dot_general3A_120 = tpu.matmul %mul3A_84, %dot_general3A_118, %dot_general3A_119 {dimension_numbers = #tpu.dot_dimension_numbers<[1], [0], [0], [1], [0, 0, 1, 1], [], []>, transpose_lhs_hint = false} : vector<1024x1024xf32>, vector<1024x128xf32>, vector<1024x128xf32> -> vector<1024x128xf32>
    %get3A_121 = arith.constant 0 : index
    %get3A_122 = arith.constant 0 : index
    %get3A_123 = vector.load %arg15[%get3A_121, %get3A_122] : memref<1x128xf32, #tpu.memory_space<vmem>>, vector<1x128xf32>
    %add3A_124 = vector.broadcast %get3A_123 : vector<1x128xf32> to vector<1024x128xf32>
    %add3A_125 = arith.addf %dot_general3A_120, %add3A_124 : vector<1024x128xf32>
    %get3A_126 = arith.constant 0 : index
    %get3A_127 = arith.constant 0 : index
    %get3A_128 = vector.load %arg20[%get3A_126, %get3A_127] : memref<1x128xf32, #tpu.memory_space<vmem>>, vector<1x128xf32>
    %mul3A_129 = vector.broadcast %rsqrt3A_86 : f32 to vector<1x128xf32>
    %mul3A_130 = arith.mulf %get3A_128, %mul3A_129 : vector<1x128xf32>
    %mul3A_131 = vector.broadcast %mul3A_130 : vector<1x128xf32> to vector<1024x128xf32>
    %mul3A_132 = arith.mulf %add3A_125, %mul3A_131 : vector<1024x128xf32>
    %get3A_133 = arith.constant 0 : index
    %get3A_134 = arith.constant 0 : index
    %get3A_135 = vector.load %arg21[%get3A_133, %get3A_134] : memref<1x128xf32, #tpu.memory_space<vmem>>, vector<1x128xf32>
    %add3A_136 = vector.broadcast %get3A_135 : vector<1x128xf32> to vector<1024x128xf32>
    %add3A_137 = arith.addf %mul3A_132, %add3A_136 : vector<1024x128xf32>
    %max3A_138 = arith.constant 0.000000e+00 : f32
    %max3A_139 = vector.broadcast %max3A_138 : f32 to vector<1024x128xf32>
    %max3A_140 = arith.maximumf %add3A_137, %max3A_139 : vector<1024x128xf32>
    %swap3A_141 = arith.constant 0 : index
    %swap3A_142 = arith.constant 0 : index
    %swap3A_143 = vector.load %arg24[%swap3A_141, %swap3A_142] : memref<1024x128xf32, #tpu.memory_space<vmem>>, vector<1024x128xf32>
    tpu.vector_store %arg24[%swap3A_141, %swap3A_142], %max3A_140 {strides = array<i32>} : memref<1024x128xf32, #tpu.memory_space<vmem>>, vector<1024x128xf32>,
    %get3A_144 = arith.constant 0 : index
    %get3A_145 = arith.constant 0 : index
    %get3A_146 = vector.load %arg16[%get3A_144, %get3A_145] : memref<128x16xf32, #tpu.memory_space<vmem>>, vector<128x16xf32>
    %dot_general3A_147 = arith.constant dense<0.000000e+00> : vector<1024x16xf32>
    %dot_general3A_148 = tpu.matmul %max3A_140, %get3A_146, %dot_general3A_147 {dimension_numbers = #tpu.dot_dimension_numbers<[1], [0], [0], [1], [0, 0, 1, 1], [], []>, transpose_lhs_hint = false} : vector<1024x128xf32>, vector<128x16xf32>, vector<1024x16xf32> -> vector<1024x16xf32>
    %dot_general3A_149 = arith.constant dense<0.000000e+00> : vector<1024x16xf32>
    %dot_general3A_150 = tpu.matmul %mul3A_84, %dot_general3A_148, %dot_general3A_149 {dimension_numbers = #tpu.dot_dimension_numbers<[1], [0], [0], [1], [0, 0, 1, 1], [], []>, transpose_lhs_hint = false} : vector<1024x1024xf32>, vector<1024x16xf32>, vector<1024x16xf32> -> vector<1024x16xf32>
    %get3A_151 = arith.constant 0 : index
    %get3A_152 = arith.constant 0 : index
    %get3A_153 = vector.load %arg17[%get3A_151, %get3A_152] : memref<1x16xf32, #tpu.memory_space<vmem>>, vector<1x16xf32>
    %add3A_154 = vector.broadcast %get3A_153 : vector<1x16xf32> to vector<1024x16xf32>
    %add3A_155 = arith.addf %dot_general3A_150, %add3A_154 : vector<1024x16xf32>
    %swap3A_156 = arith.constant 0 : index
    %swap3A_157 = arith.constant 0 : index
    %swap3A_158 = vector.load %arg25[%swap3A_156, %swap3A_157] : memref<1024x16xf32, #tpu.memory_space<vmem>>, vector<1024x16xf32>
    tpu.vector_store %arg25[%swap3A_156, %swap3A_157], %add3A_155 {strides = array<i32>} : memref<1024x16xf32, #tpu.memory_space<vmem>>, vector<1024x16xf32>,
    return
  }
}

</mosaic_0001>

<sc_bundles>
// kernel: kernel.10.cloned.1.call-start
scs
__scs_entry_jumppad:
0x0: {  	(pc) =	sbr.rel $0x88, $3  }
0x1: {  	(tag) =	ssettag $0x0;
	lr =	simm.s32 $0x1  }
0x2: {  	[smem:$0x3F8B] =	sst lr;
	_ =	strace $0xD0000000  }
0x3: {  	_ = 	snop  }
0x4: {  	_ = 	snop  }
0x5: {  	_ = 	snop  }
0x6: {  	_ = 	snop  }
0x7: {  	_ = 	snop  }
__scs_overlays_trampoline_lowered:
0x8: {  	[smem:$0x3F9A] =	sst s0  }
0x9: {  	[smem:$0x3F9B] =	sst s1  }
0xa: {  	[smem:$0x3F9C] =	sst s2  }
0xb: {  	[smem:$0x3F9D] =	sst s3  }
0xc: {  	[smem:$0x3F9E] =	sst s4  }
0xd: {  	[smem:$0x3F9F] =	sst s5  }
0xe: {  	[smem:$0x3FA0] =	sst s6  }
0xf: {  	[smem:$0x3FA1] =	sst s7  }
0x10: {  	[smem:$0x3FA2] =	sst s8  }
0x11: {  	[smem:$0x3FA3] =	sst s9;
	s0 =	simm.s32 @!p0 $0x0  }
0x12: {  	s1 =	sld [smem:$0x3F89];
	s0 =	simm.s32 @p0 $0x1  }
0x13: {  	[smem:$0x3FA4] =	sst s0;
	s0 =	simm.s32 @!p1 $0x0  }
0x14: {  	s2 =	sld [smem:$0x3F88];
	s0 =	simm.s32 @p1 $0x1  }
0x15: {  	[smem:$0x3FA5] =	sst s0;
	s0 =	simm.s32 @!p2 $0x0  }
0x16: {  	s3 =	sld [smem:$0x3FDB];
	s0 =	simm.s32 @p2 $0x1  }
0x17: {  	s4 =	simm.s32 $0x1BF5;
	[smem:$0x3FA7] =	sst s0  }
0x18: {  	s0 =	sld [smem:$0x3F8A];
	_ =	swait.ge [sflag:s4], $0x0  }
0x19: {  	s7 =	sld [smem:$0x3F8B]  }
0x1a: {  	s8 =	sadd.s32 $0xFFFFE003, lr  }
0x1b: {  	s9 =	sadd.s32 $0xFFFFFEF7, lr;
	s5 =	simm.s32 $0xFFFFFFFF;
	p2 =	slt.u32 s8, $0xFFFFF086  }
0x1c: {  	p1 =	slt.u32 s9, $0xF7A;
	s5 =	simm.s32 @!p2 $0x0  }
0x1d: {  	s5 =	simm.s32 @p1 $0x1;
	p0 =	seq.s32 s7, s2  }
0x1e: {  	s7 =	smul.u32 @!p0 $0xF7A, s2;
	p2 =	seq.s32 @!p0 s5, $0x0  }
0x1f: {  	s9 =	smul.u32 $0xF7A, s1;
	s8 =	simm.s32 @!p0 $0x1BF5;
	p2 =	por !p2, p0  }
0x20: {  	[sflag:s8] =	ssyncset.s32 @!p0 $0xFFFFF086;
	s6 =	sadd.s32 @!p0 s3, s7;
	s7 =	simm.s32 @!p0 $0x108  }
0x21: {  	s3 =	sadd.s32 s3, s9;
	s6 =	sadd.s32 @!p0 $0x88, s6;
	s7 =	simm.s32 @p2 $0x1082  }
0x22: {  	[simem:s7], [sflag:s8] =	dma.local @!p0 [hbm:s6], $0xF7A  }
0x23: {  	s9 =	sor.u32 $0xD0000000, s2;
	s6 =	simm.s32 $0x108;
	_ =	swait.ge @!p0 [sflag:s8], $0x0  }
0x24: {  	s3 =	sadd.s32 $0x88, s3;
	s6 =	simm.s32 @!p1 $0x1082;
	[sflag:s4] =	ssyncset.s32 $0xFFFFF086  }
0x25: {  	[simem:s6], [sflag:s4] =	dma.local [hbm:s3], $0xF7A  }
0x26: {  	[smem:$0x3F8B] =	sst s1;
	(tag) =	ssettag s2;
	_ =	strace s9  }
0x27: {  	s1 =	sld [smem:$0x3F9B]  }
0x28: {  	s2 =	sld [smem:$0x3F9C]  }
0x29: {  	s4 =	sld [smem:$0x3F9E]  }
0x2a: {  	p0 =	seq.s32 s5, $0x0;
	s5 =	sld [smem:$0x3F9F]  }
0x2b: {  	s6 =	sld [smem:$0x3FA0]  }
0x2c: {  	s7 =	sld [smem:$0x3FA1]  }
0x2d: {  	s3 =	simm.s32 $0x108;
	s8 =	sld [smem:$0x3FA2]  }
0x2e: {  	s3 =	simm.s32 @!p0 $0x1082;
	s9 =	sld [smem:$0x3FA3]  }
0x2f: {  	lr =	sadd.s32 s0, s3;
	s0 =	sld [smem:$0x3F9A]  }
0x30: {  	s3 =	sld [smem:$0x3F9D]  }
0x31: {  	[smem:$0x3FA6] =	sst s10  }
0x32: {  	s10 =	sld [smem:$0x3FA4];
	_ =	sdelay $0x3  }
0x33: {  	p0 =	seq.s32 s10, $0x1;
	s10 =	sld [smem:$0x3FA6];
	_ =	sdelay $0x3  }
0x34: {  	[smem:$0x3FA6] =	sst s10  }
0x35: {  	s10 =	sld [smem:$0x3FA5];
	_ =	sdelay $0x3  }
0x36: {  	p1 =	seq.s32 s10, $0x1;
	s10 =	sld [smem:$0x3FA6];
	_ =	sdelay $0x3  }
0x37: {  	[smem:$0x3FA6] =	sst s10  }
0x38: {  	s10 =	sld [smem:$0x3FA7]  }
0x39: {  	_ = 	snop;
	(pc) =	sbr.ind lr, $3  }
0x3a: {  	_ = 	snop  }
0x3b: {  	_ = 	snop  }
0x3c: {  	p2 =	seq.s32 s10, $0x1;
	s10 =	sld [smem:$0x3FA6]  }
0x3d: {  	_ =	shalt  }
0x3e: {  	_ =	shalt  }
0x3f: {  	_ =	shalt  }
0x40: {  	_ =	shalt  }
0x41: {  	_ =	shalt  }
0x42: {  	_ =	shalt  }
0x43: {  	_ =	shalt  }
0x44: {  	_ =	shalt  }
0x45: {  	_ =	shalt  }
0x46: {  	_ =	shalt  }
0x47: {  	_ =	shalt  }
0x48: {  	_ =	shalt  }
0x49: {  	_ =	shalt  }
0x4a: {  	_ =	shalt  }
0x4b: {  	_ =	shalt  }
0x4c: {  	_ =	shalt  }
0x4d: {  	_ =	shalt  }
0x4e: {  	_ =	shalt  }
0x4f: {  	_ =	shalt  }
0x50: {  	_ =	shalt  }
0x51: {  	_ =	shalt  }
0x52: {  	_ =	shalt  }
0x53: {  	_ =	shalt  }
0x54: {  	_ =	shalt  }
0x55: {  	_ =	shalt  }
0x56: {  	_ =	shalt  }
0x57: {  	_ =	shalt  }
0x58: {  	_ =	shalt  }
0x59: {  	_ =	shalt  }
0x5a: {  	_ =	shalt  }
0x5b: {  	_ =	shalt  }
0x5c: {  	_ =	shalt  }
0x5d: {  	_ =	shalt  }
0x5e: {  	_ =	shalt  }
0x5f: {  	_ =	shalt  }
0x60: {  	_ =	shalt  }
0x61: {  	_ =	shalt  }
0x62: {  	_ =	shalt  }
0x63: {  	_ =	shalt  }
0x64: {  	_ =	shalt  }
0x65: {  	_ =	shalt  }
0x66: {  	_ =	shalt  }
0x67: {  	_ =	shalt  }
0x68: {  	_ =	shalt  }
0x69: {  	_ =	shalt  }
0x6a: {  	_ =	shalt  }
0x6b: {  	_ =	shalt  }
0x6c: {  	_ =	shalt  }
0x6d: {  	_ =	shalt  }
0x6e: {  	_ =	shalt  }
0x6f: {  	_ =	shalt  }
0x70: {  	_ =	shalt  }
0x71: {  	_ =	shalt  }
0x72: {  	_ =	shalt  }
0x73: {  	_ =	shalt  }
0x74: {  	_ =	shalt  }
0x75: {  	_ =	shalt  }
0x76: {  	_ =	shalt  }
0x77: {  	_ =	shalt  }
0x78: {  	_ =	shalt  }
0x79: {  	_ =	shalt  }
0x7a: {  	_ =	shalt  }
0x7b: {  	_ =	shalt  }
0x7c: {  	_ =	shalt  }
0x7d: {  	_ =	shalt  }
0x7e: {  	_ =	shalt  }
0x7f: {  	_ =	shalt  }
0x80: {  	_ =	shalt  }
0x81: {  	_ =	shalt  }
0x82: {  	_ =	shalt  }
0x83: {  	_ =	shalt  }
0x84: {  	_ =	shalt  }
0x85: {  	_ =	shalt  }
0x86: {  	_ =	shalt  }
0x87: {  	_ =	shalt  }
.Lfunc_end0:
.L_simem_size_0:
called_computation_lowered:
.L_overlay_start_0:
0x88: {  	s2 =	sld [smem:$0x3FD9]  }
0x89: {  	s3 =	sld [smem:$0x3FFE];
	_ =	sdelay $0x1  }
0x8a: {  	s1 =	srdreg.scid  }
0x8b: {  	s0 =	sand.u32 $0x1, s1  }
0x8c: {  	s14 =	sshll.u32 s0, $0xA;
	s2 =	sadd.s32 s3, s2  }
0x8d: {  	s2 =	sadd.s32 s2, s14  }
0x8e: {  	[smem:$0x3FB2] =	sst s2  }
0x8f: {  	_ = 	snop  }
0x90: {  	s2 =	sld [smem:$0x3FD0];
	_ =	sdelay $0x2  }
0x91: {  	s15 =	simm.s32 $0xA;
	s4 =	simm.s32 $0x10  }
0x92: {  	[smem:s4], [sflag:s15] =	dma.local [hbm:s2], $0x1  }
0x93: {  	_ =	swait.eq [sflag:s15], $0x1  }
0x94: {  	s16 =	sld [smem:$0x10];
	[sflag:s15] =	ssyncset.done $0x0  }
0x95: {  	s17 =	sld [smem:$0x12];
	[sflag:s15] =	ssyncadd.s32 $0xFFFFFFFF  }
0x96: {  	s18 =	sld [smem:$0x13];
	(tm) =	ssettm $0x1  }
0x97: {  	s5 =	sld [smem:$0x3FFB];
	_ =	sdelay $0x3  }
0x98: {  	_ =	strace s5  }
0x99: {  	s5 =	sld [smem:$0x3FFC];
	_ =	sdelay $0x3  }
0x9a: {  	_ =	strace s5  }
0x9b: {  	s5 =	sld [smem:$0x3FFD];
	_ =	sdelay $0x3  }
0x9c: {  	_ =	strace s5  }
0x9d: {  	_ =	strace $0x8FFFFFFF  }
0x9e: {  	s19 =	sld [smem:$0x3FDB];
	_ =	sdelay $0x1  }
0x9f: {  	s6 =	simm.s32 $_scs_section_size  }
0xa0: {  	s7 =	simm.s32 $_size__tile_overlayer_lowered;
	s8 =	simm.s32 $_tile_overlayer_lowered  }
0xa1: {  	s22 =	simm.s32 $0x1BFF;
	s21 =	sshll.u32 s8, $0x1;
	s5 =	sadd.s32 s6, s19  }
0xa2: {  	s9 =	simm.s32 $0x0;
	s20 =	sshll.u32 s7, $0x1;
	s7 =	sadd.s32 s21, s5  }
0xa3: {  	[timem:s9], [sflag:s22] =	dma.local [hbm:s7], s20  }
0xa4: {  	_ =	swait.ge [sflag:s22], s20  }
0xa5: {  	s6 =	ssub.s32 $0x0, s20;
	[sflag:s22] =	ssyncset.done $0x0  }
0xa6: {  	[sflag:s22] =	ssyncadd.s32 s6;
	_ =	sdelay $0x1  }
0xa7: {  	s23 =	simm.s32 $0x1B8B  }
0xa8: {  	_ =	swait.ge [sflag:s23], $0x1  }
0xa9: {  	[sflag:s23] =	ssyncset.done $0x0  }
0xaa: {  	s25 =	simm.s32 $0x1B8E;
	s24 =	sld [smem:$0x3FFE];
	[sflag:s23] =	ssyncadd.s32 $0xFFFFFFFF  }
0xab: {  	s26 =	simm.s32 $execute0_lowered;
	[smem:$0x3FD2] =	sst s25  }
0xac: {  	s7 =	sshll.u32 s26, $0x1;
	_ =	strace $0x80000046;
	[dreg:$0x1] =	wrdreg $0xFFFFFFFF  }
0xad: {  	s28 =	simm.s32 $_size_execute0_lowered;
	s5 =	sadd.s32 s5, s7;
	[dreg:$0x0] =	wrdreg $0x0  }
0xae: {  	s7 =	sshll.u32 s28, $0x1;
	[dreg:$0x2] =	wrdreg s5  }
0xaf: {  	[dreg:$0x3] =	wrdreg s7  }
0xb0: {  	[dreg:$0x4] =	wrdreg $0xC0  }
0xb1: {  	_ =	task [dreg:s9], $0x5FFFF  }
0xb2: {  	[dreg:$0x1] =	wrdreg $0xFFFFFFFF  }
0xb3: {  	[dreg:$0x0] =	wrdreg $0x60  }
0xb4: {  	[dreg:$0x2] =	wrdreg s24  }
0xb5: {  	[dreg:$0x3] =	wrdreg s18  }
0xb6: {  	[dreg:$0x4] =	wrdreg s17  }
0xb7: {  	[dreg:$0x5] =	wrdreg s16  }
0xb8: {  	[dreg:$0x6] =	wrdreg $0x7B800  }
0xb9: {  	[dreg:$0x7] =	wrdreg $0x78800  }
0xba: {  	[dreg:$0x8] =	wrdreg $0x7B000  }
0xbb: {  	[dreg:$0x9] =	wrdreg $0x7B400  }
0xbc: {  	[dreg:$0xa] =	wrdreg $0x9  }
0xbd: {  	_ =	task.clear_ibuf [dreg:s9], $0xBFFFF;
	_ =	strace $0x90000046  }
0xbe: {  	s29 =	simm.s32 $0x9;
	_ =	strace $0x80000048  }
0xbf: {  	_ =	swait.ge [sflag:s29], $0x1  }
0xc0: {  	[sflag:s29] =	ssyncadd.s32 $0xFFFFFFFF  }
0xc1: {  	_ =	strace $0x90000048  }
0xc2: {  	_ =	sfence  }
0xc3: {  	s30 =	sld [smem:$0x0];
	_ =	sdelay $0x2  }
0xc4: {  	s31 =	sshll.u32 s1, $0xD;
	s1 =	sshrl.u32 s1, $0x2  }
0xc5: {  	s3 =	sand.u32 $0x4000, s31;
	s1 =	sadd.s32 s1, s30  }
0xc6: {  	s0 =	sor.u32 s3, s0;
	s1 =	sshll.u32 s1, $0x11  }
0xc7: {  	s0 =	sor.u32 s1, s0  }
0xc8: {  	s0 =	sadd.s32 $0x8F2B, s0  }
0xc9: {  	[sflag:s0] =	ssyncadd.remote.s32 $0x1  }
0xca: {  	_ =	sfence.sel $0xFFFF  }
0xcb: {  	[dreg:$0x0] =	wrdreg $0xFFFFFFFF;
	(pc) =	sbr.abs _section_cstart, $3  }
0xcc: {  	[dreg:$0x1] =	wrdreg $0xFFFFFFFF  }
0xcd: {  	_ =	task.clear_ibuf [dreg:s9], $0x2FFFF;
	_ =	strace $0x9FFFFFFF  }
0xce: {  	(tm) =	ssettm $0x7FFFFFFF  }
0xcf: {  	_ =	shalt  }
tec
execute0_lowered:
.L_overlay_start_1:
0x0: {  	(tag) =	ssettag $0x1  }
0x1: {  	s4 =	rddreg [dreg:$0x0]  }
0x2: {  	s0 =	srdreg.scid;
	s5 =	rddreg [dreg:$0x1]  }
0x3: {  	s15 =	stileid.u32;
	s7 =	rddreg [dreg:$0x2]  }
0x4: {  	s8 =	rddreg [dreg:$0x3];
	s1 =	simm.s32 $0x0;
	s3 =	sand.u32 $0x1, s0  }
0x5: {  	[smem:$0x7FF] =	sst s1;
	s0 =	sshll.u32 s3, $0x4;
	s9 =	smul.u32 $0x2800, s3  }
0x6: {  	s11 =	sshll.u32 s3, $0xA;
	s12 =	ssub.s32 $0x2, s3;
	s3 =	sshll.u32 s3, $0x14  }
0x7: {  	s2 =	sor.u32 s15, s0;
	s0 =	smul.u32 $0x280, s15;
	s14 =	sshrl.u32 s12, $0x1  }
0x8: {  	s6 =	smul.u32 $0x500, s2;
	s10 =	sshll.u32 s2, $0x7;
	s2 =	sshll.u32 s15, $0x6  }
0x9: {  	s17 =	ssub.s32 s12, s14;
	s9 =	sadd.s32 s0, s9;
	s13 =	sadd.s32 s10, s4  }
0xa: {  	s11 =	sor.u32 s2, s11;
	s5 =	sadd.s32 s5, s10;
	s7 =	sadd.s32 s7, s10  }
0xb: {  	s6 =	sadd.s32 s6, s4;
	s9 =	sshrl.u32 s9, $0x3;
	[dreg:$0x9] =	wrdreg s5  }
0xc: {  	s11 =	sshrl.u32 s11, $0x3;
	s5 =	sshll.u32 s15, $0x10;
	[dreg:$0xa] =	wrdreg s7  }
0xd: {  	s9 =	sadd.s32 s9, s4;
	s16 =	sadd.s32 s11, s4;
	s4 =	sadd.s32 $0x1AC00, s4  }
0xe: {  	s7 =	sor.u32 $0x2000, s5;
	s10 =	sor.u32 $0x4000, s5;
	s18 =	sor.u32 $0x6000, s5  }
0xf: {  	s19 =	sor.u32 $0x8000, s5;
	s25 =	sor.u32 $0xA000, s5;
	s8 =	sadd.s32 s8, s11  }
0x10: {  	s12 =	sor.u32 s5, s3;
	s11 =	rddreg [dreg:$0x4];
	s28 =	sor.u32 $0xE000, s5  }
0x11: {  	[dreg:$0xb] =	wrdreg s8;
	s8 =	sshrl.u32 s12, $0x3;
	s14 =	sor.u32 s3, s7  }
0x12: {  	s15 =	sor.u32 s3, s10;
	s23 =	sor.u32 s3, s18;
	s24 =	sor.u32 s3, s19  }
0x13: {  	s26 =	sor.u32 s3, s25;
	s12 =	rddreg [dreg:$0x5];
	s25 =	sadd.s32 s25, s11  }
0x14: {  	s8 =	sadd.s32 s4, s8;
	s20 =	sshrl.u32 s14, $0x3;
	s21 =	sshrl.u32 s15, $0x3  }
0x15: {  	s14 =	sshrl.u32 s24, $0x3;
	s15 =	sshrl.u32 s26, $0x3;
	s24 =	sadd.s32 s19, s11  }
0x16: {  	s29 =	sadd.s32 s0, s12;
	s19 =	sadd.s32 $0x1AA00, s16;
	[dreg:$0xc] =	wrdreg s8  }
0x17: {  	s8 =	sadd.s32 s4, s20;
	s20 =	sadd.s32 s4, s15;
	s15 =	rddreg [dreg:$0x7]  }
0x18: {  	s16 =	simm.s32 $0x80;
	s22 =	sadd.s32 s4, s21;
	[dreg:$0xd] =	wrdreg s8  }
0x19: {  	s21 =	sor.u32 $0xC000, s5;
	[dreg:$0xe] =	wrdreg s22;
	s8 =	sshrl.u32 s23, $0x3  }
0x1a: {  	[dreg:$0x11] =	wrdreg s20;
	s26 =	sor.u32 s3, s21;
	s3 =	sor.u32 s3, s28  }
0x1b: {  	s22 =	sadd.s32 s10, s11;
	s23 =	sadd.s32 s18, s11;
	s28 =	sadd.s32 s28, s11  }
0x1c: {  	s31 =	sadd.s32 s2, s15;
	s18 =	sadd.s32 $0x1A000, s9;
	s8 =	sadd.s32 s4, s8  }
0x1d: {  	s9 =	simm.s32 $0x3;
	s10 =	simm.s32 $0x4;
	[dreg:$0xf] =	wrdreg s8  }
0x1e: {  	s20 =	sshrl.u32 s26, $0x3;
	s8 =	sadd.s32 s4, s14;
	s14 =	rddreg [dreg:$0x6]  }
0x1f: {  	s3 =	sshrl.u32 s3, $0x3;
	s20 =	sadd.s32 s4, s20;
	[dreg:$0x10] =	wrdreg s8  }
0x20: {  	s26 =	sadd.s32 s21, s11;
	s3 =	sadd.s32 s4, s3;
	[dreg:$0x12] =	wrdreg s20  }
0x21: {  	s21 =	smax.u32 s17, $0x1;
	s4 =	sadd.s32 $0x10000, s6;
	[dreg:$0x13] =	wrdreg s3  }
0x22: {  	s6 =	sadd.s32 $0x5000, s13;
	_ =	strace $0x80000047;
	[dreg:$0x14] =	wrdreg s4  }
0x23: {  	s17 =	simm.s32 $0x3800;
	s13 =	sadd.s32 s7, s11;
	[dreg:$0x15] =	wrdreg s6  }
0x24: {  	s7 =	simm.s32 $0x1;
	s20 =	sadd.s32 s5, s11;
	[dreg:$0x16] =	wrdreg s13  }
0x25: {  	s30 =	sadd.s32 s2, s14;
	s3 =	simm.s32 $0x7;
	[dreg:$0x17] =	wrdreg s18  }
0x26: {  	s8 =	simm.s32 $0x2;
	s5 =	simm.s32 $0x6;
	[dreg:$0x18] =	wrdreg s19  }
0x27: {  	[dreg:$0x19] =	wrdreg s21;
	s6 =	simm.s32 $0x3880;
	s18 =	simm.s32 $0x40  }
0x28: {  	v0 =	vimm.f32 $1.000000000e+00;
	v1 =	vimm.f32 $0.0e+00;
	s19 =	simm.s32 $0x5880;
	s4 =	simm.s32 $0x5;
	s13 =	simm.s32 $0x0  }
.LBB2_1:
0x29: {  	[tilespmem:$0x3800] =	vst v0  }
0x2a: {  	[tilespmem:$0x3810] =	vst v0  }
0x2b: {  	[tilespmem:$0x3820] =	vst v0  }
0x2c: {  	[tilespmem:$0x3830] =	vst v0  }
0x2d: {  	[tilespmem:$0x3840] =	vst v0  }
0x2e: {  	[tilespmem:$0x3850] =	vst v0  }
0x2f: {  	[tilespmem:$0x3860] =	vst v0  }
0x30: {  	[tilespmem:$0x3870] =	vst v0;
	s0 =	simm.s32 $0x40;
	s2 =	simm.s32 $0x0  }
.LBB2_2:
0x31: {  	p0 =	sne.s32 s0, $0x7FC0;
	[tilespmem:s2+$0x3880] =	vst v1;
	s2 =	smov.u32 s0;
	s0 =	sadd.s32 $0x40, s0  }
.Ltmp0:
0x32: {  	(pc) =	sbr.rel @p0 .LBB2_2-.Ltmp0, $2  }
0x33: {  	_ =	sdelay $0x2  }
0x34: {  	s2 =	sshra.s32 s2, $0x2  }
0x35: {  	[tilespmem:s2+$0x3880] =	vst v1;
	s0 =	rddreg [dreg:$0x14]  }
0x36: {  	[tilespmem:s1], [sflag:$0x7] =	stream.linear.gather [hbm4b:s0+s1], $0x2800, $0x38;
	[tilespmem:$0x17B80] =	vst v63  }
0x37: {  	_ =	swait.ge [sflag:s3], $0x2800  }
0x38: {  	[sflag:s3] =	ssyncset.done $0x0  }
0x39: {  	s21 =	simm.s32 $0x2800;
	s2 =	rddreg [dreg:$0x9];
	[sflag:s3] =	ssyncadd.s32 $0xFFFFD800  }
0x3a: {  	[tilespmem:s21], [sflag:$0x7] =	stream.linear.gather [hbm4b:s2+s1], $0x400, $0x38;
	[tilespmem:$0x17B80] =	vst v63  }
0x3b: {  	_ =	swait.ge [sflag:s3], $0x400  }
0x3c: {  	[sflag:s3] =	ssyncset.done $0x0  }
0x3d: {  	s21 =	simm.s32 $0x2C00;
	s2 =	rddreg [dreg:$0xa];
	[sflag:s3] =	ssyncadd.s32 $0xFFFFFC00  }
0x3e: {  	[tilespmem:s21], [sflag:$0x7] =	stream.linear.gather [hbm4b:s2+s1], $0x400, $0x38;
	[tilespmem:$0x17B80] =	vst v63  }
0x3f: {  	_ =	swait.ge [sflag:s3], $0x400  }
0x40: {  	[sflag:s3] =	ssyncset.done $0x0  }
0x41: {  	s21 =	simm.s32 $0x3400;
	s2 =	rddreg [dreg:$0x15];
	[sflag:s3] =	ssyncadd.s32 $0xFFFFFC00  }
0x42: {  	[tilespmem:s21], [sflag:$0x7] =	stream.linear.gather [hbm4b:s2+s1], $0x400, $0x38;
	[tilespmem:$0x17B80] =	vst v63  }
0x43: {  	_ =	swait.ge [sflag:s3], $0x400  }
0x44: {  	[sflag:s3] =	ssyncset.done $0x0  }
0x45: {  	[sflag:s3] =	ssyncadd.s32 $0xFFFFFC00  }
0x46: {  	v2 =	vld [tilespmem:$0x2C00]  }
0x47: {  	v3 =	vld [tilespmem:$0x2800]  }
0x48: {  	v4 =	vld [tilespmem:$0x2C10]  }
0x49: {  	v5 =	vld [tilespmem:$0x2810]  }
0x4a: {  	v6 =	vld [tilespmem:$0x2C20]  }
0x4b: {  	v7 =	vld [tilespmem:$0x2820]  }
0x4c: {  	v8 =	vld [tilespmem:$0x2C30]  }
0x4d: {  	v9 =	vld [tilespmem:$0x2830]  }
0x4e: {  	v10 =	vld [tilespmem:$0x2C80]  }
0x4f: {  	v11 =	vld [tilespmem:$0x2880]  }
0x50: {  	v12 =	vld [tilespmem:$0x2C90]  }
0x51: {  	v13 =	vld [tilespmem:$0x2890]  }
0x52: {  	v14 =	vld [tilespmem:$0x2CA0]  }
0x53: {  	v15 =	vld [tilespmem:$0x28A0]  }
0x54: {  	v16 =	vld [tilespmem:$0x2CB0]  }
0x55: {  	v17 =	vld [tilespmem:$0x28B0]  }
0x56: {  	v18 =	vld [tilespmem:$0x2D00]  }
0x57: {  	v19 =	vld [tilespmem:$0x2900]  }
0x58: {  	v20 =	vld [tilespmem:$0x2D10]  }
0x59: {  	v21 =	vld [tilespmem:$0x2910]  }
0x5a: {  	v22 =	vld [tilespmem:$0x2D20]  }
0x5b: {  	v23 =	vld [tilespmem:$0x2920]  }
0x5c: {  	v24 =	vld [tilespmem:$0x2D30]  }
0x5d: {  	v25 =	vld [tilespmem:$0x2930]  }
0x5e: {  	v26 =	vld [tilespmem:$0x2D80]  }
0x5f: {  	v27 =	vld [tilespmem:$0x2980]  }
0x60: {  	v28 =	vld [tilespmem:$0x2D90]  }
0x61: {  	v29 =	vld [tilespmem:$0x2990]  }
0x62: {  	v30 =	vld [tilespmem:$0x2DA0]  }
0x63: {  	v31 =	vld [tilespmem:$0x29A0]  }
0x64: {  	v32 =	vld [tilespmem:$0x2DB0]  }
0x65: {  	v33 =	vld [tilespmem:$0x29B0]  }
0x66: {  	v34 =	vld [tilespmem:$0x2E00]  }
0x67: {  	v35 =	vld [tilespmem:$0x2A00]  }
0x68: {  	v36 =	vld [tilespmem:$0x2E10]  }
0x69: {  	v37 =	vld [tilespmem:$0x2A10]  }
0x6a: {  	v38 =	vld [tilespmem:$0x2E20];
	v2 =	vshll.u32 v2, $0xA  }
0x6b: {  	v62 =	vld [tilespmem:$0x2A20];
	v2 =	vadd.s32 v3, v2;
	v3 =	vshll.u32 v4, $0xA  }
0x6c: {  	v63 =	vld [tilespmem:$0x2E30];
	[tilespmem:$0x3000] =	vst v2;
	v2 =	vadd.s32 v5, v3;
	v3 =	vshll.u32 v6, $0xA  }
0x6d: {  	v39 =	vld [tilespmem:$0x2A30];
	[tilespmem:$0x3010] =	vst v2;
	v2 =	vadd.s32 v7, v3;
	v3 =	vshll.u32 v8, $0xA  }
0x6e: {  	v40 =	vld [tilespmem:$0x2E80];
	[tilespmem:$0x3020] =	vst v2;
	v2 =	vadd.s32 v9, v3;
	v3 =	vshll.u32 v10, $0xA  }
0x6f: {  	v41 =	vld [tilespmem:$0x2A80];
	[tilespmem:$0x3030] =	vst v2;
	v2 =	vadd.s32 v11, v3;
	v3 =	vshll.u32 v12, $0xA  }
0x70: {  	v42 =	vld [tilespmem:$0x2E90];
	[tilespmem:$0x3080] =	vst v2;
	v2 =	vadd.s32 v13, v3;
	v3 =	vshll.u32 v14, $0xA  }
0x71: {  	v43 =	vld [tilespmem:$0x2A90];
	[tilespmem:$0x3090] =	vst v2;
	v2 =	vadd.s32 v15, v3;
	v3 =	vshll.u32 v16, $0xA  }
0x72: {  	v44 =	vld [tilespmem:$0x2EA0];
	[tilespmem:$0x30A0] =	vst v2;
	v2 =	vadd.s32 v17, v3;
	v3 =	vshll.u32 v18, $0xA  }
0x73: {  	v45 =	vld [tilespmem:$0x2AA0];
	[tilespmem:$0x30B0] =	vst v2;
	v2 =	vadd.s32 v19, v3;
	v3 =	vshll.u32 v20, $0xA  }
0x74: {  	v46 =	vld [tilespmem:$0x2EB0];
	[tilespmem:$0x3100] =	vst v2;
	v2 =	vadd.s32 v21, v3;
	v3 =	vshll.u32 v22, $0xA  }
0x75: {  	v47 =	vld [tilespmem:$0x2AB0];
	[tilespmem:$0x3110] =	vst v2;
	v2 =	vadd.s32 v23, v3;
	v3 =	vshll.u32 v24, $0xA  }
0x76: {  	v48 =	vld [tilespmem:$0x2F00];
	[tilespmem:$0x3120] =	vst v2;
	v2 =	vadd.s32 v25, v3;
	v3 =	vshll.u32 v26, $0xA  }
0x77: {  	v49 =	vld [tilespmem:$0x2B00];
	[tilespmem:$0x3130] =	vst v2;
	v2 =	vadd.s32 v27, v3;
	v3 =	vshll.u32 v28, $0xA  }
0x78: {  	v50 =	vld [tilespmem:$0x2F10];
	[tilespmem:$0x3180] =	vst v2;
	v2 =	vadd.s32 v29, v3;
	v3 =	vshll.u32 v30, $0xA  }
0x79: {  	v51 =	vld [tilespmem:$0x2B10];
	[tilespmem:$0x3190] =	vst v2;
	v2 =	vadd.s32 v31, v3;
	v3 =	vshll.u32 v32, $0xA  }
0x7a: {  	v52 =	vld [tilespmem:$0x2F20];
	[tilespmem:$0x31A0] =	vst v2;
	v2 =	vadd.s32 v33, v3;
	v3 =	vshll.u32 v34, $0xA  }
0x7b: {  	v53 =	vld [tilespmem:$0x2B20];
	[tilespmem:$0x31B0] =	vst v2;
	v2 =	vadd.s32 v35, v3;
	v3 =	vshll.u32 v36, $0xA  }
0x7c: {  	v54 =	vld [tilespmem:$0x2F30];
	[tilespmem:$0x3200] =	vst v2;
	v2 =	vadd.s32 v37, v3;
	v3 =	vshll.u32 v38, $0xA  }
0x7d: {  	v55 =	vld [tilespmem:$0x2B30];
	[tilespmem:$0x3210] =	vst v2;
	v2 =	vadd.s32 v62, v3;
	v3 =	vshll.u32 v63, $0xA  }
0x7e: {  	v56 =	vld [tilespmem:$0x2F80];
	[tilespmem:$0x3220] =	vst v2;
	v2 =	vadd.s32 v39, v3;
	v3 =	vshll.u32 v40, $0xA  }
0x7f: {  	v57 =	vld [tilespmem:$0x2B80];
	[tilespmem:$0x3230] =	vst v2;
	v2 =	vadd.s32 v41, v3;
	v3 =	vshll.u32 v42, $0xA  }
0x80: {  	v58 =	vld [tilespmem:$0x2F90];
	[tilespmem:$0x3280] =	vst v2;
	v2 =	vadd.s32 v43, v3;
	v3 =	vshll.u32 v44, $0xA  }
0x81: {  	v59 =	vld [tilespmem:$0x2B90];
	[tilespmem:$0x3290] =	vst v2;
	v2 =	vadd.s32 v45, v3;
	v3 =	vshll.u32 v46, $0xA  }
0x82: {  	v60 =	vld [tilespmem:$0x2FA0];
	[tilespmem:$0x32A0] =	vst v2;
	v2 =	vadd.s32 v47, v3;
	v3 =	vshll.u32 v48, $0xA  }
0x83: {  	v61 =	vld [tilespmem:$0x2BA0];
	[tilespmem:$0x32B0] =	vst v2;
	v2 =	vadd.s32 v49, v3;
	v3 =	vshll.u32 v50, $0xA  }
0x84: {  	v62 =	vld [tilespmem:$0x2FB0];
	[tilespmem:$0x3300] =	vst v2;
	v2 =	vadd.s32 v51, v3;
	v3 =	vshll.u32 v52, $0xA  }
0x85: {  	v63 =	vld [tilespmem:$0x2BB0];
	[tilespmem:$0x3310] =	vst v2;
	v2 =	vadd.s32 v53, v3;
	v3 =	vshll.u32 v54, $0xA  }
0x86: {  	[tilespmem:$0x3320] =	vst v2;
	v2 =	vadd.s32 v55, v3;
	v3 =	vshll.u32 v56, $0xA  }
0x87: {  	[tilespmem:$0x3330] =	vst v2;
	v2 =	vadd.s32 v57, v3;
	v3 =	vshll.u32 v58, $0xA  }
0x88: {  	[tilespmem:$0x3380] =	vst v2;
	v2 =	vadd.s32 v59, v3;
	v3 =	vshll.u32 v60, $0xA  }
0x89: {  	[tilespmem:$0x3390] =	vst v2;
	v2 =	vadd.s32 v61, v3;
	v3 =	vshll.u32 v62, $0xA  }
0x8a: {  	[tilespmem:$0x33A0] =	vst v2;
	v2 =	vadd.s32 v63, v3  }
0x8b: {  	[tilespmem:$0x33B0] =	vst v2  }
0x8c: {  	[spmem:s20] =	stream.linear.scatter [tilespmem:s6], [sflag:$0x1], $0x2000, $0x38;
	[tilespmem:$0x17B80] =	vst v63  }
0x8d: {  	s2 =	rddreg [dreg:$0x16]  }
0x8e: {  	[spmem:s2] =	stream.linear.scatter [tilespmem:s6], [sflag:$0x1], $0x2000, $0x38;
	[tilespmem:$0x17B80] =	vst v63  }
0x8f: {  	_ = 	snop  }
0x90: {  	[spmem:s22] =	stream.linear.scatter [tilespmem:s6], [sflag:$0x1], $0x2000, $0x38;
	[tilespmem:$0x17B80] =	vst v63  }
0x91: {  	_ = 	snop  }
0x92: {  	[spmem:s23] =	stream.linear.scatter [tilespmem:s6], [sflag:$0x1], $0x2000, $0x38;
	[tilespmem:$0x17B80] =	vst v63  }
0x93: {  	_ = 	snop  }
0x94: {  	[spmem:s24] =	stream.linear.scatter [tilespmem:s6], [sflag:$0x1], $0x2000, $0x38;
	[tilespmem:$0x17B80] =	vst v63  }
0x95: {  	_ = 	snop  }
0x96: {  	[spmem:s25] =	stream.linear.scatter [tilespmem:s6], [sflag:$0x1], $0x2000, $0x38;
	[tilespmem:$0x17B80] =	vst v63  }
0x97: {  	_ = 	snop  }
0x98: {  	[spmem:s26] =	stream.linear.scatter [tilespmem:s6], [sflag:$0x1], $0x2000, $0x38;
	[tilespmem:$0x17B80] =	vst v63  }
0x99: {  	_ = 	snop  }
0x9a: {  	[spmem:s28] =	stream.linear.scatter [tilespmem:s6], [sflag:$0x1], $0x2000, $0x38;
	[tilespmem:$0x17B80] =	vst v63  }
0x9b: {  	_ = 	snop  }
0x9c: {  	[spmem:s29] =	stream.linear.scatter [tilespmem:s6], [sflag:$0x2], $0x280, $0x38;
	[tilespmem:$0x17B80] =	vst v63  }
0x9d: {  	_ = 	snop  }
0x9e: {  	[spmem:s30] =	stream.linear.scatter [tilespmem:s6], [sflag:$0x3], $0x40, $0x38;
	[tilespmem:$0x17B80] =	vst v63  }
0x9f: {  	_ = 	snop  }
0xa0: {  	[spmem:s31] =	stream.linear.scatter [tilespmem:s6], [sflag:$0x4], $0x40, $0x38;
	[tilespmem:$0x17B80] =	vst v63  }
0xa1: {  	_ =	swait.ge [sflag:s7], $0x2000  }
0xa2: {  	[sflag:s7] =	ssyncset.done $0x0  }
0xa3: {  	[sflag:s7] =	ssyncadd.s32 $0xFFFFE000  }
0xa4: {  	_ =	swait.ge [sflag:s7], $0x2000  }
0xa5: {  	[sflag:s7] =	ssyncset.done $0x0  }
0xa6: {  	[sflag:s7] =	ssyncadd.s32 $0xFFFFE000  }
0xa7: {  	_ =	swait.ge [sflag:s7], $0x2000  }
0xa8: {  	[sflag:s7] =	ssyncset.done $0x0  }
0xa9: {  	[sflag:s7] =	ssyncadd.s32 $0xFFFFE000  }
0xaa: {  	_ =	swait.ge [sflag:s7], $0x2000  }
0xab: {  	[sflag:s7] =	ssyncset.done $0x0  }
0xac: {  	[sflag:s7] =	ssyncadd.s32 $0xFFFFE000  }
0xad: {  	_ =	swait.ge [sflag:s7], $0x2000  }
0xae: {  	[sflag:s7] =	ssyncset.done $0x0  }
0xaf: {  	[sflag:s7] =	ssyncadd.s32 $0xFFFFE000  }
0xb0: {  	_ =	swait.ge [sflag:s7], $0x2000  }
0xb1: {  	[sflag:s7] =	ssyncset.done $0x0  }
0xb2: {  	[sflag:s7] =	ssyncadd.s32 $0xFFFFE000  }
0xb3: {  	_ =	swait.ge [sflag:s7], $0x2000  }
0xb4: {  	[sflag:s7] =	ssyncset.done $0x0  }
0xb5: {  	[sflag:s7] =	ssyncadd.s32 $0xFFFFE000  }
0xb6: {  	_ =	swait.ge [sflag:s7], $0x2000  }
0xb7: {  	[sflag:s7] =	ssyncset.done $0x0  }
0xb8: {  	[sflag:s7] =	ssyncadd.s32 $0xFFFFE000  }
0xb9: {  	_ =	swait.ge [sflag:s8], $0x280  }
0xba: {  	[sflag:s8] =	ssyncset.done $0x0  }
0xbb: {  	[sflag:s8] =	ssyncadd.s32 $0xFFFFFD80  }
0xbc: {  	_ =	swait.ge [sflag:s9], $0x40  }
0xbd: {  	[sflag:s9] =	ssyncset.done $0x0  }
0xbe: {  	[sflag:s9] =	ssyncadd.s32 $0xFFFFFFC0  }
0xbf: {  	_ =	swait.ge [sflag:s10], $0x40  }
0xc0: {  	[sflag:s10] =	ssyncset.done $0x0  }
0xc1: {  	[sflag:s10] =	ssyncadd.s32 $0xFFFFFFC0  }
0xc2: {  	[bflag:$0x0] =	sbarrier.arrive $0xFFFF  }
0xc3: {  	[spmem:s12] =	stream.indirect.scatter.add.f32 [tilespmem:s17], [sflag:$0x1], $0x1, s1, s16, $0xb8;
	[tilespmem:$0x17B80] =	vst v63  }
0xc4: {  	_ = 	snop  }
0xc5: {  	[spmem:s12] =	stream.indirect.scatter.add.f32 [tilespmem:s17], [sflag:$0x2], $0x1, s16, s16, $0xb8;
	[tilespmem:$0x17B80] =	vst v63  }
0xc6: {  	s21 =	smov.u32 s20;
	s20 =	simm.s32 $0x100  }
0xc7: {  	[spmem:s12] =	stream.indirect.scatter.add.f32 [tilespmem:s17], [sflag:$0x3], $0x1, s20, s16, $0xb8;
	[tilespmem:$0x17B80] =	vst v63  }
0xc8: {  	s2 =	simm.s32 $0x180  }
0xc9: {  	[spmem:s12] =	stream.indirect.scatter.add.f32 [tilespmem:s17], [sflag:$0x4], $0x1, s2, s16, $0xb8;
	[tilespmem:$0x17B80] =	vst v63  }
0xca: {  	_ =	swait.ge [sflag:s7], $0x80  }
0xcb: {  	[sflag:s7] =	ssyncset.done $0x0  }
0xcc: {  	s20 =	simm.s32 $0x200;
	[sflag:s7] =	ssyncadd.s32 $0xFFFFFF80  }
0xcd: {  	[spmem:s12] =	stream.indirect.scatter.add.f32 [tilespmem:s17], [sflag:$0x1], $0x1, s20, s16, $0xb8;
	[tilespmem:$0x17B80] =	vst v63  }
0xce: {  	_ =	swait.ge [sflag:s8], $0x80  }
0xcf: {  	[sflag:s8] =	ssyncset.done $0x0  }
0xd0: {  	s2 =	simm.s32 $0x280;
	[sflag:s8] =	ssyncadd.s32 $0xFFFFFF80  }
0xd1: {  	[spmem:s12] =	stream.indirect.scatter.add.f32 [tilespmem:s17], [sflag:$0x2], $0x1, s2, s16, $0xb8;
	[tilespmem:$0x17B80] =	vst v63  }
0xd2: {  	_ =	swait.ge [sflag:s9], $0x80  }
0xd3: {  	[sflag:s9] =	ssyncset.done $0x0  }
0xd4: {  	s20 =	simm.s32 $0x300;
	[sflag:s9] =	ssyncadd.s32 $0xFFFFFF80  }
0xd5: {  	[spmem:s12] =	stream.indirect.scatter.add.f32 [tilespmem:s17], [sflag:$0x3], $0x1, s20, s16, $0xb8;
	[tilespmem:$0x17B80] =	vst v63  }
0xd6: {  	_ =	swait.ge [sflag:s10], $0x80  }
0xd7: {  	[sflag:s10] =	ssyncset.done $0x0  }
0xd8: {  	s0 =	simm.s32 $0xFFFF7000;
	s2 =	simm.s32 $0x380;
	[sflag:s10] =	ssyncadd.s32 $0xFFFFFF80  }
.LBB2_4:
0xd9: {  	[spmem:s12] =	stream.indirect.scatter.add.f32 [tilespmem:s17], [sflag:$0x4], $0x1, s2, s16, $0xb8;
	[tilespmem:$0x17B80] =	vst v63  }
0xda: {  	s2 =	smov.u32 s0  }
0xdb: {  	p0 =	sne.s32 s0, $0xFFFFF800;
	s0 =	sadd.s32 $0x800, s0;
	_ =	swait.ge [sflag:s7], $0x80  }
0xdc: {  	s2 =	sshra.s32 s2, $0x2;
	[sflag:s7] =	ssyncset.done $0x0  }
0xdd: {  	s20 =	sadd.s32 $0x2800, s2;
	[sflag:s7] =	ssyncadd.s32 $0xFFFFFF80  }
0xde: {  	[spmem:s12] =	stream.indirect.scatter.add.f32 [tilespmem:s17], [sflag:$0x1], $0x1, s20, s16, $0xb8;
	[tilespmem:$0x17B80] =	vst v63  }
0xdf: {  	_ =	swait.ge [sflag:s8], $0x80  }
0xe0: {  	[sflag:s8] =	ssyncset.done $0x0  }
0xe1: {  	s20 =	sadd.s32 $0x2880, s2;
	[sflag:s8] =	ssyncadd.s32 $0xFFFFFF80  }
0xe2: {  	[spmem:s12] =	stream.indirect.scatter.add.f32 [tilespmem:s17], [sflag:$0x2], $0x1, s20, s16, $0xb8;
	[tilespmem:$0x17B80] =	vst v63  }
0xe3: {  	_ =	swait.ge [sflag:s9], $0x80  }
0xe4: {  	[sflag:s9] =	ssyncset.done $0x0  }
.Ltmp1:
0xe5: {  	s20 =	sadd.s32 $0x2900, s2;
	[sflag:s9] =	ssyncadd.s32 $0xFFFFFF80;
	(pc) =	sbr.rel @p0 .LBB2_4-.Ltmp1, $4  }
0xe6: {  	[spmem:s12] =	stream.indirect.scatter.add.f32 [tilespmem:s17], [sflag:$0x3], $0x1, s20, s16, $0xb8;
	[tilespmem:$0x17B80] =	vst v63  }
0xe7: {  	_ =	swait.ge [sflag:s10], $0x80  }
0xe8: {  	[sflag:s10] =	ssyncset.done $0x0  }
0xe9: {  	s2 =	sadd.s32 $0x2980, s2;
	[sflag:s10] =	ssyncadd.s32 $0xFFFFFF80  }
0xea: {  	[spmem:s12] =	stream.indirect.scatter.add.f32 [tilespmem:s17], [sflag:$0x4], $0x1, s2, s16, $0xb8;
	[tilespmem:$0x17B80] =	vst v63  }
0xeb: {  	_ =	swait.ge [sflag:s7], $0x80  }
0xec: {  	[sflag:s7] =	ssyncset.done $0x0  }
0xed: {  	[sflag:s7] =	ssyncadd.s32 $0xFFFFFF80  }
0xee: {  	_ =	swait.ge [sflag:s8], $0x80  }
0xef: {  	[sflag:s8] =	ssyncset.done $0x0  }
0xf0: {  	[sflag:s8] =	ssyncadd.s32 $0xFFFFFF80  }
0xf1: {  	_ =	swait.ge [sflag:s9], $0x80  }
0xf2: {  	[sflag:s9] =	ssyncset.done $0x0  }
0xf3: {  	[sflag:s9] =	ssyncadd.s32 $0xFFFFFF80  }
0xf4: {  	_ =	swait.ge [sflag:s10], $0x80  }
0xf5: {  	[sflag:s10] =	ssyncset.done $0x0  }
0xf6: {  	s0 =	simm.s32 $0x2C00;
	[sflag:s10] =	ssyncadd.s32 $0xFFFFFF80  }
0xf7: {  	[spmem:s14] =	stream.indirect.scatter.add.f32 [tilespmem:s17], [sflag:$0x1], $0x1, s0, s18, $0xb8;
	[tilespmem:$0x17B80] =	vst v63  }
0xf8: {  	s2 =	simm.s32 $0x2C80  }
0xf9: {  	[spmem:s14] =	stream.indirect.scatter.add.f32 [tilespmem:s17], [sflag:$0x2], $0x1, s2, s18, $0xb8;
	[tilespmem:$0x17B80] =	vst v63  }
0xfa: {  	s20 =	simm.s32 $0x2D00  }
0xfb: {  	[spmem:s14] =	stream.indirect.scatter.add.f32 [tilespmem:s17], [sflag:$0x1], $0x1, s20, s18, $0xb8;
	[tilespmem:$0x17B80] =	vst v63  }
0xfc: {  	s2 =	simm.s32 $0x2D80  }
0xfd: {  	[spmem:s14] =	stream.indirect.scatter.add.f32 [tilespmem:s17], [sflag:$0x2], $0x1, s2, s18, $0xb8;
	[tilespmem:$0x17B80] =	vst v63  }
0xfe: {  	s20 =	simm.s32 $0x2E00  }
0xff: {  	[spmem:s14] =	stream.indirect.scatter.add.f32 [tilespmem:s17], [sflag:$0x1], $0x1, s20, s18, $0xb8;
	[tilespmem:$0x17B80] =	vst v63  }
0x100: {  	s2 =	simm.s32 $0x2E80  }
0x101: {  	[spmem:s14] =	stream.indirect.scatter.add.f32 [tilespmem:s17], [sflag:$0x2], $0x1, s2, s18, $0xb8;
	[tilespmem:$0x17B80] =	vst v63  }
0x102: {  	s20 =	simm.s32 $0x2F00  }
0x103: {  	[spmem:s14] =	stream.indirect.scatter.add.f32 [tilespmem:s17], [sflag:$0x1], $0x1, s20, s18, $0xb8;
	[tilespmem:$0x17B80] =	vst v63  }
0x104: {  	s2 =	simm.s32 $0x2F80  }
0x105: {  	[spmem:s14] =	stream.indirect.scatter.add.f32 [tilespmem:s17], [sflag:$0x2], $0x1, s2, s18, $0xb8;
	[tilespmem:$0x17B80] =	vst v63  }
0x106: {  	s20 =	simm.s32 $0x3000  }
0x107: {  	[spmem:s11] =	stream.indirect.scatter.add.f32 [tilespmem:s17], [sflag:$0x3], $0x1, s20, s18, $0xb8;
	[tilespmem:$0x17B80] =	vst v63  }
0x108: {  	s2 =	simm.s32 $0x3080  }
0x109: {  	[spmem:s11] =	stream.indirect.scatter.add.f32 [tilespmem:s17], [sflag:$0x4], $0x1, s2, s18, $0xb8;
	[tilespmem:$0x17B80] =	vst v63  }
0x10a: {  	s20 =	simm.s32 $0x3100  }
0x10b: {  	[spmem:s11] =	stream.indirect.scatter.add.f32 [tilespmem:s17], [sflag:$0x3], $0x1, s20, s18, $0xb8;
	[tilespmem:$0x17B80] =	vst v63  }
0x10c: {  	s2 =	simm.s32 $0x3180  }
0x10d: {  	[spmem:s11] =	stream.indirect.scatter.add.f32 [tilespmem:s17], [sflag:$0x4], $0x1, s2, s18, $0xb8;
	[tilespmem:$0x17B80] =	vst v63  }
0x10e: {  	s20 =	simm.s32 $0x3200  }
0x10f: {  	[spmem:s11] =	stream.indirect.scatter.add.f32 [tilespmem:s17], [sflag:$0x3], $0x1, s20, s18, $0xb8;
	[tilespmem:$0x17B80] =	vst v63  }
0x110: {  	s2 =	simm.s32 $0x3280  }
0x111: {  	[spmem:s11] =	stream.indirect.scatter.add.f32 [tilespmem:s17], [sflag:$0x4], $0x1, s2, s18, $0xb8;
	[tilespmem:$0x17B80] =	vst v63  }
0x112: {  	s20 =	simm.s32 $0x3300  }
0x113: {  	[spmem:s11] =	stream.indirect.scatter.add.f32 [tilespmem:s17], [sflag:$0x3], $0x1, s20, s18, $0xb8;
	[tilespmem:$0x17B80] =	vst v63  }
0x114: {  	s2 =	simm.s32 $0x3380  }
0x115: {  	[spmem:s11] =	stream.indirect.scatter.add.f32 [tilespmem:s17], [sflag:$0x4], $0x1, s2, s18, $0xb8;
	[tilespmem:$0x17B80] =	vst v63  }
0x116: {  	s20 =	simm.s32 $0x3400  }
0x117: {  	[spmem:s15] =	stream.indirect.scatter.add.f32 [tilespmem:s17], [sflag:$0x1], $0x1, s20, s18, $0xb8;
	[tilespmem:$0x17B80] =	vst v63  }
0x118: {  	s2 =	simm.s32 $0x3480  }
0x119: {  	[spmem:s15] =	stream.indirect.scatter.add.f32 [tilespmem:s17], [sflag:$0x2], $0x1, s2, s18, $0xb8;
	[tilespmem:$0x17B80] =	vst v63  }
0x11a: {  	s20 =	simm.s32 $0x3500  }
0x11b: {  	[spmem:s15] =	stream.indirect.scatter.add.f32 [tilespmem:s17], [sflag:$0x1], $0x1, s20, s18, $0xb8;
	[tilespmem:$0x17B80] =	vst v63  }
0x11c: {  	s2 =	simm.s32 $0x3580  }
0x11d: {  	[spmem:s15] =	stream.indirect.scatter.add.f32 [tilespmem:s17], [sflag:$0x2], $0x1, s2, s18, $0xb8;
	[tilespmem:$0x17B80] =	vst v63  }
0x11e: {  	s20 =	simm.s32 $0x3600  }
0x11f: {  	[spmem:s15] =	stream.indirect.scatter.add.f32 [tilespmem:s17], [sflag:$0x1], $0x1, s20, s18, $0xb8;
	[tilespmem:$0x17B80] =	vst v63  }
0x120: {  	s2 =	simm.s32 $0x3680  }
0x121: {  	[spmem:s15] =	stream.indirect.scatter.add.f32 [tilespmem:s17], [sflag:$0x2], $0x1, s2, s18, $0xb8;
	[tilespmem:$0x17B80] =	vst v63  }
0x122: {  	s20 =	simm.s32 $0x3700  }
0x123: {  	[spmem:s15] =	stream.indirect.scatter.add.f32 [tilespmem:s17], [sflag:$0x1], $0x1, s20, s18, $0xb8;
	[tilespmem:$0x17B80] =	vst v63  }
0x124: {  	s2 =	simm.s32 $0x3780  }
0x125: {  	[spmem:s15] =	stream.indirect.scatter.add.f32 [tilespmem:s17], [sflag:$0x2], $0x1, s2, s18, $0xb8;
	[tilespmem:$0x17B80] =	vst v63  }
0x126: {  	_ =	swait.ge [sflag:s7], $0x40  }
0x127: {  	[sflag:s7] =	ssyncset.done $0x0  }
0x128: {  	[sflag:s7] =	ssyncadd.s32 $0xFFFFFFC0  }
0x129: {  	_ =	swait.ge [sflag:s8], $0x40  }
0x12a: {  	[sflag:s8] =	ssyncset.done $0x0  }
0x12b: {  	[sflag:s8] =	ssyncadd.s32 $0xFFFFFFC0  }
0x12c: {  	_ =	swait.ge [sflag:s7], $0x40  }
0x12d: {  	[sflag:s7] =	ssyncset.done $0x0  }
0x12e: {  	[sflag:s7] =	ssyncadd.s32 $0xFFFFFFC0  }
0x12f: {  	_ =	swait.ge [sflag:s8], $0x40  }
0x130: {  	[sflag:s8] =	ssyncset.done $0x0  }
0x131: {  	[sflag:s8] =	ssyncadd.s32 $0xFFFFFFC0  }
0x132: {  	_ =	swait.ge [sflag:s7], $0x40  }
0x133: {  	[sflag:s7] =	ssyncset.done $0x0  }
0x134: {  	[sflag:s7] =	ssyncadd.s32 $0xFFFFFFC0  }
0x135: {  	_ =	swait.ge [sflag:s8], $0x40  }
0x136: {  	[sflag:s8] =	ssyncset.done $0x0  }
0x137: {  	[sflag:s8] =	ssyncadd.s32 $0xFFFFFFC0  }
0x138: {  	_ =	swait.ge [sflag:s7], $0x40  }
0x139: {  	[sflag:s7] =	ssyncset.done $0x0  }
0x13a: {  	[sflag:s7] =	ssyncadd.s32 $0xFFFFFFC0  }
0x13b: {  	_ =	swait.ge [sflag:s8], $0x40  }
0x13c: {  	[sflag:s8] =	ssyncset.done $0x0  }
0x13d: {  	[sflag:s8] =	ssyncadd.s32 $0xFFFFFFC0  }
0x13e: {  	_ =	swait.ge [sflag:s9], $0x40  }
0x13f: {  	[sflag:s9] =	ssyncset.done $0x0  }
0x140: {  	[sflag:s9] =	ssyncadd.s32 $0xFFFFFFC0  }
0x141: {  	_ =	swait.ge [sflag:s10], $0x40  }
0x142: {  	[sflag:s10] =	ssyncset.done $0x0  }
0x143: {  	[sflag:s10] =	ssyncadd.s32 $0xFFFFFFC0  }
0x144: {  	_ =	swait.ge [sflag:s9], $0x40  }
0x145: {  	[sflag:s9] =	ssyncset.done $0x0  }
0x146: {  	[sflag:s9] =	ssyncadd.s32 $0xFFFFFFC0  }
0x147: {  	_ =	swait.ge [sflag:s10], $0x40  }
0x148: {  	[sflag:s10] =	ssyncset.done $0x0  }
0x149: {  	[sflag:s10] =	ssyncadd.s32 $0xFFFFFFC0  }
0x14a: {  	_ =	swait.ge [sflag:s9], $0x40  }
0x14b: {  	[sflag:s9] =	ssyncset.done $0x0  }
0x14c: {  	[sflag:s9] =	ssyncadd.s32 $0xFFFFFFC0  }
0x14d: {  	_ =	swait.ge [sflag:s10], $0x40  }
0x14e: {  	[sflag:s10] =	ssyncset.done $0x0  }
0x14f: {  	[sflag:s10] =	ssyncadd.s32 $0xFFFFFFC0  }
0x150: {  	_ =	swait.ge [sflag:s9], $0x40  }
0x151: {  	[sflag:s9] =	ssyncset.done $0x0  }
0x152: {  	[sflag:s9] =	ssyncadd.s32 $0xFFFFFFC0  }
0x153: {  	_ =	swait.ge [sflag:s10], $0x40  }
0x154: {  	[sflag:s10] =	ssyncset.done $0x0  }
0x155: {  	[sflag:s10] =	ssyncadd.s32 $0xFFFFFFC0  }
0x156: {  	_ =	swait.ge [sflag:s7], $0x40  }
0x157: {  	[sflag:s7] =	ssyncset.done $0x0  }
0x158: {  	[sflag:s7] =	ssyncadd.s32 $0xFFFFFFC0  }
0x159: {  	_ =	swait.ge [sflag:s8], $0x40  }
0x15a: {  	[sflag:s8] =	ssyncset.done $0x0  }
0x15b: {  	[sflag:s8] =	ssyncadd.s32 $0xFFFFFFC0  }
0x15c: {  	_ =	swait.ge [sflag:s7], $0x40  }
0x15d: {  	[sflag:s7] =	ssyncset.done $0x0  }
0x15e: {  	[sflag:s7] =	ssyncadd.s32 $0xFFFFFFC0  }
0x15f: {  	_ =	swait.ge [sflag:s8], $0x40  }
0x160: {  	[sflag:s8] =	ssyncset.done $0x0  }
0x161: {  	[sflag:s8] =	ssyncadd.s32 $0xFFFFFFC0  }
0x162: {  	_ =	swait.ge [sflag:s7], $0x40  }
0x163: {  	[sflag:s7] =	ssyncset.done $0x0  }
0x164: {  	[sflag:s7] =	ssyncadd.s32 $0xFFFFFFC0  }
0x165: {  	_ =	swait.ge [sflag:s8], $0x40  }
0x166: {  	[sflag:s8] =	ssyncset.done $0x0  }
0x167: {  	[sflag:s8] =	ssyncadd.s32 $0xFFFFFFC0  }
0x168: {  	_ =	swait.ge [sflag:s7], $0x40  }
0x169: {  	[sflag:s7] =	ssyncset.done $0x0  }
0x16a: {  	[sflag:s7] =	ssyncadd.s32 $0xFFFFFFC0  }
0x16b: {  	_ =	swait.ge [sflag:s8], $0x40  }
0x16c: {  	[sflag:s8] =	ssyncset.done $0x0  }
0x16d: {  	[sflag:s8] =	ssyncadd.s32 $0xFFFFFFC0  }
0x16e: {  	[bflag:$0x0] =	sbarrier.arrive $0xFFFF  }
0x16f: {  	[tilespmem:s19], [sflag:$0x7] =	stream.linear.gather [spmem:s29], $0x280, $0x38;
	[tilespmem:$0x17B80] =	vst v63  }
0x170: {  	_ =	swait.ge [sflag:s3], $0x280  }
0x171: {  	[sflag:s3] =	ssyncset.done $0x0  }
0x172: {  	s20 =	rddreg [dreg:$0x17];
	[sflag:s3] =	ssyncadd.s32 $0xFFFFFD80  }
0x173: {  	[hbm4b:s20+s1] =	stream.linear.scatter [tilespmem:s19], [sflag:$0x7], $0x280, $0x38;
	[tilespmem:$0x17B80] =	vst v63  }
0x174: {  	_ =	swait.ge [sflag:s3], $0x280  }
0x175: {  	[sflag:s3] =	ssyncset.done $0x0  }
0x176: {  	[sflag:s3] =	ssyncadd.s32 $0xFFFFFD80  }
0x177: {  	[tilespmem:s19], [sflag:$0x7] =	stream.linear.gather [spmem:s30], $0x40, $0x38;
	[tilespmem:$0x17B80] =	vst v63  }
0x178: {  	_ =	swait.ge [sflag:s3], $0x40  }
0x179: {  	[sflag:s3] =	ssyncset.done $0x0  }
0x17a: {  	s2 =	rddreg [dreg:$0xb];
	[sflag:s3] =	ssyncadd.s32 $0xFFFFFFC0  }
0x17b: {  	[hbm4b:s2+s1] =	stream.linear.scatter [tilespmem:s19], [sflag:$0x7], $0x40, $0x38;
	[tilespmem:$0x17B80] =	vst v63  }
0x17c: {  	_ =	swait.ge [sflag:s3], $0x40  }
0x17d: {  	[sflag:s3] =	ssyncset.done $0x0  }
0x17e: {  	[sflag:s3] =	ssyncadd.s32 $0xFFFFFFC0  }
0x17f: {  	[tilespmem:s19], [sflag:$0x7] =	stream.linear.gather [spmem:s31], $0x40, $0x38;
	[tilespmem:$0x17B80] =	vst v63  }
0x180: {  	_ =	swait.ge [sflag:s3], $0x40  }
0x181: {  	[sflag:s3] =	ssyncset.done $0x0  }
0x182: {  	s20 =	rddreg [dreg:$0x18];
	[sflag:s3] =	ssyncadd.s32 $0xFFFFFFC0  }
0x183: {  	[hbm4b:s20+s1] =	stream.linear.scatter [tilespmem:s19], [sflag:$0x7], $0x40, $0x38;
	[tilespmem:$0x17B80] =	vst v63  }
0x184: {  	_ =	swait.ge [sflag:s3], $0x40  }
0x185: {  	[sflag:s3] =	ssyncset.done $0x0  }
0x186: {  	[sflag:s3] =	ssyncadd.s32 $0xFFFFFFC0  }
0x187: {  	[tilespmem:s6], [sflag:$0x7] =	stream.linear.gather [spmem:s21], $0x2000, $0x38;
	[tilespmem:$0x17B80] =	vst v63  }
0x188: {  	_ =	swait.ge [sflag:s3], $0x2000  }
0x189: {  	[sflag:s3] =	ssyncset.done $0x0  }
0x18a: {  	s2 =	rddreg [dreg:$0xc];
	[sflag:s3] =	ssyncadd.s32 $0xFFFFE000  }
0x18b: {  	[hbm4b:s2+s1] =	stream.linear.scatter [tilespmem:s6], [sflag:$0x5], $0x2000, $0x38;
	[tilespmem:$0x17B80] =	vst v63  }
0x18c: {  	s20 =	smov.u32 s21;
	s21 =	rddreg [dreg:$0x16]  }
0x18d: {  	[tilespmem:s19], [sflag:$0x7] =	stream.linear.gather [spmem:s21], $0x2000, $0x38;
	[tilespmem:$0x17B80] =	vst v63  }
0x18e: {  	_ =	swait.ge [sflag:s3], $0x2000  }
0x18f: {  	[sflag:s3] =	ssyncset.done $0x0  }
0x190: {  	s2 =	rddreg [dreg:$0xd];
	[sflag:s3] =	ssyncadd.s32 $0xFFFFE000  }
0x191: {  	[hbm4b:s2+s1] =	stream.linear.scatter [tilespmem:s19], [sflag:$0x6], $0x2000, $0x38;
	[tilespmem:$0x17B80] =	vst v63  }
0x192: {  	_ =	swait.ge [sflag:s4], $0x2000  }
0x193: {  	[sflag:s4] =	ssyncset.done $0x0  }
0x194: {  	[sflag:s4] =	ssyncadd.s32 $0xFFFFE000  }
0x195: {  	[tilespmem:s6], [sflag:$0x7] =	stream.linear.gather [spmem:s22], $0x2000, $0x38;
	[tilespmem:$0x17B80] =	vst v63  }
0x196: {  	_ =	swait.ge [sflag:s3], $0x2000  }
0x197: {  	[sflag:s3] =	ssyncset.done $0x0  }
0x198: {  	s21 =	rddreg [dreg:$0xe];
	[sflag:s3] =	ssyncadd.s32 $0xFFFFE000  }
0x199: {  	[hbm4b:s21+s1] =	stream.linear.scatter [tilespmem:s6], [sflag:$0x5], $0x2000, $0x38;
	[tilespmem:$0x17B80] =	vst v63  }
0x19a: {  	_ =	swait.ge [sflag:s5], $0x2000  }
0x19b: {  	[sflag:s5] =	ssyncset.done $0x0  }
0x19c: {  	[sflag:s5] =	ssyncadd.s32 $0xFFFFE000  }
0x19d: {  	[tilespmem:s19], [sflag:$0x7] =	stream.linear.gather [spmem:s23], $0x2000, $0x38;
	[tilespmem:$0x17B80] =	vst v63  }
0x19e: {  	_ =	swait.ge [sflag:s3], $0x2000  }
0x19f: {  	[sflag:s3] =	ssyncset.done $0x0  }
0x1a0: {  	s2 =	rddreg [dreg:$0xf];
	[sflag:s3] =	ssyncadd.s32 $0xFFFFE000  }
0x1a1: {  	[hbm4b:s2+s1] =	stream.linear.scatter [tilespmem:s19], [sflag:$0x6], $0x2000, $0x38;
	[tilespmem:$0x17B80] =	vst v63  }
0x1a2: {  	_ =	swait.ge [sflag:s4], $0x2000  }
0x1a3: {  	[sflag:s4] =	ssyncset.done $0x0  }
0x1a4: {  	[sflag:s4] =	ssyncadd.s32 $0xFFFFE000  }
0x1a5: {  	[tilespmem:s6], [sflag:$0x7] =	stream.linear.gather [spmem:s24], $0x2000, $0x38;
	[tilespmem:$0x17B80] =	vst v63  }
0x1a6: {  	_ =	swait.ge [sflag:s3], $0x2000  }
0x1a7: {  	[sflag:s3] =	ssyncset.done $0x0  }
0x1a8: {  	s21 =	rddreg [dreg:$0x10];
	[sflag:s3] =	ssyncadd.s32 $0xFFFFE000  }
0x1a9: {  	[hbm4b:s21+s1] =	stream.linear.scatter [tilespmem:s6], [sflag:$0x5], $0x2000, $0x38;
	[tilespmem:$0x17B80] =	vst v63  }
0x1aa: {  	_ =	swait.ge [sflag:s5], $0x2000  }
0x1ab: {  	[sflag:s5] =	ssyncset.done $0x0  }
0x1ac: {  	[sflag:s5] =	ssyncadd.s32 $0xFFFFE000  }
0x1ad: {  	[tilespmem:s19], [sflag:$0x7] =	stream.linear.gather [spmem:s25], $0x2000, $0x38;
	[tilespmem:$0x17B80] =	vst v63  }
0x1ae: {  	_ =	swait.ge [sflag:s3], $0x2000  }
0x1af: {  	[sflag:s3] =	ssyncset.done $0x0  }
0x1b0: {  	s2 =	rddreg [dreg:$0x11];
	[sflag:s3] =	ssyncadd.s32 $0xFFFFE000  }
0x1b1: {  	[hbm4b:s2+s1] =	stream.linear.scatter [tilespmem:s19], [sflag:$0x6], $0x2000, $0x38;
	[tilespmem:$0x17B80] =	vst v63  }
0x1b2: {  	_ =	swait.ge [sflag:s4], $0x2000  }
0x1b3: {  	[sflag:s4] =	ssyncset.done $0x0  }
0x1b4: {  	[sflag:s4] =	ssyncadd.s32 $0xFFFFE000  }
0x1b5: {  	[tilespmem:s6], [sflag:$0x7] =	stream.linear.gather [spmem:s26], $0x2000, $0x38;
	[tilespmem:$0x17B80] =	vst v63  }
0x1b6: {  	_ =	swait.ge [sflag:s3], $0x2000  }
0x1b7: {  	[sflag:s3] =	ssyncset.done $0x0  }
0x1b8: {  	s21 =	rddreg [dreg:$0x12];
	[sflag:s3] =	ssyncadd.s32 $0xFFFFE000  }
0x1b9: {  	[hbm4b:s21+s1] =	stream.linear.scatter [tilespmem:s6], [sflag:$0x5], $0x2000, $0x38;
	[tilespmem:$0x17B80] =	vst v63  }
0x1ba: {  	_ =	swait.ge [sflag:s5], $0x2000  }
0x1bb: {  	[sflag:s5] =	ssyncset.done $0x0  }
0x1bc: {  	[sflag:s5] =	ssyncadd.s32 $0xFFFFE000  }
0x1bd: {  	[tilespmem:s19], [sflag:$0x7] =	stream.linear.gather [spmem:s28], $0x2000, $0x38;
	[tilespmem:$0x17B80] =	vst v63  }
0x1be: {  	_ =	swait.ge [sflag:s3], $0x2000  }
0x1bf: {  	[sflag:s3] =	ssyncset.done $0x0  }
0x1c0: {  	s2 =	rddreg [dreg:$0x13];
	[sflag:s3] =	ssyncadd.s32 $0xFFFFE000  }
0x1c1: {  	[hbm4b:s2+s1] =	stream.linear.scatter [tilespmem:s19], [sflag:$0x6], $0x2000, $0x38;
	[tilespmem:$0x17B80] =	vst v63  }
0x1c2: {  	_ =	swait.ge [sflag:s4], $0x2000  }
0x1c3: {  	[sflag:s4] =	ssyncset.done $0x0  }
0x1c4: {  	[sflag:s4] =	ssyncadd.s32 $0xFFFFE000  }
0x1c5: {  	_ =	swait.ge [sflag:s5], $0x2000  }
0x1c6: {  	s13 =	sadd.s32 $0x1, s13;
	s21 =	rddreg [dreg:$0x19]  }
0x1c7: {  	p0 =	sne.s32 s13, s21  }
.Ltmp2:
0x1c8: {  	_ = 	snop;
	(pc) =	sbr.rel @p0 .LBB2_1-.Ltmp2, $3  }
0x1c9: {  	_ =	sdelay $0x1  }
0x1ca: {  	[sflag:s5] =	ssyncset.done $0x0  }
0x1cb: {  	[sflag:s5] =	ssyncadd.s32 $0xFFFFE000  }
0x1cc: {  	_ =	sfence.sel $0x180000  }
0x1cd: {  	[bflag:$0x0] =	sbarrier.arrive $0xFFFF  }
0x1ce: {  	_ =	strace $0x90000047  }
0x1cf: {  	s0 =	stileid.u32;
	[bflag:$0x2] =	sbarrier.arrive $0xFFFF  }
0x1d0: {  	p0 =	sne.s32 s0, $0x0;
	s0 =	rddreg [dreg:$0x8]  }
0x1d1: {  	s0 =	sadd.s32 @!p0 $0x100000, s0  }
0x1d2: {  	[sflag:s0] =	ssyncadd.tile.s32 @!p0 $0x1;
	_ =	shalt  }
.Lfunc_end2:
_tile_overlayer_lowered:
.L_overlay_start_2:
0x1d3: {  	(tag) =	ssettag $0x2  }
0x1d4: {  	s0 =	rddreg [dreg:$0x0];
	s2 =	stileid.u32  }
0x1d5: {  	s1 =	rddreg [dreg:$0x1];
	p0 =	sne.s32 s2, $0x0  }
0x1d6: {  	s3 =	rddreg [dreg:$0x2];
	[bflag:$0x3] =	sbarrier.arrive $0xFFFF;
	s2 =	simm.s32 @!p0 $0x1C07  }
0x1d7: {  	[timem:s3], [sflag:s2] =	dma.local @!p0 [hbm:s0], s1  }
0x1d8: {  	s0 =	simm.s32 @!p0 $0x7  }
0x1d9: {  	_ =	swait.ge @!p0 [sflag:s0], s1  }
0x1da: {  	s1 =	ssub.s32 @!p0 $0x0, s1;
	[sflag:s0] =	ssyncset.done @!p0 $0x0  }
0x1db: {  	[sflag:s0] =	ssyncadd.s32 @!p0 s1  }
0x1dc: {  	[bflag:$0x3] =	sbarrier.arrive $0xFFFF  }
0x1dd: {  	_ =	shalt  }

// kernel: kernel.13.cloned.1.call-start
scs
__scs_entry_jumppad:
0x0: {  	(pc) =	sbr.rel $0x88, $3  }
0x1: {  	(tag) =	ssettag $0x0;
	lr =	simm.s32 $0x1  }
0x2: {  	[smem:$0x3F8B] =	sst lr;
	_ =	strace $0xD0000000  }
0x3: {  	_ = 	snop  }
0x4: {  	_ = 	snop  }
0x5: {  	_ = 	snop  }
0x6: {  	_ = 	snop  }
0x7: {  	_ = 	snop  }
__scs_overlays_trampoline_lowered:
0x8: {  	[smem:$0x3F9A] =	sst s0  }
0x9: {  	[smem:$0x3F9B] =	sst s1  }
0xa: {  	[smem:$0x3F9C] =	sst s2  }
0xb: {  	[smem:$0x3F9D] =	sst s3  }
0xc: {  	[smem:$0x3F9E] =	sst s4  }
0xd: {  	[smem:$0x3F9F] =	sst s5  }
0xe: {  	[smem:$0x3FA0] =	sst s6  }
0xf: {  	[smem:$0x3FA1] =	sst s7  }
0x10: {  	[smem:$0x3FA2] =	sst s8  }
0x11: {  	[smem:$0x3FA3] =	sst s9;
	s0 =	simm.s32 @!p0 $0x0  }
0x12: {  	s1 =	sld [smem:$0x3F89];
	s0 =	simm.s32 @p0 $0x1  }
0x13: {  	[smem:$0x3FA4] =	sst s0;
	s0 =	simm.s32 @!p1 $0x0  }
0x14: {  	s2 =	sld [smem:$0x3F88];
	s0 =	simm.s32 @p1 $0x1  }
0x15: {  	[smem:$0x3FA5] =	sst s0;
	s0 =	simm.s32 @!p2 $0x0  }
0x16: {  	s3 =	sld [smem:$0x3FDB];
	s0 =	simm.s32 @p2 $0x1  }
0x17: {  	s4 =	simm.s32 $0x1BF5;
	[smem:$0x3FA7] =	sst s0  }
0x18: {  	s0 =	sld [smem:$0x3F8A];
	_ =	swait.ge [sflag:s4], $0x0  }
0x19: {  	s7 =	sld [smem:$0x3F8B]  }
0x1a: {  	s8 =	sadd.s32 $0xFFFFE003, lr  }
0x1b: {  	s9 =	sadd.s32 $0xFFFFFEF7, lr;
	s5 =	simm.s32 $0xFFFFFFFF;
	p2 =	slt.u32 s8, $0xFFFFF086  }
0x1c: {  	p1 =	slt.u32 s9, $0xF7A;
	s5 =	simm.s32 @!p2 $0x0  }
0x1d: {  	s5 =	simm.s32 @p1 $0x1;
	p0 =	seq.s32 s7, s2  }
0x1e: {  	s7 =	smul.u32 @!p0 $0xF7A, s2;
	p2 =	seq.s32 @!p0 s5, $0x0  }
0x1f: {  	s9 =	smul.u32 $0xF7A, s1;
	s8 =	simm.s32 @!p0 $0x1BF5;
	p2 =	por !p2, p0  }
0x20: {  	[sflag:s8] =	ssyncset.s32 @!p0 $0xFFFFF086;
	s6 =	sadd.s32 @!p0 s3, s7;
	s7 =	simm.s32 @!p0 $0x108  }
0x21: {  	s3 =	sadd.s32 s3, s9;
	s6 =	sadd.s32 @!p0 $0x88, s6;
	s7 =	simm.s32 @p2 $0x1082  }
0x22: {  	[simem:s7], [sflag:s8] =	dma.local @!p0 [hbm:s6], $0xF7A  }
0x23: {  	s9 =	sor.u32 $0xD0000000, s2;
	s6 =	simm.s32 $0x108;
	_ =	swait.ge @!p0 [sflag:s8], $0x0  }
0x24: {  	s3 =	sadd.s32 $0x88, s3;
	s6 =	simm.s32 @!p1 $0x1082;
	[sflag:s4] =	ssyncset.s32 $0xFFFFF086  }
0x25: {  	[simem:s6], [sflag:s4] =	dma.local [hbm:s3], $0xF7A  }
0x26: {  	[smem:$0x3F8B] =	sst s1;
	(tag) =	ssettag s2;
	_ =	strace s9  }
0x27: {  	s1 =	sld [smem:$0x3F9B]  }
0x28: {  	s2 =	sld [smem:$0x3F9C]  }
0x29: {  	s4 =	sld [smem:$0x3F9E]  }
0x2a: {  	p0 =	seq.s32 s5, $0x0;
	s5 =	sld [smem:$0x3F9F]  }
0x2b: {  	s6 =	sld [smem:$0x3FA0]  }
0x2c: {  	s7 =	sld [smem:$0x3FA1]  }
0x2d: {  	s3 =	simm.s32 $0x108;
	s8 =	sld [smem:$0x3FA2]  }
0x2e: {  	s3 =	simm.s32 @!p0 $0x1082;
	s9 =	sld [smem:$0x3FA3]  }
0x2f: {  	lr =	sadd.s32 s0, s3;
	s0 =	sld [smem:$0x3F9A]  }
0x30: {  	s3 =	sld [smem:$0x3F9D]  }
0x31: {  	[smem:$0x3FA6] =	sst s10  }
0x32: {  	s10 =	sld [smem:$0x3FA4];
	_ =	sdelay $0x3  }
0x33: {  	p0 =	seq.s32 s10, $0x1;
	s10 =	sld [smem:$0x3FA6];
	_ =	sdelay $0x3  }
0x34: {  	[smem:$0x3FA6] =	sst s10  }
0x35: {  	s10 =	sld [smem:$0x3FA5];
	_ =	sdelay $0x3  }
0x36: {  	p1 =	seq.s32 s10, $0x1;
	s10 =	sld [smem:$0x3FA6];
	_ =	sdelay $0x3  }
0x37: {  	[smem:$0x3FA6] =	sst s10  }
0x38: {  	s10 =	sld [smem:$0x3FA7]  }
0x39: {  	_ = 	snop;
	(pc) =	sbr.ind lr, $3  }
0x3a: {  	_ = 	snop  }
0x3b: {  	_ = 	snop  }
0x3c: {  	p2 =	seq.s32 s10, $0x1;
	s10 =	sld [smem:$0x3FA6]  }
0x3d: {  	_ =	shalt  }
0x3e: {  	_ =	shalt  }
0x3f: {  	_ =	shalt  }
0x40: {  	_ =	shalt  }
0x41: {  	_ =	shalt  }
0x42: {  	_ =	shalt  }
0x43: {  	_ =	shalt  }
0x44: {  	_ =	shalt  }
0x45: {  	_ =	shalt  }
0x46: {  	_ =	shalt  }
0x47: {  	_ =	shalt  }
0x48: {  	_ =	shalt  }
0x49: {  	_ =	shalt  }
0x4a: {  	_ =	shalt  }
0x4b: {  	_ =	shalt  }
0x4c: {  	_ =	shalt  }
0x4d: {  	_ =	shalt  }
0x4e: {  	_ =	shalt  }
0x4f: {  	_ =	shalt  }
0x50: {  	_ =	shalt  }
0x51: {  	_ =	shalt  }
0x52: {  	_ =	shalt  }
0x53: {  	_ =	shalt  }
0x54: {  	_ =	shalt  }
0x55: {  	_ =	shalt  }
0x56: {  	_ =	shalt  }
0x57: {  	_ =	shalt  }
0x58: {  	_ =	shalt  }
0x59: {  	_ =	shalt  }
0x5a: {  	_ =	shalt  }
0x5b: {  	_ =	shalt  }
0x5c: {  	_ =	shalt  }
0x5d: {  	_ =	shalt  }
0x5e: {  	_ =	shalt  }
0x5f: {  	_ =	shalt  }
0x60: {  	_ =	shalt  }
0x61: {  	_ =	shalt  }
0x62: {  	_ =	shalt  }
0x63: {  	_ =	shalt  }
0x64: {  	_ =	shalt  }
0x65: {  	_ =	shalt  }
0x66: {  	_ =	shalt  }
0x67: {  	_ =	shalt  }
0x68: {  	_ =	shalt  }
0x69: {  	_ =	shalt  }
0x6a: {  	_ =	shalt  }
0x6b: {  	_ =	shalt  }
0x6c: {  	_ =	shalt  }
0x6d: {  	_ =	shalt  }
0x6e: {  	_ =	shalt  }
0x6f: {  	_ =	shalt  }
0x70: {  	_ =	shalt  }
0x71: {  	_ =	shalt  }
0x72: {  	_ =	shalt  }
0x73: {  	_ =	shalt  }
0x74: {  	_ =	shalt  }
0x75: {  	_ =	shalt  }
0x76: {  	_ =	shalt  }
0x77: {  	_ =	shalt  }
0x78: {  	_ =	shalt  }
0x79: {  	_ =	shalt  }
0x7a: {  	_ =	shalt  }
0x7b: {  	_ =	shalt  }
0x7c: {  	_ =	shalt  }
0x7d: {  	_ =	shalt  }
0x7e: {  	_ =	shalt  }
0x7f: {  	_ =	shalt  }
0x80: {  	_ =	shalt  }
0x81: {  	_ =	shalt  }
0x82: {  	_ =	shalt  }
0x83: {  	_ =	shalt  }
0x84: {  	_ =	shalt  }
0x85: {  	_ =	shalt  }
0x86: {  	_ =	shalt  }
0x87: {  	_ =	shalt  }
.Lfunc_end0:
.L_simem_size_0:
called_computation.1_lowered:
.L_overlay_start_0:
0x88: {  	s2 =	sld [smem:$0x3FD9]  }
0x89: {  	s3 =	sld [smem:$0x3FFE];
	_ =	sdelay $0x1  }
0x8a: {  	s1 =	srdreg.scid  }
0x8b: {  	s0 =	sand.u32 $0x1, s1  }
0x8c: {  	s16 =	sshll.u32 s0, $0xA;
	s2 =	sadd.s32 s3, s2  }
0x8d: {  	s2 =	sadd.s32 s2, s16  }
0x8e: {  	[smem:$0x3FB2] =	sst s2  }
0x8f: {  	_ = 	snop  }
0x90: {  	(tm) =	ssettm $0x1  }
0x91: {  	s17 =	sld [smem:$0x3FFB];
	_ =	sdelay $0x3  }
0x92: {  	_ =	strace s17  }
0x93: {  	s2 =	sld [smem:$0x3FFC];
	_ =	sdelay $0x3  }
0x94: {  	_ =	strace s2  }
0x95: {  	s2 =	sld [smem:$0x3FFD];
	_ =	sdelay $0x3  }
0x96: {  	_ =	strace s2  }
0x97: {  	_ =	strace $0x8FFFFFFF  }
0x98: {  	s18 =	sld [smem:$0x3FDB];
	_ =	sdelay $0x1  }
0x99: {  	s19 =	simm.s32 $_scs_section_size  }
0x9a: {  	s4 =	simm.s32 $_size__tile_overlayer_lowered;
	s5 =	simm.s32 $_tile_overlayer_lowered  }
0x9b: {  	s22 =	simm.s32 $0x1BFF;
	s21 =	sshll.u32 s5, $0x1;
	s2 =	sadd.s32 s19, s18  }
0x9c: {  	s6 =	simm.s32 $0x0;
	s20 =	sshll.u32 s4, $0x1;
	s4 =	sadd.s32 s21, s2  }
0x9d: {  	[timem:s6], [sflag:s22] =	dma.local [hbm:s4], s20  }
0x9e: {  	_ =	swait.ge [sflag:s22], s20  }
0x9f: {  	s3 =	ssub.s32 $0x0, s20;
	[sflag:s22] =	ssyncset.done $0x0  }
0xa0: {  	[sflag:s22] =	ssyncadd.s32 s3;
	_ =	sdelay $0x1  }
0xa1: {  	s23 =	simm.s32 $0x1B8B  }
0xa2: {  	_ =	swait.ge [sflag:s23], $0x1  }
0xa3: {  	[sflag:s23] =	ssyncset.done $0x0  }
0xa4: {  	s25 =	simm.s32 $0x1B8E;
	s24 =	sld [smem:$0x3FFE];
	[sflag:s23] =	ssyncadd.s32 $0xFFFFFFFF  }
0xa5: {  	s26 =	simm.s32 $execute0_lowered;
	[smem:$0x3FD2] =	sst s25  }
0xa6: {  	s4 =	sshll.u32 s26, $0x1;
	_ =	strace $0x80000049;
	[dreg:$0x1] =	wrdreg $0xFFFFFFFF  }
0xa7: {  	s28 =	simm.s32 $_size_execute0_lowered;
	s2 =	sadd.s32 s2, s4;
	[dreg:$0x0] =	wrdreg $0x0  }
0xa8: {  	s4 =	sshll.u32 s28, $0x1;
	[dreg:$0x2] =	wrdreg s2  }
0xa9: {  	[dreg:$0x3] =	wrdreg s4  }
0xaa: {  	[dreg:$0x4] =	wrdreg $0xC0  }
0xab: {  	_ =	task [dreg:s6], $0x5FFFF  }
0xac: {  	[dreg:$0x1] =	wrdreg $0xFFFFFFFF  }
0xad: {  	[dreg:$0x0] =	wrdreg $0x60  }
0xae: {  	[dreg:$0x2] =	wrdreg s24  }
0xaf: {  	[dreg:$0x3] =	wrdreg $0xA8000  }
0xb0: {  	[dreg:$0x4] =	wrdreg $0x9  }
0xb1: {  	_ =	task.clear_ibuf [dreg:s6], $0x5FFFF;
	_ =	strace $0x90000049  }
0xb2: {  	s29 =	simm.s32 $0x9;
	_ =	strace $0x8000004B  }
0xb3: {  	_ =	swait.ge [sflag:s29], $0x1  }
0xb4: {  	[sflag:s29] =	ssyncadd.s32 $0xFFFFFFFF  }
0xb5: {  	_ =	strace $0x9000004B  }
0xb6: {  	_ =	sfence  }
0xb7: {  	s30 =	sld [smem:$0x0];
	_ =	sdelay $0x2  }
0xb8: {  	s31 =	sshll.u32 s1, $0xD;
	s1 =	sshrl.u32 s1, $0x2  }
0xb9: {  	s3 =	sand.u32 $0x4000, s31;
	s1 =	sadd.s32 s1, s30  }
0xba: {  	s0 =	sor.u32 s3, s0;
	s1 =	sshll.u32 s1, $0x11  }
0xbb: {  	s0 =	sor.u32 s1, s0  }
0xbc: {  	s0 =	sadd.s32 $0x8F2B, s0  }
0xbd: {  	[sflag:s0] =	ssyncadd.remote.s32 $0x1  }
0xbe: {  	_ =	sfence.sel $0xFFFF  }
0xbf: {  	[dreg:$0x0] =	wrdreg $0xFFFFFFFF;
	(pc) =	sbr.abs _section_cstart, $3  }
0xc0: {  	[dreg:$0x1] =	wrdreg $0xFFFFFFFF  }
0xc1: {  	_ =	task.clear_ibuf [dreg:s6], $0x2FFFF;
	_ =	strace $0x9FFFFFFF  }
0xc2: {  	(tm) =	ssettm $0x7FFFFFFF  }
0xc3: {  	_ =	shalt  }
tec
execute0_lowered:
.L_overlay_start_1:
0x0: {  	(tag) =	ssettag $0x1  }
0x1: {  	s0 =	rddreg [dreg:$0x0]  }
0x2: {  	s1 =	rddreg [dreg:$0x1];
	s3 =	simm.s32 $0x0  }
0x3: {  	s4 =	srdreg.scid;
	s2 =	stileid.u32;
	s19 =	simm.s32 $0x2800  }
0x4: {  	s20 =	simm.s32 $0x1;
	s21 =	simm.s32 $0x3;
	s28 =	simm.s32 $0x2  }
0x5: {  	s29 =	simm.s32 $0x0;
	[smem:$0x7FF] =	sst s3;
	s7 =	sand.u32 $0x1, s4  }
0x6: {  	s4 =	sadd.s32 $0x5AC00, s0;
	s11 =	smul.u32 $0x280, s2;
	s5 =	sadd.s32 $0x6000, s0  }
0x7: {  	s10 =	smul.u32 $0x50000, s2;
	s6 =	sadd.s32 $0x10000, s0;
	s0 =	sadd.s32 $0xAAC00, s0  }
0x8: {  	_ =	strace $0x8000004A;
	s8 =	ssub.s32 $0x2, s7;
	s26 =	smul.u32 $0x2800, s7  }
0x9: {  	s9 =	sshrl.u32 s8, $0x1;
	s22 =	sshrl.u32 s10, $0x2;
	s12 =	sadd.s32 $0x80, s11  }
0xa: {  	s15 =	sadd.s32 $0x100, s11;
	s16 =	sadd.s32 $0x180, s11;
	s17 =	sadd.s32 $0x200, s11  }
0xb: {  	s18 =	ssub.s32 s8, s9;
	s7 =	sadd.s32 s22, s1;
	s23 =	sshll.u32 s12, $0x7  }
0xc: {  	s24 =	sshll.u32 s15, $0x7;
	s25 =	sshll.u32 s16, $0x7;
	s13 =	sshll.u32 s17, $0x7  }
0xd: {  	s14 =	sadd.s32 s11, s26;
	s31 =	sadd.s32 s26, s12;
	s12 =	smul.u32 $0x5000, s2  }
0xe: {  	s15 =	sadd.s32 s26, s15;
	s16 =	sadd.s32 s26, s16;
	s17 =	sadd.s32 s26, s17  }
0xf: {  	s22 =	simm.s32 $0x4;
	v0 =	vmov s26;
	s26 =	simm.s32 $0x6800;
	s8 =	sadd.s32 s23, s1  }
0x10: {  	s9 =	sadd.s32 s24, s1;
	s10 =	sadd.s32 s25, s1;
	s11 =	sadd.s32 s13, s1  }
.Ltmp0:
0x11: {  	s30 =	sshll.u32 s14, $0x4;
	s14 =	sshll.u32 s31, $0x4;
	(pc) =	sbr.rel .LBB2_1-.Ltmp0, $4  }
0x12: {  	s15 =	sshll.u32 s15, $0x4;
	s16 =	sshll.u32 s16, $0x4;
	s17 =	sshll.u32 s17, $0x4  }
0x13: {  	s18 =	smax.u32 s18, $0x1;
	s23 =	simm.s32 $0x5;
	s24 =	simm.s32 $0x1400  }
0x14: {  	s25 =	simm.s32 $0x80;
	s13 =	sadd.s32 s0, s30;
	s14 =	sadd.s32 s0, s14  }
0x15: {  	v1 =	vimm.f32 $0.0e+00;
	s15 =	sadd.s32 s0, s15;
	s16 =	sadd.s32 s0, s16;
	s17 =	sadd.s32 s0, s17  }
.LBB2_12:
0x16: {  	_ =	swait.ge [sflag:s21], $0x4000  }
0x17: {  	[sflag:s21] =	ssyncset.done $0x0  }
0x18: {  	[sflag:s21] =	ssyncadd.s32 $0xFFFFC000  }
0x19: {  	_ =	swait.ge [sflag:s22], $0x4000  }
0x1a: {  	[sflag:s22] =	ssyncset.done $0x0  }
0x1b: {  	[sflag:s22] =	ssyncadd.s32 $0xFFFFC000  }
0x1c: {  	[bflag:$0x0] =	sbarrier.arrive $0xFFFF  }
0x1d: {  	[tilespmem:s19], [sflag:$0x5] =	stream.linear.gather [spmem:s7], $0x4000, $0x38;
	[tilespmem:$0x1E800] =	vst v63  }
0x1e: {  	_ =	swait.ge [sflag:s23], $0x4000  }
0x1f: {  	[sflag:s23] =	ssyncset.done $0x0  }
0x20: {  	[sflag:s23] =	ssyncadd.s32 $0xFFFFC000  }
0x21: {  	[hbm4b:s13+s3] =	stream.linear.scatter [tilespmem:s19], [sflag:$0x1], $0x4000, $0x38;
	[tilespmem:$0x1E800] =	vst v63  }
0x22: {  	_ = 	snop  }
0x23: {  	[tilespmem:s26], [sflag:$0x5] =	stream.linear.gather [spmem:s8], $0x4000, $0x38;
	[tilespmem:$0x1E800] =	vst v63  }
0x24: {  	_ =	swait.ge [sflag:s23], $0x4000  }
0x25: {  	[sflag:s23] =	ssyncset.done $0x0  }
0x26: {  	[sflag:s23] =	ssyncadd.s32 $0xFFFFC000  }
0x27: {  	[hbm4b:s14+s3] =	stream.linear.scatter [tilespmem:s26], [sflag:$0x2], $0x4000, $0x38;
	[tilespmem:$0x1E800] =	vst v63  }
0x28: {  	_ =	swait.ge [sflag:s20], $0x4000  }
0x29: {  	[sflag:s20] =	ssyncset.done $0x0  }
0x2a: {  	[sflag:s20] =	ssyncadd.s32 $0xFFFFC000  }
0x2b: {  	[tilespmem:s19], [sflag:$0x5] =	stream.linear.gather [spmem:s9], $0x4000, $0x38;
	[tilespmem:$0x1E800] =	vst v63  }
0x2c: {  	_ =	swait.ge [sflag:s23], $0x4000  }
0x2d: {  	[sflag:s23] =	ssyncset.done $0x0  }
0x2e: {  	[sflag:s23] =	ssyncadd.s32 $0xFFFFC000  }
0x2f: {  	[hbm4b:s15+s3] =	stream.linear.scatter [tilespmem:s19], [sflag:$0x1], $0x4000, $0x38;
	[tilespmem:$0x1E800] =	vst v63  }
0x30: {  	_ =	swait.ge [sflag:s28], $0x4000  }
0x31: {  	[sflag:s28] =	ssyncset.done $0x0  }
0x32: {  	[sflag:s28] =	ssyncadd.s32 $0xFFFFC000  }
0x33: {  	[tilespmem:s26], [sflag:$0x5] =	stream.linear.gather [spmem:s10], $0x4000, $0x38;
	[tilespmem:$0x1E800] =	vst v63  }
0x34: {  	_ =	swait.ge [sflag:s23], $0x4000  }
0x35: {  	[sflag:s23] =	ssyncset.done $0x0  }
0x36: {  	[sflag:s23] =	ssyncadd.s32 $0xFFFFC000  }
0x37: {  	[hbm4b:s16+s3] =	stream.linear.scatter [tilespmem:s26], [sflag:$0x2], $0x4000, $0x38;
	[tilespmem:$0x1E800] =	vst v63  }
0x38: {  	_ =	swait.ge [sflag:s20], $0x4000  }
0x39: {  	[sflag:s20] =	ssyncset.done $0x0  }
0x3a: {  	[sflag:s20] =	ssyncadd.s32 $0xFFFFC000  }
0x3b: {  	[tilespmem:s19], [sflag:$0x5] =	stream.linear.gather [spmem:s11], $0x4000, $0x38;
	[tilespmem:$0x1E800] =	vst v63  }
0x3c: {  	_ =	swait.ge [sflag:s23], $0x4000  }
0x3d: {  	[sflag:s23] =	ssyncset.done $0x0  }
0x3e: {  	s29 =	sadd.s32 $0x1, s29;
	[sflag:s23] =	ssyncadd.s32 $0xFFFFC000  }
0x3f: {  	[hbm4b:s17+s3] =	stream.linear.scatter [tilespmem:s19], [sflag:$0x1], $0x4000, $0x38;
	[tilespmem:$0x1E800] =	vst v63  }
0x40: {  	p0 =	sne.s32 s29, s18;
	_ =	swait.ge [sflag:s28], $0x4000  }
.Ltmp1:
0x41: {  	[sflag:s28] =	ssyncset.done $0x0;
	(pc) =	sbr.rel @!p0 .LBB2_13-.Ltmp1, $4  }
0x42: {  	[sflag:s28] =	ssyncadd.s32 $0xFFFFC000  }
0x43: {  	_ =	swait.ge [sflag:s20], $0x4000  }
0x44: {  	[sflag:s20] =	ssyncset.done $0x0  }
0x45: {  	[sflag:s20] =	ssyncadd.s32 $0xFFFFC000  }
.LBB2_1:
0x46: {  	s0 =	simm.s32 $0x0;
	s30 =	simm.s32 $0x200  }
.LBB2_2:
0x47: {  	p0 =	sne.s32 s30, $0xFE00;
	[tilespmem:s0+$0x2870] =	vst v1  }
0x48: {  	[tilespmem:s0+$0x2800] =	vst v1  }
0x49: {  	[tilespmem:s0+$0x2810] =	vst v1  }
.Ltmp2:
0x4a: {  	[tilespmem:s0+$0x2820] =	vst v1;
	(pc) =	sbr.rel @p0 .LBB2_2-.Ltmp2, $4  }
0x4b: {  	[tilespmem:s0+$0x2830] =	vst v1  }
0x4c: {  	[tilespmem:s0+$0x2840] =	vst v1  }
0x4d: {  	[tilespmem:s0+$0x2850] =	vst v1  }
0x4e: {  	[tilespmem:s0+$0x2860] =	vst v1;
	s0 =	sshra.s32 s30, $0x2;
	s30 =	sadd.s32 $0x200, s30  }
0x4f: {  	[tilespmem:s0+$0x2870] =	vst v1  }
0x50: {  	[tilespmem:s0+$0x2800] =	vst v1  }
0x51: {  	[tilespmem:s0+$0x2810] =	vst v1  }
0x52: {  	[tilespmem:s0+$0x2820] =	vst v1  }
0x53: {  	[tilespmem:s0+$0x2830] =	vst v1  }
0x54: {  	[tilespmem:s0+$0x2840] =	vst v1  }
0x55: {  	[tilespmem:s0+$0x2850] =	vst v1  }
0x56: {  	[tilespmem:s0+$0x2860] =	vst v1  }
0x57: {  	[spmem:s7] =	stream.linear.scatter [tilespmem:s19], [sflag:$0x1], $0x4000, $0x38;
	[tilespmem:$0x1E800] =	vst v63  }
0x58: {  	_ = 	snop  }
0x59: {  	[spmem:s8] =	stream.linear.scatter [tilespmem:s19], [sflag:$0x1], $0x4000, $0x38;
	[tilespmem:$0x1E800] =	vst v63  }
0x5a: {  	_ = 	snop  }
0x5b: {  	[spmem:s9] =	stream.linear.scatter [tilespmem:s19], [sflag:$0x1], $0x4000, $0x38;
	[tilespmem:$0x1E800] =	vst v63  }
0x5c: {  	_ = 	snop  }
0x5d: {  	[spmem:s10] =	stream.linear.scatter [tilespmem:s19], [sflag:$0x1], $0x4000, $0x38;
	[tilespmem:$0x1E800] =	vst v63  }
0x5e: {  	_ = 	snop  }
0x5f: {  	[spmem:s11] =	stream.linear.scatter [tilespmem:s19], [sflag:$0x1], $0x4000, $0x38;
	[tilespmem:$0x1E800] =	vst v63  }
0x60: {  	_ =	swait.ge [sflag:s20], $0x4000  }
0x61: {  	[sflag:s20] =	ssyncset.done $0x0  }
0x62: {  	[sflag:s20] =	ssyncadd.s32 $0xFFFFC000  }
0x63: {  	_ =	swait.ge [sflag:s20], $0x4000  }
0x64: {  	[sflag:s20] =	ssyncset.done $0x0  }
0x65: {  	[sflag:s20] =	ssyncadd.s32 $0xFFFFC000  }
0x66: {  	_ =	swait.ge [sflag:s20], $0x4000  }
0x67: {  	[sflag:s20] =	ssyncset.done $0x0  }
0x68: {  	[sflag:s20] =	ssyncadd.s32 $0xFFFFC000  }
0x69: {  	_ =	swait.ge [sflag:s20], $0x4000  }
0x6a: {  	[sflag:s20] =	ssyncset.done $0x0  }
0x6b: {  	[sflag:s20] =	ssyncadd.s32 $0xFFFFC000  }
.Ltmp3:
0x6c: {  	_ =	swait.ge [sflag:s20], $0x4000;
	(pc) =	sbr.rel .LBB2_4-.Ltmp3, $4  }
0x6d: {  	[sflag:s20] =	ssyncset.done $0x0  }
0x6e: {  	[sflag:s20] =	ssyncadd.s32 $0xFFFFC000  }
0x6f: {  	[bflag:$0x0] =	sbarrier.arrive $0xFFFF  }
0x70: {  	s30 =	simm.s32 $0x0  }
.LBB2_6:
0x71: {  	s0 =	sand.u32 $0xFF, s0  }
0x72: {  	p0 =	sne.s32 s0, $0x0  }
.Ltmp4:
0x73: {  	_ = 	snop;
	(pc) =	sbr.rel @!p0 .LBB2_7-.Ltmp4, $1  }
0x74: {  	_ =	sdelay $0x3  }
0x75: {  	_ =	swait.ge [sflag:s21], $0x4000  }
0x76: {  	[sflag:s21] =	ssyncset.done $0x0  }
0x77: {  	s0 =	sshll.u32 s0, $0x8;
	[sflag:s21] =	ssyncadd.s32 $0xFFFFC000  }
0x78: {  	[tilespmem:s19], [sflag:$0x1] =	stream.indirect.gather [hbm4b:s4+s25], $0x80, s0, s25, $0xb8;
	[tilespmem:$0x1E800] =	vst v63  }
0x79: {  	_ =	swait.ge [sflag:s22], $0x4000  }
0x7a: {  	[sflag:s22] =	ssyncset.done $0x0  }
0x7b: {  	[sflag:s22] =	ssyncadd.s32 $0xFFFFC000  }
.LBB2_11:
0x7c: {  	s2 =	sor.u32 $0x80, s0  }
0x7d: {  	[tilespmem:s26], [sflag:$0x2] =	stream.indirect.gather [hbm4b:s4+s25], $0x80, s2, s25, $0xb8;
	[tilespmem:$0x1E800] =	vst v63  }
0x7e: {  	_ =	swait.ge [sflag:s20], $0x4000  }
0x7f: {  	s30 =	sadd.s32 $0x1, s30;
	[sflag:s20] =	ssyncset.done $0x0  }
0x80: {  	s31 =	sadd.s32 $0x1400, s0;
	p0 =	sne.s32 s30, $0x50;
	[sflag:s20] =	ssyncadd.s32 $0xFFFFC000  }
0x81: {  	[spmem:s1] =	stream.indirect.scatter.add.f32 [tilespmem:s19], [sflag:$0x3], $0x80, s31, s25, $0xb8;
	[tilespmem:$0x1E800] =	vst v63  }
.Ltmp5:
0x82: {  	_ = 	snop;
	(pc) =	sbr.rel @!p0 .LBB2_12-.Ltmp5, $4  }
0x83: {  	_ =	swait.ge [sflag:s28], $0x4000  }
0x84: {  	[sflag:s28] =	ssyncset.done $0x0  }
0x85: {  	s31 =	sadd.s32 $0x1480, s0;
	[sflag:s28] =	ssyncadd.s32 $0xFFFFC000  }
0x86: {  	[spmem:s1] =	stream.indirect.scatter.add.f32 [tilespmem:s26], [sflag:$0x4], $0x80, s31, s25, $0xb8;
	[tilespmem:$0x1E800] =	vst v63  }
.LBB2_4:
0x87: {  	s0 =	smul.u32 $0xCD, s30;
	_ =	sdelay $0x1  }
0x88: {  	s0 =	sshrl.u32 s0, $0xC  }
0x89: {  	s0 =	sand.u32 $0xF, s0  }
0x8a: {  	s0 =	smul.u32 $0x14, s0;
	_ =	sdelay $0x1  }
0x8b: {  	p0 =	seq.s32 s30, $0x0;
	s0 =	ssub.s32 s30, s0  }
0x8c: {  	s31 =	sand.u32 @!p0 $0xFF, s0  }
0x8d: {  	p1 =	sne.s32 @!p0 s31, $0x0  }
0x8e: {  	p0 =	por p0, p1  }
.Ltmp6:
0x8f: {  	_ = 	snop;
	(pc) =	sbr.rel @p0 .LBB2_6-.Ltmp6, $1  }
0x90: {  	_ =	sdelay $0x3  }
0x91: {  	_ =	swait.ge [sflag:s21], $0x4000  }
0x92: {  	[sflag:s21] =	ssyncset.done $0x0  }
0x93: {  	[sflag:s21] =	ssyncadd.s32 $0xFFFFC000  }
0x94: {  	_ =	swait.ge [sflag:s22], $0x4000  }
0x95: {  	[sflag:s22] =	ssyncset.done $0x0  }
0x96: {  	[sflag:s22] =	ssyncadd.s32 $0xFFFFC000  }
.LBB2_7:
0x97: {  	s0 =	sshll.u32 s30, $0x8  }
0x98: {  	s0 =	sadd.s32 s12, s0  }
0x99: {  	s0 =	sshrl.u32 s0, $0x3  }
0x9a: {  	s0 =	sand.u32 $0x1FF80, s0  }
0x9b: {  	s2 =	simm.s32 $0x0;
	s31 =	sadd.s32 s5, s0  }
0x9c: {  	[tilespmem:s2], [sflag:$0x5] =	stream.linear.gather [hbm4b:s31+s2], $0x1400, $0x38;
	[tilespmem:$0x1E800] =	vst v63  }
0x9d: {  	_ =	swait.ge [sflag:s23], $0x1400  }
0x9e: {  	[sflag:s23] =	ssyncset.done $0x0  }
0x9f: {  	s0 =	sadd.s32 s6, s0;
	[sflag:s23] =	ssyncadd.s32 $0xFFFFEC00  }
0xa0: {  	[tilespmem:s24], [sflag:$0x5] =	stream.linear.gather [hbm4b:s0+s2], $0x1400, $0x38;
	[tilespmem:$0x1E800] =	vst v63  }
0xa1: {  	_ =	swait.ge [sflag:s23], $0x1400  }
0xa2: {  	[sflag:s23] =	ssyncset.done $0x0  }
0xa3: {  	s31 =	simm.s32 $0x0;
	[sflag:s23] =	ssyncadd.s32 $0xFFFFEC00  }
0xa4: {  	v4 =	vld [tilespmem:s31+$0x0]  }
0xa5: {  	v6 =	vld [tilespmem:s31+$0x10]  }
0xa6: {  	v5 =	vld [tilespmem:s31+$0x20]  }
0xa7: {  	v3 =	vld [tilespmem:s31+$0x30]  }
0xa8: {  	v2 =	vld [tilespmem:s31+$0x40]  }
0xa9: {  	v7 =	vadd.s32 v0, v4;
	v4 =	vld [tilespmem:s31+$0x50]  }
0xaa: {  	s0 =	simm.s32 $0x200;
	[tilespmem:s31+$0x0] =	vst v7;
	v7 =	vadd.s32 v0, v6;
	v6 =	vld [tilespmem:s31+$0x60]  }
.LBB2_8:
0xab: {  	s2 =	sshra.s32 s0, $0x2;
	p0 =	sne.s32 s0, $0x4E00;
	[tilespmem:s31+$0x10] =	vst v7;
	v5 =	vadd.s32 v0, v5;
	v7 =	vld [tilespmem:s31+$0x70]  }
0xac: {  	v8 =	vld [tilespmem:s2+$0x0];
	[tilespmem:s31+$0x20] =	vst v5;
	v3 =	vadd.s32 v0, v3  }
0xad: {  	v9 =	vld [tilespmem:s2+$0x10];
	[tilespmem:s31+$0x30] =	vst v3;
	v2 =	vadd.s32 v0, v2  }
.Ltmp7:
0xae: {  	v5 =	vld [tilespmem:s2+$0x20];
	[tilespmem:s31+$0x40] =	vst v2;
	v2 =	vadd.s32 v0, v4;
	(pc) =	sbr.rel @p0 .LBB2_8-.Ltmp7, $4  }
0xaf: {  	v3 =	vld [tilespmem:s2+$0x30];
	[tilespmem:s31+$0x50] =	vst v2;
	v4 =	vadd.s32 v0, v6  }
0xb0: {  	v2 =	vld [tilespmem:s2+$0x40];
	[tilespmem:s31+$0x60] =	vst v4;
	v6 =	vadd.s32 v0, v7  }
0xb1: {  	v7 =	vadd.s32 v0, v8;
	v4 =	vld [tilespmem:s2+$0x50];
	[tilespmem:s31+$0x70] =	vst v6;
	s31 =	smov.u32 s2  }
0xb2: {  	s0 =	sadd.s32 $0x200, s0;
	[tilespmem:s31+$0x0] =	vst v7;
	v7 =	vadd.s32 v0, v9;
	v6 =	vld [tilespmem:s31+$0x60]  }
0xb3: {  	[tilespmem:s31+$0x10] =	vst v7;
	v5 =	vadd.s32 v0, v5;
	v63 =	vld [tilespmem:s31+$0x70]  }
0xb4: {  	[tilespmem:s31+$0x20] =	vst v5;
	v3 =	vadd.s32 v0, v3  }
0xb5: {  	[tilespmem:s31+$0x30] =	vst v3;
	v2 =	vadd.s32 v0, v2  }
.Ltmp8:
0xb6: {  	[tilespmem:s31+$0x40] =	vst v2;
	v2 =	vadd.s32 v0, v4;
	(pc) =	sbr.rel .LBB2_11-.Ltmp8, $4  }
0xb7: {  	[tilespmem:s31+$0x50] =	vst v2;
	v2 =	vadd.s32 v0, v6  }
0xb8: {  	[tilespmem:s31+$0x60] =	vst v2;
	v2 =	vadd.s32 v0, v63  }
0xb9: {  	s0 =	simm.s32 $0x0;
	[tilespmem:s31+$0x70] =	vst v2  }
0xba: {  	[tilespmem:s19], [sflag:$0x1] =	stream.indirect.gather [hbm4b:s4+s25], $0x80, s0, s25, $0xb8;
	[tilespmem:$0x1E800] =	vst v63  }
.LBB2_13:
0xbb: {  	_ =	sfence.sel $0x180000  }
0xbc: {  	[bflag:$0x0] =	sbarrier.arrive $0xFFFF  }
0xbd: {  	_ =	strace $0x9000004A  }
0xbe: {  	s0 =	stileid.u32;
	[bflag:$0x2] =	sbarrier.arrive $0xFFFF  }
0xbf: {  	p0 =	sne.s32 s0, $0x0;
	s0 =	rddreg [dreg:$0x2]  }
0xc0: {  	s0 =	sadd.s32 @!p0 $0x100000, s0  }
0xc1: {  	[sflag:s0] =	ssyncadd.tile.s32 @!p0 $0x1;
	_ =	shalt  }
.Lfunc_end2:
_tile_overlayer_lowered:
.L_overlay_start_2:
0xc2: {  	(tag) =	ssettag $0x2  }
0xc3: {  	s0 =	rddreg [dreg:$0x0];
	s2 =	stileid.u32  }
0xc4: {  	s1 =	rddreg [dreg:$0x1];
	p0 =	sne.s32 s2, $0x0  }
0xc5: {  	s3 =	rddreg [dreg:$0x2];
	[bflag:$0x3] =	sbarrier.arrive $0xFFFF;
	s2 =	simm.s32 @!p0 $0x1C05  }
0xc6: {  	[timem:s3], [sflag:s2] =	dma.local @!p0 [hbm:s0], s1  }
0xc7: {  	s0 =	simm.s32 @!p0 $0x5  }
0xc8: {  	_ =	swait.ge @!p0 [sflag:s0], s1  }
0xc9: {  	s1 =	ssub.s32 @!p0 $0x0, s1;
	[sflag:s0] =	ssyncset.done @!p0 $0x0  }
0xca: {  	[sflag:s0] =	ssyncadd.s32 @!p0 s1  }
0xcb: {  	[bflag:$0x3] =	sbarrier.arrive $0xFFFF  }
0xcc: {  	_ =	shalt  }

// kernel: kernel.16.cloned.1.call-start
scs
__scs_entry_jumppad:
0x0: {  	(pc) =	sbr.rel $0x88, $3  }
0x1: {  	(tag) =	ssettag $0x0;
	lr =	simm.s32 $0x1  }
0x2: {  	[smem:$0x3F8B] =	sst lr;
	_ =	strace $0xD0000000  }
0x3: {  	_ = 	snop  }
0x4: {  	_ = 	snop  }
0x5: {  	_ = 	snop  }
0x6: {  	_ = 	snop  }
0x7: {  	_ = 	snop  }
__scs_overlays_trampoline_lowered:
0x8: {  	[smem:$0x3F9A] =	sst s0  }
0x9: {  	[smem:$0x3F9B] =	sst s1  }
0xa: {  	[smem:$0x3F9C] =	sst s2  }
0xb: {  	[smem:$0x3F9D] =	sst s3  }
0xc: {  	[smem:$0x3F9E] =	sst s4  }
0xd: {  	[smem:$0x3F9F] =	sst s5  }
0xe: {  	[smem:$0x3FA0] =	sst s6  }
0xf: {  	[smem:$0x3FA1] =	sst s7  }
0x10: {  	[smem:$0x3FA2] =	sst s8  }
0x11: {  	[smem:$0x3FA3] =	sst s9;
	s0 =	simm.s32 @!p0 $0x0  }
0x12: {  	s1 =	sld [smem:$0x3F89];
	s0 =	simm.s32 @p0 $0x1  }
0x13: {  	[smem:$0x3FA4] =	sst s0;
	s0 =	simm.s32 @!p1 $0x0  }
0x14: {  	s2 =	sld [smem:$0x3F88];
	s0 =	simm.s32 @p1 $0x1  }
0x15: {  	[smem:$0x3FA5] =	sst s0;
	s0 =	simm.s32 @!p2 $0x0  }
0x16: {  	s3 =	sld [smem:$0x3FDB];
	s0 =	simm.s32 @p2 $0x1  }
0x17: {  	s4 =	simm.s32 $0x1BF5;
	[smem:$0x3FA7] =	sst s0  }
0x18: {  	s0 =	sld [smem:$0x3F8A];
	_ =	swait.ge [sflag:s4], $0x0  }
0x19: {  	s7 =	sld [smem:$0x3F8B]  }
0x1a: {  	s8 =	sadd.s32 $0xFFFFE003, lr  }
0x1b: {  	s9 =	sadd.s32 $0xFFFFFEF7, lr;
	s5 =	simm.s32 $0xFFFFFFFF;
	p2 =	slt.u32 s8, $0xFFFFF086  }
0x1c: {  	p1 =	slt.u32 s9, $0xF7A;
	s5 =	simm.s32 @!p2 $0x0  }
0x1d: {  	s5 =	simm.s32 @p1 $0x1;
	p0 =	seq.s32 s7, s2  }
0x1e: {  	s7 =	smul.u32 @!p0 $0xF7A, s2;
	p2 =	seq.s32 @!p0 s5, $0x0  }
0x1f: {  	s9 =	smul.u32 $0xF7A, s1;
	s8 =	simm.s32 @!p0 $0x1BF5;
	p2 =	por !p2, p0  }
0x20: {  	[sflag:s8] =	ssyncset.s32 @!p0 $0xFFFFF086;
	s6 =	sadd.s32 @!p0 s3, s7;
	s7 =	simm.s32 @!p0 $0x108  }
0x21: {  	s3 =	sadd.s32 s3, s9;
	s6 =	sadd.s32 @!p0 $0x88, s6;
	s7 =	simm.s32 @p2 $0x1082  }
0x22: {  	[simem:s7], [sflag:s8] =	dma.local @!p0 [hbm:s6], $0xF7A  }
0x23: {  	s9 =	sor.u32 $0xD0000000, s2;
	s6 =	simm.s32 $0x108;
	_ =	swait.ge @!p0 [sflag:s8], $0x0  }
0x24: {  	s3 =	sadd.s32 $0x88, s3;
	s6 =	simm.s32 @!p1 $0x1082;
	[sflag:s4] =	ssyncset.s32 $0xFFFFF086  }
0x25: {  	[simem:s6], [sflag:s4] =	dma.local [hbm:s3], $0xF7A  }
0x26: {  	[smem:$0x3F8B] =	sst s1;
	(tag) =	ssettag s2;
	_ =	strace s9  }
0x27: {  	s1 =	sld [smem:$0x3F9B]  }
0x28: {  	s2 =	sld [smem:$0x3F9C]  }
0x29: {  	s4 =	sld [smem:$0x3F9E]  }
0x2a: {  	p0 =	seq.s32 s5, $0x0;
	s5 =	sld [smem:$0x3F9F]  }
0x2b: {  	s6 =	sld [smem:$0x3FA0]  }
0x2c: {  	s7 =	sld [smem:$0x3FA1]  }
0x2d: {  	s3 =	simm.s32 $0x108;
	s8 =	sld [smem:$0x3FA2]  }
0x2e: {  	s3 =	simm.s32 @!p0 $0x1082;
	s9 =	sld [smem:$0x3FA3]  }
0x2f: {  	lr =	sadd.s32 s0, s3;
	s0 =	sld [smem:$0x3F9A]  }
0x30: {  	s3 =	sld [smem:$0x3F9D]  }
0x31: {  	[smem:$0x3FA6] =	sst s10  }
0x32: {  	s10 =	sld [smem:$0x3FA4];
	_ =	sdelay $0x3  }
0x33: {  	p0 =	seq.s32 s10, $0x1;
	s10 =	sld [smem:$0x3FA6];
	_ =	sdelay $0x3  }
0x34: {  	[smem:$0x3FA6] =	sst s10  }
0x35: {  	s10 =	sld [smem:$0x3FA5];
	_ =	sdelay $0x3  }
0x36: {  	p1 =	seq.s32 s10, $0x1;
	s10 =	sld [smem:$0x3FA6];
	_ =	sdelay $0x3  }
0x37: {  	[smem:$0x3FA6] =	sst s10  }
0x38: {  	s10 =	sld [smem:$0x3FA7]  }
0x39: {  	_ = 	snop;
	(pc) =	sbr.ind lr, $3  }
0x3a: {  	_ = 	snop  }
0x3b: {  	_ = 	snop  }
0x3c: {  	p2 =	seq.s32 s10, $0x1;
	s10 =	sld [smem:$0x3FA6]  }
0x3d: {  	_ =	shalt  }
0x3e: {  	_ =	shalt  }
0x3f: {  	_ =	shalt  }
0x40: {  	_ =	shalt  }
0x41: {  	_ =	shalt  }
0x42: {  	_ =	shalt  }
0x43: {  	_ =	shalt  }
0x44: {  	_ =	shalt  }
0x45: {  	_ =	shalt  }
0x46: {  	_ =	shalt  }
0x47: {  	_ =	shalt  }
0x48: {  	_ =	shalt  }
0x49: {  	_ =	shalt  }
0x4a: {  	_ =	shalt  }
0x4b: {  	_ =	shalt  }
0x4c: {  	_ =	shalt  }
0x4d: {  	_ =	shalt  }
0x4e: {  	_ =	shalt  }
0x4f: {  	_ =	shalt  }
0x50: {  	_ =	shalt  }
0x51: {  	_ =	shalt  }
0x52: {  	_ =	shalt  }
0x53: {  	_ =	shalt  }
0x54: {  	_ =	shalt  }
0x55: {  	_ =	shalt  }
0x56: {  	_ =	shalt  }
0x57: {  	_ =	shalt  }
0x58: {  	_ =	shalt  }
0x59: {  	_ =	shalt  }
0x5a: {  	_ =	shalt  }
0x5b: {  	_ =	shalt  }
0x5c: {  	_ =	shalt  }
0x5d: {  	_ =	shalt  }
0x5e: {  	_ =	shalt  }
0x5f: {  	_ =	shalt  }
0x60: {  	_ =	shalt  }
0x61: {  	_ =	shalt  }
0x62: {  	_ =	shalt  }
0x63: {  	_ =	shalt  }
0x64: {  	_ =	shalt  }
0x65: {  	_ =	shalt  }
0x66: {  	_ =	shalt  }
0x67: {  	_ =	shalt  }
0x68: {  	_ =	shalt  }
0x69: {  	_ =	shalt  }
0x6a: {  	_ =	shalt  }
0x6b: {  	_ =	shalt  }
0x6c: {  	_ =	shalt  }
0x6d: {  	_ =	shalt  }
0x6e: {  	_ =	shalt  }
0x6f: {  	_ =	shalt  }
0x70: {  	_ =	shalt  }
0x71: {  	_ =	shalt  }
0x72: {  	_ =	shalt  }
0x73: {  	_ =	shalt  }
0x74: {  	_ =	shalt  }
0x75: {  	_ =	shalt  }
0x76: {  	_ =	shalt  }
0x77: {  	_ =	shalt  }
0x78: {  	_ =	shalt  }
0x79: {  	_ =	shalt  }
0x7a: {  	_ =	shalt  }
0x7b: {  	_ =	shalt  }
0x7c: {  	_ =	shalt  }
0x7d: {  	_ =	shalt  }
0x7e: {  	_ =	shalt  }
0x7f: {  	_ =	shalt  }
0x80: {  	_ =	shalt  }
0x81: {  	_ =	shalt  }
0x82: {  	_ =	shalt  }
0x83: {  	_ =	shalt  }
0x84: {  	_ =	shalt  }
0x85: {  	_ =	shalt  }
0x86: {  	_ =	shalt  }
0x87: {  	_ =	shalt  }
.Lfunc_end0:
.L_simem_size_0:
called_computation.2_lowered:
.L_overlay_start_0:
0x88: {  	s2 =	sld [smem:$0x3FD9]  }
0x89: {  	s3 =	sld [smem:$0x3FFE];
	_ =	sdelay $0x1  }
0x8a: {  	s1 =	srdreg.scid  }
0x8b: {  	s0 =	sand.u32 $0x1, s1  }
0x8c: {  	s16 =	sshll.u32 s0, $0xA;
	s2 =	sadd.s32 s3, s2  }
0x8d: {  	s2 =	sadd.s32 s2, s16  }
0x8e: {  	[smem:$0x3FB2] =	sst s2  }
0x8f: {  	_ = 	snop  }
0x90: {  	(tm) =	ssettm $0x1  }
0x91: {  	s17 =	sld [smem:$0x3FFB];
	_ =	sdelay $0x3  }
0x92: {  	_ =	strace s17  }
0x93: {  	s2 =	sld [smem:$0x3FFC];
	_ =	sdelay $0x3  }
0x94: {  	_ =	strace s2  }
0x95: {  	s2 =	sld [smem:$0x3FFD];
	_ =	sdelay $0x3  }
0x96: {  	_ =	strace s2  }
0x97: {  	_ =	strace $0x8FFFFFFF  }
0x98: {  	s18 =	sld [smem:$0x3FDB];
	_ =	sdelay $0x1  }
0x99: {  	s19 =	simm.s32 $_scs_section_size  }
0x9a: {  	s4 =	simm.s32 $_size__tile_overlayer_lowered;
	s5 =	simm.s32 $_tile_overlayer_lowered  }
0x9b: {  	s22 =	simm.s32 $0x1BFF;
	s21 =	sshll.u32 s5, $0x1;
	s2 =	sadd.s32 s19, s18  }
0x9c: {  	s6 =	simm.s32 $0x0;
	s20 =	sshll.u32 s4, $0x1;
	s4 =	sadd.s32 s21, s2  }
0x9d: {  	[timem:s6], [sflag:s22] =	dma.local [hbm:s4], s20  }
0x9e: {  	_ =	swait.ge [sflag:s22], s20  }
0x9f: {  	s3 =	ssub.s32 $0x0, s20;
	[sflag:s22] =	ssyncset.done $0x0  }
0xa0: {  	[sflag:s22] =	ssyncadd.s32 s3;
	_ =	sdelay $0x1  }
0xa1: {  	s23 =	simm.s32 $0x1B8B  }
0xa2: {  	_ =	swait.ge [sflag:s23], $0x1  }
0xa3: {  	[sflag:s23] =	ssyncset.done $0x0  }
0xa4: {  	s25 =	simm.s32 $0x1B8E;
	s24 =	sld [smem:$0x3FFE];
	[sflag:s23] =	ssyncadd.s32 $0xFFFFFFFF  }
0xa5: {  	s26 =	simm.s32 $execute0_lowered;
	[smem:$0x3FD2] =	sst s25  }
0xa6: {  	s4 =	sshll.u32 s26, $0x1;
	_ =	strace $0x8000004C;
	[dreg:$0x1] =	wrdreg $0xFFFFFFFF  }
0xa7: {  	s28 =	simm.s32 $_size_execute0_lowered;
	s2 =	sadd.s32 s2, s4;
	[dreg:$0x0] =	wrdreg $0x0  }
0xa8: {  	s4 =	sshll.u32 s28, $0x1;
	[dreg:$0x2] =	wrdreg s2  }
0xa9: {  	[dreg:$0x3] =	wrdreg s4  }
0xaa: {  	[dreg:$0x4] =	wrdreg $0xC0  }
0xab: {  	_ =	task [dreg:s6], $0x5FFFF  }
0xac: {  	[dreg:$0x1] =	wrdreg $0xFFFFFFFF  }
0xad: {  	[dreg:$0x0] =	wrdreg $0x60  }
0xae: {  	[dreg:$0x2] =	wrdreg s24  }
0xaf: {  	[dreg:$0x3] =	wrdreg $0xA8000  }
0xb0: {  	[dreg:$0x4] =	wrdreg $0x9  }
0xb1: {  	_ =	task.clear_ibuf [dreg:s6], $0x5FFFF;
	_ =	strace $0x9000004C  }
0xb2: {  	s29 =	simm.s32 $0x9;
	_ =	strace $0x8000004E  }
0xb3: {  	_ =	swait.ge [sflag:s29], $0x1  }
0xb4: {  	[sflag:s29] =	ssyncadd.s32 $0xFFFFFFFF  }
0xb5: {  	_ =	strace $0x9000004E  }
0xb6: {  	_ =	sfence  }
0xb7: {  	s30 =	sld [smem:$0x0];
	_ =	sdelay $0x2  }
0xb8: {  	s31 =	sshll.u32 s1, $0xD;
	s1 =	sshrl.u32 s1, $0x2  }
0xb9: {  	s3 =	sand.u32 $0x4000, s31;
	s1 =	sadd.s32 s1, s30  }
0xba: {  	s0 =	sor.u32 s3, s0;
	s1 =	sshll.u32 s1, $0x11  }
0xbb: {  	s0 =	sor.u32 s1, s0  }
0xbc: {  	s0 =	sadd.s32 $0x8F2B, s0  }
0xbd: {  	[sflag:s0] =	ssyncadd.remote.s32 $0x1  }
0xbe: {  	_ =	sfence.sel $0xFFFF  }
0xbf: {  	[dreg:$0x0] =	wrdreg $0xFFFFFFFF;
	(pc) =	sbr.abs _section_cstart, $3  }
0xc0: {  	[dreg:$0x1] =	wrdreg $0xFFFFFFFF  }
0xc1: {  	_ =	task.clear_ibuf [dreg:s6], $0x2FFFF;
	_ =	strace $0x9FFFFFFF  }
0xc2: {  	(tm) =	ssettm $0x7FFFFFFF  }
0xc3: {  	_ =	shalt  }
tec
execute0_lowered:
.L_overlay_start_1:
0x0: {  	(tag) =	ssettag $0x1  }
0x1: {  	s0 =	rddreg [dreg:$0x0]  }
0x2: {  	s1 =	rddreg [dreg:$0x1]  }
0x3: {  	s2 =	simm.s32 $0x0;
	s3 =	srdreg.scid;
	s21 =	stileid.u32  }
0x4: {  	s29 =	simm.s32 $0x3;
	s30 =	simm.s32 $0x1;
	s31 =	simm.s32 $0x4  }
0x5: {  	[smem:$0x7FF] =	sst s2;
	s4 =	sadd.s32 $0x5AC00, s0;
	s5 =	sadd.s32 $0x6000, s0  }
0x6: {  	s3 =	sand.u32 $0x1, s3;
	s6 =	sadd.s32 $0x10000, s0;
	s12 =	smul.u32 $0x280, s21  }
0x7: {  	s0 =	sadd.s32 $0x82C00, s0;
	s9 =	smul.u32 $0x50000, s21;
	_ =	strace $0x8000004D  }
0x8: {  	s7 =	ssub.s32 $0x2, s3;
	s20 =	sshll.u32 s3, $0x4;
	s19 =	smul.u32 $0x2800, s3  }
0x9: {  	s3 =	smul.u32 $0x28000, s3;
	s8 =	sshrl.u32 s7, $0x1;
	s13 =	sadd.s32 $0x80, s12  }
0xa: {  	s14 =	sor.u32 s21, s20;
	s22 =	sshrl.u32 s9, $0x2;
	s15 =	sadd.s32 $0x100, s12  }
0xb: {  	s16 =	sadd.s32 $0x180, s12;
	s18 =	sadd.s32 $0x200, s12;
	s17 =	ssub.s32 s7, s8  }
0xc: {  	s23 =	sshll.u32 s13, $0x7;
	s7 =	sadd.s32 s22, s1;
	s24 =	sshll.u32 s15, $0x7  }
0xd: {  	s10 =	sshll.u32 s16, $0x7;
	s11 =	sshll.u32 s18, $0x7;
	s20 =	smul.u32 $0x2800, s14  }
0xe: {  	s12 =	sadd.s32 s12, s19;
	s13 =	sadd.s32 s19, s13;
	s25 =	sadd.s32 s19, s15  }
0xf: {  	s16 =	sadd.s32 s19, s16;
	s22 =	sadd.s32 s19, s18;
	s8 =	sadd.s32 s23, s1  }
0x10: {  	s9 =	sadd.s32 s24, s1;
	s10 =	sadd.s32 s10, s1;
	s11 =	sadd.s32 s11, s1  }
0x11: {  	s12 =	sshll.u32 s12, $0x4;
	s13 =	sshll.u32 s13, $0x4;
	s16 =	sshll.u32 s16, $0x4  }
0x12: {  	s18 =	sshll.u32 s22, $0x4;
	s23 =	smul.u32 $0x2800, s21;
	s17 =	smax.u32 s17, $0x1  }
0x13: {  	s21 =	simm.s32 $0x2800;
	s22 =	simm.s32 $0x5;
	s12 =	sadd.s32 s0, s12  }
0x14: {  	s26 =	sadd.s32 s0, s13;
	s13 =	sshll.u32 s25, $0x4;
	[dreg:$0x3] =	wrdreg s12  }
0x15: {  	s24 =	sadd.s32 s0, s16;
	s25 =	sshrl.u32 s20, $0x3;
	[dreg:$0x4] =	wrdreg s26  }
0x16: {  	s12 =	sadd.s32 s0, s13;
	[dreg:$0x6] =	wrdreg s24;
	s0 =	sadd.s32 s0, s18  }
0x17: {  	s3 =	sadd.s32 s23, s3;
	s18 =	sadd.s32 s5, s25;
	s19 =	sadd.s32 s6, s25  }
0x18: {  	s23 =	simm.s32 $0x1400;
	s24 =	simm.s32 $0x80;
	[dreg:$0x5] =	wrdreg s12  }
0x19: {  	s25 =	simm.s32 $0x6800;
	[dreg:$0x7] =	wrdreg s0;
	s26 =	sor.u32 $0x100, s3  }
0x1a: {  	v0 =	vimm.f32 $0.0e+00;
	s0 =	simm.s32 $0x0;
	s28 =	sshrl.u32 s26, $0x3;
	s26 =	simm.s32 $0x2  }
.LBB2_1:
0x1b: {  	s3 =	simm.s32 $0x0;
	s12 =	simm.s32 $0x200  }
.LBB2_2:
0x1c: {  	p0 =	sne.s32 s12, $0xFE00;
	[tilespmem:s3+$0x2870] =	vst v0  }
0x1d: {  	[tilespmem:s3+$0x2800] =	vst v0  }
0x1e: {  	[tilespmem:s3+$0x2810] =	vst v0  }
.Ltmp0:
0x1f: {  	[tilespmem:s3+$0x2820] =	vst v0;
	(pc) =	sbr.rel @p0 .LBB2_2-.Ltmp0, $4  }
0x20: {  	[tilespmem:s3+$0x2830] =	vst v0  }
0x21: {  	[tilespmem:s3+$0x2840] =	vst v0  }
0x22: {  	[tilespmem:s3+$0x2850] =	vst v0  }
0x23: {  	[tilespmem:s3+$0x2860] =	vst v0;
	s3 =	sshra.s32 s12, $0x2;
	s12 =	sadd.s32 $0x200, s12  }
0x24: {  	[tilespmem:s3+$0x2870] =	vst v0  }
0x25: {  	[tilespmem:s3+$0x2800] =	vst v0  }
0x26: {  	[tilespmem:s3+$0x2810] =	vst v0  }
0x27: {  	[tilespmem:s3+$0x2820] =	vst v0  }
0x28: {  	[tilespmem:s3+$0x2830] =	vst v0  }
0x29: {  	[tilespmem:s3+$0x2840] =	vst v0  }
0x2a: {  	[tilespmem:s3+$0x2850] =	vst v0  }
0x2b: {  	[tilespmem:s3+$0x2860] =	vst v0  }
0x2c: {  	[spmem:s7] =	stream.linear.scatter [tilespmem:s21], [sflag:$0x1], $0x4000, $0x38;
	[tilespmem:$0x1E800] =	vst v63  }
0x2d: {  	_ = 	snop  }
0x2e: {  	[spmem:s8] =	stream.linear.scatter [tilespmem:s21], [sflag:$0x1], $0x4000, $0x38;
	[tilespmem:$0x1E800] =	vst v63  }
0x2f: {  	_ = 	snop  }
0x30: {  	[spmem:s9] =	stream.linear.scatter [tilespmem:s21], [sflag:$0x1], $0x4000, $0x38;
	[tilespmem:$0x1E800] =	vst v63  }
0x31: {  	_ = 	snop  }
0x32: {  	[spmem:s10] =	stream.linear.scatter [tilespmem:s21], [sflag:$0x1], $0x4000, $0x38;
	[tilespmem:$0x1E800] =	vst v63  }
0x33: {  	s14 =	simm.s32 $0x1  }
0x34: {  	[spmem:s11] =	stream.linear.scatter [tilespmem:s21], [sflag:$0x1], $0x4000, $0x38;
	[tilespmem:$0x1E800] =	vst v63  }
0x35: {  	_ =	swait.ge [sflag:s14], $0x4000  }
0x36: {  	[sflag:s14] =	ssyncset.done $0x0  }
0x37: {  	[sflag:s14] =	ssyncadd.s32 $0xFFFFC000  }
0x38: {  	_ =	swait.ge [sflag:s14], $0x4000  }
0x39: {  	[sflag:s14] =	ssyncset.done $0x0  }
0x3a: {  	[sflag:s14] =	ssyncadd.s32 $0xFFFFC000  }
0x3b: {  	_ =	swait.ge [sflag:s14], $0x4000  }
0x3c: {  	[sflag:s14] =	ssyncset.done $0x0  }
0x3d: {  	[sflag:s14] =	ssyncadd.s32 $0xFFFFC000  }
0x3e: {  	_ =	swait.ge [sflag:s14], $0x4000  }
0x3f: {  	[sflag:s14] =	ssyncset.done $0x0  }
0x40: {  	[sflag:s14] =	ssyncadd.s32 $0xFFFFC000  }
0x41: {  	_ =	swait.ge [sflag:s14], $0x4000  }
0x42: {  	[sflag:s14] =	ssyncset.done $0x0  }
0x43: {  	[sflag:s14] =	ssyncadd.s32 $0xFFFFC000  }
0x44: {  	[bflag:$0x0] =	sbarrier.arrive $0xFFFF  }
0x45: {  	[tilespmem:s2], [sflag:$0x5] =	stream.linear.gather [hbm4b:s18+s2], $0x1400, $0x38;
	[tilespmem:$0x1E800] =	vst v63  }
0x46: {  	_ =	swait.ge [sflag:s22], $0x1400  }
0x47: {  	[sflag:s22] =	ssyncset.done $0x0  }
0x48: {  	[sflag:s22] =	ssyncadd.s32 $0xFFFFEC00  }
0x49: {  	[tilespmem:s23], [sflag:$0x5] =	stream.linear.gather [hbm4b:s19+s2], $0x1400, $0x38;
	[tilespmem:$0x1E800] =	vst v63  }
0x4a: {  	_ =	swait.ge [sflag:s22], $0x1400  }
0x4b: {  	[sflag:s22] =	ssyncset.done $0x0  }
0x4c: {  	[sflag:s22] =	ssyncadd.s32 $0xFFFFEC00  }
0x4d: {  	[tilespmem:s21], [sflag:$0x1] =	stream.indirect.gather [hbm4b:s4+s24], $0x80, s2, s24, $0xb8;
	[tilespmem:$0x1E800] =	vst v63  }
0x4e: {  	_ = 	snop  }
0x4f: {  	[tilespmem:s25], [sflag:$0x2] =	stream.indirect.gather [hbm4b:s4+s24], $0x80, s24, s24, $0xb8;
	[tilespmem:$0x1E800] =	vst v63  }
0x50: {  	_ =	swait.ge [sflag:s14], $0x4000  }
0x51: {  	[sflag:s14] =	ssyncset.done $0x0  }
0x52: {  	[sflag:s14] =	ssyncadd.s32 $0xFFFFC000  }
0x53: {  	[spmem:s1] =	stream.indirect.scatter.add.f32 [tilespmem:s21], [sflag:$0x3], $0x80, s23, s24, $0xb8;
	[tilespmem:$0x1E800] =	vst v63  }
0x54: {  	_ =	swait.ge [sflag:s26], $0x4000  }
0x55: {  	s15 =	simm.s32 $0xFFFFFFED;
	[sflag:s26] =	ssyncset.done $0x0  }
0x56: {  	s12 =	simm.s32 $0x1480;
	s3 =	smin.u32 s14, s15;
	[sflag:s26] =	ssyncadd.s32 $0xFFFFC000  }
0x57: {  	[spmem:s1] =	stream.indirect.scatter.add.f32 [tilespmem:s25], [sflag:$0x4], $0x80, s12, s24, $0xb8;
	[tilespmem:$0x1E800] =	vst v63  }
0x58: {  	p0 =	sne.s32 s3, $0x0;
	_ =	swait.ge [sflag:s29], $0x4000  }
0x59: {  	s20 =	simm.s32 @p0 $0x2800;
	s13 =	simm.s32 @p0 $0x4;
	[sflag:s29] =	ssyncset.done $0x0  }
0x5a: {  	s12 =	sshll.u32 @p0 s3, $0x8;
	s3 =	simm.s32 @p0 $0x80;
	[sflag:s29] =	ssyncadd.s32 $0xFFFFC000  }
0x5b: {  	[tilespmem:s20], [sflag:$0x1] =	stream.indirect.gather @p0 [hbm4b:s4+s3], $0x80, s12, s3, $0xb8;
	[tilespmem:$0x1E800] =	vst v63  }
0x5c: {  	_ =	swait.ge @p0 [sflag:s13], $0x4000  }
0x5d: {  	[sflag:s13] =	ssyncset.done @p0 $0x0  }
0x5e: {  	s3 =	simm.s32 @!p0 $0x4;
	[sflag:s13] =	ssyncadd.s32 @p0 $0xFFFFC000  }
0x5f: {  	_ =	swait.ge @!p0 [sflag:s3], $0x4000  }
0x60: {  	s14 =	simm.s32 @!p0 $0x0;
	s13 =	sand.u32 @!p0 $0xFFFFF80, s28;
	[sflag:s3] =	ssyncset.done @!p0 $0x0  }
0x61: {  	s20 =	sadd.s32 @!p0 s5, s13;
	[sflag:s3] =	ssyncadd.s32 @!p0 $0xFFFFC000;
	s3 =	simm.s32 @!p0 $0x5  }
0x62: {  	[tilespmem:s14], [sflag:$0x5] =	stream.linear.gather @!p0 [hbm4b:s20+s14], $0x1400, $0x38;
	[tilespmem:$0x1E800] =	vst v63  }
0x63: {  	_ =	swait.ge @!p0 [sflag:s3], $0x1400  }
0x64: {  	[sflag:s3] =	ssyncset.done @!p0 $0x0  }
0x65: {  	s13 =	sadd.s32 @!p0 s6, s13;
	s20 =	simm.s32 @!p0 $0x1400;
	[sflag:s3] =	ssyncadd.s32 @!p0 $0xFFFFEC00  }
0x66: {  	[tilespmem:s20], [sflag:$0x5] =	stream.linear.gather @!p0 [hbm4b:s13+s14], $0x1400, $0x38;
	[tilespmem:$0x1E800] =	vst v63  }
0x67: {  	_ =	swait.ge @!p0 [sflag:s3], $0x1400  }
0x68: {  	s12 =	simm.s32 @!p0 $0x0;
	[sflag:s3] =	ssyncset.done @!p0 $0x0  }
0x69: {  	s13 =	simm.s32 @!p0 $0x80;
	[sflag:s3] =	ssyncadd.s32 @!p0 $0xFFFFEC00;
	s3 =	simm.s32 @!p0 $0x2800  }
0x6a: {  	[tilespmem:s3], [sflag:$0x1] =	stream.indirect.gather @!p0 [hbm4b:s4+s13], $0x80, s14, s13, $0xb8;
	[tilespmem:$0x1E800] =	vst v63  }
0x6b: {  	s16 =	sor.u32 $0x80, s12  }
0x6c: {  	[tilespmem:s25], [sflag:$0x2] =	stream.indirect.gather [hbm4b:s4+s24], $0x80, s16, s24, $0xb8;
	[tilespmem:$0x1E800] =	vst v63  }
0x6d: {  	p0 =	por $0x1, $0x1;
	_ =	swait.ge [sflag:s30], $0x4000  }
.Ltmp1:
0x6e: {  	[sflag:s30] =	ssyncset.done $0x0;
	(pc) =	sbr.rel @!p0 .LBB2_5-.Ltmp1, $4  }
0x6f: {  	s20 =	sadd.s32 $0x1400, s12;
	[sflag:s30] =	ssyncadd.s32 $0xFFFFC000  }
0x70: {  	[spmem:s1] =	stream.indirect.scatter.add.f32 [tilespmem:s21], [sflag:$0x3], $0x80, s20, s24, $0xb8;
	[tilespmem:$0x1E800] =	vst v63  }
0x71: {  	s12 =	sadd.s32 $0x1480, s12;
	_ =	swait.ge [sflag:s26], $0x4000  }
0x72: {  	s3 =	simm.s32 $0x2;
	s20 =	smov.u32 s28;
	[sflag:s26] =	ssyncset.done $0x0  }
.LBB2_4:
0x73: {  	s13 =	sadd.s32 $0xFFFFFFEC, s3;
	[sflag:s26] =	ssyncadd.s32 $0xFFFFC000;
	s20 =	sadd.s32 $0x20, s20  }
0x74: {  	[spmem:s1] =	stream.indirect.scatter.add.f32 [tilespmem:s25], [sflag:$0x4], $0x80, s12, s24, $0xb8;
	[tilespmem:$0x1E800] =	vst v63  }
0x75: {  	s12 =	smin.u32 s3, s13;
	s3 =	sadd.s32 $0x15, s13;
	_ =	swait.ge [sflag:s29], $0x4000  }
0x76: {  	p1 =	sne.s32 s12, $0x0;
	p0 =	sne.s32 s3, $0x28;
	[sflag:s29] =	ssyncset.done $0x0  }
0x77: {  	s12 =	sshll.u32 @p1 s12, $0x8;
	s13 =	simm.s32 @p1 $0x80;
	[sflag:s29] =	ssyncadd.s32 $0xFFFFC000  }
0x78: {  	s14 =	simm.s32 @p1 $0x2800;
	s15 =	simm.s32 @p1 $0x4;
	s16 =	sand.u32 @!p1 $0xFFFFF80, s20  }
0x79: {  	[tilespmem:s14], [sflag:$0x1] =	stream.indirect.gather @p1 [hbm4b:s4+s13], $0x80, s12, s13, $0xb8;
	[tilespmem:$0x1E800] =	vst v63  }
0x7a: {  	s13 =	sadd.s32 @!p1 s5, s16;
	s14 =	sadd.s32 @!p1 s6, s16;
	_ =	swait.ge @p1 [sflag:s15], $0x4000  }
0x7b: {  	s16 =	simm.s32 @!p1 $0x4;
	[sflag:s15] =	ssyncset.done @p1 $0x0  }
0x7c: {  	[sflag:s15] =	ssyncadd.s32 @p1 $0xFFFFC000  }
0x7d: {  	_ =	swait.ge @!p1 [sflag:s16], $0x4000  }
0x7e: {  	s15 =	simm.s32 @!p1 $0x0;
	[sflag:s16] =	ssyncset.done @!p1 $0x0  }
0x7f: {  	[sflag:s16] =	ssyncadd.s32 @!p1 $0xFFFFC000;
	s16 =	simm.s32 @!p1 $0x5  }
0x80: {  	[tilespmem:s15], [sflag:$0x5] =	stream.linear.gather @!p1 [hbm4b:s13+s15], $0x1400, $0x38;
	[tilespmem:$0x1E800] =	vst v63  }
0x81: {  	_ =	swait.ge @!p1 [sflag:s16], $0x1400  }
0x82: {  	s13 =	simm.s32 @!p1 $0x1400;
	[sflag:s16] =	ssyncset.done @!p1 $0x0  }
0x83: {  	[sflag:s16] =	ssyncadd.s32 @!p1 $0xFFFFEC00  }
0x84: {  	[tilespmem:s13], [sflag:$0x5] =	stream.linear.gather @!p1 [hbm4b:s14+s15], $0x1400, $0x38;
	[tilespmem:$0x1E800] =	vst v63  }
0x85: {  	s12 =	simm.s32 @!p1 $0x0;
	_ =	swait.ge @!p1 [sflag:s16], $0x1400  }
0x86: {  	s13 =	simm.s32 @!p1 $0x80;
	s14 =	simm.s32 @!p1 $0x2800;
	[sflag:s16] =	ssyncset.done @!p1 $0x0  }
0x87: {  	[sflag:s16] =	ssyncadd.s32 @!p1 $0xFFFFEC00;
	s16 =	sor.u32 $0x80, s12  }
0x88: {  	[tilespmem:s14], [sflag:$0x1] =	stream.indirect.gather @!p1 [hbm4b:s4+s13], $0x80, s15, s13, $0xb8;
	[tilespmem:$0x1E800] =	vst v63  }
0x89: {  	_ = 	snop  }
0x8a: {  	[tilespmem:s25], [sflag:$0x2] =	stream.indirect.gather [hbm4b:s4+s24], $0x80, s16, s24, $0xb8;
	[tilespmem:$0x1E800] =	vst v63  }
0x8b: {  	_ =	swait.ge [sflag:s30], $0x4000  }
.Ltmp2:
0x8c: {  	s13 =	sadd.s32 $0x1400, s12;
	[sflag:s30] =	ssyncset.done $0x0;
	(pc) =	sbr.rel @p0 .LBB2_4-.Ltmp2, $4  }
0x8d: {  	[sflag:s30] =	ssyncadd.s32 $0xFFFFC000  }
0x8e: {  	[spmem:s1] =	stream.indirect.scatter.add.f32 [tilespmem:s21], [sflag:$0x3], $0x80, s13, s24, $0xb8;
	[tilespmem:$0x1E800] =	vst v63  }
0x8f: {  	_ =	swait.ge [sflag:s26], $0x4000  }
0x90: {  	s12 =	sadd.s32 $0x1480, s12;
	[sflag:s26] =	ssyncset.done $0x0  }
.LBB2_5:
0x91: {  	[sflag:s26] =	ssyncadd.s32 $0xFFFFC000  }
0x92: {  	[spmem:s1] =	stream.indirect.scatter.add.f32 [tilespmem:s25], [sflag:$0x4], $0x80, s12, s24, $0xb8;
	[tilespmem:$0x1E800] =	vst v63  }
0x93: {  	_ =	swait.ge [sflag:s29], $0x4000  }
0x94: {  	[sflag:s29] =	ssyncset.done $0x0  }
0x95: {  	[sflag:s29] =	ssyncadd.s32 $0xFFFFC000  }
0x96: {  	_ =	swait.ge [sflag:s31], $0x4000  }
0x97: {  	[sflag:s31] =	ssyncset.done $0x0  }
0x98: {  	[sflag:s31] =	ssyncadd.s32 $0xFFFFC000  }
0x99: {  	[bflag:$0x0] =	sbarrier.arrive $0xFFFF  }
0x9a: {  	[tilespmem:s21], [sflag:$0x5] =	stream.linear.gather [spmem:s7], $0x4000, $0x38;
	[tilespmem:$0x1E800] =	vst v63  }
0x9b: {  	_ =	swait.ge [sflag:s22], $0x4000  }
0x9c: {  	[sflag:s22] =	ssyncset.done $0x0  }
0x9d: {  	s3 =	rddreg [dreg:$0x3];
	[sflag:s22] =	ssyncadd.s32 $0xFFFFC000  }
0x9e: {  	[hbm4b:s3+s2] =	stream.linear.scatter [tilespmem:s21], [sflag:$0x1], $0x4000, $0x38;
	[tilespmem:$0x1E800] =	vst v63  }
0x9f: {  	_ = 	snop  }
0xa0: {  	[tilespmem:s25], [sflag:$0x5] =	stream.linear.gather [spmem:s8], $0x4000, $0x38;
	[tilespmem:$0x1E800] =	vst v63  }
0xa1: {  	_ =	swait.ge [sflag:s22], $0x4000  }
0xa2: {  	[sflag:s22] =	ssyncset.done $0x0  }
0xa3: {  	s14 =	rddreg [dreg:$0x4];
	[sflag:s22] =	ssyncadd.s32 $0xFFFFC000  }
0xa4: {  	[hbm4b:s14+s2] =	stream.linear.scatter [tilespmem:s25], [sflag:$0x2], $0x4000, $0x38;
	[tilespmem:$0x1E800] =	vst v63  }
0xa5: {  	_ =	swait.ge [sflag:s30], $0x4000  }
0xa6: {  	[sflag:s30] =	ssyncset.done $0x0  }
0xa7: {  	[sflag:s30] =	ssyncadd.s32 $0xFFFFC000  }
0xa8: {  	[tilespmem:s21], [sflag:$0x5] =	stream.linear.gather [spmem:s9], $0x4000, $0x38;
	[tilespmem:$0x1E800] =	vst v63  }
0xa9: {  	_ =	swait.ge [sflag:s22], $0x4000  }
0xaa: {  	[sflag:s22] =	ssyncset.done $0x0  }
0xab: {  	s15 =	rddreg [dreg:$0x5];
	[sflag:s22] =	ssyncadd.s32 $0xFFFFC000  }
0xac: {  	[hbm4b:s15+s2] =	stream.linear.scatter [tilespmem:s21], [sflag:$0x1], $0x4000, $0x38;
	[tilespmem:$0x1E800] =	vst v63  }
0xad: {  	_ =	swait.ge [sflag:s26], $0x4000  }
0xae: {  	[sflag:s26] =	ssyncset.done $0x0  }
0xaf: {  	[sflag:s26] =	ssyncadd.s32 $0xFFFFC000  }
0xb0: {  	[tilespmem:s25], [sflag:$0x5] =	stream.linear.gather [spmem:s10], $0x4000, $0x38;
	[tilespmem:$0x1E800] =	vst v63  }
0xb1: {  	_ =	swait.ge [sflag:s22], $0x4000  }
0xb2: {  	[sflag:s22] =	ssyncset.done $0x0  }
0xb3: {  	s16 =	rddreg [dreg:$0x6];
	[sflag:s22] =	ssyncadd.s32 $0xFFFFC000  }
0xb4: {  	[hbm4b:s16+s2] =	stream.linear.scatter [tilespmem:s25], [sflag:$0x2], $0x4000, $0x38;
	[tilespmem:$0x1E800] =	vst v63  }
0xb5: {  	_ =	swait.ge [sflag:s30], $0x4000  }
0xb6: {  	[sflag:s30] =	ssyncset.done $0x0  }
0xb7: {  	[sflag:s30] =	ssyncadd.s32 $0xFFFFC000  }
0xb8: {  	[tilespmem:s21], [sflag:$0x5] =	stream.linear.gather [spmem:s11], $0x4000, $0x38;
	[tilespmem:$0x1E800] =	vst v63  }
0xb9: {  	_ =	swait.ge [sflag:s22], $0x4000  }
0xba: {  	[sflag:s22] =	ssyncset.done $0x0  }
0xbb: {  	s0 =	sadd.s32 $0x1, s0;
	s20 =	rddreg [dreg:$0x7];
	[sflag:s22] =	ssyncadd.s32 $0xFFFFC000  }
0xbc: {  	[hbm4b:s20+s2] =	stream.linear.scatter [tilespmem:s21], [sflag:$0x1], $0x4000, $0x38;
	[tilespmem:$0x1E800] =	vst v63  }
0xbd: {  	p0 =	sne.s32 s0, s17;
	_ =	swait.ge [sflag:s26], $0x4000  }
.Ltmp3:
0xbe: {  	[sflag:s26] =	ssyncset.done $0x0;
	(pc) =	sbr.rel @p0 .LBB2_1-.Ltmp3, $4  }
0xbf: {  	[sflag:s26] =	ssyncadd.s32 $0xFFFFC000  }
0xc0: {  	_ =	swait.ge [sflag:s30], $0x4000  }
0xc1: {  	[sflag:s30] =	ssyncset.done $0x0  }
0xc2: {  	[sflag:s30] =	ssyncadd.s32 $0xFFFFC000  }
0xc3: {  	_ =	sfence.sel $0x180000  }
0xc4: {  	[bflag:$0x0] =	sbarrier.arrive $0xFFFF  }
0xc5: {  	_ =	strace $0x9000004D  }
0xc6: {  	s0 =	stileid.u32;
	[bflag:$0x2] =	sbarrier.arrive $0xFFFF  }
0xc7: {  	p0 =	sne.s32 s0, $0x0;
	s0 =	rddreg [dreg:$0x2]  }
0xc8: {  	s0 =	sadd.s32 @!p0 $0x100000, s0  }
0xc9: {  	[sflag:s0] =	ssyncadd.tile.s32 @!p0 $0x1;
	_ =	shalt  }
.Lfunc_end2:
_tile_overlayer_lowered:
.L_overlay_start_2:
0xca: {  	(tag) =	ssettag $0x2  }
0xcb: {  	s0 =	rddreg [dreg:$0x0];
	s2 =	stileid.u32  }
0xcc: {  	s1 =	rddreg [dreg:$0x1];
	p0 =	sne.s32 s2, $0x0  }
0xcd: {  	s3 =	rddreg [dreg:$0x2];
	[bflag:$0x3] =	sbarrier.arrive $0xFFFF;
	s2 =	simm.s32 @!p0 $0x1C05  }
0xce: {  	[timem:s3], [sflag:s2] =	dma.local @!p0 [hbm:s0], s1  }
0xcf: {  	s0 =	simm.s32 @!p0 $0x5  }
0xd0: {  	_ =	swait.ge @!p0 [sflag:s0], s1  }
0xd1: {  	s1 =	ssub.s32 @!p0 $0x0, s1;
	[sflag:s0] =	ssyncset.done @!p0 $0x0  }
0xd2: {  	[sflag:s0] =	ssyncadd.s32 @!p0 s1  }
0xd3: {  	[bflag:$0x3] =	sbarrier.arrive $0xFFFF  }
0xd4: {  	_ =	shalt  }

// kernel: kernel.19.cloned.1.call-start
scs
__scs_entry_jumppad:
0x0: {  	(pc) =	sbr.rel $0x88, $3  }
0x1: {  	(tag) =	ssettag $0x0;
	lr =	simm.s32 $0x1  }
0x2: {  	[smem:$0x3F8B] =	sst lr;
	_ =	strace $0xD0000000  }
0x3: {  	_ = 	snop  }
0x4: {  	_ = 	snop  }
0x5: {  	_ = 	snop  }
0x6: {  	_ = 	snop  }
0x7: {  	_ = 	snop  }
__scs_overlays_trampoline_lowered:
0x8: {  	[smem:$0x3F9A] =	sst s0  }
0x9: {  	[smem:$0x3F9B] =	sst s1  }
0xa: {  	[smem:$0x3F9C] =	sst s2  }
0xb: {  	[smem:$0x3F9D] =	sst s3  }
0xc: {  	[smem:$0x3F9E] =	sst s4  }
0xd: {  	[smem:$0x3F9F] =	sst s5  }
0xe: {  	[smem:$0x3FA0] =	sst s6  }
0xf: {  	[smem:$0x3FA1] =	sst s7  }
0x10: {  	[smem:$0x3FA2] =	sst s8  }
0x11: {  	[smem:$0x3FA3] =	sst s9;
	s0 =	simm.s32 @!p0 $0x0  }
0x12: {  	s1 =	sld [smem:$0x3F89];
	s0 =	simm.s32 @p0 $0x1  }
0x13: {  	[smem:$0x3FA4] =	sst s0;
	s0 =	simm.s32 @!p1 $0x0  }
0x14: {  	s2 =	sld [smem:$0x3F88];
	s0 =	simm.s32 @p1 $0x1  }
0x15: {  	[smem:$0x3FA5] =	sst s0;
	s0 =	simm.s32 @!p2 $0x0  }
0x16: {  	s3 =	sld [smem:$0x3FDB];
	s0 =	simm.s32 @p2 $0x1  }
0x17: {  	s4 =	simm.s32 $0x1BF5;
	[smem:$0x3FA7] =	sst s0  }
0x18: {  	s0 =	sld [smem:$0x3F8A];
	_ =	swait.ge [sflag:s4], $0x0  }
0x19: {  	s7 =	sld [smem:$0x3F8B]  }
0x1a: {  	s8 =	sadd.s32 $0xFFFFE003, lr  }
0x1b: {  	s9 =	sadd.s32 $0xFFFFFEF7, lr;
	s5 =	simm.s32 $0xFFFFFFFF;
	p2 =	slt.u32 s8, $0xFFFFF086  }
0x1c: {  	p1 =	slt.u32 s9, $0xF7A;
	s5 =	simm.s32 @!p2 $0x0  }
0x1d: {  	s5 =	simm.s32 @p1 $0x1;
	p0 =	seq.s32 s7, s2  }
0x1e: {  	s7 =	smul.u32 @!p0 $0xF7A, s2;
	p2 =	seq.s32 @!p0 s5, $0x0  }
0x1f: {  	s9 =	smul.u32 $0xF7A, s1;
	s8 =	simm.s32 @!p0 $0x1BF5;
	p2 =	por !p2, p0  }
0x20: {  	[sflag:s8] =	ssyncset.s32 @!p0 $0xFFFFF086;
	s6 =	sadd.s32 @!p0 s3, s7;
	s7 =	simm.s32 @!p0 $0x108  }
0x21: {  	s3 =	sadd.s32 s3, s9;
	s6 =	sadd.s32 @!p0 $0x88, s6;
	s7 =	simm.s32 @p2 $0x1082  }
0x22: {  	[simem:s7], [sflag:s8] =	dma.local @!p0 [hbm:s6], $0xF7A  }
0x23: {  	s9 =	sor.u32 $0xD0000000, s2;
	s6 =	simm.s32 $0x108;
	_ =	swait.ge @!p0 [sflag:s8], $0x0  }
0x24: {  	s3 =	sadd.s32 $0x88, s3;
	s6 =	simm.s32 @!p1 $0x1082;
	[sflag:s4] =	ssyncset.s32 $0xFFFFF086  }
0x25: {  	[simem:s6], [sflag:s4] =	dma.local [hbm:s3], $0xF7A  }
0x26: {  	[smem:$0x3F8B] =	sst s1;
	(tag) =	ssettag s2;
	_ =	strace s9  }
0x27: {  	s1 =	sld [smem:$0x3F9B]  }
0x28: {  	s2 =	sld [smem:$0x3F9C]  }
0x29: {  	s4 =	sld [smem:$0x3F9E]  }
0x2a: {  	p0 =	seq.s32 s5, $0x0;
	s5 =	sld [smem:$0x3F9F]  }
0x2b: {  	s6 =	sld [smem:$0x3FA0]  }
0x2c: {  	s7 =	sld [smem:$0x3FA1]  }
0x2d: {  	s3 =	simm.s32 $0x108;
	s8 =	sld [smem:$0x3FA2]  }
0x2e: {  	s3 =	simm.s32 @!p0 $0x1082;
	s9 =	sld [smem:$0x3FA3]  }
0x2f: {  	lr =	sadd.s32 s0, s3;
	s0 =	sld [smem:$0x3F9A]  }
0x30: {  	s3 =	sld [smem:$0x3F9D]  }
0x31: {  	[smem:$0x3FA6] =	sst s10  }
0x32: {  	s10 =	sld [smem:$0x3FA4];
	_ =	sdelay $0x3  }
0x33: {  	p0 =	seq.s32 s10, $0x1;
	s10 =	sld [smem:$0x3FA6];
	_ =	sdelay $0x3  }
0x34: {  	[smem:$0x3FA6] =	sst s10  }
0x35: {  	s10 =	sld [smem:$0x3FA5];
	_ =	sdelay $0x3  }
0x36: {  	p1 =	seq.s32 s10, $0x1;
	s10 =	sld [smem:$0x3FA6];
	_ =	sdelay $0x3  }
0x37: {  	[smem:$0x3FA6] =	sst s10  }
0x38: {  	s10 =	sld [smem:$0x3FA7]  }
0x39: {  	_ = 	snop;
	(pc) =	sbr.ind lr, $3  }
0x3a: {  	_ = 	snop  }
0x3b: {  	_ = 	snop  }
0x3c: {  	p2 =	seq.s32 s10, $0x1;
	s10 =	sld [smem:$0x3FA6]  }
0x3d: {  	_ =	shalt  }
0x3e: {  	_ =	shalt  }
0x3f: {  	_ =	shalt  }
0x40: {  	_ =	shalt  }
0x41: {  	_ =	shalt  }
0x42: {  	_ =	shalt  }
0x43: {  	_ =	shalt  }
0x44: {  	_ =	shalt  }
0x45: {  	_ =	shalt  }
0x46: {  	_ =	shalt  }
0x47: {  	_ =	shalt  }
0x48: {  	_ =	shalt  }
0x49: {  	_ =	shalt  }
0x4a: {  	_ =	shalt  }
0x4b: {  	_ =	shalt  }
0x4c: {  	_ =	shalt  }
0x4d: {  	_ =	shalt  }
0x4e: {  	_ =	shalt  }
0x4f: {  	_ =	shalt  }
0x50: {  	_ =	shalt  }
0x51: {  	_ =	shalt  }
0x52: {  	_ =	shalt  }
0x53: {  	_ =	shalt  }
0x54: {  	_ =	shalt  }
0x55: {  	_ =	shalt  }
0x56: {  	_ =	shalt  }
0x57: {  	_ =	shalt  }
0x58: {  	_ =	shalt  }
0x59: {  	_ =	shalt  }
0x5a: {  	_ =	shalt  }
0x5b: {  	_ =	shalt  }
0x5c: {  	_ =	shalt  }
0x5d: {  	_ =	shalt  }
0x5e: {  	_ =	shalt  }
0x5f: {  	_ =	shalt  }
0x60: {  	_ =	shalt  }
0x61: {  	_ =	shalt  }
0x62: {  	_ =	shalt  }
0x63: {  	_ =	shalt  }
0x64: {  	_ =	shalt  }
0x65: {  	_ =	shalt  }
0x66: {  	_ =	shalt  }
0x67: {  	_ =	shalt  }
0x68: {  	_ =	shalt  }
0x69: {  	_ =	shalt  }
0x6a: {  	_ =	shalt  }
0x6b: {  	_ =	shalt  }
0x6c: {  	_ =	shalt  }
0x6d: {  	_ =	shalt  }
0x6e: {  	_ =	shalt  }
0x6f: {  	_ =	shalt  }
0x70: {  	_ =	shalt  }
0x71: {  	_ =	shalt  }
0x72: {  	_ =	shalt  }
0x73: {  	_ =	shalt  }
0x74: {  	_ =	shalt  }
0x75: {  	_ =	shalt  }
0x76: {  	_ =	shalt  }
0x77: {  	_ =	shalt  }
0x78: {  	_ =	shalt  }
0x79: {  	_ =	shalt  }
0x7a: {  	_ =	shalt  }
0x7b: {  	_ =	shalt  }
0x7c: {  	_ =	shalt  }
0x7d: {  	_ =	shalt  }
0x7e: {  	_ =	shalt  }
0x7f: {  	_ =	shalt  }
0x80: {  	_ =	shalt  }
0x81: {  	_ =	shalt  }
0x82: {  	_ =	shalt  }
0x83: {  	_ =	shalt  }
0x84: {  	_ =	shalt  }
0x85: {  	_ =	shalt  }
0x86: {  	_ =	shalt  }
0x87: {  	_ =	shalt  }
.Lfunc_end0:
.L_simem_size_0:
called_computation.3_lowered:
.L_overlay_start_0:
0x88: {  	s2 =	sld [smem:$0x3FD9]  }
0x89: {  	s3 =	sld [smem:$0x3FFE];
	_ =	sdelay $0x1  }
0x8a: {  	s1 =	srdreg.scid  }
0x8b: {  	s0 =	sand.u32 $0x1, s1  }
0x8c: {  	s14 =	sshll.u32 s0, $0xA;
	s2 =	sadd.s32 s3, s2  }
0x8d: {  	s2 =	sadd.s32 s2, s14  }
0x8e: {  	[smem:$0x3FB2] =	sst s2  }
0x8f: {  	_ = 	snop  }
0x90: {  	s2 =	sld [smem:$0x3FD0];
	_ =	sdelay $0x2  }
0x91: {  	s15 =	simm.s32 $0xA;
	s4 =	simm.s32 $0x10  }
0x92: {  	[smem:s4], [sflag:s15] =	dma.local [hbm:s2], $0x1  }
0x93: {  	_ =	swait.eq [sflag:s15], $0x1  }
0x94: {  	[sflag:s15] =	ssyncset.done $0x0  }
0x95: {  	[sflag:s15] =	ssyncadd.s32 $0xFFFFFFFF  }
0x96: {  	s16 =	sld [smem:$0x11];
	(tm) =	ssettm $0x1  }
0x97: {  	s17 =	sld [smem:$0x3FFB];
	_ =	sdelay $0x3  }
0x98: {  	_ =	strace s17  }
0x99: {  	s3 =	sld [smem:$0x3FFC];
	_ =	sdelay $0x3  }
0x9a: {  	_ =	strace s3  }
0x9b: {  	s3 =	sld [smem:$0x3FFD];
	_ =	sdelay $0x3  }
0x9c: {  	_ =	strace s3  }
0x9d: {  	_ =	strace $0x8FFFFFFF  }
0x9e: {  	s18 =	sld [smem:$0x3FDB];
	_ =	sdelay $0x1  }
0x9f: {  	s19 =	simm.s32 $_scs_section_size  }
0xa0: {  	s5 =	simm.s32 $_size__tile_overlayer_lowered;
	s6 =	simm.s32 $_tile_overlayer_lowered  }
0xa1: {  	s22 =	simm.s32 $0x1BFF;
	s21 =	sshll.u32 s6, $0x1;
	s3 =	sadd.s32 s19, s18  }
0xa2: {  	s7 =	simm.s32 $0x0;
	s20 =	sshll.u32 s5, $0x1;
	s5 =	sadd.s32 s21, s3  }
0xa3: {  	[timem:s7], [sflag:s22] =	dma.local [hbm:s5], s20  }
0xa4: {  	_ =	swait.ge [sflag:s22], s20  }
0xa5: {  	s4 =	ssub.s32 $0x0, s20;
	[sflag:s22] =	ssyncset.done $0x0  }
0xa6: {  	[sflag:s22] =	ssyncadd.s32 s4;
	_ =	sdelay $0x1  }
0xa7: {  	s23 =	simm.s32 $0x1B8B  }
0xa8: {  	_ =	swait.ge [sflag:s23], $0x1  }
0xa9: {  	[sflag:s23] =	ssyncset.done $0x0  }
0xaa: {  	s25 =	simm.s32 $0x1B8E;
	s24 =	sld [smem:$0x3FFE];
	[sflag:s23] =	ssyncadd.s32 $0xFFFFFFFF  }
0xab: {  	s26 =	simm.s32 $execute0_lowered;
	[smem:$0x3FD2] =	sst s25  }
0xac: {  	s5 =	sshll.u32 s26, $0x1;
	_ =	strace $0x8000004F;
	[dreg:$0x1] =	wrdreg $0xFFFFFFFF  }
0xad: {  	s28 =	simm.s32 $_size_execute0_lowered;
	s3 =	sadd.s32 s3, s5;
	[dreg:$0x0] =	wrdreg $0x0  }
0xae: {  	s5 =	sshll.u32 s28, $0x1;
	[dreg:$0x2] =	wrdreg s3  }
0xaf: {  	[dreg:$0x3] =	wrdreg s5  }
0xb0: {  	[dreg:$0x4] =	wrdreg $0xC0  }
0xb1: {  	_ =	task [dreg:s7], $0x5FFFF  }
0xb2: {  	[dreg:$0x1] =	wrdreg $0xFFFFFFFF  }
0xb3: {  	[dreg:$0x0] =	wrdreg $0x60  }
0xb4: {  	[dreg:$0x2] =	wrdreg s24  }
0xb5: {  	[dreg:$0x3] =	wrdreg s16  }
0xb6: {  	[dreg:$0x4] =	wrdreg $0x20800  }
0xb7: {  	[dreg:$0x5] =	wrdreg $0x9  }
0xb8: {  	_ =	task.clear_ibuf [dreg:s7], $0x6FFFF;
	_ =	strace $0x9000004F  }
0xb9: {  	s29 =	simm.s32 $0x9;
	_ =	strace $0x80000051  }
0xba: {  	_ =	swait.ge [sflag:s29], $0x1  }
0xbb: {  	[sflag:s29] =	ssyncadd.s32 $0xFFFFFFFF  }
0xbc: {  	_ =	strace $0x90000051  }
0xbd: {  	_ =	sfence  }
0xbe: {  	s30 =	sld [smem:$0x0];
	_ =	sdelay $0x2  }
0xbf: {  	s31 =	sshll.u32 s1, $0xD;
	s1 =	sshrl.u32 s1, $0x2  }
0xc0: {  	s3 =	sand.u32 $0x4000, s31;
	s1 =	sadd.s32 s1, s30  }
0xc1: {  	s0 =	sor.u32 s3, s0;
	s1 =	sshll.u32 s1, $0x11  }
0xc2: {  	s0 =	sor.u32 s1, s0  }
0xc3: {  	s0 =	sadd.s32 $0x8F2B, s0  }
0xc4: {  	[sflag:s0] =	ssyncadd.remote.s32 $0x1  }
0xc5: {  	_ =	sfence.sel $0xFFFF  }
0xc6: {  	[dreg:$0x0] =	wrdreg $0xFFFFFFFF;
	(pc) =	sbr.abs _section_cstart, $3  }
0xc7: {  	[dreg:$0x1] =	wrdreg $0xFFFFFFFF  }
0xc8: {  	_ =	task.clear_ibuf [dreg:s7], $0x2FFFF;
	_ =	strace $0x9FFFFFFF  }
0xc9: {  	(tm) =	ssettm $0x7FFFFFFF  }
tec
execute0_lowered:
.L_overlay_start_1:
0x0: {  	(tag) =	ssettag $0x1  }
0x1: {  	s4 =	rddreg [dreg:$0x0]  }
0x2: {  	s16 =	rddreg [dreg:$0x1]  }
0x3: {  	s1 =	rddreg [dreg:$0x2]  }
0x4: {  	s0 =	rddreg [dreg:$0x3];
	s2 =	simm.s32 $0x0  }
0x5: {  	s5 =	srdreg.scid;
	s3 =	stileid.u32;
	s19 =	simm.s32 $0x40  }
0x6: {  	s20 =	simm.s32 $0x0;
	[smem:$0x7FF] =	sst s2;
	s15 =	sadd.s32 $0x5AC00, s4  }
0x7: {  	s5 =	sand.u32 $0x1, s5;
	s6 =	sshll.u32 s3, $0xA;
	s9 =	sshll.u32 s3, $0xD  }
0x8: {  	_ =	strace $0x80000050;
	s7 =	ssub.s32 $0x2, s5;
	s8 =	sshll.u32 s5, $0x4  }
0x9: {  	s4 =	sadd.s32 s6, s4;
	s5 =	sshll.u32 s5, $0xE;
	s8 =	sor.u32 s3, s8  }
0xa: {  	s25 =	sshrl.u32 s7, $0x1;
	s5 =	sadd.s32 s5, s4;
	s26 =	smul.u32 $0x1400, s8  }
0xb: {  	s4 =	sadd.s32 s9, s1;
	s7 =	ssub.s32 s7, s25;
	s14 =	smul.u32 $0x140, s8  }
0xc: {  	s5 =	sadd.s32 $0x5000, s5;
	s7 =	smax.u32 s7, $0x1;
	s6 =	sadd.s32 s15, s26  }
0xd: {  	s8 =	sshrl.u32 s14, $0x3;
	s28 =	sadd.s32 $0x40, s14;
	s29 =	sadd.s32 $0x80, s14  }
0xe: {  	s17 =	sadd.s32 $0xC0, s14;
	s18 =	sadd.s32 $0x100, s14;
	s8 =	sadd.s32 s16, s8  }
0xf: {  	s10 =	sshll.u32 s28, $0x4;
	s11 =	sshrl.u32 s28, $0x3;
	s12 =	sshll.u32 s29, $0x4  }
0x10: {  	s13 =	sshrl.u32 s29, $0x3;
	s30 =	sshll.u32 s17, $0x4;
	s17 =	sshrl.u32 s17, $0x3  }
0x11: {  	s31 =	sshll.u32 s18, $0x4;
	s18 =	sshrl.u32 s18, $0x3;
	s9 =	sadd.s32 s15, s10  }
0x12: {  	s10 =	sadd.s32 s16, s11;
	s11 =	sadd.s32 s15, s12;
	s12 =	sadd.s32 s16, s13  }
0x13: {  	s13 =	sadd.s32 s15, s30;
	s14 =	sadd.s32 s16, s17;
	s15 =	sadd.s32 s15, s31  }
0x14: {  	v0 =	vimm.f32 $0.0e+00;
	s16 =	sadd.s32 s16, s18;
	s17 =	simm.s32 $0x80;
	s18 =	simm.s32 $0x1  }
.LBB2_1:
0x15: {  	s21 =	simm.s32 $0x0;
	s22 =	simm.s32 $0x200  }
.LBB2_2:
0x16: {  	p0 =	sne.s32 s22, $0x7E00;
	[tilespmem:s21+$0xF0] =	vst v0  }
0x17: {  	[tilespmem:s21+$0x80] =	vst v0  }
0x18: {  	[tilespmem:s21+$0x90] =	vst v0  }
.Ltmp0:
0x19: {  	[tilespmem:s21+$0xA0] =	vst v0;
	(pc) =	sbr.rel @p0 .LBB2_2-.Ltmp0, $4  }
0x1a: {  	[tilespmem:s21+$0xB0] =	vst v0  }
0x1b: {  	[tilespmem:s21+$0xC0] =	vst v0  }
0x1c: {  	[tilespmem:s21+$0xD0] =	vst v0  }
0x1d: {  	[tilespmem:s21+$0xE0] =	vst v0;
	s21 =	sshra.s32 s22, $0x2;
	s22 =	sadd.s32 $0x200, s22  }
0x1e: {  	[tilespmem:s21+$0xF0] =	vst v0  }
0x1f: {  	[tilespmem:s21+$0x80] =	vst v0  }
0x20: {  	[tilespmem:s21+$0x90] =	vst v0  }
0x21: {  	[tilespmem:s21+$0xA0] =	vst v0  }
0x22: {  	[tilespmem:s21+$0xB0] =	vst v0  }
0x23: {  	[tilespmem:s21+$0xC0] =	vst v0  }
0x24: {  	[tilespmem:s21+$0xD0] =	vst v0  }
0x25: {  	[tilespmem:s21+$0xE0] =	vst v0  }
0x26: {  	[spmem:s4] =	stream.linear.scatter [tilespmem:s17], [sflag:$0x1], $0x2000, $0x38;
	[tilespmem:$0x4080] =	vst v63  }
0x27: {  	_ =	swait.ge [sflag:s18], $0x2000  }
0x28: {  	[sflag:s18] =	ssyncset.done $0x0  }
0x29: {  	[sflag:s18] =	ssyncadd.s32 $0xFFFFE000  }
0x2a: {  	[bflag:$0x0] =	sbarrier.arrive $0xFFFF  }
0x2b: {  	[tilespmem:s17], [sflag:$0x1] =	stream.linear.gather [hbm4b:s6+s2], $0x2000, $0x38;
	[tilespmem:$0x4080] =	vst v63  }
0x2c: {  	_ =	swait.ge [sflag:s18], $0x2000  }
0x2d: {  	[sflag:s18] =	ssyncset.done $0x0  }
0x2e: {  	[sflag:s18] =	ssyncadd.s32 $0xFFFFE000  }
0x2f: {  	[tilespmem:s2], [sflag:$0x1] =	stream.linear.gather [hbm4b:s8+s2], $0x40, $0x38;
	[tilespmem:$0x4080] =	vst v63  }
0x30: {  	_ =	swait.ge [sflag:s18], $0x40  }
0x31: {  	[sflag:s18] =	ssyncset.done $0x0  }
0x32: {  	[sflag:s18] =	ssyncadd.s32 $0xFFFFFFC0  }
0x33: {  	[spmem:s1] =	stream.indirect.scatter.add.f32 [tilespmem:s17], [sflag:$0x1], $0x80, s2, s19, $0xb8;
	[tilespmem:$0x4080] =	vst v63  }
0x34: {  	_ =	swait.ge [sflag:s18], $0x2000  }
0x35: {  	[sflag:s18] =	ssyncset.done $0x0  }
0x36: {  	[sflag:s18] =	ssyncadd.s32 $0xFFFFE000  }
0x37: {  	[tilespmem:s17], [sflag:$0x1] =	stream.linear.gather [hbm4b:s9+s2], $0x2000, $0x38;
	[tilespmem:$0x4080] =	vst v63  }
0x38: {  	_ =	swait.ge [sflag:s18], $0x2000  }
0x39: {  	[sflag:s18] =	ssyncset.done $0x0  }
0x3a: {  	[sflag:s18] =	ssyncadd.s32 $0xFFFFE000  }
0x3b: {  	[tilespmem:s2], [sflag:$0x1] =	stream.linear.gather [hbm4b:s10+s2], $0x40, $0x38;
	[tilespmem:$0x4080] =	vst v63  }
0x3c: {  	_ =	swait.ge [sflag:s18], $0x40  }
0x3d: {  	[sflag:s18] =	ssyncset.done $0x0  }
0x3e: {  	[sflag:s18] =	ssyncadd.s32 $0xFFFFFFC0  }
0x3f: {  	[spmem:s1] =	stream.indirect.scatter.add.f32 [tilespmem:s17], [sflag:$0x1], $0x80, s2, s19, $0xb8;
	[tilespmem:$0x4080] =	vst v63  }
0x40: {  	_ =	swait.ge [sflag:s18], $0x2000  }
0x41: {  	[sflag:s18] =	ssyncset.done $0x0  }
0x42: {  	[sflag:s18] =	ssyncadd.s32 $0xFFFFE000  }
0x43: {  	[tilespmem:s17], [sflag:$0x1] =	stream.linear.gather [hbm4b:s11+s2], $0x2000, $0x38;
	[tilespmem:$0x4080] =	vst v63  }
0x44: {  	_ =	swait.ge [sflag:s18], $0x2000  }
0x45: {  	[sflag:s18] =	ssyncset.done $0x0  }
0x46: {  	[sflag:s18] =	ssyncadd.s32 $0xFFFFE000  }
0x47: {  	[tilespmem:s2], [sflag:$0x1] =	stream.linear.gather [hbm4b:s12+s2], $0x40, $0x38;
	[tilespmem:$0x4080] =	vst v63  }
0x48: {  	_ =	swait.ge [sflag:s18], $0x40  }
0x49: {  	[sflag:s18] =	ssyncset.done $0x0  }
0x4a: {  	[sflag:s18] =	ssyncadd.s32 $0xFFFFFFC0  }
0x4b: {  	[spmem:s1] =	stream.indirect.scatter.add.f32 [tilespmem:s17], [sflag:$0x1], $0x80, s2, s19, $0xb8;
	[tilespmem:$0x4080] =	vst v63  }
0x4c: {  	_ =	swait.ge [sflag:s18], $0x2000  }
0x4d: {  	[sflag:s18] =	ssyncset.done $0x0  }
0x4e: {  	[sflag:s18] =	ssyncadd.s32 $0xFFFFE000  }
0x4f: {  	[tilespmem:s17], [sflag:$0x1] =	stream.linear.gather [hbm4b:s13+s2], $0x2000, $0x38;
	[tilespmem:$0x4080] =	vst v63  }
0x50: {  	_ =	swait.ge [sflag:s18], $0x2000  }
0x51: {  	[sflag:s18] =	ssyncset.done $0x0  }
0x52: {  	[sflag:s18] =	ssyncadd.s32 $0xFFFFE000  }
0x53: {  	[tilespmem:s2], [sflag:$0x1] =	stream.linear.gather [hbm4b:s14+s2], $0x40, $0x38;
	[tilespmem:$0x4080] =	vst v63  }
0x54: {  	_ =	swait.ge [sflag:s18], $0x40  }
0x55: {  	[sflag:s18] =	ssyncset.done $0x0  }
0x56: {  	[sflag:s18] =	ssyncadd.s32 $0xFFFFFFC0  }
0x57: {  	[spmem:s1] =	stream.indirect.scatter.add.f32 [tilespmem:s17], [sflag:$0x1], $0x80, s2, s19, $0xb8;
	[tilespmem:$0x4080] =	vst v63  }
0x58: {  	_ =	swait.ge [sflag:s18], $0x2000  }
0x59: {  	[sflag:s18] =	ssyncset.done $0x0  }
0x5a: {  	[sflag:s18] =	ssyncadd.s32 $0xFFFFE000  }
0x5b: {  	[tilespmem:s17], [sflag:$0x1] =	stream.linear.gather [hbm4b:s15+s2], $0x2000, $0x38;
	[tilespmem:$0x4080] =	vst v63  }
0x5c: {  	_ =	swait.ge [sflag:s18], $0x2000  }
0x5d: {  	[sflag:s18] =	ssyncset.done $0x0  }
0x5e: {  	[sflag:s18] =	ssyncadd.s32 $0xFFFFE000  }
0x5f: {  	[tilespmem:s2], [sflag:$0x1] =	stream.linear.gather [hbm4b:s16+s2], $0x40, $0x38;
	[tilespmem:$0x4080] =	vst v63  }
0x60: {  	_ =	swait.ge [sflag:s18], $0x40  }
0x61: {  	[sflag:s18] =	ssyncset.done $0x0  }
0x62: {  	[sflag:s18] =	ssyncadd.s32 $0xFFFFFFC0  }
0x63: {  	[spmem:s1] =	stream.indirect.scatter.add.f32 [tilespmem:s17], [sflag:$0x1], $0x80, s2, s19, $0xb8;
	[tilespmem:$0x4080] =	vst v63  }
0x64: {  	_ =	swait.ge [sflag:s18], $0x2000  }
0x65: {  	[sflag:s18] =	ssyncset.done $0x0  }
0x66: {  	[sflag:s18] =	ssyncadd.s32 $0xFFFFE000  }
0x67: {  	[bflag:$0x0] =	sbarrier.arrive $0xFFFF  }
0x68: {  	[tilespmem:s17], [sflag:$0x1] =	stream.linear.gather [spmem:s4], $0x2000, $0x38;
	[tilespmem:$0x4080] =	vst v63  }
0x69: {  	s20 =	sadd.s32 $0x1, s20;
	_ =	swait.ge [sflag:s18], $0x2000  }
0x6a: {  	p0 =	sne.s32 s20, s7;
	[sflag:s18] =	ssyncset.done $0x0  }
.Ltmp1:
0x6b: {  	[sflag:s18] =	ssyncadd.s32 $0xFFFFE000;
	(pc) =	sbr.rel @p0 .LBB2_1-.Ltmp1, $4  }
0x6c: {  	[hbm4b:s5+s2] =	stream.linear.scatter [tilespmem:s17], [sflag:$0x1], $0x2000, $0x38;
	[tilespmem:$0x4080] =	vst v63  }
0x6d: {  	_ =	swait.ge [sflag:s18], $0x2000  }
0x6e: {  	[sflag:s18] =	ssyncset.done $0x0  }
0x6f: {  	[sflag:s18] =	ssyncadd.s32 $0xFFFFE000  }
0x70: {  	_ =	sfence.sel $0x180000  }
0x71: {  	[bflag:$0x0] =	sbarrier.arrive $0xFFFF  }
0x72: {  	p0 =	sne.s32 s3, $0x0;
	_ =	strace $0x90000050  }
0x73: {  	s0 =	sadd.s32 @!p0 $0x100000, s0;
	[bflag:$0x2] =	sbarrier.arrive $0xFFFF  }
0x74: {  	[sflag:s0] =	ssyncadd.tile.s32 @!p0 $0x1;
	_ =	shalt  }
.Lfunc_end2:
_tile_overlayer_lowered:
.L_overlay_start_2:
0x75: {  	(tag) =	ssettag $0x2  }
0x76: {  	s0 =	rddreg [dreg:$0x0];
	s2 =	stileid.u32  }
0x77: {  	s1 =	rddreg [dreg:$0x1];
	p0 =	sne.s32 s2, $0x0  }
0x78: {  	s3 =	rddreg [dreg:$0x2];
	[bflag:$0x3] =	sbarrier.arrive $0xFFFF;
	s2 =	simm.s32 @!p0 $0x1C01  }
0x79: {  	[timem:s3], [sflag:s2] =	dma.local @!p0 [hbm:s0], s1  }
0x7a: {  	s0 =	simm.s32 @!p0 $0x1  }
0x7b: {  	_ =	swait.ge @!p0 [sflag:s0], s1  }
0x7c: {  	s1 =	ssub.s32 @!p0 $0x0, s1;
	[sflag:s0] =	ssyncset.done @!p0 $0x0  }
0x7d: {  	[sflag:s0] =	ssyncadd.s32 @!p0 s1  }
0x7e: {  	[bflag:$0x3] =	sbarrier.arrive $0xFFFF  }
0x7f: {  	_ =	shalt  }

</sc_bundles>
